<compile_context>
chip_gen: v7x
topology: tpu7x:2x2x1
jax: 0.10.2.dev20260603
libtpu: 0.0.44.dev20260713+nightly
codegen_flags: <defaults>
</compile_context>

<pallas_src>
import jax
import jax.numpy as jnp
from jax import lax
from jax.experimental import pallas as pl
from jax.experimental.pallas import tpu as pltpu
from jax.experimental.pallas import tpu_sc as plsc

_ROWS = 1_000_000
_D = 16
_NW = 32
_CH = 496
_NCHT = 2016
_PERW = _NCHT // _NW
_TAIL_OFF = _NCHT * _CH
_TAIL = _ROWS - _TAIL_OFF


def _run(src, dst, buf0, buf1, s_in0, s_in1, s_out0, s_out1):
    wid = lax.axis_index("s") * 2 + lax.axis_index("c")
    bufs = (buf0, buf1)
    sin = (s_in0, s_in1)
    sout = (s_out0, s_out1)

    def mk(g):
        cid = wid * _PERW + g
        off = pl.multiple_of(cid * _CH, 8)
        b = g % 2
        inc = pltpu.make_async_copy(src.at[pl.ds(off, _CH), :], bufs[b], sin[b])
        outc = pltpu.make_async_copy(bufs[b], dst.at[pl.ds(off, _CH), :], sout[b])
        return inc, outc

    cps = [mk(g) for g in range(_PERW)]
    for g in range(_PERW):
        if g >= 2:
            cps[g - 2][1].wait()
        cps[g][0].start()
        if g >= 1:
            cps[g - 1][0].wait()
            cps[g - 1][1].start()
    cps[_PERW - 1][0].wait()
    cps[_PERW - 1][1].start()
    cps[_PERW - 2][1].wait()
    cps[_PERW - 1][1].wait()

    tail_in = pltpu.make_async_copy(
        src.at[pl.ds(_TAIL_OFF, _TAIL), :], buf0.at[pl.ds(0, _TAIL), :], sin[0]
    )
    tail_out = pltpu.make_async_copy(
        buf0.at[pl.ds(0, _TAIL), :], dst.at[pl.ds(_TAIL_OFF, _TAIL), :], sout[0]
    )

    @pl.when(wid == 0)
    def _():
        tail_in.start()
        tail_in.wait()
        tail_out.start()
        tail_out.wait()


def kernel(med_embeddings):
    run = pl.kernel(
        _run,
        out_type=jax.ShapeDtypeStruct((_ROWS, _D), jnp.float32),
        mesh=plsc.VectorSubcoreMesh(core_axis_name="c", subcore_axis_name="s"),
        scratch_types=[
            pltpu.VMEM((_CH, _D), jnp.float32),
            pltpu.VMEM((_CH, _D), jnp.float32),
            pltpu.SemaphoreType.DMA,
            pltpu.SemaphoreType.DMA,
            pltpu.SemaphoreType.DMA,
            pltpu.SemaphoreType.DMA,
        ],
    )
    return run(med_embeddings)

# --- scband reference (transcript-rebuilt; emitter-appended) ---
"""Pipeline reference for scband-medicine-model-13649406067426 (READ-ONLY COPY).

The authoritative reference and input builder live on the scoring server;
editing this copy changes nothing except your own understanding.
"""

import jax, jax.numpy as jnp
import numpy as np

LEN_MED = 1000000
EMB_DIM = 16

def setup_inputs(seed: int = 0) -> dict:
    key = jax.random.key(seed)
    # Learned parameter: the medicine embedding table (nn.Embedding weight),
    # initialized like torch's default N(0, 1).
    med_embeddings = jax.random.normal(key, (LEN_MED, EMB_DIM), dtype=jnp.float32)
    return {"med_embeddings": med_embeddings}

def reference(med_embeddings) -> jnp.ndarray:
    # The torch module's forward() simply returns the embedding module
    # (i.e., exposes the embedding table for downstream lookups).
    # The faithful jax translation returns the embedding weight matrix.
    # Note: nn.Embedding(max_norm=1) only renormalizes rows *at lookup time*;
    # since forward() performs no lookup, no renorm is applied here.
    return med_embeddings

if __name__ == "__main__":
    import jax
    _d = setup_inputs()
    print(jax.jit(kernel)(*tuple(_d.values())))

</pallas_src>

<mosaic_0001>
#map = affine_map<(d0, d1) -> (0, 0)>
module attributes {stable_mosaic.version = 14 : i64} {
  func.func @_run(%arg0: i32, %arg1: i32, %arg2: memref<1000000x16xf32, #tpu.memory_space<hbm>>, %arg3: memref<1000000x16xf32, #tpu.memory_space<hbm>>, %arg4: memref<496x16xf32, #tpu.memory_space<vmem>>, %arg5: memref<496x16xf32, #tpu.memory_space<vmem>>, %arg6: memref<!tpu.dma_semaphore, #tpu.memory_space<semaphore_mem>>, %arg7: memref<!tpu.dma_semaphore, #tpu.memory_space<semaphore_mem>>, %arg8: memref<!tpu.dma_semaphore, #tpu.memory_space<semaphore_mem>>, %arg9: memref<!tpu.dma_semaphore, #tpu.memory_space<semaphore_mem>>) attributes {dimension_semantics = [#tpu.dimension_semantics<core_parallel>, #tpu.dimension_semantics<subcore_parallel>], iteration_bounds = array<i64: 2, 16>, scalar_prefetch = 0 : i64, scratch_operands = 6 : i64, tpu.core_type = #tpu.core_type<sc_vector_subcore>, window_params = [{transform_indices = #map}, {transform_indices = #map}]} {
    %mul3A = arith.constant 2 : i32
    %mul3A_0 = arith.muli %arg1, %mul3A : i32
    %add3A = arith.addi %mul3A_0, %arg0 : i32
    %mul3A_1 = arith.constant 63 : i32
    %mul3A_2 = arith.muli %add3A, %mul3A_1 : i32
    %add3A_3 = arith.constant 0 : i32
    %add3A_4 = arith.addi %mul3A_2, %add3A_3 : i32
    %mul3A_5 = arith.constant 496 : i32
    %mul3A_6 = arith.muli %add3A_4, %mul3A_5 : i32
    %multiple_of3A = tpu.assume_multiple %mul3A_6, 8 : i32
    %mul3A_7 = arith.constant 63 : i32
    %mul3A_8 = arith.muli %add3A, %mul3A_7 : i32
    %add3A_9 = arith.constant 1 : i32
    %add3A_10 = arith.addi %mul3A_8, %add3A_9 : i32
    %mul3A_11 = arith.constant 496 : i32
    %mul3A_12 = arith.muli %add3A_10, %mul3A_11 : i32
    %multiple_of3A_13 = tpu.assume_multiple %mul3A_12, 8 : i32
    %mul3A_14 = arith.constant 63 : i32
    %mul3A_15 = arith.muli %add3A, %mul3A_14 : i32
    %add3A_16 = arith.constant 2 : i32
    %add3A_17 = arith.addi %mul3A_15, %add3A_16 : i32
    %mul3A_18 = arith.constant 496 : i32
    %mul3A_19 = arith.muli %add3A_17, %mul3A_18 : i32
    %multiple_of3A_20 = tpu.assume_multiple %mul3A_19, 8 : i32
    %mul3A_21 = arith.constant 63 : i32
    %mul3A_22 = arith.muli %add3A, %mul3A_21 : i32
    %add3A_23 = arith.constant 3 : i32
    %add3A_24 = arith.addi %mul3A_22, %add3A_23 : i32
    %mul3A_25 = arith.constant 496 : i32
    %mul3A_26 = arith.muli %add3A_24, %mul3A_25 : i32
    %multiple_of3A_27 = tpu.assume_multiple %mul3A_26, 8 : i32
    %mul3A_28 = arith.constant 63 : i32
    %mul3A_29 = arith.muli %add3A, %mul3A_28 : i32
    %add3A_30 = arith.constant 4 : i32
    %add3A_31 = arith.addi %mul3A_29, %add3A_30 : i32
    %mul3A_32 = arith.constant 496 : i32
    %mul3A_33 = arith.muli %add3A_31, %mul3A_32 : i32
    %multiple_of3A_34 = tpu.assume_multiple %mul3A_33, 8 : i32
    %mul3A_35 = arith.constant 63 : i32
    %mul3A_36 = arith.muli %add3A, %mul3A_35 : i32
    %add3A_37 = arith.constant 5 : i32
    %add3A_38 = arith.addi %mul3A_36, %add3A_37 : i32
    %mul3A_39 = arith.constant 496 : i32
    %mul3A_40 = arith.muli %add3A_38, %mul3A_39 : i32
    %multiple_of3A_41 = tpu.assume_multiple %mul3A_40, 8 : i32
    %mul3A_42 = arith.constant 63 : i32
    %mul3A_43 = arith.muli %add3A, %mul3A_42 : i32
    %add3A_44 = arith.constant 6 : i32
    %add3A_45 = arith.addi %mul3A_43, %add3A_44 : i32
    %mul3A_46 = arith.constant 496 : i32
    %mul3A_47 = arith.muli %add3A_45, %mul3A_46 : i32
    %multiple_of3A_48 = tpu.assume_multiple %mul3A_47, 8 : i32
    %mul3A_49 = arith.constant 63 : i32
    %mul3A_50 = arith.muli %add3A, %mul3A_49 : i32
    %add3A_51 = arith.constant 7 : i32
    %add3A_52 = arith.addi %mul3A_50, %add3A_51 : i32
    %mul3A_53 = arith.constant 496 : i32
    %mul3A_54 = arith.muli %add3A_52, %mul3A_53 : i32
    %multiple_of3A_55 = tpu.assume_multiple %mul3A_54, 8 : i32
    %mul3A_56 = arith.constant 63 : i32
    %mul3A_57 = arith.muli %add3A, %mul3A_56 : i32
    %add3A_58 = arith.constant 8 : i32
    %add3A_59 = arith.addi %mul3A_57, %add3A_58 : i32
    %mul3A_60 = arith.constant 496 : i32
    %mul3A_61 = arith.muli %add3A_59, %mul3A_60 : i32
    %multiple_of3A_62 = tpu.assume_multiple %mul3A_61, 8 : i32
    %mul3A_63 = arith.constant 63 : i32
    %mul3A_64 = arith.muli %add3A, %mul3A_63 : i32
    %add3A_65 = arith.constant 9 : i32
    %add3A_66 = arith.addi %mul3A_64, %add3A_65 : i32
    %mul3A_67 = arith.constant 496 : i32
    %mul3A_68 = arith.muli %add3A_66, %mul3A_67 : i32
    %multiple_of3A_69 = tpu.assume_multiple %mul3A_68, 8 : i32
    %mul3A_70 = arith.constant 63 : i32
    %mul3A_71 = arith.muli %add3A, %mul3A_70 : i32
    %add3A_72 = arith.constant 10 : i32
    %add3A_73 = arith.addi %mul3A_71, %add3A_72 : i32
    %mul3A_74 = arith.constant 496 : i32
    %mul3A_75 = arith.muli %add3A_73, %mul3A_74 : i32
    %multiple_of3A_76 = tpu.assume_multiple %mul3A_75, 8 : i32
    %mul3A_77 = arith.constant 63 : i32
    %mul3A_78 = arith.muli %add3A, %mul3A_77 : i32
    %add3A_79 = arith.constant 11 : i32
    %add3A_80 = arith.addi %mul3A_78, %add3A_79 : i32
    %mul3A_81 = arith.constant 496 : i32
    %mul3A_82 = arith.muli %add3A_80, %mul3A_81 : i32
    %multiple_of3A_83 = tpu.assume_multiple %mul3A_82, 8 : i32
    %mul3A_84 = arith.constant 63 : i32
    %mul3A_85 = arith.muli %add3A, %mul3A_84 : i32
    %add3A_86 = arith.constant 12 : i32
    %add3A_87 = arith.addi %mul3A_85, %add3A_86 : i32
    %mul3A_88 = arith.constant 496 : i32
    %mul3A_89 = arith.muli %add3A_87, %mul3A_88 : i32
    %multiple_of3A_90 = tpu.assume_multiple %mul3A_89, 8 : i32
    %mul3A_91 = arith.constant 63 : i32
    %mul3A_92 = arith.muli %add3A, %mul3A_91 : i32
    %add3A_93 = arith.constant 13 : i32
    %add3A_94 = arith.addi %mul3A_92, %add3A_93 : i32
    %mul3A_95 = arith.constant 496 : i32
    %mul3A_96 = arith.muli %add3A_94, %mul3A_95 : i32
    %multiple_of3A_97 = tpu.assume_multiple %mul3A_96, 8 : i32
    %mul3A_98 = arith.constant 63 : i32
    %mul3A_99 = arith.muli %add3A, %mul3A_98 : i32
    %add3A_100 = arith.constant 14 : i32
    %add3A_101 = arith.addi %mul3A_99, %add3A_100 : i32
    %mul3A_102 = arith.constant 496 : i32
    %mul3A_103 = arith.muli %add3A_101, %mul3A_102 : i32
    %multiple_of3A_104 = tpu.assume_multiple %mul3A_103, 8 : i32
    %mul3A_105 = arith.constant 63 : i32
    %mul3A_106 = arith.muli %add3A, %mul3A_105 : i32
    %add3A_107 = arith.constant 15 : i32
    %add3A_108 = arith.addi %mul3A_106, %add3A_107 : i32
    %mul3A_109 = arith.constant 496 : i32
    %mul3A_110 = arith.muli %add3A_108, %mul3A_109 : i32
    %multiple_of3A_111 = tpu.assume_multiple %mul3A_110, 8 : i32
    %mul3A_112 = arith.constant 63 : i32
    %mul3A_113 = arith.muli %add3A, %mul3A_112 : i32
    %add3A_114 = arith.constant 16 : i32
    %add3A_115 = arith.addi %mul3A_113, %add3A_114 : i32
    %mul3A_116 = arith.constant 496 : i32
    %mul3A_117 = arith.muli %add3A_115, %mul3A_116 : i32
    %multiple_of3A_118 = tpu.assume_multiple %mul3A_117, 8 : i32
    %mul3A_119 = arith.constant 63 : i32
    %mul3A_120 = arith.muli %add3A, %mul3A_119 : i32
    %add3A_121 = arith.constant 17 : i32
    %add3A_122 = arith.addi %mul3A_120, %add3A_121 : i32
    %mul3A_123 = arith.constant 496 : i32
    %mul3A_124 = arith.muli %add3A_122, %mul3A_123 : i32
    %multiple_of3A_125 = tpu.assume_multiple %mul3A_124, 8 : i32
    %mul3A_126 = arith.constant 63 : i32
    %mul3A_127 = arith.muli %add3A, %mul3A_126 : i32
    %add3A_128 = arith.constant 18 : i32
    %add3A_129 = arith.addi %mul3A_127, %add3A_128 : i32
    %mul3A_130 = arith.constant 496 : i32
    %mul3A_131 = arith.muli %add3A_129, %mul3A_130 : i32
    %multiple_of3A_132 = tpu.assume_multiple %mul3A_131, 8 : i32
    %mul3A_133 = arith.constant 63 : i32
    %mul3A_134 = arith.muli %add3A, %mul3A_133 : i32
    %add3A_135 = arith.constant 19 : i32
    %add3A_136 = arith.addi %mul3A_134, %add3A_135 : i32
    %mul3A_137 = arith.constant 496 : i32
    %mul3A_138 = arith.muli %add3A_136, %mul3A_137 : i32
    %multiple_of3A_139 = tpu.assume_multiple %mul3A_138, 8 : i32
    %mul3A_140 = arith.constant 63 : i32
    %mul3A_141 = arith.muli %add3A, %mul3A_140 : i32
    %add3A_142 = arith.constant 20 : i32
    %add3A_143 = arith.addi %mul3A_141, %add3A_142 : i32
    %mul3A_144 = arith.constant 496 : i32
    %mul3A_145 = arith.muli %add3A_143, %mul3A_144 : i32
    %multiple_of3A_146 = tpu.assume_multiple %mul3A_145, 8 : i32
    %mul3A_147 = arith.constant 63 : i32
    %mul3A_148 = arith.muli %add3A, %mul3A_147 : i32
    %add3A_149 = arith.constant 21 : i32
    %add3A_150 = arith.addi %mul3A_148, %add3A_149 : i32
    %mul3A_151 = arith.constant 496 : i32
    %mul3A_152 = arith.muli %add3A_150, %mul3A_151 : i32
    %multiple_of3A_153 = tpu.assume_multiple %mul3A_152, 8 : i32
    %mul3A_154 = arith.constant 63 : i32
    %mul3A_155 = arith.muli %add3A, %mul3A_154 : i32
    %add3A_156 = arith.constant 22 : i32
    %add3A_157 = arith.addi %mul3A_155, %add3A_156 : i32
    %mul3A_158 = arith.constant 496 : i32
    %mul3A_159 = arith.muli %add3A_157, %mul3A_158 : i32
    %multiple_of3A_160 = tpu.assume_multiple %mul3A_159, 8 : i32
    %mul3A_161 = arith.constant 63 : i32
    %mul3A_162 = arith.muli %add3A, %mul3A_161 : i32
    %add3A_163 = arith.constant 23 : i32
    %add3A_164 = arith.addi %mul3A_162, %add3A_163 : i32
    %mul3A_165 = arith.constant 496 : i32
    %mul3A_166 = arith.muli %add3A_164, %mul3A_165 : i32
    %multiple_of3A_167 = tpu.assume_multiple %mul3A_166, 8 : i32
    %mul3A_168 = arith.constant 63 : i32
    %mul3A_169 = arith.muli %add3A, %mul3A_168 : i32
    %add3A_170 = arith.constant 24 : i32
    %add3A_171 = arith.addi %mul3A_169, %add3A_170 : i32
    %mul3A_172 = arith.constant 496 : i32
    %mul3A_173 = arith.muli %add3A_171, %mul3A_172 : i32
    %multiple_of3A_174 = tpu.assume_multiple %mul3A_173, 8 : i32
    %mul3A_175 = arith.constant 63 : i32
    %mul3A_176 = arith.muli %add3A, %mul3A_175 : i32
    %add3A_177 = arith.constant 25 : i32
    %add3A_178 = arith.addi %mul3A_176, %add3A_177 : i32
    %mul3A_179 = arith.constant 496 : i32
    %mul3A_180 = arith.muli %add3A_178, %mul3A_179 : i32
    %multiple_of3A_181 = tpu.assume_multiple %mul3A_180, 8 : i32
    %mul3A_182 = arith.constant 63 : i32
    %mul3A_183 = arith.muli %add3A, %mul3A_182 : i32
    %add3A_184 = arith.constant 26 : i32
    %add3A_185 = arith.addi %mul3A_183, %add3A_184 : i32
    %mul3A_186 = arith.constant 496 : i32
    %mul3A_187 = arith.muli %add3A_185, %mul3A_186 : i32
    %multiple_of3A_188 = tpu.assume_multiple %mul3A_187, 8 : i32
    %mul3A_189 = arith.constant 63 : i32
    %mul3A_190 = arith.muli %add3A, %mul3A_189 : i32
    %add3A_191 = arith.constant 27 : i32
    %add3A_192 = arith.addi %mul3A_190, %add3A_191 : i32
    %mul3A_193 = arith.constant 496 : i32
    %mul3A_194 = arith.muli %add3A_192, %mul3A_193 : i32
    %multiple_of3A_195 = tpu.assume_multiple %mul3A_194, 8 : i32
    %mul3A_196 = arith.constant 63 : i32
    %mul3A_197 = arith.muli %add3A, %mul3A_196 : i32
    %add3A_198 = arith.constant 28 : i32
    %add3A_199 = arith.addi %mul3A_197, %add3A_198 : i32
    %mul3A_200 = arith.constant 496 : i32
    %mul3A_201 = arith.muli %add3A_199, %mul3A_200 : i32
    %multiple_of3A_202 = tpu.assume_multiple %mul3A_201, 8 : i32
    %mul3A_203 = arith.constant 63 : i32
    %mul3A_204 = arith.muli %add3A, %mul3A_203 : i32
    %add3A_205 = arith.constant 29 : i32
    %add3A_206 = arith.addi %mul3A_204, %add3A_205 : i32
    %mul3A_207 = arith.constant 496 : i32
    %mul3A_208 = arith.muli %add3A_206, %mul3A_207 : i32
    %multiple_of3A_209 = tpu.assume_multiple %mul3A_208, 8 : i32
    %mul3A_210 = arith.constant 63 : i32
    %mul3A_211 = arith.muli %add3A, %mul3A_210 : i32
    %add3A_212 = arith.constant 30 : i32
    %add3A_213 = arith.addi %mul3A_211, %add3A_212 : i32
    %mul3A_214 = arith.constant 496 : i32
    %mul3A_215 = arith.muli %add3A_213, %mul3A_214 : i32
    %multiple_of3A_216 = tpu.assume_multiple %mul3A_215, 8 : i32
    %mul3A_217 = arith.constant 63 : i32
    %mul3A_218 = arith.muli %add3A, %mul3A_217 : i32
    %add3A_219 = arith.constant 31 : i32
    %add3A_220 = arith.addi %mul3A_218, %add3A_219 : i32
    %mul3A_221 = arith.constant 496 : i32
    %mul3A_222 = arith.muli %add3A_220, %mul3A_221 : i32
    %multiple_of3A_223 = tpu.assume_multiple %mul3A_222, 8 : i32
    %mul3A_224 = arith.constant 63 : i32
    %mul3A_225 = arith.muli %add3A, %mul3A_224 : i32
    %add3A_226 = arith.constant 32 : i32
    %add3A_227 = arith.addi %mul3A_225, %add3A_226 : i32
    %mul3A_228 = arith.constant 496 : i32
    %mul3A_229 = arith.muli %add3A_227, %mul3A_228 : i32
    %multiple_of3A_230 = tpu.assume_multiple %mul3A_229, 8 : i32
    %mul3A_231 = arith.constant 63 : i32
    %mul3A_232 = arith.muli %add3A, %mul3A_231 : i32
    %add3A_233 = arith.constant 33 : i32
    %add3A_234 = arith.addi %mul3A_232, %add3A_233 : i32
    %mul3A_235 = arith.constant 496 : i32
    %mul3A_236 = arith.muli %add3A_234, %mul3A_235 : i32
    %multiple_of3A_237 = tpu.assume_multiple %mul3A_236, 8 : i32
    %mul3A_238 = arith.constant 63 : i32
    %mul3A_239 = arith.muli %add3A, %mul3A_238 : i32
    %add3A_240 = arith.constant 34 : i32
    %add3A_241 = arith.addi %mul3A_239, %add3A_240 : i32
    %mul3A_242 = arith.constant 496 : i32
    %mul3A_243 = arith.muli %add3A_241, %mul3A_242 : i32
    %multiple_of3A_244 = tpu.assume_multiple %mul3A_243, 8 : i32
    %mul3A_245 = arith.constant 63 : i32
    %mul3A_246 = arith.muli %add3A, %mul3A_245 : i32
    %add3A_247 = arith.constant 35 : i32
    %add3A_248 = arith.addi %mul3A_246, %add3A_247 : i32
    %mul3A_249 = arith.constant 496 : i32
    %mul3A_250 = arith.muli %add3A_248, %mul3A_249 : i32
    %multiple_of3A_251 = tpu.assume_multiple %mul3A_250, 8 : i32
    %mul3A_252 = arith.constant 63 : i32
    %mul3A_253 = arith.muli %add3A, %mul3A_252 : i32
    %add3A_254 = arith.constant 36 : i32
    %add3A_255 = arith.addi %mul3A_253, %add3A_254 : i32
    %mul3A_256 = arith.constant 496 : i32
    %mul3A_257 = arith.muli %add3A_255, %mul3A_256 : i32
    %multiple_of3A_258 = tpu.assume_multiple %mul3A_257, 8 : i32
    %mul3A_259 = arith.constant 63 : i32
    %mul3A_260 = arith.muli %add3A, %mul3A_259 : i32
    %add3A_261 = arith.constant 37 : i32
    %add3A_262 = arith.addi %mul3A_260, %add3A_261 : i32
    %mul3A_263 = arith.constant 496 : i32
    %mul3A_264 = arith.muli %add3A_262, %mul3A_263 : i32
    %multiple_of3A_265 = tpu.assume_multiple %mul3A_264, 8 : i32
    %mul3A_266 = arith.constant 63 : i32
    %mul3A_267 = arith.muli %add3A, %mul3A_266 : i32
    %add3A_268 = arith.constant 38 : i32
    %add3A_269 = arith.addi %mul3A_267, %add3A_268 : i32
    %mul3A_270 = arith.constant 496 : i32
    %mul3A_271 = arith.muli %add3A_269, %mul3A_270 : i32
    %multiple_of3A_272 = tpu.assume_multiple %mul3A_271, 8 : i32
    %mul3A_273 = arith.constant 63 : i32
    %mul3A_274 = arith.muli %add3A, %mul3A_273 : i32
    %add3A_275 = arith.constant 39 : i32
    %add3A_276 = arith.addi %mul3A_274, %add3A_275 : i32
    %mul3A_277 = arith.constant 496 : i32
    %mul3A_278 = arith.muli %add3A_276, %mul3A_277 : i32
    %multiple_of3A_279 = tpu.assume_multiple %mul3A_278, 8 : i32
    %mul3A_280 = arith.constant 63 : i32
    %mul3A_281 = arith.muli %add3A, %mul3A_280 : i32
    %add3A_282 = arith.constant 40 : i32
    %add3A_283 = arith.addi %mul3A_281, %add3A_282 : i32
    %mul3A_284 = arith.constant 496 : i32
    %mul3A_285 = arith.muli %add3A_283, %mul3A_284 : i32
    %multiple_of3A_286 = tpu.assume_multiple %mul3A_285, 8 : i32
    %mul3A_287 = arith.constant 63 : i32
    %mul3A_288 = arith.muli %add3A, %mul3A_287 : i32
    %add3A_289 = arith.constant 41 : i32
    %add3A_290 = arith.addi %mul3A_288, %add3A_289 : i32
    %mul3A_291 = arith.constant 496 : i32
    %mul3A_292 = arith.muli %add3A_290, %mul3A_291 : i32
    %multiple_of3A_293 = tpu.assume_multiple %mul3A_292, 8 : i32
    %mul3A_294 = arith.constant 63 : i32
    %mul3A_295 = arith.muli %add3A, %mul3A_294 : i32
    %add3A_296 = arith.constant 42 : i32
    %add3A_297 = arith.addi %mul3A_295, %add3A_296 : i32
    %mul3A_298 = arith.constant 496 : i32
    %mul3A_299 = arith.muli %add3A_297, %mul3A_298 : i32
    %multiple_of3A_300 = tpu.assume_multiple %mul3A_299, 8 : i32
    %mul3A_301 = arith.constant 63 : i32
    %mul3A_302 = arith.muli %add3A, %mul3A_301 : i32
    %add3A_303 = arith.constant 43 : i32
    %add3A_304 = arith.addi %mul3A_302, %add3A_303 : i32
    %mul3A_305 = arith.constant 496 : i32
    %mul3A_306 = arith.muli %add3A_304, %mul3A_305 : i32
    %multiple_of3A_307 = tpu.assume_multiple %mul3A_306, 8 : i32
    %mul3A_308 = arith.constant 63 : i32
    %mul3A_309 = arith.muli %add3A, %mul3A_308 : i32
    %add3A_310 = arith.constant 44 : i32
    %add3A_311 = arith.addi %mul3A_309, %add3A_310 : i32
    %mul3A_312 = arith.constant 496 : i32
    %mul3A_313 = arith.muli %add3A_311, %mul3A_312 : i32
    %multiple_of3A_314 = tpu.assume_multiple %mul3A_313, 8 : i32
    %mul3A_315 = arith.constant 63 : i32
    %mul3A_316 = arith.muli %add3A, %mul3A_315 : i32
    %add3A_317 = arith.constant 45 : i32
    %add3A_318 = arith.addi %mul3A_316, %add3A_317 : i32
    %mul3A_319 = arith.constant 496 : i32
    %mul3A_320 = arith.muli %add3A_318, %mul3A_319 : i32
    %multiple_of3A_321 = tpu.assume_multiple %mul3A_320, 8 : i32
    %mul3A_322 = arith.constant 63 : i32
    %mul3A_323 = arith.muli %add3A, %mul3A_322 : i32
    %add3A_324 = arith.constant 46 : i32
    %add3A_325 = arith.addi %mul3A_323, %add3A_324 : i32
    %mul3A_326 = arith.constant 496 : i32
    %mul3A_327 = arith.muli %add3A_325, %mul3A_326 : i32
    %multiple_of3A_328 = tpu.assume_multiple %mul3A_327, 8 : i32
    %mul3A_329 = arith.constant 63 : i32
    %mul3A_330 = arith.muli %add3A, %mul3A_329 : i32
    %add3A_331 = arith.constant 47 : i32
    %add3A_332 = arith.addi %mul3A_330, %add3A_331 : i32
    %mul3A_333 = arith.constant 496 : i32
    %mul3A_334 = arith.muli %add3A_332, %mul3A_333 : i32
    %multiple_of3A_335 = tpu.assume_multiple %mul3A_334, 8 : i32
    %mul3A_336 = arith.constant 63 : i32
    %mul3A_337 = arith.muli %add3A, %mul3A_336 : i32
    %add3A_338 = arith.constant 48 : i32
    %add3A_339 = arith.addi %mul3A_337, %add3A_338 : i32
    %mul3A_340 = arith.constant 496 : i32
    %mul3A_341 = arith.muli %add3A_339, %mul3A_340 : i32
    %multiple_of3A_342 = tpu.assume_multiple %mul3A_341, 8 : i32
    %mul3A_343 = arith.constant 63 : i32
    %mul3A_344 = arith.muli %add3A, %mul3A_343 : i32
    %add3A_345 = arith.constant 49 : i32
    %add3A_346 = arith.addi %mul3A_344, %add3A_345 : i32
    %mul3A_347 = arith.constant 496 : i32
    %mul3A_348 = arith.muli %add3A_346, %mul3A_347 : i32
    %multiple_of3A_349 = tpu.assume_multiple %mul3A_348, 8 : i32
    %mul3A_350 = arith.constant 63 : i32
    %mul3A_351 = arith.muli %add3A, %mul3A_350 : i32
    %add3A_352 = arith.constant 50 : i32
    %add3A_353 = arith.addi %mul3A_351, %add3A_352 : i32
    %mul3A_354 = arith.constant 496 : i32
    %mul3A_355 = arith.muli %add3A_353, %mul3A_354 : i32
    %multiple_of3A_356 = tpu.assume_multiple %mul3A_355, 8 : i32
    %mul3A_357 = arith.constant 63 : i32
    %mul3A_358 = arith.muli %add3A, %mul3A_357 : i32
    %add3A_359 = arith.constant 51 : i32
    %add3A_360 = arith.addi %mul3A_358, %add3A_359 : i32
    %mul3A_361 = arith.constant 496 : i32
    %mul3A_362 = arith.muli %add3A_360, %mul3A_361 : i32
    %multiple_of3A_363 = tpu.assume_multiple %mul3A_362, 8 : i32
    %mul3A_364 = arith.constant 63 : i32
    %mul3A_365 = arith.muli %add3A, %mul3A_364 : i32
    %add3A_366 = arith.constant 52 : i32
    %add3A_367 = arith.addi %mul3A_365, %add3A_366 : i32
    %mul3A_368 = arith.constant 496 : i32
    %mul3A_369 = arith.muli %add3A_367, %mul3A_368 : i32
    %multiple_of3A_370 = tpu.assume_multiple %mul3A_369, 8 : i32
    %mul3A_371 = arith.constant 63 : i32
    %mul3A_372 = arith.muli %add3A, %mul3A_371 : i32
    %add3A_373 = arith.constant 53 : i32
    %add3A_374 = arith.addi %mul3A_372, %add3A_373 : i32
    %mul3A_375 = arith.constant 496 : i32
    %mul3A_376 = arith.muli %add3A_374, %mul3A_375 : i32
    %multiple_of3A_377 = tpu.assume_multiple %mul3A_376, 8 : i32
    %mul3A_378 = arith.constant 63 : i32
    %mul3A_379 = arith.muli %add3A, %mul3A_378 : i32
    %add3A_380 = arith.constant 54 : i32
    %add3A_381 = arith.addi %mul3A_379, %add3A_380 : i32
    %mul3A_382 = arith.constant 496 : i32
    %mul3A_383 = arith.muli %add3A_381, %mul3A_382 : i32
    %multiple_of3A_384 = tpu.assume_multiple %mul3A_383, 8 : i32
    %mul3A_385 = arith.constant 63 : i32
    %mul3A_386 = arith.muli %add3A, %mul3A_385 : i32
    %add3A_387 = arith.constant 55 : i32
    %add3A_388 = arith.addi %mul3A_386, %add3A_387 : i32
    %mul3A_389 = arith.constant 496 : i32
    %mul3A_390 = arith.muli %add3A_388, %mul3A_389 : i32
    %multiple_of3A_391 = tpu.assume_multiple %mul3A_390, 8 : i32
    %mul3A_392 = arith.constant 63 : i32
    %mul3A_393 = arith.muli %add3A, %mul3A_392 : i32
    %add3A_394 = arith.constant 56 : i32
    %add3A_395 = arith.addi %mul3A_393, %add3A_394 : i32
    %mul3A_396 = arith.constant 496 : i32
    %mul3A_397 = arith.muli %add3A_395, %mul3A_396 : i32
    %multiple_of3A_398 = tpu.assume_multiple %mul3A_397, 8 : i32
    %mul3A_399 = arith.constant 63 : i32
    %mul3A_400 = arith.muli %add3A, %mul3A_399 : i32
    %add3A_401 = arith.constant 57 : i32
    %add3A_402 = arith.addi %mul3A_400, %add3A_401 : i32
    %mul3A_403 = arith.constant 496 : i32
    %mul3A_404 = arith.muli %add3A_402, %mul3A_403 : i32
    %multiple_of3A_405 = tpu.assume_multiple %mul3A_404, 8 : i32
    %mul3A_406 = arith.constant 63 : i32
    %mul3A_407 = arith.muli %add3A, %mul3A_406 : i32
    %add3A_408 = arith.constant 58 : i32
    %add3A_409 = arith.addi %mul3A_407, %add3A_408 : i32
    %mul3A_410 = arith.constant 496 : i32
    %mul3A_411 = arith.muli %add3A_409, %mul3A_410 : i32
    %multiple_of3A_412 = tpu.assume_multiple %mul3A_411, 8 : i32
    %mul3A_413 = arith.constant 63 : i32
    %mul3A_414 = arith.muli %add3A, %mul3A_413 : i32
    %add3A_415 = arith.constant 59 : i32
    %add3A_416 = arith.addi %mul3A_414, %add3A_415 : i32
    %mul3A_417 = arith.constant 496 : i32
    %mul3A_418 = arith.muli %add3A_416, %mul3A_417 : i32
    %multiple_of3A_419 = tpu.assume_multiple %mul3A_418, 8 : i32
    %mul3A_420 = arith.constant 63 : i32
    %mul3A_421 = arith.muli %add3A, %mul3A_420 : i32
    %add3A_422 = arith.constant 60 : i32
    %add3A_423 = arith.addi %mul3A_421, %add3A_422 : i32
    %mul3A_424 = arith.constant 496 : i32
    %mul3A_425 = arith.muli %add3A_423, %mul3A_424 : i32
    %multiple_of3A_426 = tpu.assume_multiple %mul3A_425, 8 : i32
    %mul3A_427 = arith.constant 63 : i32
    %mul3A_428 = arith.muli %add3A, %mul3A_427 : i32
    %add3A_429 = arith.constant 61 : i32
    %add3A_430 = arith.addi %mul3A_428, %add3A_429 : i32
    %mul3A_431 = arith.constant 496 : i32
    %mul3A_432 = arith.muli %add3A_430, %mul3A_431 : i32
    %multiple_of3A_433 = tpu.assume_multiple %mul3A_432, 8 : i32
    %mul3A_434 = arith.constant 63 : i32
    %mul3A_435 = arith.muli %add3A, %mul3A_434 : i32
    %add3A_436 = arith.constant 62 : i32
    %add3A_437 = arith.addi %mul3A_435, %add3A_436 : i32
    %mul3A_438 = arith.constant 496 : i32
    %mul3A_439 = arith.muli %add3A_437, %mul3A_438 : i32
    %multiple_of3A_440 = tpu.assume_multiple %mul3A_439, 8 : i32
    %dma_start3A = arith.constant 0 : i32
    %dma_start3A_441 = tpu.memref_slice %arg2[%multiple_of3A, %dma_start3A] : memref<1000000x16xf32, #tpu.memory_space<hbm>> -> memref<496x16xf32, #tpu.memory_space<hbm>>
    %dma_start3A_442 = arith.constant 0 : i32
    %dma_start3A_443 = tpu.memref_slice %arg2[%multiple_of3A, %dma_start3A_442] : memref<1000000x16xf32, #tpu.memory_space<hbm>> -> memref<496x16xf32, #tpu.memory_space<hbm>>
    tpu.enqueue_dma source(%dma_start3A_443 : memref<496x16xf32, #tpu.memory_space<hbm>>) target(%arg4 : memref<496x16xf32, #tpu.memory_space<vmem>>) target_semaphore(%arg6 : memref<!tpu.dma_semaphore, #tpu.memory_space<semaphore_mem>>)
    %dma_start3A_444 = arith.constant 0 : i32
    %dma_start3A_445 = tpu.memref_slice %arg2[%multiple_of3A_13, %dma_start3A_444] : memref<1000000x16xf32, #tpu.memory_space<hbm>> -> memref<496x16xf32, #tpu.memory_space<hbm>>
    %dma_start3A_446 = arith.constant 0 : i32
    %dma_start3A_447 = tpu.memref_slice %arg2[%multiple_of3A_13, %dma_start3A_446] : memref<1000000x16xf32, #tpu.memory_space<hbm>> -> memref<496x16xf32, #tpu.memory_space<hbm>>
    tpu.enqueue_dma source(%dma_start3A_447 : memref<496x16xf32, #tpu.memory_space<hbm>>) target(%arg5 : memref<496x16xf32, #tpu.memory_space<vmem>>) target_semaphore(%arg7 : memref<!tpu.dma_semaphore, #tpu.memory_space<semaphore_mem>>)
    %dma_wait3A = arith.constant 0 : i32
    %dma_wait3A_448 = tpu.memref_slice %arg2[%multiple_of3A, %dma_wait3A] : memref<1000000x16xf32, #tpu.memory_space<hbm>> -> memref<496x16xf32, #tpu.memory_space<hbm>>
    %dma_wait3A_449 = arith.constant 0 : i32
    %dma_wait3A_450 = tpu.memref_slice %arg2[%multiple_of3A, %dma_wait3A_449] : memref<1000000x16xf32, #tpu.memory_space<hbm>> -> memref<496x16xf32, #tpu.memory_space<hbm>>
    tpu.wait_dma2 semaphore(%arg6 : memref<!tpu.dma_semaphore, #tpu.memory_space<semaphore_mem>>) src(%dma_wait3A_450 : memref<496x16xf32, #tpu.memory_space<hbm>>) dst(%arg4 : memref<496x16xf32, #tpu.memory_space<vmem>>)
    %dma_start3A_451 = arith.constant 0 : i32
    %dma_start3A_452 = tpu.memref_slice %arg3[%multiple_of3A, %dma_start3A_451] : memref<1000000x16xf32, #tpu.memory_space<hbm>> -> memref<496x16xf32, #tpu.memory_space<hbm>>
    %dma_start3A_453 = arith.constant 0 : i32
    %dma_start3A_454 = tpu.memref_slice %arg3[%multiple_of3A, %dma_start3A_453] : memref<1000000x16xf32, #tpu.memory_space<hbm>> -> memref<496x16xf32, #tpu.memory_space<hbm>>
    tpu.enqueue_dma source(%arg4 : memref<496x16xf32, #tpu.memory_space<vmem>>) target(%dma_start3A_454 : memref<496x16xf32, #tpu.memory_space<hbm>>) target_semaphore(%arg8 : memref<!tpu.dma_semaphore, #tpu.memory_space<semaphore_mem>>)
    %dma_wait3A_455 = arith.constant 0 : i32
    %dma_wait3A_456 = tpu.memref_slice %arg3[%multiple_of3A, %dma_wait3A_455] : memref<1000000x16xf32, #tpu.memory_space<hbm>> -> memref<496x16xf32, #tpu.memory_space<hbm>>
    %dma_wait3A_457 = arith.constant 0 : i32
    %dma_wait3A_458 = tpu.memref_slice %arg3[%multiple_of3A, %dma_wait3A_457] : memref<1000000x16xf32, #tpu.memory_space<hbm>> -> memref<496x16xf32, #tpu.memory_space<hbm>>
    tpu.wait_dma2 semaphore(%arg8 : memref<!tpu.dma_semaphore, #tpu.memory_space<semaphore_mem>>) src(%arg4 : memref<496x16xf32, #tpu.memory_space<vmem>>) dst(%dma_wait3A_458 : memref<496x16xf32, #tpu.memory_space<hbm>>)
    %dma_start3A_459 = arith.constant 0 : i32
    %dma_start3A_460 = tpu.memref_slice %arg2[%multiple_of3A_20, %dma_start3A_459] : memref<1000000x16xf32, #tpu.memory_space<hbm>> -> memref<496x16xf32, #tpu.memory_space<hbm>>
    %dma_start3A_461 = arith.constant 0 : i32
    %dma_start3A_462 = tpu.memref_slice %arg2[%multiple_of3A_20, %dma_start3A_461] : memref<1000000x16xf32, #tpu.memory_space<hbm>> -> memref<496x16xf32, #tpu.memory_space<hbm>>
    tpu.enqueue_dma source(%dma_start3A_462 : memref<496x16xf32, #tpu.memory_space<hbm>>) target(%arg4 : memref<496x16xf32, #tpu.memory_space<vmem>>) target_semaphore(%arg6 : memref<!tpu.dma_semaphore, #tpu.memory_space<semaphore_mem>>)
    %dma_wait3A_463 = arith.constant 0 : i32
    %dma_wait3A_464 = tpu.memref_slice %arg2[%multiple_of3A_13, %dma_wait3A_463] : memref<1000000x16xf32, #tpu.memory_space<hbm>> -> memref<496x16xf32, #tpu.memory_space<hbm>>
    %dma_wait3A_465 = arith.constant 0 : i32
    %dma_wait3A_466 = tpu.memref_slice %arg2[%multiple_of3A_13, %dma_wait3A_465] : memref<1000000x16xf32, #tpu.memory_space<hbm>> -> memref<496x16xf32, #tpu.memory_space<hbm>>
    tpu.wait_dma2 semaphore(%arg7 : memref<!tpu.dma_semaphore, #tpu.memory_space<semaphore_mem>>) src(%dma_wait3A_466 : memref<496x16xf32, #tpu.memory_space<hbm>>) dst(%arg5 : memref<496x16xf32, #tpu.memory_space<vmem>>)
    %dma_start3A_467 = arith.constant 0 : i32
    %dma_start3A_468 = tpu.memref_slice %arg3[%multiple_of3A_13, %dma_start3A_467] : memref<1000000x16xf32, #tpu.memory_space<hbm>> -> memref<496x16xf32, #tpu.memory_space<hbm>>
    %dma_start3A_469 = arith.constant 0 : i32
    %dma_start3A_470 = tpu.memref_slice %arg3[%multiple_of3A_13, %dma_start3A_469] : memref<1000000x16xf32, #tpu.memory_space<hbm>> -> memref<496x16xf32, #tpu.memory_space<hbm>>
    tpu.enqueue_dma source(%arg5 : memref<496x16xf32, #tpu.memory_space<vmem>>) target(%dma_start3A_470 : memref<496x16xf32, #tpu.memory_space<hbm>>) target_semaphore(%arg9 : memref<!tpu.dma_semaphore, #tpu.memory_space<semaphore_mem>>)
    %dma_wait3A_471 = arith.constant 0 : i32
    %dma_wait3A_472 = tpu.memref_slice %arg3[%multiple_of3A_13, %dma_wait3A_471] : memref<1000000x16xf32, #tpu.memory_space<hbm>> -> memref<496x16xf32, #tpu.memory_space<hbm>>
    %dma_wait3A_473 = arith.constant 0 : i32
    %dma_wait3A_474 = tpu.memref_slice %arg3[%multiple_of3A_13, %dma_wait3A_473] : memref<1000000x16xf32, #tpu.memory_space<hbm>> -> memref<496x16xf32, #tpu.memory_space<hbm>>
    tpu.wait_dma2 semaphore(%arg9 : memref<!tpu.dma_semaphore, #tpu.memory_space<semaphore_mem>>) src(%arg5 : memref<496x16xf32, #tpu.memory_space<vmem>>) dst(%dma_wait3A_474 : memref<496x16xf32, #tpu.memory_space<hbm>>)
    %dma_start3A_475 = arith.constant 0 : i32
    %dma_start3A_476 = tpu.memref_slice %arg2[%multiple_of3A_27, %dma_start3A_475] : memref<1000000x16xf32, #tpu.memory_space<hbm>> -> memref<496x16xf32, #tpu.memory_space<hbm>>
    %dma_start3A_477 = arith.constant 0 : i32
    %dma_start3A_478 = tpu.memref_slice %arg2[%multiple_of3A_27, %dma_start3A_477] : memref<1000000x16xf32, #tpu.memory_space<hbm>> -> memref<496x16xf32, #tpu.memory_space<hbm>>
    tpu.enqueue_dma source(%dma_start3A_478 : memref<496x16xf32, #tpu.memory_space<hbm>>) target(%arg5 : memref<496x16xf32, #tpu.memory_space<vmem>>) target_semaphore(%arg7 : memref<!tpu.dma_semaphore, #tpu.memory_space<semaphore_mem>>)
    %dma_wait3A_479 = arith.constant 0 : i32
    %dma_wait3A_480 = tpu.memref_slice %arg2[%multiple_of3A_20, %dma_wait3A_479] : memref<1000000x16xf32, #tpu.memory_space<hbm>> -> memref<496x16xf32, #tpu.memory_space<hbm>>
    %dma_wait3A_481 = arith.constant 0 : i32
    %dma_wait3A_482 = tpu.memref_slice %arg2[%multiple_of3A_20, %dma_wait3A_481] : memref<1000000x16xf32, #tpu.memory_space<hbm>> -> memref<496x16xf32, #tpu.memory_space<hbm>>
    tpu.wait_dma2 semaphore(%arg6 : memref<!tpu.dma_semaphore, #tpu.memory_space<semaphore_mem>>) src(%dma_wait3A_482 : memref<496x16xf32, #tpu.memory_space<hbm>>) dst(%arg4 : memref<496x16xf32, #tpu.memory_space<vmem>>)
    %dma_start3A_483 = arith.constant 0 : i32
    %dma_start3A_484 = tpu.memref_slice %arg3[%multiple_of3A_20, %dma_start3A_483] : memref<1000000x16xf32, #tpu.memory_space<hbm>> -> memref<496x16xf32, #tpu.memory_space<hbm>>
    %dma_start3A_485 = arith.constant 0 : i32
    %dma_start3A_486 = tpu.memref_slice %arg3[%multiple_of3A_20, %dma_start3A_485] : memref<1000000x16xf32, #tpu.memory_space<hbm>> -> memref<496x16xf32, #tpu.memory_space<hbm>>
    tpu.enqueue_dma source(%arg4 : memref<496x16xf32, #tpu.memory_space<vmem>>) target(%dma_start3A_486 : memref<496x16xf32, #tpu.memory_space<hbm>>) target_semaphore(%arg8 : memref<!tpu.dma_semaphore, #tpu.memory_space<semaphore_mem>>)
    %dma_wait3A_487 = arith.constant 0 : i32
    %dma_wait3A_488 = tpu.memref_slice %arg3[%multiple_of3A_20, %dma_wait3A_487] : memref<1000000x16xf32, #tpu.memory_space<hbm>> -> memref<496x16xf32, #tpu.memory_space<hbm>>
    %dma_wait3A_489 = arith.constant 0 : i32
    %dma_wait3A_490 = tpu.memref_slice %arg3[%multiple_of3A_20, %dma_wait3A_489] : memref<1000000x16xf32, #tpu.memory_space<hbm>> -> memref<496x16xf32, #tpu.memory_space<hbm>>
    tpu.wait_dma2 semaphore(%arg8 : memref<!tpu.dma_semaphore, #tpu.memory_space<semaphore_mem>>) src(%arg4 : memref<496x16xf32, #tpu.memory_space<vmem>>) dst(%dma_wait3A_490 : memref<496x16xf32, #tpu.memory_space<hbm>>)
    %dma_start3A_491 = arith.constant 0 : i32
    %dma_start3A_492 = tpu.memref_slice %arg2[%multiple_of3A_34, %dma_start3A_491] : memref<1000000x16xf32, #tpu.memory_space<hbm>> -> memref<496x16xf32, #tpu.memory_space<hbm>>
    %dma_start3A_493 = arith.constant 0 : i32
    %dma_start3A_494 = tpu.memref_slice %arg2[%multiple_of3A_34, %dma_start3A_493] : memref<1000000x16xf32, #tpu.memory_space<hbm>> -> memref<496x16xf32, #tpu.memory_space<hbm>>
    tpu.enqueue_dma source(%dma_start3A_494 : memref<496x16xf32, #tpu.memory_space<hbm>>) target(%arg4 : memref<496x16xf32, #tpu.memory_space<vmem>>) target_semaphore(%arg6 : memref<!tpu.dma_semaphore, #tpu.memory_space<semaphore_mem>>)
    %dma_wait3A_495 = arith.constant 0 : i32
    %dma_wait3A_496 = tpu.memref_slice %arg2[%multiple_of3A_27, %dma_wait3A_495] : memref<1000000x16xf32, #tpu.memory_space<hbm>> -> memref<496x16xf32, #tpu.memory_space<hbm>>
    %dma_wait3A_497 = arith.constant 0 : i32
    %dma_wait3A_498 = tpu.memref_slice %arg2[%multiple_of3A_27, %dma_wait3A_497] : memref<1000000x16xf32, #tpu.memory_space<hbm>> -> memref<496x16xf32, #tpu.memory_space<hbm>>
    tpu.wait_dma2 semaphore(%arg7 : memref<!tpu.dma_semaphore, #tpu.memory_space<semaphore_mem>>) src(%dma_wait3A_498 : memref<496x16xf32, #tpu.memory_space<hbm>>) dst(%arg5 : memref<496x16xf32, #tpu.memory_space<vmem>>)
    %dma_start3A_499 = arith.constant 0 : i32
    %dma_start3A_500 = tpu.memref_slice %arg3[%multiple_of3A_27, %dma_start3A_499] : memref<1000000x16xf32, #tpu.memory_space<hbm>> -> memref<496x16xf32, #tpu.memory_space<hbm>>
    %dma_start3A_501 = arith.constant 0 : i32
    %dma_start3A_502 = tpu.memref_slice %arg3[%multiple_of3A_27, %dma_start3A_501] : memref<1000000x16xf32, #tpu.memory_space<hbm>> -> memref<496x16xf32, #tpu.memory_space<hbm>>
    tpu.enqueue_dma source(%arg5 : memref<496x16xf32, #tpu.memory_space<vmem>>) target(%dma_start3A_502 : memref<496x16xf32, #tpu.memory_space<hbm>>) target_semaphore(%arg9 : memref<!tpu.dma_semaphore, #tpu.memory_space<semaphore_mem>>)
    %dma_wait3A_503 = arith.constant 0 : i32
    %dma_wait3A_504 = tpu.memref_slice %arg3[%multiple_of3A_27, %dma_wait3A_503] : memref<1000000x16xf32, #tpu.memory_space<hbm>> -> memref<496x16xf32, #tpu.memory_space<hbm>>
    %dma_wait3A_505 = arith.constant 0 : i32
    %dma_wait3A_506 = tpu.memref_slice %arg3[%multiple_of3A_27, %dma_wait3A_505] : memref<1000000x16xf32, #tpu.memory_space<hbm>> -> memref<496x16xf32, #tpu.memory_space<hbm>>
    tpu.wait_dma2 semaphore(%arg9 : memref<!tpu.dma_semaphore, #tpu.memory_space<semaphore_mem>>) src(%arg5 : memref<496x16xf32, #tpu.memory_space<vmem>>) dst(%dma_wait3A_506 : memref<496x16xf32, #tpu.memory_space<hbm>>)
    %dma_start3A_507 = arith.constant 0 : i32
    %dma_start3A_508 = tpu.memref_slice %arg2[%multiple_of3A_41, %dma_start3A_507] : memref<1000000x16xf32, #tpu.memory_space<hbm>> -> memref<496x16xf32, #tpu.memory_space<hbm>>
    %dma_start3A_509 = arith.constant 0 : i32
    %dma_start3A_510 = tpu.memref_slice %arg2[%multiple_of3A_41, %dma_start3A_509] : memref<1000000x16xf32, #tpu.memory_space<hbm>> -> memref<496x16xf32, #tpu.memory_space<hbm>>
    tpu.enqueue_dma source(%dma_start3A_510 : memref<496x16xf32, #tpu.memory_space<hbm>>) target(%arg5 : memref<496x16xf32, #tpu.memory_space<vmem>>) target_semaphore(%arg7 : memref<!tpu.dma_semaphore, #tpu.memory_space<semaphore_mem>>)
    %dma_wait3A_511 = arith.constant 0 : i32
    %dma_wait3A_512 = tpu.memref_slice %arg2[%multiple_of3A_34, %dma_wait3A_511] : memref<1000000x16xf32, #tpu.memory_space<hbm>> -> memref<496x16xf32, #tpu.memory_space<hbm>>
    %dma_wait3A_513 = arith.constant 0 : i32
    %dma_wait3A_514 = tpu.memref_slice %arg2[%multiple_of3A_34, %dma_wait3A_513] : memref<1000000x16xf32, #tpu.memory_space<hbm>> -> memref<496x16xf32, #tpu.memory_space<hbm>>
    tpu.wait_dma2 semaphore(%arg6 : memref<!tpu.dma_semaphore, #tpu.memory_space<semaphore_mem>>) src(%dma_wait3A_514 : memref<496x16xf32, #tpu.memory_space<hbm>>) dst(%arg4 : memref<496x16xf32, #tpu.memory_space<vmem>>)
    %dma_start3A_515 = arith.constant 0 : i32
    %dma_start3A_516 = tpu.memref_slice %arg3[%multiple_of3A_34, %dma_start3A_515] : memref<1000000x16xf32, #tpu.memory_space<hbm>> -> memref<496x16xf32, #tpu.memory_space<hbm>>
    %dma_start3A_517 = arith.constant 0 : i32
    %dma_start3A_518 = tpu.memref_slice %arg3[%multiple_of3A_34, %dma_start3A_517] : memref<1000000x16xf32, #tpu.memory_space<hbm>> -> memref<496x16xf32, #tpu.memory_space<hbm>>
    tpu.enqueue_dma source(%arg4 : memref<496x16xf32, #tpu.memory_space<vmem>>) target(%dma_start3A_518 : memref<496x16xf32, #tpu.memory_space<hbm>>) target_semaphore(%arg8 : memref<!tpu.dma_semaphore, #tpu.memory_space<semaphore_mem>>)
    %dma_wait3A_519 = arith.constant 0 : i32
    %dma_wait3A_520 = tpu.memref_slice %arg3[%multiple_of3A_34, %dma_wait3A_519] : memref<1000000x16xf32, #tpu.memory_space<hbm>> -> memref<496x16xf32, #tpu.memory_space<hbm>>
    %dma_wait3A_521 = arith.constant 0 : i32
    %dma_wait3A_522 = tpu.memref_slice %arg3[%multiple_of3A_34, %dma_wait3A_521] : memref<1000000x16xf32, #tpu.memory_space<hbm>> -> memref<496x16xf32, #tpu.memory_space<hbm>>
    tpu.wait_dma2 semaphore(%arg8 : memref<!tpu.dma_semaphore, #tpu.memory_space<semaphore_mem>>) src(%arg4 : memref<496x16xf32, #tpu.memory_space<vmem>>) dst(%dma_wait3A_522 : memref<496x16xf32, #tpu.memory_space<hbm>>)
    %dma_start3A_523 = arith.constant 0 : i32
    %dma_start3A_524 = tpu.memref_slice %arg2[%multiple_of3A_48, %dma_start3A_523] : memref<1000000x16xf32, #tpu.memory_space<hbm>> -> memref<496x16xf32, #tpu.memory_space<hbm>>
    %dma_start3A_525 = arith.constant 0 : i32
    %dma_start3A_526 = tpu.memref_slice %arg2[%multiple_of3A_48, %dma_start3A_525] : memref<1000000x16xf32, #tpu.memory_space<hbm>> -> memref<496x16xf32, #tpu.memory_space<hbm>>
    tpu.enqueue_dma source(%dma_start3A_526 : memref<496x16xf32, #tpu.memory_space<hbm>>) target(%arg4 : memref<496x16xf32, #tpu.memory_space<vmem>>) target_semaphore(%arg6 : memref<!tpu.dma_semaphore, #tpu.memory_space<semaphore_mem>>)
    %dma_wait3A_527 = arith.constant 0 : i32
    %dma_wait3A_528 = tpu.memref_slice %arg2[%multiple_of3A_41, %dma_wait3A_527] : memref<1000000x16xf32, #tpu.memory_space<hbm>> -> memref<496x16xf32, #tpu.memory_space<hbm>>
    %dma_wait3A_529 = arith.constant 0 : i32
    %dma_wait3A_530 = tpu.memref_slice %arg2[%multiple_of3A_41, %dma_wait3A_529] : memref<1000000x16xf32, #tpu.memory_space<hbm>> -> memref<496x16xf32, #tpu.memory_space<hbm>>
    tpu.wait_dma2 semaphore(%arg7 : memref<!tpu.dma_semaphore, #tpu.memory_space<semaphore_mem>>) src(%dma_wait3A_530 : memref<496x16xf32, #tpu.memory_space<hbm>>) dst(%arg5 : memref<496x16xf32, #tpu.memory_space<vmem>>)
    %dma_start3A_531 = arith.constant 0 : i32
    %dma_start3A_532 = tpu.memref_slice %arg3[%multiple_of3A_41, %dma_start3A_531] : memref<1000000x16xf32, #tpu.memory_space<hbm>> -> memref<496x16xf32, #tpu.memory_space<hbm>>
    %dma_start3A_533 = arith.constant 0 : i32
    %dma_start3A_534 = tpu.memref_slice %arg3[%multiple_of3A_41, %dma_start3A_533] : memref<1000000x16xf32, #tpu.memory_space<hbm>> -> memref<496x16xf32, #tpu.memory_space<hbm>>
    tpu.enqueue_dma source(%arg5 : memref<496x16xf32, #tpu.memory_space<vmem>>) target(%dma_start3A_534 : memref<496x16xf32, #tpu.memory_space<hbm>>) target_semaphore(%arg9 : memref<!tpu.dma_semaphore, #tpu.memory_space<semaphore_mem>>)
    %dma_wait3A_535 = arith.constant 0 : i32
    %dma_wait3A_536 = tpu.memref_slice %arg3[%multiple_of3A_41, %dma_wait3A_535] : memref<1000000x16xf32, #tpu.memory_space<hbm>> -> memref<496x16xf32, #tpu.memory_space<hbm>>
    %dma_wait3A_537 = arith.constant 0 : i32
    %dma_wait3A_538 = tpu.memref_slice %arg3[%multiple_of3A_41, %dma_wait3A_537] : memref<1000000x16xf32, #tpu.memory_space<hbm>> -> memref<496x16xf32, #tpu.memory_space<hbm>>
    tpu.wait_dma2 semaphore(%arg9 : memref<!tpu.dma_semaphore, #tpu.memory_space<semaphore_mem>>) src(%arg5 : memref<496x16xf32, #tpu.memory_space<vmem>>) dst(%dma_wait3A_538 : memref<496x16xf32, #tpu.memory_space<hbm>>)
    %dma_start3A_539 = arith.constant 0 : i32
    %dma_start3A_540 = tpu.memref_slice %arg2[%multiple_of3A_55, %dma_start3A_539] : memref<1000000x16xf32, #tpu.memory_space<hbm>> -> memref<496x16xf32, #tpu.memory_space<hbm>>
    %dma_start3A_541 = arith.constant 0 : i32
    %dma_start3A_542 = tpu.memref_slice %arg2[%multiple_of3A_55, %dma_start3A_541] : memref<1000000x16xf32, #tpu.memory_space<hbm>> -> memref<496x16xf32, #tpu.memory_space<hbm>>
    tpu.enqueue_dma source(%dma_start3A_542 : memref<496x16xf32, #tpu.memory_space<hbm>>) target(%arg5 : memref<496x16xf32, #tpu.memory_space<vmem>>) target_semaphore(%arg7 : memref<!tpu.dma_semaphore, #tpu.memory_space<semaphore_mem>>)
    %dma_wait3A_543 = arith.constant 0 : i32
    %dma_wait3A_544 = tpu.memref_slice %arg2[%multiple_of3A_48, %dma_wait3A_543] : memref<1000000x16xf32, #tpu.memory_space<hbm>> -> memref<496x16xf32, #tpu.memory_space<hbm>>
    %dma_wait3A_545 = arith.constant 0 : i32
    %dma_wait3A_546 = tpu.memref_slice %arg2[%multiple_of3A_48, %dma_wait3A_545] : memref<1000000x16xf32, #tpu.memory_space<hbm>> -> memref<496x16xf32, #tpu.memory_space<hbm>>
    tpu.wait_dma2 semaphore(%arg6 : memref<!tpu.dma_semaphore, #tpu.memory_space<semaphore_mem>>) src(%dma_wait3A_546 : memref<496x16xf32, #tpu.memory_space<hbm>>) dst(%arg4 : memref<496x16xf32, #tpu.memory_space<vmem>>)
    %dma_start3A_547 = arith.constant 0 : i32
    %dma_start3A_548 = tpu.memref_slice %arg3[%multiple_of3A_48, %dma_start3A_547] : memref<1000000x16xf32, #tpu.memory_space<hbm>> -> memref<496x16xf32, #tpu.memory_space<hbm>>
    %dma_start3A_549 = arith.constant 0 : i32
    %dma_start3A_550 = tpu.memref_slice %arg3[%multiple_of3A_48, %dma_start3A_549] : memref<1000000x16xf32, #tpu.memory_space<hbm>> -> memref<496x16xf32, #tpu.memory_space<hbm>>
    tpu.enqueue_dma source(%arg4 : memref<496x16xf32, #tpu.memory_space<vmem>>) target(%dma_start3A_550 : memref<496x16xf32, #tpu.memory_space<hbm>>) target_semaphore(%arg8 : memref<!tpu.dma_semaphore, #tpu.memory_space<semaphore_mem>>)
    %dma_wait3A_551 = arith.constant 0 : i32
    %dma_wait3A_552 = tpu.memref_slice %arg3[%multiple_of3A_48, %dma_wait3A_551] : memref<1000000x16xf32, #tpu.memory_space<hbm>> -> memref<496x16xf32, #tpu.memory_space<hbm>>
    %dma_wait3A_553 = arith.constant 0 : i32
    %dma_wait3A_554 = tpu.memref_slice %arg3[%multiple_of3A_48, %dma_wait3A_553] : memref<1000000x16xf32, #tpu.memory_space<hbm>> -> memref<496x16xf32, #tpu.memory_space<hbm>>
    tpu.wait_dma2 semaphore(%arg8 : memref<!tpu.dma_semaphore, #tpu.memory_space<semaphore_mem>>) src(%arg4 : memref<496x16xf32, #tpu.memory_space<vmem>>) dst(%dma_wait3A_554 : memref<496x16xf32, #tpu.memory_space<hbm>>)
    %dma_start3A_555 = arith.constant 0 : i32
    %dma_start3A_556 = tpu.memref_slice %arg2[%multiple_of3A_62, %dma_start3A_555] : memref<1000000x16xf32, #tpu.memory_space<hbm>> -> memref<496x16xf32, #tpu.memory_space<hbm>>
    %dma_start3A_557 = arith.constant 0 : i32
    %dma_start3A_558 = tpu.memref_slice %arg2[%multiple_of3A_62, %dma_start3A_557] : memref<1000000x16xf32, #tpu.memory_space<hbm>> -> memref<496x16xf32, #tpu.memory_space<hbm>>
    tpu.enqueue_dma source(%dma_start3A_558 : memref<496x16xf32, #tpu.memory_space<hbm>>) target(%arg4 : memref<496x16xf32, #tpu.memory_space<vmem>>) target_semaphore(%arg6 : memref<!tpu.dma_semaphore, #tpu.memory_space<semaphore_mem>>)
    %dma_wait3A_559 = arith.constant 0 : i32
    %dma_wait3A_560 = tpu.memref_slice %arg2[%multiple_of3A_55, %dma_wait3A_559] : memref<1000000x16xf32, #tpu.memory_space<hbm>> -> memref<496x16xf32, #tpu.memory_space<hbm>>
    %dma_wait3A_561 = arith.constant 0 : i32
    %dma_wait3A_562 = tpu.memref_slice %arg2[%multiple_of3A_55, %dma_wait3A_561] : memref<1000000x16xf32, #tpu.memory_space<hbm>> -> memref<496x16xf32, #tpu.memory_space<hbm>>
    tpu.wait_dma2 semaphore(%arg7 : memref<!tpu.dma_semaphore, #tpu.memory_space<semaphore_mem>>) src(%dma_wait3A_562 : memref<496x16xf32, #tpu.memory_space<hbm>>) dst(%arg5 : memref<496x16xf32, #tpu.memory_space<vmem>>)
    %dma_start3A_563 = arith.constant 0 : i32
    %dma_start3A_564 = tpu.memref_slice %arg3[%multiple_of3A_55, %dma_start3A_563] : memref<1000000x16xf32, #tpu.memory_space<hbm>> -> memref<496x16xf32, #tpu.memory_space<hbm>>
    %dma_start3A_565 = arith.constant 0 : i32
    %dma_start3A_566 = tpu.memref_slice %arg3[%multiple_of3A_55, %dma_start3A_565] : memref<1000000x16xf32, #tpu.memory_space<hbm>> -> memref<496x16xf32, #tpu.memory_space<hbm>>
    tpu.enqueue_dma source(%arg5 : memref<496x16xf32, #tpu.memory_space<vmem>>) target(%dma_start3A_566 : memref<496x16xf32, #tpu.memory_space<hbm>>) target_semaphore(%arg9 : memref<!tpu.dma_semaphore, #tpu.memory_space<semaphore_mem>>)
    %dma_wait3A_567 = arith.constant 0 : i32
    %dma_wait3A_568 = tpu.memref_slice %arg3[%multiple_of3A_55, %dma_wait3A_567] : memref<1000000x16xf32, #tpu.memory_space<hbm>> -> memref<496x16xf32, #tpu.memory_space<hbm>>
    %dma_wait3A_569 = arith.constant 0 : i32
    %dma_wait3A_570 = tpu.memref_slice %arg3[%multiple_of3A_55, %dma_wait3A_569] : memref<1000000x16xf32, #tpu.memory_space<hbm>> -> memref<496x16xf32, #tpu.memory_space<hbm>>
    tpu.wait_dma2 semaphore(%arg9 : memref<!tpu.dma_semaphore, #tpu.memory_space<semaphore_mem>>) src(%arg5 : memref<496x16xf32, #tpu.memory_space<vmem>>) dst(%dma_wait3A_570 : memref<496x16xf32, #tpu.memory_space<hbm>>)
    %dma_start3A_571 = arith.constant 0 : i32
    %dma_start3A_572 = tpu.memref_slice %arg2[%multiple_of3A_69, %dma_start3A_571] : memref<1000000x16xf32, #tpu.memory_space<hbm>> -> memref<496x16xf32, #tpu.memory_space<hbm>>
    %dma_start3A_573 = arith.constant 0 : i32
    %dma_start3A_574 = tpu.memref_slice %arg2[%multiple_of3A_69, %dma_start3A_573] : memref<1000000x16xf32, #tpu.memory_space<hbm>> -> memref<496x16xf32, #tpu.memory_space<hbm>>
    tpu.enqueue_dma source(%dma_start3A_574 : memref<496x16xf32, #tpu.memory_space<hbm>>) target(%arg5 : memref<496x16xf32, #tpu.memory_space<vmem>>) target_semaphore(%arg7 : memref<!tpu.dma_semaphore, #tpu.memory_space<semaphore_mem>>)
    %dma_wait3A_575 = arith.constant 0 : i32
    %dma_wait3A_576 = tpu.memref_slice %arg2[%multiple_of3A_62, %dma_wait3A_575] : memref<1000000x16xf32, #tpu.memory_space<hbm>> -> memref<496x16xf32, #tpu.memory_space<hbm>>
    %dma_wait3A_577 = arith.constant 0 : i32
    %dma_wait3A_578 = tpu.memref_slice %arg2[%multiple_of3A_62, %dma_wait3A_577] : memref<1000000x16xf32, #tpu.memory_space<hbm>> -> memref<496x16xf32, #tpu.memory_space<hbm>>
    tpu.wait_dma2 semaphore(%arg6 : memref<!tpu.dma_semaphore, #tpu.memory_space<semaphore_mem>>) src(%dma_wait3A_578 : memref<496x16xf32, #tpu.memory_space<hbm>>) dst(%arg4 : memref<496x16xf32, #tpu.memory_space<vmem>>)
    %dma_start3A_579 = arith.constant 0 : i32
    %dma_start3A_580 = tpu.memref_slice %arg3[%multiple_of3A_62, %dma_start3A_579] : memref<1000000x16xf32, #tpu.memory_space<hbm>> -> memref<496x16xf32, #tpu.memory_space<hbm>>
    %dma_start3A_581 = arith.constant 0 : i32
    %dma_start3A_582 = tpu.memref_slice %arg3[%multiple_of3A_62, %dma_start3A_581] : memref<1000000x16xf32, #tpu.memory_space<hbm>> -> memref<496x16xf32, #tpu.memory_space<hbm>>
    tpu.enqueue_dma source(%arg4 : memref<496x16xf32, #tpu.memory_space<vmem>>) target(%dma_start3A_582 : memref<496x16xf32, #tpu.memory_space<hbm>>) target_semaphore(%arg8 : memref<!tpu.dma_semaphore, #tpu.memory_space<semaphore_mem>>)
    %dma_wait3A_583 = arith.constant 0 : i32
    %dma_wait3A_584 = tpu.memref_slice %arg3[%multiple_of3A_62, %dma_wait3A_583] : memref<1000000x16xf32, #tpu.memory_space<hbm>> -> memref<496x16xf32, #tpu.memory_space<hbm>>
    %dma_wait3A_585 = arith.constant 0 : i32
    %dma_wait3A_586 = tpu.memref_slice %arg3[%multiple_of3A_62, %dma_wait3A_585] : memref<1000000x16xf32, #tpu.memory_space<hbm>> -> memref<496x16xf32, #tpu.memory_space<hbm>>
    tpu.wait_dma2 semaphore(%arg8 : memref<!tpu.dma_semaphore, #tpu.memory_space<semaphore_mem>>) src(%arg4 : memref<496x16xf32, #tpu.memory_space<vmem>>) dst(%dma_wait3A_586 : memref<496x16xf32, #tpu.memory_space<hbm>>)
    %dma_start3A_587 = arith.constant 0 : i32
    %dma_start3A_588 = tpu.memref_slice %arg2[%multiple_of3A_76, %dma_start3A_587] : memref<1000000x16xf32, #tpu.memory_space<hbm>> -> memref<496x16xf32, #tpu.memory_space<hbm>>
    %dma_start3A_589 = arith.constant 0 : i32
    %dma_start3A_590 = tpu.memref_slice %arg2[%multiple_of3A_76, %dma_start3A_589] : memref<1000000x16xf32, #tpu.memory_space<hbm>> -> memref<496x16xf32, #tpu.memory_space<hbm>>
    tpu.enqueue_dma source(%dma_start3A_590 : memref<496x16xf32, #tpu.memory_space<hbm>>) target(%arg4 : memref<496x16xf32, #tpu.memory_space<vmem>>) target_semaphore(%arg6 : memref<!tpu.dma_semaphore, #tpu.memory_space<semaphore_mem>>)
    %dma_wait3A_591 = arith.constant 0 : i32
    %dma_wait3A_592 = tpu.memref_slice %arg2[%multiple_of3A_69, %dma_wait3A_591] : memref<1000000x16xf32, #tpu.memory_space<hbm>> -> memref<496x16xf32, #tpu.memory_space<hbm>>
    %dma_wait3A_593 = arith.constant 0 : i32
    %dma_wait3A_594 = tpu.memref_slice %arg2[%multiple_of3A_69, %dma_wait3A_593] : memref<1000000x16xf32, #tpu.memory_space<hbm>> -> memref<496x16xf32, #tpu.memory_space<hbm>>
    tpu.wait_dma2 semaphore(%arg7 : memref<!tpu.dma_semaphore, #tpu.memory_space<semaphore_mem>>) src(%dma_wait3A_594 : memref<496x16xf32, #tpu.memory_space<hbm>>) dst(%arg5 : memref<496x16xf32, #tpu.memory_space<vmem>>)
    %dma_start3A_595 = arith.constant 0 : i32
    %dma_start3A_596 = tpu.memref_slice %arg3[%multiple_of3A_69, %dma_start3A_595] : memref<1000000x16xf32, #tpu.memory_space<hbm>> -> memref<496x16xf32, #tpu.memory_space<hbm>>
    %dma_start3A_597 = arith.constant 0 : i32
    %dma_start3A_598 = tpu.memref_slice %arg3[%multiple_of3A_69, %dma_start3A_597] : memref<1000000x16xf32, #tpu.memory_space<hbm>> -> memref<496x16xf32, #tpu.memory_space<hbm>>
    tpu.enqueue_dma source(%arg5 : memref<496x16xf32, #tpu.memory_space<vmem>>) target(%dma_start3A_598 : memref<496x16xf32, #tpu.memory_space<hbm>>) target_semaphore(%arg9 : memref<!tpu.dma_semaphore, #tpu.memory_space<semaphore_mem>>)
    %dma_wait3A_599 = arith.constant 0 : i32
    %dma_wait3A_600 = tpu.memref_slice %arg3[%multiple_of3A_69, %dma_wait3A_599] : memref<1000000x16xf32, #tpu.memory_space<hbm>> -> memref<496x16xf32, #tpu.memory_space<hbm>>
    %dma_wait3A_601 = arith.constant 0 : i32
    %dma_wait3A_602 = tpu.memref_slice %arg3[%multiple_of3A_69, %dma_wait3A_601] : memref<1000000x16xf32, #tpu.memory_space<hbm>> -> memref<496x16xf32, #tpu.memory_space<hbm>>
    tpu.wait_dma2 semaphore(%arg9 : memref<!tpu.dma_semaphore, #tpu.memory_space<semaphore_mem>>) src(%arg5 : memref<496x16xf32, #tpu.memory_space<vmem>>) dst(%dma_wait3A_602 : memref<496x16xf32, #tpu.memory_space<hbm>>)
    %dma_start3A_603 = arith.constant 0 : i32
    %dma_start3A_604 = tpu.memref_slice %arg2[%multiple_of3A_83, %dma_start3A_603] : memref<1000000x16xf32, #tpu.memory_space<hbm>> -> memref<496x16xf32, #tpu.memory_space<hbm>>
    %dma_start3A_605 = arith.constant 0 : i32
    %dma_start3A_606 = tpu.memref_slice %arg2[%multiple_of3A_83, %dma_start3A_605] : memref<1000000x16xf32, #tpu.memory_space<hbm>> -> memref<496x16xf32, #tpu.memory_space<hbm>>
    tpu.enqueue_dma source(%dma_start3A_606 : memref<496x16xf32, #tpu.memory_space<hbm>>) target(%arg5 : memref<496x16xf32, #tpu.memory_space<vmem>>) target_semaphore(%arg7 : memref<!tpu.dma_semaphore, #tpu.memory_space<semaphore_mem>>)
    %dma_wait3A_607 = arith.constant 0 : i32
    %dma_wait3A_608 = tpu.memref_slice %arg2[%multiple_of3A_76, %dma_wait3A_607] : memref<1000000x16xf32, #tpu.memory_space<hbm>> -> memref<496x16xf32, #tpu.memory_space<hbm>>
    %dma_wait3A_609 = arith.constant 0 : i32
    %dma_wait3A_610 = tpu.memref_slice %arg2[%multiple_of3A_76, %dma_wait3A_609] : memref<1000000x16xf32, #tpu.memory_space<hbm>> -> memref<496x16xf32, #tpu.memory_space<hbm>>
    tpu.wait_dma2 semaphore(%arg6 : memref<!tpu.dma_semaphore, #tpu.memory_space<semaphore_mem>>) src(%dma_wait3A_610 : memref<496x16xf32, #tpu.memory_space<hbm>>) dst(%arg4 : memref<496x16xf32, #tpu.memory_space<vmem>>)
    %dma_start3A_611 = arith.constant 0 : i32
    %dma_start3A_612 = tpu.memref_slice %arg3[%multiple_of3A_76, %dma_start3A_611] : memref<1000000x16xf32, #tpu.memory_space<hbm>> -> memref<496x16xf32, #tpu.memory_space<hbm>>
    %dma_start3A_613 = arith.constant 0 : i32
    %dma_start3A_614 = tpu.memref_slice %arg3[%multiple_of3A_76, %dma_start3A_613] : memref<1000000x16xf32, #tpu.memory_space<hbm>> -> memref<496x16xf32, #tpu.memory_space<hbm>>
    tpu.enqueue_dma source(%arg4 : memref<496x16xf32, #tpu.memory_space<vmem>>) target(%dma_start3A_614 : memref<496x16xf32, #tpu.memory_space<hbm>>) target_semaphore(%arg8 : memref<!tpu.dma_semaphore, #tpu.memory_space<semaphore_mem>>)
    %dma_wait3A_615 = arith.constant 0 : i32
    %dma_wait3A_616 = tpu.memref_slice %arg3[%multiple_of3A_76, %dma_wait3A_615] : memref<1000000x16xf32, #tpu.memory_space<hbm>> -> memref<496x16xf32, #tpu.memory_space<hbm>>
    %dma_wait3A_617 = arith.constant 0 : i32
    %dma_wait3A_618 = tpu.memref_slice %arg3[%multiple_of3A_76, %dma_wait3A_617] : memref<1000000x16xf32, #tpu.memory_space<hbm>> -> memref<496x16xf32, #tpu.memory_space<hbm>>
    tpu.wait_dma2 semaphore(%arg8 : memref<!tpu.dma_semaphore, #tpu.memory_space<semaphore_mem>>) src(%arg4 : memref<496x16xf32, #tpu.memory_space<vmem>>) dst(%dma_wait3A_618 : memref<496x16xf32, #tpu.memory_space<hbm>>)
    %dma_start3A_619 = arith.constant 0 : i32
    %dma_start3A_620 = tpu.memref_slice %arg2[%multiple_of3A_90, %dma_start3A_619] : memref<1000000x16xf32, #tpu.memory_space<hbm>> -> memref<496x16xf32, #tpu.memory_space<hbm>>
    %dma_start3A_621 = arith.constant 0 : i32
    %dma_start3A_622 = tpu.memref_slice %arg2[%multiple_of3A_90, %dma_start3A_621] : memref<1000000x16xf32, #tpu.memory_space<hbm>> -> memref<496x16xf32, #tpu.memory_space<hbm>>
    tpu.enqueue_dma source(%dma_start3A_622 : memref<496x16xf32, #tpu.memory_space<hbm>>) target(%arg4 : memref<496x16xf32, #tpu.memory_space<vmem>>) target_semaphore(%arg6 : memref<!tpu.dma_semaphore, #tpu.memory_space<semaphore_mem>>)
    %dma_wait3A_623 = arith.constant 0 : i32
    %dma_wait3A_624 = tpu.memref_slice %arg2[%multiple_of3A_83, %dma_wait3A_623] : memref<1000000x16xf32, #tpu.memory_space<hbm>> -> memref<496x16xf32, #tpu.memory_space<hbm>>
    %dma_wait3A_625 = arith.constant 0 : i32
    %dma_wait3A_626 = tpu.memref_slice %arg2[%multiple_of3A_83, %dma_wait3A_625] : memref<1000000x16xf32, #tpu.memory_space<hbm>> -> memref<496x16xf32, #tpu.memory_space<hbm>>
    tpu.wait_dma2 semaphore(%arg7 : memref<!tpu.dma_semaphore, #tpu.memory_space<semaphore_mem>>) src(%dma_wait3A_626 : memref<496x16xf32, #tpu.memory_space<hbm>>) dst(%arg5 : memref<496x16xf32, #tpu.memory_space<vmem>>)
    %dma_start3A_627 = arith.constant 0 : i32
    %dma_start3A_628 = tpu.memref_slice %arg3[%multiple_of3A_83, %dma_start3A_627] : memref<1000000x16xf32, #tpu.memory_space<hbm>> -> memref<496x16xf32, #tpu.memory_space<hbm>>
    %dma_start3A_629 = arith.constant 0 : i32
    %dma_start3A_630 = tpu.memref_slice %arg3[%multiple_of3A_83, %dma_start3A_629] : memref<1000000x16xf32, #tpu.memory_space<hbm>> -> memref<496x16xf32, #tpu.memory_space<hbm>>
    tpu.enqueue_dma source(%arg5 : memref<496x16xf32, #tpu.memory_space<vmem>>) target(%dma_start3A_630 : memref<496x16xf32, #tpu.memory_space<hbm>>) target_semaphore(%arg9 : memref<!tpu.dma_semaphore, #tpu.memory_space<semaphore_mem>>)
    %dma_wait3A_631 = arith.constant 0 : i32
    %dma_wait3A_632 = tpu.memref_slice %arg3[%multiple_of3A_83, %dma_wait3A_631] : memref<1000000x16xf32, #tpu.memory_space<hbm>> -> memref<496x16xf32, #tpu.memory_space<hbm>>
    %dma_wait3A_633 = arith.constant 0 : i32
    %dma_wait3A_634 = tpu.memref_slice %arg3[%multiple_of3A_83, %dma_wait3A_633] : memref<1000000x16xf32, #tpu.memory_space<hbm>> -> memref<496x16xf32, #tpu.memory_space<hbm>>
    tpu.wait_dma2 semaphore(%arg9 : memref<!tpu.dma_semaphore, #tpu.memory_space<semaphore_mem>>) src(%arg5 : memref<496x16xf32, #tpu.memory_space<vmem>>) dst(%dma_wait3A_634 : memref<496x16xf32, #tpu.memory_space<hbm>>)
    %dma_start3A_635 = arith.constant 0 : i32
    %dma_start3A_636 = tpu.memref_slice %arg2[%multiple_of3A_97, %dma_start3A_635] : memref<1000000x16xf32, #tpu.memory_space<hbm>> -> memref<496x16xf32, #tpu.memory_space<hbm>>
    %dma_start3A_637 = arith.constant 0 : i32
    %dma_start3A_638 = tpu.memref_slice %arg2[%multiple_of3A_97, %dma_start3A_637] : memref<1000000x16xf32, #tpu.memory_space<hbm>> -> memref<496x16xf32, #tpu.memory_space<hbm>>
    tpu.enqueue_dma source(%dma_start3A_638 : memref<496x16xf32, #tpu.memory_space<hbm>>) target(%arg5 : memref<496x16xf32, #tpu.memory_space<vmem>>) target_semaphore(%arg7 : memref<!tpu.dma_semaphore, #tpu.memory_space<semaphore_mem>>)
    %dma_wait3A_639 = arith.constant 0 : i32
    %dma_wait3A_640 = tpu.memref_slice %arg2[%multiple_of3A_90, %dma_wait3A_639] : memref<1000000x16xf32, #tpu.memory_space<hbm>> -> memref<496x16xf32, #tpu.memory_space<hbm>>
    %dma_wait3A_641 = arith.constant 0 : i32
    %dma_wait3A_642 = tpu.memref_slice %arg2[%multiple_of3A_90, %dma_wait3A_641] : memref<1000000x16xf32, #tpu.memory_space<hbm>> -> memref<496x16xf32, #tpu.memory_space<hbm>>
    tpu.wait_dma2 semaphore(%arg6 : memref<!tpu.dma_semaphore, #tpu.memory_space<semaphore_mem>>) src(%dma_wait3A_642 : memref<496x16xf32, #tpu.memory_space<hbm>>) dst(%arg4 : memref<496x16xf32, #tpu.memory_space<vmem>>)
    %dma_start3A_643 = arith.constant 0 : i32
    %dma_start3A_644 = tpu.memref_slice %arg3[%multiple_of3A_90, %dma_start3A_643] : memref<1000000x16xf32, #tpu.memory_space<hbm>> -> memref<496x16xf32, #tpu.memory_space<hbm>>
    %dma_start3A_645 = arith.constant 0 : i32
    %dma_start3A_646 = tpu.memref_slice %arg3[%multiple_of3A_90, %dma_start3A_645] : memref<1000000x16xf32, #tpu.memory_space<hbm>> -> memref<496x16xf32, #tpu.memory_space<hbm>>
    tpu.enqueue_dma source(%arg4 : memref<496x16xf32, #tpu.memory_space<vmem>>) target(%dma_start3A_646 : memref<496x16xf32, #tpu.memory_space<hbm>>) target_semaphore(%arg8 : memref<!tpu.dma_semaphore, #tpu.memory_space<semaphore_mem>>)
    %dma_wait3A_647 = arith.constant 0 : i32
    %dma_wait3A_648 = tpu.memref_slice %arg3[%multiple_of3A_90, %dma_wait3A_647] : memref<1000000x16xf32, #tpu.memory_space<hbm>> -> memref<496x16xf32, #tpu.memory_space<hbm>>
    %dma_wait3A_649 = arith.constant 0 : i32
    %dma_wait3A_650 = tpu.memref_slice %arg3[%multiple_of3A_90, %dma_wait3A_649] : memref<1000000x16xf32, #tpu.memory_space<hbm>> -> memref<496x16xf32, #tpu.memory_space<hbm>>
    tpu.wait_dma2 semaphore(%arg8 : memref<!tpu.dma_semaphore, #tpu.memory_space<semaphore_mem>>) src(%arg4 : memref<496x16xf32, #tpu.memory_space<vmem>>) dst(%dma_wait3A_650 : memref<496x16xf32, #tpu.memory_space<hbm>>)
    %dma_start3A_651 = arith.constant 0 : i32
    %dma_start3A_652 = tpu.memref_slice %arg2[%multiple_of3A_104, %dma_start3A_651] : memref<1000000x16xf32, #tpu.memory_space<hbm>> -> memref<496x16xf32, #tpu.memory_space<hbm>>
    %dma_start3A_653 = arith.constant 0 : i32
    %dma_start3A_654 = tpu.memref_slice %arg2[%multiple_of3A_104, %dma_start3A_653] : memref<1000000x16xf32, #tpu.memory_space<hbm>> -> memref<496x16xf32, #tpu.memory_space<hbm>>
    tpu.enqueue_dma source(%dma_start3A_654 : memref<496x16xf32, #tpu.memory_space<hbm>>) target(%arg4 : memref<496x16xf32, #tpu.memory_space<vmem>>) target_semaphore(%arg6 : memref<!tpu.dma_semaphore, #tpu.memory_space<semaphore_mem>>)
    %dma_wait3A_655 = arith.constant 0 : i32
    %dma_wait3A_656 = tpu.memref_slice %arg2[%multiple_of3A_97, %dma_wait3A_655] : memref<1000000x16xf32, #tpu.memory_space<hbm>> -> memref<496x16xf32, #tpu.memory_space<hbm>>
    %dma_wait3A_657 = arith.constant 0 : i32
    %dma_wait3A_658 = tpu.memref_slice %arg2[%multiple_of3A_97, %dma_wait3A_657] : memref<1000000x16xf32, #tpu.memory_space<hbm>> -> memref<496x16xf32, #tpu.memory_space<hbm>>
    tpu.wait_dma2 semaphore(%arg7 : memref<!tpu.dma_semaphore, #tpu.memory_space<semaphore_mem>>) src(%dma_wait3A_658 : memref<496x16xf32, #tpu.memory_space<hbm>>) dst(%arg5 : memref<496x16xf32, #tpu.memory_space<vmem>>)
    %dma_start3A_659 = arith.constant 0 : i32
    %dma_start3A_660 = tpu.memref_slice %arg3[%multiple_of3A_97, %dma_start3A_659] : memref<1000000x16xf32, #tpu.memory_space<hbm>> -> memref<496x16xf32, #tpu.memory_space<hbm>>
    %dma_start3A_661 = arith.constant 0 : i32
    %dma_start3A_662 = tpu.memref_slice %arg3[%multiple_of3A_97, %dma_start3A_661] : memref<1000000x16xf32, #tpu.memory_space<hbm>> -> memref<496x16xf32, #tpu.memory_space<hbm>>
    tpu.enqueue_dma source(%arg5 : memref<496x16xf32, #tpu.memory_space<vmem>>) target(%dma_start3A_662 : memref<496x16xf32, #tpu.memory_space<hbm>>) target_semaphore(%arg9 : memref<!tpu.dma_semaphore, #tpu.memory_space<semaphore_mem>>)
    %dma_wait3A_663 = arith.constant 0 : i32
    %dma_wait3A_664 = tpu.memref_slice %arg3[%multiple_of3A_97, %dma_wait3A_663] : memref<1000000x16xf32, #tpu.memory_space<hbm>> -> memref<496x16xf32, #tpu.memory_space<hbm>>
    %dma_wait3A_665 = arith.constant 0 : i32
    %dma_wait3A_666 = tpu.memref_slice %arg3[%multiple_of3A_97, %dma_wait3A_665] : memref<1000000x16xf32, #tpu.memory_space<hbm>> -> memref<496x16xf32, #tpu.memory_space<hbm>>
    tpu.wait_dma2 semaphore(%arg9 : memref<!tpu.dma_semaphore, #tpu.memory_space<semaphore_mem>>) src(%arg5 : memref<496x16xf32, #tpu.memory_space<vmem>>) dst(%dma_wait3A_666 : memref<496x16xf32, #tpu.memory_space<hbm>>)
    %dma_start3A_667 = arith.constant 0 : i32
    %dma_start3A_668 = tpu.memref_slice %arg2[%multiple_of3A_111, %dma_start3A_667] : memref<1000000x16xf32, #tpu.memory_space<hbm>> -> memref<496x16xf32, #tpu.memory_space<hbm>>
    %dma_start3A_669 = arith.constant 0 : i32
    %dma_start3A_670 = tpu.memref_slice %arg2[%multiple_of3A_111, %dma_start3A_669] : memref<1000000x16xf32, #tpu.memory_space<hbm>> -> memref<496x16xf32, #tpu.memory_space<hbm>>
    tpu.enqueue_dma source(%dma_start3A_670 : memref<496x16xf32, #tpu.memory_space<hbm>>) target(%arg5 : memref<496x16xf32, #tpu.memory_space<vmem>>) target_semaphore(%arg7 : memref<!tpu.dma_semaphore, #tpu.memory_space<semaphore_mem>>)
    %dma_wait3A_671 = arith.constant 0 : i32
    %dma_wait3A_672 = tpu.memref_slice %arg2[%multiple_of3A_104, %dma_wait3A_671] : memref<1000000x16xf32, #tpu.memory_space<hbm>> -> memref<496x16xf32, #tpu.memory_space<hbm>>
    %dma_wait3A_673 = arith.constant 0 : i32
    %dma_wait3A_674 = tpu.memref_slice %arg2[%multiple_of3A_104, %dma_wait3A_673] : memref<1000000x16xf32, #tpu.memory_space<hbm>> -> memref<496x16xf32, #tpu.memory_space<hbm>>
    tpu.wait_dma2 semaphore(%arg6 : memref<!tpu.dma_semaphore, #tpu.memory_space<semaphore_mem>>) src(%dma_wait3A_674 : memref<496x16xf32, #tpu.memory_space<hbm>>) dst(%arg4 : memref<496x16xf32, #tpu.memory_space<vmem>>)
    %dma_start3A_675 = arith.constant 0 : i32
    %dma_start3A_676 = tpu.memref_slice %arg3[%multiple_of3A_104, %dma_start3A_675] : memref<1000000x16xf32, #tpu.memory_space<hbm>> -> memref<496x16xf32, #tpu.memory_space<hbm>>
    %dma_start3A_677 = arith.constant 0 : i32
    %dma_start3A_678 = tpu.memref_slice %arg3[%multiple_of3A_104, %dma_start3A_677] : memref<1000000x16xf32, #tpu.memory_space<hbm>> -> memref<496x16xf32, #tpu.memory_space<hbm>>
    tpu.enqueue_dma source(%arg4 : memref<496x16xf32, #tpu.memory_space<vmem>>) target(%dma_start3A_678 : memref<496x16xf32, #tpu.memory_space<hbm>>) target_semaphore(%arg8 : memref<!tpu.dma_semaphore, #tpu.memory_space<semaphore_mem>>)
    %dma_wait3A_679 = arith.constant 0 : i32
    %dma_wait3A_680 = tpu.memref_slice %arg3[%multiple_of3A_104, %dma_wait3A_679] : memref<1000000x16xf32, #tpu.memory_space<hbm>> -> memref<496x16xf32, #tpu.memory_space<hbm>>
    %dma_wait3A_681 = arith.constant 0 : i32
    %dma_wait3A_682 = tpu.memref_slice %arg3[%multiple_of3A_104, %dma_wait3A_681] : memref<1000000x16xf32, #tpu.memory_space<hbm>> -> memref<496x16xf32, #tpu.memory_space<hbm>>
    tpu.wait_dma2 semaphore(%arg8 : memref<!tpu.dma_semaphore, #tpu.memory_space<semaphore_mem>>) src(%arg4 : memref<496x16xf32, #tpu.memory_space<vmem>>) dst(%dma_wait3A_682 : memref<496x16xf32, #tpu.memory_space<hbm>>)
    %dma_start3A_683 = arith.constant 0 : i32
    %dma_start3A_684 = tpu.memref_slice %arg2[%multiple_of3A_118, %dma_start3A_683] : memref<1000000x16xf32, #tpu.memory_space<hbm>> -> memref<496x16xf32, #tpu.memory_space<hbm>>
    %dma_start3A_685 = arith.constant 0 : i32
    %dma_start3A_686 = tpu.memref_slice %arg2[%multiple_of3A_118, %dma_start3A_685] : memref<1000000x16xf32, #tpu.memory_space<hbm>> -> memref<496x16xf32, #tpu.memory_space<hbm>>
    tpu.enqueue_dma source(%dma_start3A_686 : memref<496x16xf32, #tpu.memory_space<hbm>>) target(%arg4 : memref<496x16xf32, #tpu.memory_space<vmem>>) target_semaphore(%arg6 : memref<!tpu.dma_semaphore, #tpu.memory_space<semaphore_mem>>)
    %dma_wait3A_687 = arith.constant 0 : i32
    %dma_wait3A_688 = tpu.memref_slice %arg2[%multiple_of3A_111, %dma_wait3A_687] : memref<1000000x16xf32, #tpu.memory_space<hbm>> -> memref<496x16xf32, #tpu.memory_space<hbm>>
    %dma_wait3A_689 = arith.constant 0 : i32
    %dma_wait3A_690 = tpu.memref_slice %arg2[%multiple_of3A_111, %dma_wait3A_689] : memref<1000000x16xf32, #tpu.memory_space<hbm>> -> memref<496x16xf32, #tpu.memory_space<hbm>>
    tpu.wait_dma2 semaphore(%arg7 : memref<!tpu.dma_semaphore, #tpu.memory_space<semaphore_mem>>) src(%dma_wait3A_690 : memref<496x16xf32, #tpu.memory_space<hbm>>) dst(%arg5 : memref<496x16xf32, #tpu.memory_space<vmem>>)
    %dma_start3A_691 = arith.constant 0 : i32
    %dma_start3A_692 = tpu.memref_slice %arg3[%multiple_of3A_111, %dma_start3A_691] : memref<1000000x16xf32, #tpu.memory_space<hbm>> -> memref<496x16xf32, #tpu.memory_space<hbm>>
    %dma_start3A_693 = arith.constant 0 : i32
    %dma_start3A_694 = tpu.memref_slice %arg3[%multiple_of3A_111, %dma_start3A_693] : memref<1000000x16xf32, #tpu.memory_space<hbm>> -> memref<496x16xf32, #tpu.memory_space<hbm>>
    tpu.enqueue_dma source(%arg5 : memref<496x16xf32, #tpu.memory_space<vmem>>) target(%dma_start3A_694 : memref<496x16xf32, #tpu.memory_space<hbm>>) target_semaphore(%arg9 : memref<!tpu.dma_semaphore, #tpu.memory_space<semaphore_mem>>)
    %dma_wait3A_695 = arith.constant 0 : i32
    %dma_wait3A_696 = tpu.memref_slice %arg3[%multiple_of3A_111, %dma_wait3A_695] : memref<1000000x16xf32, #tpu.memory_space<hbm>> -> memref<496x16xf32, #tpu.memory_space<hbm>>
    %dma_wait3A_697 = arith.constant 0 : i32
    %dma_wait3A_698 = tpu.memref_slice %arg3[%multiple_of3A_111, %dma_wait3A_697] : memref<1000000x16xf32, #tpu.memory_space<hbm>> -> memref<496x16xf32, #tpu.memory_space<hbm>>
    tpu.wait_dma2 semaphore(%arg9 : memref<!tpu.dma_semaphore, #tpu.memory_space<semaphore_mem>>) src(%arg5 : memref<496x16xf32, #tpu.memory_space<vmem>>) dst(%dma_wait3A_698 : memref<496x16xf32, #tpu.memory_space<hbm>>)
    %dma_start3A_699 = arith.constant 0 : i32
    %dma_start3A_700 = tpu.memref_slice %arg2[%multiple_of3A_125, %dma_start3A_699] : memref<1000000x16xf32, #tpu.memory_space<hbm>> -> memref<496x16xf32, #tpu.memory_space<hbm>>
    %dma_start3A_701 = arith.constant 0 : i32
    %dma_start3A_702 = tpu.memref_slice %arg2[%multiple_of3A_125, %dma_start3A_701] : memref<1000000x16xf32, #tpu.memory_space<hbm>> -> memref<496x16xf32, #tpu.memory_space<hbm>>
    tpu.enqueue_dma source(%dma_start3A_702 : memref<496x16xf32, #tpu.memory_space<hbm>>) target(%arg5 : memref<496x16xf32, #tpu.memory_space<vmem>>) target_semaphore(%arg7 : memref<!tpu.dma_semaphore, #tpu.memory_space<semaphore_mem>>)
    %dma_wait3A_703 = arith.constant 0 : i32
    %dma_wait3A_704 = tpu.memref_slice %arg2[%multiple_of3A_118, %dma_wait3A_703] : memref<1000000x16xf32, #tpu.memory_space<hbm>> -> memref<496x16xf32, #tpu.memory_space<hbm>>
    %dma_wait3A_705 = arith.constant 0 : i32
    %dma_wait3A_706 = tpu.memref_slice %arg2[%multiple_of3A_118, %dma_wait3A_705] : memref<1000000x16xf32, #tpu.memory_space<hbm>> -> memref<496x16xf32, #tpu.memory_space<hbm>>
    tpu.wait_dma2 semaphore(%arg6 : memref<!tpu.dma_semaphore, #tpu.memory_space<semaphore_mem>>) src(%dma_wait3A_706 : memref<496x16xf32, #tpu.memory_space<hbm>>) dst(%arg4 : memref<496x16xf32, #tpu.memory_space<vmem>>)
    %dma_start3A_707 = arith.constant 0 : i32
    %dma_start3A_708 = tpu.memref_slice %arg3[%multiple_of3A_118, %dma_start3A_707] : memref<1000000x16xf32, #tpu.memory_space<hbm>> -> memref<496x16xf32, #tpu.memory_space<hbm>>
    %dma_start3A_709 = arith.constant 0 : i32
    %dma_start3A_710 = tpu.memref_slice %arg3[%multiple_of3A_118, %dma_start3A_709] : memref<1000000x16xf32, #tpu.memory_space<hbm>> -> memref<496x16xf32, #tpu.memory_space<hbm>>
    tpu.enqueue_dma source(%arg4 : memref<496x16xf32, #tpu.memory_space<vmem>>) target(%dma_start3A_710 : memref<496x16xf32, #tpu.memory_space<hbm>>) target_semaphore(%arg8 : memref<!tpu.dma_semaphore, #tpu.memory_space<semaphore_mem>>)
    %dma_wait3A_711 = arith.constant 0 : i32
    %dma_wait3A_712 = tpu.memref_slice %arg3[%multiple_of3A_118, %dma_wait3A_711] : memref<1000000x16xf32, #tpu.memory_space<hbm>> -> memref<496x16xf32, #tpu.memory_space<hbm>>
    %dma_wait3A_713 = arith.constant 0 : i32
    %dma_wait3A_714 = tpu.memref_slice %arg3[%multiple_of3A_118, %dma_wait3A_713] : memref<1000000x16xf32, #tpu.memory_space<hbm>> -> memref<496x16xf32, #tpu.memory_space<hbm>>
    tpu.wait_dma2 semaphore(%arg8 : memref<!tpu.dma_semaphore, #tpu.memory_space<semaphore_mem>>) src(%arg4 : memref<496x16xf32, #tpu.memory_space<vmem>>) dst(%dma_wait3A_714 : memref<496x16xf32, #tpu.memory_space<hbm>>)
    %dma_start3A_715 = arith.constant 0 : i32
    %dma_start3A_716 = tpu.memref_slice %arg2[%multiple_of3A_132, %dma_start3A_715] : memref<1000000x16xf32, #tpu.memory_space<hbm>> -> memref<496x16xf32, #tpu.memory_space<hbm>>
    %dma_start3A_717 = arith.constant 0 : i32
    %dma_start3A_718 = tpu.memref_slice %arg2[%multiple_of3A_132, %dma_start3A_717] : memref<1000000x16xf32, #tpu.memory_space<hbm>> -> memref<496x16xf32, #tpu.memory_space<hbm>>
    tpu.enqueue_dma source(%dma_start3A_718 : memref<496x16xf32, #tpu.memory_space<hbm>>) target(%arg4 : memref<496x16xf32, #tpu.memory_space<vmem>>) target_semaphore(%arg6 : memref<!tpu.dma_semaphore, #tpu.memory_space<semaphore_mem>>)
    %dma_wait3A_719 = arith.constant 0 : i32
    %dma_wait3A_720 = tpu.memref_slice %arg2[%multiple_of3A_125, %dma_wait3A_719] : memref<1000000x16xf32, #tpu.memory_space<hbm>> -> memref<496x16xf32, #tpu.memory_space<hbm>>
    %dma_wait3A_721 = arith.constant 0 : i32
    %dma_wait3A_722 = tpu.memref_slice %arg2[%multiple_of3A_125, %dma_wait3A_721] : memref<1000000x16xf32, #tpu.memory_space<hbm>> -> memref<496x16xf32, #tpu.memory_space<hbm>>
    tpu.wait_dma2 semaphore(%arg7 : memref<!tpu.dma_semaphore, #tpu.memory_space<semaphore_mem>>) src(%dma_wait3A_722 : memref<496x16xf32, #tpu.memory_space<hbm>>) dst(%arg5 : memref<496x16xf32, #tpu.memory_space<vmem>>)
    %dma_start3A_723 = arith.constant 0 : i32
    %dma_start3A_724 = tpu.memref_slice %arg3[%multiple_of3A_125, %dma_start3A_723] : memref<1000000x16xf32, #tpu.memory_space<hbm>> -> memref<496x16xf32, #tpu.memory_space<hbm>>
    %dma_start3A_725 = arith.constant 0 : i32
    %dma_start3A_726 = tpu.memref_slice %arg3[%multiple_of3A_125, %dma_start3A_725] : memref<1000000x16xf32, #tpu.memory_space<hbm>> -> memref<496x16xf32, #tpu.memory_space<hbm>>
    tpu.enqueue_dma source(%arg5 : memref<496x16xf32, #tpu.memory_space<vmem>>) target(%dma_start3A_726 : memref<496x16xf32, #tpu.memory_space<hbm>>) target_semaphore(%arg9 : memref<!tpu.dma_semaphore, #tpu.memory_space<semaphore_mem>>)
    %dma_wait3A_727 = arith.constant 0 : i32
    %dma_wait3A_728 = tpu.memref_slice %arg3[%multiple_of3A_125, %dma_wait3A_727] : memref<1000000x16xf32, #tpu.memory_space<hbm>> -> memref<496x16xf32, #tpu.memory_space<hbm>>
    %dma_wait3A_729 = arith.constant 0 : i32
    %dma_wait3A_730 = tpu.memref_slice %arg3[%multiple_of3A_125, %dma_wait3A_729] : memref<1000000x16xf32, #tpu.memory_space<hbm>> -> memref<496x16xf32, #tpu.memory_space<hbm>>
    tpu.wait_dma2 semaphore(%arg9 : memref<!tpu.dma_semaphore, #tpu.memory_space<semaphore_mem>>) src(%arg5 : memref<496x16xf32, #tpu.memory_space<vmem>>) dst(%dma_wait3A_730 : memref<496x16xf32, #tpu.memory_space<hbm>>)
    %dma_start3A_731 = arith.constant 0 : i32
    %dma_start3A_732 = tpu.memref_slice %arg2[%multiple_of3A_139, %dma_start3A_731] : memref<1000000x16xf32, #tpu.memory_space<hbm>> -> memref<496x16xf32, #tpu.memory_space<hbm>>
    %dma_start3A_733 = arith.constant 0 : i32
    %dma_start3A_734 = tpu.memref_slice %arg2[%multiple_of3A_139, %dma_start3A_733] : memref<1000000x16xf32, #tpu.memory_space<hbm>> -> memref<496x16xf32, #tpu.memory_space<hbm>>
    tpu.enqueue_dma source(%dma_start3A_734 : memref<496x16xf32, #tpu.memory_space<hbm>>) target(%arg5 : memref<496x16xf32, #tpu.memory_space<vmem>>) target_semaphore(%arg7 : memref<!tpu.dma_semaphore, #tpu.memory_space<semaphore_mem>>)
    %dma_wait3A_735 = arith.constant 0 : i32
    %dma_wait3A_736 = tpu.memref_slice %arg2[%multiple_of3A_132, %dma_wait3A_735] : memref<1000000x16xf32, #tpu.memory_space<hbm>> -> memref<496x16xf32, #tpu.memory_space<hbm>>
    %dma_wait3A_737 = arith.constant 0 : i32
    %dma_wait3A_738 = tpu.memref_slice %arg2[%multiple_of3A_132, %dma_wait3A_737] : memref<1000000x16xf32, #tpu.memory_space<hbm>> -> memref<496x16xf32, #tpu.memory_space<hbm>>
    tpu.wait_dma2 semaphore(%arg6 : memref<!tpu.dma_semaphore, #tpu.memory_space<semaphore_mem>>) src(%dma_wait3A_738 : memref<496x16xf32, #tpu.memory_space<hbm>>) dst(%arg4 : memref<496x16xf32, #tpu.memory_space<vmem>>)
    %dma_start3A_739 = arith.constant 0 : i32
    %dma_start3A_740 = tpu.memref_slice %arg3[%multiple_of3A_132, %dma_start3A_739] : memref<1000000x16xf32, #tpu.memory_space<hbm>> -> memref<496x16xf32, #tpu.memory_space<hbm>>
    %dma_start3A_741 = arith.constant 0 : i32
    %dma_start3A_742 = tpu.memref_slice %arg3[%multiple_of3A_132, %dma_start3A_741] : memref<1000000x16xf32, #tpu.memory_space<hbm>> -> memref<496x16xf32, #tpu.memory_space<hbm>>
    tpu.enqueue_dma source(%arg4 : memref<496x16xf32, #tpu.memory_space<vmem>>) target(%dma_start3A_742 : memref<496x16xf32, #tpu.memory_space<hbm>>) target_semaphore(%arg8 : memref<!tpu.dma_semaphore, #tpu.memory_space<semaphore_mem>>)
    %dma_wait3A_743 = arith.constant 0 : i32
    %dma_wait3A_744 = tpu.memref_slice %arg3[%multiple_of3A_132, %dma_wait3A_743] : memref<1000000x16xf32, #tpu.memory_space<hbm>> -> memref<496x16xf32, #tpu.memory_space<hbm>>
    %dma_wait3A_745 = arith.constant 0 : i32
    %dma_wait3A_746 = tpu.memref_slice %arg3[%multiple_of3A_132, %dma_wait3A_745] : memref<1000000x16xf32, #tpu.memory_space<hbm>> -> memref<496x16xf32, #tpu.memory_space<hbm>>
    tpu.wait_dma2 semaphore(%arg8 : memref<!tpu.dma_semaphore, #tpu.memory_space<semaphore_mem>>) src(%arg4 : memref<496x16xf32, #tpu.memory_space<vmem>>) dst(%dma_wait3A_746 : memref<496x16xf32, #tpu.memory_space<hbm>>)
    %dma_start3A_747 = arith.constant 0 : i32
    %dma_start3A_748 = tpu.memref_slice %arg2[%multiple_of3A_146, %dma_start3A_747] : memref<1000000x16xf32, #tpu.memory_space<hbm>> -> memref<496x16xf32, #tpu.memory_space<hbm>>
    %dma_start3A_749 = arith.constant 0 : i32
    %dma_start3A_750 = tpu.memref_slice %arg2[%multiple_of3A_146, %dma_start3A_749] : memref<1000000x16xf32, #tpu.memory_space<hbm>> -> memref<496x16xf32, #tpu.memory_space<hbm>>
    tpu.enqueue_dma source(%dma_start3A_750 : memref<496x16xf32, #tpu.memory_space<hbm>>) target(%arg4 : memref<496x16xf32, #tpu.memory_space<vmem>>) target_semaphore(%arg6 : memref<!tpu.dma_semaphore, #tpu.memory_space<semaphore_mem>>)
    %dma_wait3A_751 = arith.constant 0 : i32
    %dma_wait3A_752 = tpu.memref_slice %arg2[%multiple_of3A_139, %dma_wait3A_751] : memref<1000000x16xf32, #tpu.memory_space<hbm>> -> memref<496x16xf32, #tpu.memory_space<hbm>>
    %dma_wait3A_753 = arith.constant 0 : i32
    %dma_wait3A_754 = tpu.memref_slice %arg2[%multiple_of3A_139, %dma_wait3A_753] : memref<1000000x16xf32, #tpu.memory_space<hbm>> -> memref<496x16xf32, #tpu.memory_space<hbm>>
    tpu.wait_dma2 semaphore(%arg7 : memref<!tpu.dma_semaphore, #tpu.memory_space<semaphore_mem>>) src(%dma_wait3A_754 : memref<496x16xf32, #tpu.memory_space<hbm>>) dst(%arg5 : memref<496x16xf32, #tpu.memory_space<vmem>>)
    %dma_start3A_755 = arith.constant 0 : i32
    %dma_start3A_756 = tpu.memref_slice %arg3[%multiple_of3A_139, %dma_start3A_755] : memref<1000000x16xf32, #tpu.memory_space<hbm>> -> memref<496x16xf32, #tpu.memory_space<hbm>>
    %dma_start3A_757 = arith.constant 0 : i32
    %dma_start3A_758 = tpu.memref_slice %arg3[%multiple_of3A_139, %dma_start3A_757] : memref<1000000x16xf32, #tpu.memory_space<hbm>> -> memref<496x16xf32, #tpu.memory_space<hbm>>
    tpu.enqueue_dma source(%arg5 : memref<496x16xf32, #tpu.memory_space<vmem>>) target(%dma_start3A_758 : memref<496x16xf32, #tpu.memory_space<hbm>>) target_semaphore(%arg9 : memref<!tpu.dma_semaphore, #tpu.memory_space<semaphore_mem>>)
    %dma_wait3A_759 = arith.constant 0 : i32
    %dma_wait3A_760 = tpu.memref_slice %arg3[%multiple_of3A_139, %dma_wait3A_759] : memref<1000000x16xf32, #tpu.memory_space<hbm>> -> memref<496x16xf32, #tpu.memory_space<hbm>>
    %dma_wait3A_761 = arith.constant 0 : i32
    %dma_wait3A_762 = tpu.memref_slice %arg3[%multiple_of3A_139, %dma_wait3A_761] : memref<1000000x16xf32, #tpu.memory_space<hbm>> -> memref<496x16xf32, #tpu.memory_space<hbm>>
    tpu.wait_dma2 semaphore(%arg9 : memref<!tpu.dma_semaphore, #tpu.memory_space<semaphore_mem>>) src(%arg5 : memref<496x16xf32, #tpu.memory_space<vmem>>) dst(%dma_wait3A_762 : memref<496x16xf32, #tpu.memory_space<hbm>>)
    %dma_start3A_763 = arith.constant 0 : i32
    %dma_start3A_764 = tpu.memref_slice %arg2[%multiple_of3A_153, %dma_start3A_763] : memref<1000000x16xf32, #tpu.memory_space<hbm>> -> memref<496x16xf32, #tpu.memory_space<hbm>>
    %dma_start3A_765 = arith.constant 0 : i32
    %dma_start3A_766 = tpu.memref_slice %arg2[%multiple_of3A_153, %dma_start3A_765] : memref<1000000x16xf32, #tpu.memory_space<hbm>> -> memref<496x16xf32, #tpu.memory_space<hbm>>
    tpu.enqueue_dma source(%dma_start3A_766 : memref<496x16xf32, #tpu.memory_space<hbm>>) target(%arg5 : memref<496x16xf32, #tpu.memory_space<vmem>>) target_semaphore(%arg7 : memref<!tpu.dma_semaphore, #tpu.memory_space<semaphore_mem>>)
    %dma_wait3A_767 = arith.constant 0 : i32
    %dma_wait3A_768 = tpu.memref_slice %arg2[%multiple_of3A_146, %dma_wait3A_767] : memref<1000000x16xf32, #tpu.memory_space<hbm>> -> memref<496x16xf32, #tpu.memory_space<hbm>>
    %dma_wait3A_769 = arith.constant 0 : i32
    %dma_wait3A_770 = tpu.memref_slice %arg2[%multiple_of3A_146, %dma_wait3A_769] : memref<1000000x16xf32, #tpu.memory_space<hbm>> -> memref<496x16xf32, #tpu.memory_space<hbm>>
    tpu.wait_dma2 semaphore(%arg6 : memref<!tpu.dma_semaphore, #tpu.memory_space<semaphore_mem>>) src(%dma_wait3A_770 : memref<496x16xf32, #tpu.memory_space<hbm>>) dst(%arg4 : memref<496x16xf32, #tpu.memory_space<vmem>>)
    %dma_start3A_771 = arith.constant 0 : i32
    %dma_start3A_772 = tpu.memref_slice %arg3[%multiple_of3A_146, %dma_start3A_771] : memref<1000000x16xf32, #tpu.memory_space<hbm>> -> memref<496x16xf32, #tpu.memory_space<hbm>>
    %dma_start3A_773 = arith.constant 0 : i32
    %dma_start3A_774 = tpu.memref_slice %arg3[%multiple_of3A_146, %dma_start3A_773] : memref<1000000x16xf32, #tpu.memory_space<hbm>> -> memref<496x16xf32, #tpu.memory_space<hbm>>
    tpu.enqueue_dma source(%arg4 : memref<496x16xf32, #tpu.memory_space<vmem>>) target(%dma_start3A_774 : memref<496x16xf32, #tpu.memory_space<hbm>>) target_semaphore(%arg8 : memref<!tpu.dma_semaphore, #tpu.memory_space<semaphore_mem>>)
    %dma_wait3A_775 = arith.constant 0 : i32
    %dma_wait3A_776 = tpu.memref_slice %arg3[%multiple_of3A_146, %dma_wait3A_775] : memref<1000000x16xf32, #tpu.memory_space<hbm>> -> memref<496x16xf32, #tpu.memory_space<hbm>>
    %dma_wait3A_777 = arith.constant 0 : i32
    %dma_wait3A_778 = tpu.memref_slice %arg3[%multiple_of3A_146, %dma_wait3A_777] : memref<1000000x16xf32, #tpu.memory_space<hbm>> -> memref<496x16xf32, #tpu.memory_space<hbm>>
    tpu.wait_dma2 semaphore(%arg8 : memref<!tpu.dma_semaphore, #tpu.memory_space<semaphore_mem>>) src(%arg4 : memref<496x16xf32, #tpu.memory_space<vmem>>) dst(%dma_wait3A_778 : memref<496x16xf32, #tpu.memory_space<hbm>>)
    %dma_start3A_779 = arith.constant 0 : i32
    %dma_start3A_780 = tpu.memref_slice %arg2[%multiple_of3A_160, %dma_start3A_779] : memref<1000000x16xf32, #tpu.memory_space<hbm>> -> memref<496x16xf32, #tpu.memory_space<hbm>>
    %dma_start3A_781 = arith.constant 0 : i32
    %dma_start3A_782 = tpu.memref_slice %arg2[%multiple_of3A_160, %dma_start3A_781] : memref<1000000x16xf32, #tpu.memory_space<hbm>> -> memref<496x16xf32, #tpu.memory_space<hbm>>
    tpu.enqueue_dma source(%dma_start3A_782 : memref<496x16xf32, #tpu.memory_space<hbm>>) target(%arg4 : memref<496x16xf32, #tpu.memory_space<vmem>>) target_semaphore(%arg6 : memref<!tpu.dma_semaphore, #tpu.memory_space<semaphore_mem>>)
    %dma_wait3A_783 = arith.constant 0 : i32
    %dma_wait3A_784 = tpu.memref_slice %arg2[%multiple_of3A_153, %dma_wait3A_783] : memref<1000000x16xf32, #tpu.memory_space<hbm>> -> memref<496x16xf32, #tpu.memory_space<hbm>>
    %dma_wait3A_785 = arith.constant 0 : i32
    %dma_wait3A_786 = tpu.memref_slice %arg2[%multiple_of3A_153, %dma_wait3A_785] : memref<1000000x16xf32, #tpu.memory_space<hbm>> -> memref<496x16xf32, #tpu.memory_space<hbm>>
    tpu.wait_dma2 semaphore(%arg7 : memref<!tpu.dma_semaphore, #tpu.memory_space<semaphore_mem>>) src(%dma_wait3A_786 : memref<496x16xf32, #tpu.memory_space<hbm>>) dst(%arg5 : memref<496x16xf32, #tpu.memory_space<vmem>>)
    %dma_start3A_787 = arith.constant 0 : i32
    %dma_start3A_788 = tpu.memref_slice %arg3[%multiple_of3A_153, %dma_start3A_787] : memref<1000000x16xf32, #tpu.memory_space<hbm>> -> memref<496x16xf32, #tpu.memory_space<hbm>>
    %dma_start3A_789 = arith.constant 0 : i32
    %dma_start3A_790 = tpu.memref_slice %arg3[%multiple_of3A_153, %dma_start3A_789] : memref<1000000x16xf32, #tpu.memory_space<hbm>> -> memref<496x16xf32, #tpu.memory_space<hbm>>
    tpu.enqueue_dma source(%arg5 : memref<496x16xf32, #tpu.memory_space<vmem>>) target(%dma_start3A_790 : memref<496x16xf32, #tpu.memory_space<hbm>>) target_semaphore(%arg9 : memref<!tpu.dma_semaphore, #tpu.memory_space<semaphore_mem>>)
    %dma_wait3A_791 = arith.constant 0 : i32
    %dma_wait3A_792 = tpu.memref_slice %arg3[%multiple_of3A_153, %dma_wait3A_791] : memref<1000000x16xf32, #tpu.memory_space<hbm>> -> memref<496x16xf32, #tpu.memory_space<hbm>>
    %dma_wait3A_793 = arith.constant 0 : i32
    %dma_wait3A_794 = tpu.memref_slice %arg3[%multiple_of3A_153, %dma_wait3A_793] : memref<1000000x16xf32, #tpu.memory_space<hbm>> -> memref<496x16xf32, #tpu.memory_space<hbm>>
    tpu.wait_dma2 semaphore(%arg9 : memref<!tpu.dma_semaphore, #tpu.memory_space<semaphore_mem>>) src(%arg5 : memref<496x16xf32, #tpu.memory_space<vmem>>) dst(%dma_wait3A_794 : memref<496x16xf32, #tpu.memory_space<hbm>>)
    %dma_start3A_795 = arith.constant 0 : i32
    %dma_start3A_796 = tpu.memref_slice %arg2[%multiple_of3A_167, %dma_start3A_795] : memref<1000000x16xf32, #tpu.memory_space<hbm>> -> memref<496x16xf32, #tpu.memory_space<hbm>>
    %dma_start3A_797 = arith.constant 0 : i32
    %dma_start3A_798 = tpu.memref_slice %arg2[%multiple_of3A_167, %dma_start3A_797] : memref<1000000x16xf32, #tpu.memory_space<hbm>> -> memref<496x16xf32, #tpu.memory_space<hbm>>
    tpu.enqueue_dma source(%dma_start3A_798 : memref<496x16xf32, #tpu.memory_space<hbm>>) target(%arg5 : memref<496x16xf32, #tpu.memory_space<vmem>>) target_semaphore(%arg7 : memref<!tpu.dma_semaphore, #tpu.memory_space<semaphore_mem>>)
    %dma_wait3A_799 = arith.constant 0 : i32
    %dma_wait3A_800 = tpu.memref_slice %arg2[%multiple_of3A_160, %dma_wait3A_799] : memref<1000000x16xf32, #tpu.memory_space<hbm>> -> memref<496x16xf32, #tpu.memory_space<hbm>>
    %dma_wait3A_801 = arith.constant 0 : i32
    %dma_wait3A_802 = tpu.memref_slice %arg2[%multiple_of3A_160, %dma_wait3A_801] : memref<1000000x16xf32, #tpu.memory_space<hbm>> -> memref<496x16xf32, #tpu.memory_space<hbm>>
    tpu.wait_dma2 semaphore(%arg6 : memref<!tpu.dma_semaphore, #tpu.memory_space<semaphore_mem>>) src(%dma_wait3A_802 : memref<496x16xf32, #tpu.memory_space<hbm>>) dst(%arg4 : memref<496x16xf32, #tpu.memory_space<vmem>>)
    %dma_start3A_803 = arith.constant 0 : i32
    %dma_start3A_804 = tpu.memref_slice %arg3[%multiple_of3A_160, %dma_start3A_803] : memref<1000000x16xf32, #tpu.memory_space<hbm>> -> memref<496x16xf32, #tpu.memory_space<hbm>>
    %dma_start3A_805 = arith.constant 0 : i32
    %dma_start3A_806 = tpu.memref_slice %arg3[%multiple_of3A_160, %dma_start3A_805] : memref<1000000x16xf32, #tpu.memory_space<hbm>> -> memref<496x16xf32, #tpu.memory_space<hbm>>
    tpu.enqueue_dma source(%arg4 : memref<496x16xf32, #tpu.memory_space<vmem>>) target(%dma_start3A_806 : memref<496x16xf32, #tpu.memory_space<hbm>>) target_semaphore(%arg8 : memref<!tpu.dma_semaphore, #tpu.memory_space<semaphore_mem>>)
    %dma_wait3A_807 = arith.constant 0 : i32
    %dma_wait3A_808 = tpu.memref_slice %arg3[%multiple_of3A_160, %dma_wait3A_807] : memref<1000000x16xf32, #tpu.memory_space<hbm>> -> memref<496x16xf32, #tpu.memory_space<hbm>>
    %dma_wait3A_809 = arith.constant 0 : i32
    %dma_wait3A_810 = tpu.memref_slice %arg3[%multiple_of3A_160, %dma_wait3A_809] : memref<1000000x16xf32, #tpu.memory_space<hbm>> -> memref<496x16xf32, #tpu.memory_space<hbm>>
    tpu.wait_dma2 semaphore(%arg8 : memref<!tpu.dma_semaphore, #tpu.memory_space<semaphore_mem>>) src(%arg4 : memref<496x16xf32, #tpu.memory_space<vmem>>) dst(%dma_wait3A_810 : memref<496x16xf32, #tpu.memory_space<hbm>>)
    %dma_start3A_811 = arith.constant 0 : i32
    %dma_start3A_812 = tpu.memref_slice %arg2[%multiple_of3A_174, %dma_start3A_811] : memref<1000000x16xf32, #tpu.memory_space<hbm>> -> memref<496x16xf32, #tpu.memory_space<hbm>>
    %dma_start3A_813 = arith.constant 0 : i32
    %dma_start3A_814 = tpu.memref_slice %arg2[%multiple_of3A_174, %dma_start3A_813] : memref<1000000x16xf32, #tpu.memory_space<hbm>> -> memref<496x16xf32, #tpu.memory_space<hbm>>
    tpu.enqueue_dma source(%dma_start3A_814 : memref<496x16xf32, #tpu.memory_space<hbm>>) target(%arg4 : memref<496x16xf32, #tpu.memory_space<vmem>>) target_semaphore(%arg6 : memref<!tpu.dma_semaphore, #tpu.memory_space<semaphore_mem>>)
    %dma_wait3A_815 = arith.constant 0 : i32
    %dma_wait3A_816 = tpu.memref_slice %arg2[%multiple_of3A_167, %dma_wait3A_815] : memref<1000000x16xf32, #tpu.memory_space<hbm>> -> memref<496x16xf32, #tpu.memory_space<hbm>>
    %dma_wait3A_817 = arith.constant 0 : i32
    %dma_wait3A_818 = tpu.memref_slice %arg2[%multiple_of3A_167, %dma_wait3A_817] : memref<1000000x16xf32, #tpu.memory_space<hbm>> -> memref<496x16xf32, #tpu.memory_space<hbm>>
    tpu.wait_dma2 semaphore(%arg7 : memref<!tpu.dma_semaphore, #tpu.memory_space<semaphore_mem>>) src(%dma_wait3A_818 : memref<496x16xf32, #tpu.memory_space<hbm>>) dst(%arg5 : memref<496x16xf32, #tpu.memory_space<vmem>>)
    %dma_start3A_819 = arith.constant 0 : i32
    %dma_start3A_820 = tpu.memref_slice %arg3[%multiple_of3A_167, %dma_start3A_819] : memref<1000000x16xf32, #tpu.memory_space<hbm>> -> memref<496x16xf32, #tpu.memory_space<hbm>>
    %dma_start3A_821 = arith.constant 0 : i32
    %dma_start3A_822 = tpu.memref_slice %arg3[%multiple_of3A_167, %dma_start3A_821] : memref<1000000x16xf32, #tpu.memory_space<hbm>> -> memref<496x16xf32, #tpu.memory_space<hbm>>
    tpu.enqueue_dma source(%arg5 : memref<496x16xf32, #tpu.memory_space<vmem>>) target(%dma_start3A_822 : memref<496x16xf32, #tpu.memory_space<hbm>>) target_semaphore(%arg9 : memref<!tpu.dma_semaphore, #tpu.memory_space<semaphore_mem>>)
    %dma_wait3A_823 = arith.constant 0 : i32
    %dma_wait3A_824 = tpu.memref_slice %arg3[%multiple_of3A_167, %dma_wait3A_823] : memref<1000000x16xf32, #tpu.memory_space<hbm>> -> memref<496x16xf32, #tpu.memory_space<hbm>>
    %dma_wait3A_825 = arith.constant 0 : i32
    %dma_wait3A_826 = tpu.memref_slice %arg3[%multiple_of3A_167, %dma_wait3A_825] : memref<1000000x16xf32, #tpu.memory_space<hbm>> -> memref<496x16xf32, #tpu.memory_space<hbm>>
    tpu.wait_dma2 semaphore(%arg9 : memref<!tpu.dma_semaphore, #tpu.memory_space<semaphore_mem>>) src(%arg5 : memref<496x16xf32, #tpu.memory_space<vmem>>) dst(%dma_wait3A_826 : memref<496x16xf32, #tpu.memory_space<hbm>>)
    %dma_start3A_827 = arith.constant 0 : i32
    %dma_start3A_828 = tpu.memref_slice %arg2[%multiple_of3A_181, %dma_start3A_827] : memref<1000000x16xf32, #tpu.memory_space<hbm>> -> memref<496x16xf32, #tpu.memory_space<hbm>>
    %dma_start3A_829 = arith.constant 0 : i32
    %dma_start3A_830 = tpu.memref_slice %arg2[%multiple_of3A_181, %dma_start3A_829] : memref<1000000x16xf32, #tpu.memory_space<hbm>> -> memref<496x16xf32, #tpu.memory_space<hbm>>
    tpu.enqueue_dma source(%dma_start3A_830 : memref<496x16xf32, #tpu.memory_space<hbm>>) target(%arg5 : memref<496x16xf32, #tpu.memory_space<vmem>>) target_semaphore(%arg7 : memref<!tpu.dma_semaphore, #tpu.memory_space<semaphore_mem>>)
    %dma_wait3A_831 = arith.constant 0 : i32
    %dma_wait3A_832 = tpu.memref_slice %arg2[%multiple_of3A_174, %dma_wait3A_831] : memref<1000000x16xf32, #tpu.memory_space<hbm>> -> memref<496x16xf32, #tpu.memory_space<hbm>>
    %dma_wait3A_833 = arith.constant 0 : i32
    %dma_wait3A_834 = tpu.memref_slice %arg2[%multiple_of3A_174, %dma_wait3A_833] : memref<1000000x16xf32, #tpu.memory_space<hbm>> -> memref<496x16xf32, #tpu.memory_space<hbm>>
    tpu.wait_dma2 semaphore(%arg6 : memref<!tpu.dma_semaphore, #tpu.memory_space<semaphore_mem>>) src(%dma_wait3A_834 : memref<496x16xf32, #tpu.memory_space<hbm>>) dst(%arg4 : memref<496x16xf32, #tpu.memory_space<vmem>>)
    %dma_start3A_835 = arith.constant 0 : i32
    %dma_start3A_836 = tpu.memref_slice %arg3[%multiple_of3A_174, %dma_start3A_835] : memref<1000000x16xf32, #tpu.memory_space<hbm>> -> memref<496x16xf32, #tpu.memory_space<hbm>>
    %dma_start3A_837 = arith.constant 0 : i32
    %dma_start3A_838 = tpu.memref_slice %arg3[%multiple_of3A_174, %dma_start3A_837] : memref<1000000x16xf32, #tpu.memory_space<hbm>> -> memref<496x16xf32, #tpu.memory_space<hbm>>
    tpu.enqueue_dma source(%arg4 : memref<496x16xf32, #tpu.memory_space<vmem>>) target(%dma_start3A_838 : memref<496x16xf32, #tpu.memory_space<hbm>>) target_semaphore(%arg8 : memref<!tpu.dma_semaphore, #tpu.memory_space<semaphore_mem>>)
    %dma_wait3A_839 = arith.constant 0 : i32
    %dma_wait3A_840 = tpu.memref_slice %arg3[%multiple_of3A_174, %dma_wait3A_839] : memref<1000000x16xf32, #tpu.memory_space<hbm>> -> memref<496x16xf32, #tpu.memory_space<hbm>>
    %dma_wait3A_841 = arith.constant 0 : i32
    %dma_wait3A_842 = tpu.memref_slice %arg3[%multiple_of3A_174, %dma_wait3A_841] : memref<1000000x16xf32, #tpu.memory_space<hbm>> -> memref<496x16xf32, #tpu.memory_space<hbm>>
    tpu.wait_dma2 semaphore(%arg8 : memref<!tpu.dma_semaphore, #tpu.memory_space<semaphore_mem>>) src(%arg4 : memref<496x16xf32, #tpu.memory_space<vmem>>) dst(%dma_wait3A_842 : memref<496x16xf32, #tpu.memory_space<hbm>>)
    %dma_start3A_843 = arith.constant 0 : i32
    %dma_start3A_844 = tpu.memref_slice %arg2[%multiple_of3A_188, %dma_start3A_843] : memref<1000000x16xf32, #tpu.memory_space<hbm>> -> memref<496x16xf32, #tpu.memory_space<hbm>>
    %dma_start3A_845 = arith.constant 0 : i32
    %dma_start3A_846 = tpu.memref_slice %arg2[%multiple_of3A_188, %dma_start3A_845] : memref<1000000x16xf32, #tpu.memory_space<hbm>> -> memref<496x16xf32, #tpu.memory_space<hbm>>
    tpu.enqueue_dma source(%dma_start3A_846 : memref<496x16xf32, #tpu.memory_space<hbm>>) target(%arg4 : memref<496x16xf32, #tpu.memory_space<vmem>>) target_semaphore(%arg6 : memref<!tpu.dma_semaphore, #tpu.memory_space<semaphore_mem>>)
    %dma_wait3A_847 = arith.constant 0 : i32
    %dma_wait3A_848 = tpu.memref_slice %arg2[%multiple_of3A_181, %dma_wait3A_847] : memref<1000000x16xf32, #tpu.memory_space<hbm>> -> memref<496x16xf32, #tpu.memory_space<hbm>>
    %dma_wait3A_849 = arith.constant 0 : i32
    %dma_wait3A_850 = tpu.memref_slice %arg2[%multiple_of3A_181, %dma_wait3A_849] : memref<1000000x16xf32, #tpu.memory_space<hbm>> -> memref<496x16xf32, #tpu.memory_space<hbm>>
    tpu.wait_dma2 semaphore(%arg7 : memref<!tpu.dma_semaphore, #tpu.memory_space<semaphore_mem>>) src(%dma_wait3A_850 : memref<496x16xf32, #tpu.memory_space<hbm>>) dst(%arg5 : memref<496x16xf32, #tpu.memory_space<vmem>>)
    %dma_start3A_851 = arith.constant 0 : i32
    %dma_start3A_852 = tpu.memref_slice %arg3[%multiple_of3A_181, %dma_start3A_851] : memref<1000000x16xf32, #tpu.memory_space<hbm>> -> memref<496x16xf32, #tpu.memory_space<hbm>>
    %dma_start3A_853 = arith.constant 0 : i32
    %dma_start3A_854 = tpu.memref_slice %arg3[%multiple_of3A_181, %dma_start3A_853] : memref<1000000x16xf32, #tpu.memory_space<hbm>> -> memref<496x16xf32, #tpu.memory_space<hbm>>
    tpu.enqueue_dma source(%arg5 : memref<496x16xf32, #tpu.memory_space<vmem>>) target(%dma_start3A_854 : memref<496x16xf32, #tpu.memory_space<hbm>>) target_semaphore(%arg9 : memref<!tpu.dma_semaphore, #tpu.memory_space<semaphore_mem>>)
    %dma_wait3A_855 = arith.constant 0 : i32
    %dma_wait3A_856 = tpu.memref_slice %arg3[%multiple_of3A_181, %dma_wait3A_855] : memref<1000000x16xf32, #tpu.memory_space<hbm>> -> memref<496x16xf32, #tpu.memory_space<hbm>>
    %dma_wait3A_857 = arith.constant 0 : i32
    %dma_wait3A_858 = tpu.memref_slice %arg3[%multiple_of3A_181, %dma_wait3A_857] : memref<1000000x16xf32, #tpu.memory_space<hbm>> -> memref<496x16xf32, #tpu.memory_space<hbm>>
    tpu.wait_dma2 semaphore(%arg9 : memref<!tpu.dma_semaphore, #tpu.memory_space<semaphore_mem>>) src(%arg5 : memref<496x16xf32, #tpu.memory_space<vmem>>) dst(%dma_wait3A_858 : memref<496x16xf32, #tpu.memory_space<hbm>>)
    %dma_start3A_859 = arith.constant 0 : i32
    %dma_start3A_860 = tpu.memref_slice %arg2[%multiple_of3A_195, %dma_start3A_859] : memref<1000000x16xf32, #tpu.memory_space<hbm>> -> memref<496x16xf32, #tpu.memory_space<hbm>>
    %dma_start3A_861 = arith.constant 0 : i32
    %dma_start3A_862 = tpu.memref_slice %arg2[%multiple_of3A_195, %dma_start3A_861] : memref<1000000x16xf32, #tpu.memory_space<hbm>> -> memref<496x16xf32, #tpu.memory_space<hbm>>
    tpu.enqueue_dma source(%dma_start3A_862 : memref<496x16xf32, #tpu.memory_space<hbm>>) target(%arg5 : memref<496x16xf32, #tpu.memory_space<vmem>>) target_semaphore(%arg7 : memref<!tpu.dma_semaphore, #tpu.memory_space<semaphore_mem>>)
    %dma_wait3A_863 = arith.constant 0 : i32
    %dma_wait3A_864 = tpu.memref_slice %arg2[%multiple_of3A_188, %dma_wait3A_863] : memref<1000000x16xf32, #tpu.memory_space<hbm>> -> memref<496x16xf32, #tpu.memory_space<hbm>>
    %dma_wait3A_865 = arith.constant 0 : i32
    %dma_wait3A_866 = tpu.memref_slice %arg2[%multiple_of3A_188, %dma_wait3A_865] : memref<1000000x16xf32, #tpu.memory_space<hbm>> -> memref<496x16xf32, #tpu.memory_space<hbm>>
    tpu.wait_dma2 semaphore(%arg6 : memref<!tpu.dma_semaphore, #tpu.memory_space<semaphore_mem>>) src(%dma_wait3A_866 : memref<496x16xf32, #tpu.memory_space<hbm>>) dst(%arg4 : memref<496x16xf32, #tpu.memory_space<vmem>>)
    %dma_start3A_867 = arith.constant 0 : i32
    %dma_start3A_868 = tpu.memref_slice %arg3[%multiple_of3A_188, %dma_start3A_867] : memref<1000000x16xf32, #tpu.memory_space<hbm>> -> memref<496x16xf32, #tpu.memory_space<hbm>>
    %dma_start3A_869 = arith.constant 0 : i32
    %dma_start3A_870 = tpu.memref_slice %arg3[%multiple_of3A_188, %dma_start3A_869] : memref<1000000x16xf32, #tpu.memory_space<hbm>> -> memref<496x16xf32, #tpu.memory_space<hbm>>
    tpu.enqueue_dma source(%arg4 : memref<496x16xf32, #tpu.memory_space<vmem>>) target(%dma_start3A_870 : memref<496x16xf32, #tpu.memory_space<hbm>>) target_semaphore(%arg8 : memref<!tpu.dma_semaphore, #tpu.memory_space<semaphore_mem>>)
    %dma_wait3A_871 = arith.constant 0 : i32
    %dma_wait3A_872 = tpu.memref_slice %arg3[%multiple_of3A_188, %dma_wait3A_871] : memref<1000000x16xf32, #tpu.memory_space<hbm>> -> memref<496x16xf32, #tpu.memory_space<hbm>>
    %dma_wait3A_873 = arith.constant 0 : i32
    %dma_wait3A_874 = tpu.memref_slice %arg3[%multiple_of3A_188, %dma_wait3A_873] : memref<1000000x16xf32, #tpu.memory_space<hbm>> -> memref<496x16xf32, #tpu.memory_space<hbm>>
    tpu.wait_dma2 semaphore(%arg8 : memref<!tpu.dma_semaphore, #tpu.memory_space<semaphore_mem>>) src(%arg4 : memref<496x16xf32, #tpu.memory_space<vmem>>) dst(%dma_wait3A_874 : memref<496x16xf32, #tpu.memory_space<hbm>>)
    %dma_start3A_875 = arith.constant 0 : i32
    %dma_start3A_876 = tpu.memref_slice %arg2[%multiple_of3A_202, %dma_start3A_875] : memref<1000000x16xf32, #tpu.memory_space<hbm>> -> memref<496x16xf32, #tpu.memory_space<hbm>>
    %dma_start3A_877 = arith.constant 0 : i32
    %dma_start3A_878 = tpu.memref_slice %arg2[%multiple_of3A_202, %dma_start3A_877] : memref<1000000x16xf32, #tpu.memory_space<hbm>> -> memref<496x16xf32, #tpu.memory_space<hbm>>
    tpu.enqueue_dma source(%dma_start3A_878 : memref<496x16xf32, #tpu.memory_space<hbm>>) target(%arg4 : memref<496x16xf32, #tpu.memory_space<vmem>>) target_semaphore(%arg6 : memref<!tpu.dma_semaphore, #tpu.memory_space<semaphore_mem>>)
    %dma_wait3A_879 = arith.constant 0 : i32
    %dma_wait3A_880 = tpu.memref_slice %arg2[%multiple_of3A_195, %dma_wait3A_879] : memref<1000000x16xf32, #tpu.memory_space<hbm>> -> memref<496x16xf32, #tpu.memory_space<hbm>>
    %dma_wait3A_881 = arith.constant 0 : i32
    %dma_wait3A_882 = tpu.memref_slice %arg2[%multiple_of3A_195, %dma_wait3A_881] : memref<1000000x16xf32, #tpu.memory_space<hbm>> -> memref<496x16xf32, #tpu.memory_space<hbm>>
    tpu.wait_dma2 semaphore(%arg7 : memref<!tpu.dma_semaphore, #tpu.memory_space<semaphore_mem>>) src(%dma_wait3A_882 : memref<496x16xf32, #tpu.memory_space<hbm>>) dst(%arg5 : memref<496x16xf32, #tpu.memory_space<vmem>>)
    %dma_start3A_883 = arith.constant 0 : i32
    %dma_start3A_884 = tpu.memref_slice %arg3[%multiple_of3A_195, %dma_start3A_883] : memref<1000000x16xf32, #tpu.memory_space<hbm>> -> memref<496x16xf32, #tpu.memory_space<hbm>>
    %dma_start3A_885 = arith.constant 0 : i32
    %dma_start3A_886 = tpu.memref_slice %arg3[%multiple_of3A_195, %dma_start3A_885] : memref<1000000x16xf32, #tpu.memory_space<hbm>> -> memref<496x16xf32, #tpu.memory_space<hbm>>
    tpu.enqueue_dma source(%arg5 : memref<496x16xf32, #tpu.memory_space<vmem>>) target(%dma_start3A_886 : memref<496x16xf32, #tpu.memory_space<hbm>>) target_semaphore(%arg9 : memref<!tpu.dma_semaphore, #tpu.memory_space<semaphore_mem>>)
    %dma_wait3A_887 = arith.constant 0 : i32
    %dma_wait3A_888 = tpu.memref_slice %arg3[%multiple_of3A_195, %dma_wait3A_887] : memref<1000000x16xf32, #tpu.memory_space<hbm>> -> memref<496x16xf32, #tpu.memory_space<hbm>>
    %dma_wait3A_889 = arith.constant 0 : i32
    %dma_wait3A_890 = tpu.memref_slice %arg3[%multiple_of3A_195, %dma_wait3A_889] : memref<1000000x16xf32, #tpu.memory_space<hbm>> -> memref<496x16xf32, #tpu.memory_space<hbm>>
    tpu.wait_dma2 semaphore(%arg9 : memref<!tpu.dma_semaphore, #tpu.memory_space<semaphore_mem>>) src(%arg5 : memref<496x16xf32, #tpu.memory_space<vmem>>) dst(%dma_wait3A_890 : memref<496x16xf32, #tpu.memory_space<hbm>>)
    %dma_start3A_891 = arith.constant 0 : i32
    %dma_start3A_892 = tpu.memref_slice %arg2[%multiple_of3A_209, %dma_start3A_891] : memref<1000000x16xf32, #tpu.memory_space<hbm>> -> memref<496x16xf32, #tpu.memory_space<hbm>>
    %dma_start3A_893 = arith.constant 0 : i32
    %dma_start3A_894 = tpu.memref_slice %arg2[%multiple_of3A_209, %dma_start3A_893] : memref<1000000x16xf32, #tpu.memory_space<hbm>> -> memref<496x16xf32, #tpu.memory_space<hbm>>
    tpu.enqueue_dma source(%dma_start3A_894 : memref<496x16xf32, #tpu.memory_space<hbm>>) target(%arg5 : memref<496x16xf32, #tpu.memory_space<vmem>>) target_semaphore(%arg7 : memref<!tpu.dma_semaphore, #tpu.memory_space<semaphore_mem>>)
    %dma_wait3A_895 = arith.constant 0 : i32
    %dma_wait3A_896 = tpu.memref_slice %arg2[%multiple_of3A_202, %dma_wait3A_895] : memref<1000000x16xf32, #tpu.memory_space<hbm>> -> memref<496x16xf32, #tpu.memory_space<hbm>>
    %dma_wait3A_897 = arith.constant 0 : i32
    %dma_wait3A_898 = tpu.memref_slice %arg2[%multiple_of3A_202, %dma_wait3A_897] : memref<1000000x16xf32, #tpu.memory_space<hbm>> -> memref<496x16xf32, #tpu.memory_space<hbm>>
    tpu.wait_dma2 semaphore(%arg6 : memref<!tpu.dma_semaphore, #tpu.memory_space<semaphore_mem>>) src(%dma_wait3A_898 : memref<496x16xf32, #tpu.memory_space<hbm>>) dst(%arg4 : memref<496x16xf32, #tpu.memory_space<vmem>>)
    %dma_start3A_899 = arith.constant 0 : i32
    %dma_start3A_900 = tpu.memref_slice %arg3[%multiple_of3A_202, %dma_start3A_899] : memref<1000000x16xf32, #tpu.memory_space<hbm>> -> memref<496x16xf32, #tpu.memory_space<hbm>>
    %dma_start3A_901 = arith.constant 0 : i32
    %dma_start3A_902 = tpu.memref_slice %arg3[%multiple_of3A_202, %dma_start3A_901] : memref<1000000x16xf32, #tpu.memory_space<hbm>> -> memref<496x16xf32, #tpu.memory_space<hbm>>
    tpu.enqueue_dma source(%arg4 : memref<496x16xf32, #tpu.memory_space<vmem>>) target(%dma_start3A_902 : memref<496x16xf32, #tpu.memory_space<hbm>>) target_semaphore(%arg8 : memref<!tpu.dma_semaphore, #tpu.memory_space<semaphore_mem>>)
    %dma_wait3A_903 = arith.constant 0 : i32
    %dma_wait3A_904 = tpu.memref_slice %arg3[%multiple_of3A_202, %dma_wait3A_903] : memref<1000000x16xf32, #tpu.memory_space<hbm>> -> memref<496x16xf32, #tpu.memory_space<hbm>>
    %dma_wait3A_905 = arith.constant 0 : i32
    %dma_wait3A_906 = tpu.memref_slice %arg3[%multiple_of3A_202, %dma_wait3A_905] : memref<1000000x16xf32, #tpu.memory_space<hbm>> -> memref<496x16xf32, #tpu.memory_space<hbm>>
    tpu.wait_dma2 semaphore(%arg8 : memref<!tpu.dma_semaphore, #tpu.memory_space<semaphore_mem>>) src(%arg4 : memref<496x16xf32, #tpu.memory_space<vmem>>) dst(%dma_wait3A_906 : memref<496x16xf32, #tpu.memory_space<hbm>>)
    %dma_start3A_907 = arith.constant 0 : i32
    %dma_start3A_908 = tpu.memref_slice %arg2[%multiple_of3A_216, %dma_start3A_907] : memref<1000000x16xf32, #tpu.memory_space<hbm>> -> memref<496x16xf32, #tpu.memory_space<hbm>>
    %dma_start3A_909 = arith.constant 0 : i32
    %dma_start3A_910 = tpu.memref_slice %arg2[%multiple_of3A_216, %dma_start3A_909] : memref<1000000x16xf32, #tpu.memory_space<hbm>> -> memref<496x16xf32, #tpu.memory_space<hbm>>
    tpu.enqueue_dma source(%dma_start3A_910 : memref<496x16xf32, #tpu.memory_space<hbm>>) target(%arg4 : memref<496x16xf32, #tpu.memory_space<vmem>>) target_semaphore(%arg6 : memref<!tpu.dma_semaphore, #tpu.memory_space<semaphore_mem>>)
    %dma_wait3A_911 = arith.constant 0 : i32
    %dma_wait3A_912 = tpu.memref_slice %arg2[%multiple_of3A_209, %dma_wait3A_911] : memref<1000000x16xf32, #tpu.memory_space<hbm>> -> memref<496x16xf32, #tpu.memory_space<hbm>>
    %dma_wait3A_913 = arith.constant 0 : i32
    %dma_wait3A_914 = tpu.memref_slice %arg2[%multiple_of3A_209, %dma_wait3A_913] : memref<1000000x16xf32, #tpu.memory_space<hbm>> -> memref<496x16xf32, #tpu.memory_space<hbm>>
    tpu.wait_dma2 semaphore(%arg7 : memref<!tpu.dma_semaphore, #tpu.memory_space<semaphore_mem>>) src(%dma_wait3A_914 : memref<496x16xf32, #tpu.memory_space<hbm>>) dst(%arg5 : memref<496x16xf32, #tpu.memory_space<vmem>>)
    %dma_start3A_915 = arith.constant 0 : i32
    %dma_start3A_916 = tpu.memref_slice %arg3[%multiple_of3A_209, %dma_start3A_915] : memref<1000000x16xf32, #tpu.memory_space<hbm>> -> memref<496x16xf32, #tpu.memory_space<hbm>>
    %dma_start3A_917 = arith.constant 0 : i32
    %dma_start3A_918 = tpu.memref_slice %arg3[%multiple_of3A_209, %dma_start3A_917] : memref<1000000x16xf32, #tpu.memory_space<hbm>> -> memref<496x16xf32, #tpu.memory_space<hbm>>
    tpu.enqueue_dma source(%arg5 : memref<496x16xf32, #tpu.memory_space<vmem>>) target(%dma_start3A_918 : memref<496x16xf32, #tpu.memory_space<hbm>>) target_semaphore(%arg9 : memref<!tpu.dma_semaphore, #tpu.memory_space<semaphore_mem>>)
    %dma_wait3A_919 = arith.constant 0 : i32
    %dma_wait3A_920 = tpu.memref_slice %arg3[%multiple_of3A_209, %dma_wait3A_919] : memref<1000000x16xf32, #tpu.memory_space<hbm>> -> memref<496x16xf32, #tpu.memory_space<hbm>>
    %dma_wait3A_921 = arith.constant 0 : i32
    %dma_wait3A_922 = tpu.memref_slice %arg3[%multiple_of3A_209, %dma_wait3A_921] : memref<1000000x16xf32, #tpu.memory_space<hbm>> -> memref<496x16xf32, #tpu.memory_space<hbm>>
    tpu.wait_dma2 semaphore(%arg9 : memref<!tpu.dma_semaphore, #tpu.memory_space<semaphore_mem>>) src(%arg5 : memref<496x16xf32, #tpu.memory_space<vmem>>) dst(%dma_wait3A_922 : memref<496x16xf32, #tpu.memory_space<hbm>>)
    %dma_start3A_923 = arith.constant 0 : i32
    %dma_start3A_924 = tpu.memref_slice %arg2[%multiple_of3A_223, %dma_start3A_923] : memref<1000000x16xf32, #tpu.memory_space<hbm>> -> memref<496x16xf32, #tpu.memory_space<hbm>>
    %dma_start3A_925 = arith.constant 0 : i32
    %dma_start3A_926 = tpu.memref_slice %arg2[%multiple_of3A_223, %dma_start3A_925] : memref<1000000x16xf32, #tpu.memory_space<hbm>> -> memref<496x16xf32, #tpu.memory_space<hbm>>
    tpu.enqueue_dma source(%dma_start3A_926 : memref<496x16xf32, #tpu.memory_space<hbm>>) target(%arg5 : memref<496x16xf32, #tpu.memory_space<vmem>>) target_semaphore(%arg7 : memref<!tpu.dma_semaphore, #tpu.memory_space<semaphore_mem>>)
    %dma_wait3A_927 = arith.constant 0 : i32
    %dma_wait3A_928 = tpu.memref_slice %arg2[%multiple_of3A_216, %dma_wait3A_927] : memref<1000000x16xf32, #tpu.memory_space<hbm>> -> memref<496x16xf32, #tpu.memory_space<hbm>>
    %dma_wait3A_929 = arith.constant 0 : i32
    %dma_wait3A_930 = tpu.memref_slice %arg2[%multiple_of3A_216, %dma_wait3A_929] : memref<1000000x16xf32, #tpu.memory_space<hbm>> -> memref<496x16xf32, #tpu.memory_space<hbm>>
    tpu.wait_dma2 semaphore(%arg6 : memref<!tpu.dma_semaphore, #tpu.memory_space<semaphore_mem>>) src(%dma_wait3A_930 : memref<496x16xf32, #tpu.memory_space<hbm>>) dst(%arg4 : memref<496x16xf32, #tpu.memory_space<vmem>>)
    %dma_start3A_931 = arith.constant 0 : i32
    %dma_start3A_932 = tpu.memref_slice %arg3[%multiple_of3A_216, %dma_start3A_931] : memref<1000000x16xf32, #tpu.memory_space<hbm>> -> memref<496x16xf32, #tpu.memory_space<hbm>>
    %dma_start3A_933 = arith.constant 0 : i32
    %dma_start3A_934 = tpu.memref_slice %arg3[%multiple_of3A_216, %dma_start3A_933] : memref<1000000x16xf32, #tpu.memory_space<hbm>> -> memref<496x16xf32, #tpu.memory_space<hbm>>
    tpu.enqueue_dma source(%arg4 : memref<496x16xf32, #tpu.memory_space<vmem>>) target(%dma_start3A_934 : memref<496x16xf32, #tpu.memory_space<hbm>>) target_semaphore(%arg8 : memref<!tpu.dma_semaphore, #tpu.memory_space<semaphore_mem>>)
    %dma_wait3A_935 = arith.constant 0 : i32
    %dma_wait3A_936 = tpu.memref_slice %arg3[%multiple_of3A_216, %dma_wait3A_935] : memref<1000000x16xf32, #tpu.memory_space<hbm>> -> memref<496x16xf32, #tpu.memory_space<hbm>>
    %dma_wait3A_937 = arith.constant 0 : i32
    %dma_wait3A_938 = tpu.memref_slice %arg3[%multiple_of3A_216, %dma_wait3A_937] : memref<1000000x16xf32, #tpu.memory_space<hbm>> -> memref<496x16xf32, #tpu.memory_space<hbm>>
    tpu.wait_dma2 semaphore(%arg8 : memref<!tpu.dma_semaphore, #tpu.memory_space<semaphore_mem>>) src(%arg4 : memref<496x16xf32, #tpu.memory_space<vmem>>) dst(%dma_wait3A_938 : memref<496x16xf32, #tpu.memory_space<hbm>>)
    %dma_start3A_939 = arith.constant 0 : i32
    %dma_start3A_940 = tpu.memref_slice %arg2[%multiple_of3A_230, %dma_start3A_939] : memref<1000000x16xf32, #tpu.memory_space<hbm>> -> memref<496x16xf32, #tpu.memory_space<hbm>>
    %dma_start3A_941 = arith.constant 0 : i32
    %dma_start3A_942 = tpu.memref_slice %arg2[%multiple_of3A_230, %dma_start3A_941] : memref<1000000x16xf32, #tpu.memory_space<hbm>> -> memref<496x16xf32, #tpu.memory_space<hbm>>
    tpu.enqueue_dma source(%dma_start3A_942 : memref<496x16xf32, #tpu.memory_space<hbm>>) target(%arg4 : memref<496x16xf32, #tpu.memory_space<vmem>>) target_semaphore(%arg6 : memref<!tpu.dma_semaphore, #tpu.memory_space<semaphore_mem>>)
    %dma_wait3A_943 = arith.constant 0 : i32
    %dma_wait3A_944 = tpu.memref_slice %arg2[%multiple_of3A_223, %dma_wait3A_943] : memref<1000000x16xf32, #tpu.memory_space<hbm>> -> memref<496x16xf32, #tpu.memory_space<hbm>>
    %dma_wait3A_945 = arith.constant 0 : i32
    %dma_wait3A_946 = tpu.memref_slice %arg2[%multiple_of3A_223, %dma_wait3A_945] : memref<1000000x16xf32, #tpu.memory_space<hbm>> -> memref<496x16xf32, #tpu.memory_space<hbm>>
    tpu.wait_dma2 semaphore(%arg7 : memref<!tpu.dma_semaphore, #tpu.memory_space<semaphore_mem>>) src(%dma_wait3A_946 : memref<496x16xf32, #tpu.memory_space<hbm>>) dst(%arg5 : memref<496x16xf32, #tpu.memory_space<vmem>>)
    %dma_start3A_947 = arith.constant 0 : i32
    %dma_start3A_948 = tpu.memref_slice %arg3[%multiple_of3A_223, %dma_start3A_947] : memref<1000000x16xf32, #tpu.memory_space<hbm>> -> memref<496x16xf32, #tpu.memory_space<hbm>>
    %dma_start3A_949 = arith.constant 0 : i32
    %dma_start3A_950 = tpu.memref_slice %arg3[%multiple_of3A_223, %dma_start3A_949] : memref<1000000x16xf32, #tpu.memory_space<hbm>> -> memref<496x16xf32, #tpu.memory_space<hbm>>
    tpu.enqueue_dma source(%arg5 : memref<496x16xf32, #tpu.memory_space<vmem>>) target(%dma_start3A_950 : memref<496x16xf32, #tpu.memory_space<hbm>>) target_semaphore(%arg9 : memref<!tpu.dma_semaphore, #tpu.memory_space<semaphore_mem>>)
    %dma_wait3A_951 = arith.constant 0 : i32
    %dma_wait3A_952 = tpu.memref_slice %arg3[%multiple_of3A_223, %dma_wait3A_951] : memref<1000000x16xf32, #tpu.memory_space<hbm>> -> memref<496x16xf32, #tpu.memory_space<hbm>>
    %dma_wait3A_953 = arith.constant 0 : i32
    %dma_wait3A_954 = tpu.memref_slice %arg3[%multiple_of3A_223, %dma_wait3A_953] : memref<1000000x16xf32, #tpu.memory_space<hbm>> -> memref<496x16xf32, #tpu.memory_space<hbm>>
    tpu.wait_dma2 semaphore(%arg9 : memref<!tpu.dma_semaphore, #tpu.memory_space<semaphore_mem>>) src(%arg5 : memref<496x16xf32, #tpu.memory_space<vmem>>) dst(%dma_wait3A_954 : memref<496x16xf32, #tpu.memory_space<hbm>>)
    %dma_start3A_955 = arith.constant 0 : i32
    %dma_start3A_956 = tpu.memref_slice %arg2[%multiple_of3A_237, %dma_start3A_955] : memref<1000000x16xf32, #tpu.memory_space<hbm>> -> memref<496x16xf32, #tpu.memory_space<hbm>>
    %dma_start3A_957 = arith.constant 0 : i32
    %dma_start3A_958 = tpu.memref_slice %arg2[%multiple_of3A_237, %dma_start3A_957] : memref<1000000x16xf32, #tpu.memory_space<hbm>> -> memref<496x16xf32, #tpu.memory_space<hbm>>
    tpu.enqueue_dma source(%dma_start3A_958 : memref<496x16xf32, #tpu.memory_space<hbm>>) target(%arg5 : memref<496x16xf32, #tpu.memory_space<vmem>>) target_semaphore(%arg7 : memref<!tpu.dma_semaphore, #tpu.memory_space<semaphore_mem>>)
    %dma_wait3A_959 = arith.constant 0 : i32
    %dma_wait3A_960 = tpu.memref_slice %arg2[%multiple_of3A_230, %dma_wait3A_959] : memref<1000000x16xf32, #tpu.memory_space<hbm>> -> memref<496x16xf32, #tpu.memory_space<hbm>>
    %dma_wait3A_961 = arith.constant 0 : i32
    %dma_wait3A_962 = tpu.memref_slice %arg2[%multiple_of3A_230, %dma_wait3A_961] : memref<1000000x16xf32, #tpu.memory_space<hbm>> -> memref<496x16xf32, #tpu.memory_space<hbm>>
    tpu.wait_dma2 semaphore(%arg6 : memref<!tpu.dma_semaphore, #tpu.memory_space<semaphore_mem>>) src(%dma_wait3A_962 : memref<496x16xf32, #tpu.memory_space<hbm>>) dst(%arg4 : memref<496x16xf32, #tpu.memory_space<vmem>>)
    %dma_start3A_963 = arith.constant 0 : i32
    %dma_start3A_964 = tpu.memref_slice %arg3[%multiple_of3A_230, %dma_start3A_963] : memref<1000000x16xf32, #tpu.memory_space<hbm>> -> memref<496x16xf32, #tpu.memory_space<hbm>>
    %dma_start3A_965 = arith.constant 0 : i32
    %dma_start3A_966 = tpu.memref_slice %arg3[%multiple_of3A_230, %dma_start3A_965] : memref<1000000x16xf32, #tpu.memory_space<hbm>> -> memref<496x16xf32, #tpu.memory_space<hbm>>
    tpu.enqueue_dma source(%arg4 : memref<496x16xf32, #tpu.memory_space<vmem>>) target(%dma_start3A_966 : memref<496x16xf32, #tpu.memory_space<hbm>>) target_semaphore(%arg8 : memref<!tpu.dma_semaphore, #tpu.memory_space<semaphore_mem>>)
    %dma_wait3A_967 = arith.constant 0 : i32
    %dma_wait3A_968 = tpu.memref_slice %arg3[%multiple_of3A_230, %dma_wait3A_967] : memref<1000000x16xf32, #tpu.memory_space<hbm>> -> memref<496x16xf32, #tpu.memory_space<hbm>>
    %dma_wait3A_969 = arith.constant 0 : i32
    %dma_wait3A_970 = tpu.memref_slice %arg3[%multiple_of3A_230, %dma_wait3A_969] : memref<1000000x16xf32, #tpu.memory_space<hbm>> -> memref<496x16xf32, #tpu.memory_space<hbm>>
    tpu.wait_dma2 semaphore(%arg8 : memref<!tpu.dma_semaphore, #tpu.memory_space<semaphore_mem>>) src(%arg4 : memref<496x16xf32, #tpu.memory_space<vmem>>) dst(%dma_wait3A_970 : memref<496x16xf32, #tpu.memory_space<hbm>>)
    %dma_start3A_971 = arith.constant 0 : i32
    %dma_start3A_972 = tpu.memref_slice %arg2[%multiple_of3A_244, %dma_start3A_971] : memref<1000000x16xf32, #tpu.memory_space<hbm>> -> memref<496x16xf32, #tpu.memory_space<hbm>>
    %dma_start3A_973 = arith.constant 0 : i32
    %dma_start3A_974 = tpu.memref_slice %arg2[%multiple_of3A_244, %dma_start3A_973] : memref<1000000x16xf32, #tpu.memory_space<hbm>> -> memref<496x16xf32, #tpu.memory_space<hbm>>
    tpu.enqueue_dma source(%dma_start3A_974 : memref<496x16xf32, #tpu.memory_space<hbm>>) target(%arg4 : memref<496x16xf32, #tpu.memory_space<vmem>>) target_semaphore(%arg6 : memref<!tpu.dma_semaphore, #tpu.memory_space<semaphore_mem>>)
    %dma_wait3A_975 = arith.constant 0 : i32
    %dma_wait3A_976 = tpu.memref_slice %arg2[%multiple_of3A_237, %dma_wait3A_975] : memref<1000000x16xf32, #tpu.memory_space<hbm>> -> memref<496x16xf32, #tpu.memory_space<hbm>>
    %dma_wait3A_977 = arith.constant 0 : i32
    %dma_wait3A_978 = tpu.memref_slice %arg2[%multiple_of3A_237, %dma_wait3A_977] : memref<1000000x16xf32, #tpu.memory_space<hbm>> -> memref<496x16xf32, #tpu.memory_space<hbm>>
    tpu.wait_dma2 semaphore(%arg7 : memref<!tpu.dma_semaphore, #tpu.memory_space<semaphore_mem>>) src(%dma_wait3A_978 : memref<496x16xf32, #tpu.memory_space<hbm>>) dst(%arg5 : memref<496x16xf32, #tpu.memory_space<vmem>>)
    %dma_start3A_979 = arith.constant 0 : i32
    %dma_start3A_980 = tpu.memref_slice %arg3[%multiple_of3A_237, %dma_start3A_979] : memref<1000000x16xf32, #tpu.memory_space<hbm>> -> memref<496x16xf32, #tpu.memory_space<hbm>>
    %dma_start3A_981 = arith.constant 0 : i32
    %dma_start3A_982 = tpu.memref_slice %arg3[%multiple_of3A_237, %dma_start3A_981] : memref<1000000x16xf32, #tpu.memory_space<hbm>> -> memref<496x16xf32, #tpu.memory_space<hbm>>
    tpu.enqueue_dma source(%arg5 : memref<496x16xf32, #tpu.memory_space<vmem>>) target(%dma_start3A_982 : memref<496x16xf32, #tpu.memory_space<hbm>>) target_semaphore(%arg9 : memref<!tpu.dma_semaphore, #tpu.memory_space<semaphore_mem>>)
    %dma_wait3A_983 = arith.constant 0 : i32
    %dma_wait3A_984 = tpu.memref_slice %arg3[%multiple_of3A_237, %dma_wait3A_983] : memref<1000000x16xf32, #tpu.memory_space<hbm>> -> memref<496x16xf32, #tpu.memory_space<hbm>>
    %dma_wait3A_985 = arith.constant 0 : i32
    %dma_wait3A_986 = tpu.memref_slice %arg3[%multiple_of3A_237, %dma_wait3A_985] : memref<1000000x16xf32, #tpu.memory_space<hbm>> -> memref<496x16xf32, #tpu.memory_space<hbm>>
    tpu.wait_dma2 semaphore(%arg9 : memref<!tpu.dma_semaphore, #tpu.memory_space<semaphore_mem>>) src(%arg5 : memref<496x16xf32, #tpu.memory_space<vmem>>) dst(%dma_wait3A_986 : memref<496x16xf32, #tpu.memory_space<hbm>>)
    %dma_start3A_987 = arith.constant 0 : i32
    %dma_start3A_988 = tpu.memref_slice %arg2[%multiple_of3A_251, %dma_start3A_987] : memref<1000000x16xf32, #tpu.memory_space<hbm>> -> memref<496x16xf32, #tpu.memory_space<hbm>>
    %dma_start3A_989 = arith.constant 0 : i32
    %dma_start3A_990 = tpu.memref_slice %arg2[%multiple_of3A_251, %dma_start3A_989] : memref<1000000x16xf32, #tpu.memory_space<hbm>> -> memref<496x16xf32, #tpu.memory_space<hbm>>
    tpu.enqueue_dma source(%dma_start3A_990 : memref<496x16xf32, #tpu.memory_space<hbm>>) target(%arg5 : memref<496x16xf32, #tpu.memory_space<vmem>>) target_semaphore(%arg7 : memref<!tpu.dma_semaphore, #tpu.memory_space<semaphore_mem>>)
    %dma_wait3A_991 = arith.constant 0 : i32
    %dma_wait3A_992 = tpu.memref_slice %arg2[%multiple_of3A_244, %dma_wait3A_991] : memref<1000000x16xf32, #tpu.memory_space<hbm>> -> memref<496x16xf32, #tpu.memory_space<hbm>>
    %dma_wait3A_993 = arith.constant 0 : i32
    %dma_wait3A_994 = tpu.memref_slice %arg2[%multiple_of3A_244, %dma_wait3A_993] : memref<1000000x16xf32, #tpu.memory_space<hbm>> -> memref<496x16xf32, #tpu.memory_space<hbm>>
    tpu.wait_dma2 semaphore(%arg6 : memref<!tpu.dma_semaphore, #tpu.memory_space<semaphore_mem>>) src(%dma_wait3A_994 : memref<496x16xf32, #tpu.memory_space<hbm>>) dst(%arg4 : memref<496x16xf32, #tpu.memory_space<vmem>>)
    %dma_start3A_995 = arith.constant 0 : i32
    %dma_start3A_996 = tpu.memref_slice %arg3[%multiple_of3A_244, %dma_start3A_995] : memref<1000000x16xf32, #tpu.memory_space<hbm>> -> memref<496x16xf32, #tpu.memory_space<hbm>>
    %dma_start3A_997 = arith.constant 0 : i32
    %dma_start3A_998 = tpu.memref_slice %arg3[%multiple_of3A_244, %dma_start3A_997] : memref<1000000x16xf32, #tpu.memory_space<hbm>> -> memref<496x16xf32, #tpu.memory_space<hbm>>
    tpu.enqueue_dma source(%arg4 : memref<496x16xf32, #tpu.memory_space<vmem>>) target(%dma_start3A_998 : memref<496x16xf32, #tpu.memory_space<hbm>>) target_semaphore(%arg8 : memref<!tpu.dma_semaphore, #tpu.memory_space<semaphore_mem>>)
    %dma_wait3A_999 = arith.constant 0 : i32
    %dma_wait3A_1000 = tpu.memref_slice %arg3[%multiple_of3A_244, %dma_wait3A_999] : memref<1000000x16xf32, #tpu.memory_space<hbm>> -> memref<496x16xf32, #tpu.memory_space<hbm>>
    %dma_wait3A_1001 = arith.constant 0 : i32
    %dma_wait3A_1002 = tpu.memref_slice %arg3[%multiple_of3A_244, %dma_wait3A_1001] : memref<1000000x16xf32, #tpu.memory_space<hbm>> -> memref<496x16xf32, #tpu.memory_space<hbm>>
    tpu.wait_dma2 semaphore(%arg8 : memref<!tpu.dma_semaphore, #tpu.memory_space<semaphore_mem>>) src(%arg4 : memref<496x16xf32, #tpu.memory_space<vmem>>) dst(%dma_wait3A_1002 : memref<496x16xf32, #tpu.memory_space<hbm>>)
    %dma_start3A_1003 = arith.constant 0 : i32
    %dma_start3A_1004 = tpu.memref_slice %arg2[%multiple_of3A_258, %dma_start3A_1003] : memref<1000000x16xf32, #tpu.memory_space<hbm>> -> memref<496x16xf32, #tpu.memory_space<hbm>>
    %dma_start3A_1005 = arith.constant 0 : i32
    %dma_start3A_1006 = tpu.memref_slice %arg2[%multiple_of3A_258, %dma_start3A_1005] : memref<1000000x16xf32, #tpu.memory_space<hbm>> -> memref<496x16xf32, #tpu.memory_space<hbm>>
    tpu.enqueue_dma source(%dma_start3A_1006 : memref<496x16xf32, #tpu.memory_space<hbm>>) target(%arg4 : memref<496x16xf32, #tpu.memory_space<vmem>>) target_semaphore(%arg6 : memref<!tpu.dma_semaphore, #tpu.memory_space<semaphore_mem>>)
    %dma_wait3A_1007 = arith.constant 0 : i32
    %dma_wait3A_1008 = tpu.memref_slice %arg2[%multiple_of3A_251, %dma_wait3A_1007] : memref<1000000x16xf32, #tpu.memory_space<hbm>> -> memref<496x16xf32, #tpu.memory_space<hbm>>
    %dma_wait3A_1009 = arith.constant 0 : i32
    %dma_wait3A_1010 = tpu.memref_slice %arg2[%multiple_of3A_251, %dma_wait3A_1009] : memref<1000000x16xf32, #tpu.memory_space<hbm>> -> memref<496x16xf32, #tpu.memory_space<hbm>>
    tpu.wait_dma2 semaphore(%arg7 : memref<!tpu.dma_semaphore, #tpu.memory_space<semaphore_mem>>) src(%dma_wait3A_1010 : memref<496x16xf32, #tpu.memory_space<hbm>>) dst(%arg5 : memref<496x16xf32, #tpu.memory_space<vmem>>)
    %dma_start3A_1011 = arith.constant 0 : i32
    %dma_start3A_1012 = tpu.memref_slice %arg3[%multiple_of3A_251, %dma_start3A_1011] : memref<1000000x16xf32, #tpu.memory_space<hbm>> -> memref<496x16xf32, #tpu.memory_space<hbm>>
    %dma_start3A_1013 = arith.constant 0 : i32
    %dma_start3A_1014 = tpu.memref_slice %arg3[%multiple_of3A_251, %dma_start3A_1013] : memref<1000000x16xf32, #tpu.memory_space<hbm>> -> memref<496x16xf32, #tpu.memory_space<hbm>>
    tpu.enqueue_dma source(%arg5 : memref<496x16xf32, #tpu.memory_space<vmem>>) target(%dma_start3A_1014 : memref<496x16xf32, #tpu.memory_space<hbm>>) target_semaphore(%arg9 : memref<!tpu.dma_semaphore, #tpu.memory_space<semaphore_mem>>)
    %dma_wait3A_1015 = arith.constant 0 : i32
    %dma_wait3A_1016 = tpu.memref_slice %arg3[%multiple_of3A_251, %dma_wait3A_1015] : memref<1000000x16xf32, #tpu.memory_space<hbm>> -> memref<496x16xf32, #tpu.memory_space<hbm>>
    %dma_wait3A_1017 = arith.constant 0 : i32
    %dma_wait3A_1018 = tpu.memref_slice %arg3[%multiple_of3A_251, %dma_wait3A_1017] : memref<1000000x16xf32, #tpu.memory_space<hbm>> -> memref<496x16xf32, #tpu.memory_space<hbm>>
    tpu.wait_dma2 semaphore(%arg9 : memref<!tpu.dma_semaphore, #tpu.memory_space<semaphore_mem>>) src(%arg5 : memref<496x16xf32, #tpu.memory_space<vmem>>) dst(%dma_wait3A_1018 : memref<496x16xf32, #tpu.memory_space<hbm>>)
    %dma_start3A_1019 = arith.constant 0 : i32
    %dma_start3A_1020 = tpu.memref_slice %arg2[%multiple_of3A_265, %dma_start3A_1019] : memref<1000000x16xf32, #tpu.memory_space<hbm>> -> memref<496x16xf32, #tpu.memory_space<hbm>>
    %dma_start3A_1021 = arith.constant 0 : i32
    %dma_start3A_1022 = tpu.memref_slice %arg2[%multiple_of3A_265, %dma_start3A_1021] : memref<1000000x16xf32, #tpu.memory_space<hbm>> -> memref<496x16xf32, #tpu.memory_space<hbm>>
    tpu.enqueue_dma source(%dma_start3A_1022 : memref<496x16xf32, #tpu.memory_space<hbm>>) target(%arg5 : memref<496x16xf32, #tpu.memory_space<vmem>>) target_semaphore(%arg7 : memref<!tpu.dma_semaphore, #tpu.memory_space<semaphore_mem>>)
    %dma_wait3A_1023 = arith.constant 0 : i32
    %dma_wait3A_1024 = tpu.memref_slice %arg2[%multiple_of3A_258, %dma_wait3A_1023] : memref<1000000x16xf32, #tpu.memory_space<hbm>> -> memref<496x16xf32, #tpu.memory_space<hbm>>
    %dma_wait3A_1025 = arith.constant 0 : i32
    %dma_wait3A_1026 = tpu.memref_slice %arg2[%multiple_of3A_258, %dma_wait3A_1025] : memref<1000000x16xf32, #tpu.memory_space<hbm>> -> memref<496x16xf32, #tpu.memory_space<hbm>>
    tpu.wait_dma2 semaphore(%arg6 : memref<!tpu.dma_semaphore, #tpu.memory_space<semaphore_mem>>) src(%dma_wait3A_1026 : memref<496x16xf32, #tpu.memory_space<hbm>>) dst(%arg4 : memref<496x16xf32, #tpu.memory_space<vmem>>)
    %dma_start3A_1027 = arith.constant 0 : i32
    %dma_start3A_1028 = tpu.memref_slice %arg3[%multiple_of3A_258, %dma_start3A_1027] : memref<1000000x16xf32, #tpu.memory_space<hbm>> -> memref<496x16xf32, #tpu.memory_space<hbm>>
    %dma_start3A_1029 = arith.constant 0 : i32
    %dma_start3A_1030 = tpu.memref_slice %arg3[%multiple_of3A_258, %dma_start3A_1029] : memref<1000000x16xf32, #tpu.memory_space<hbm>> -> memref<496x16xf32, #tpu.memory_space<hbm>>
    tpu.enqueue_dma source(%arg4 : memref<496x16xf32, #tpu.memory_space<vmem>>) target(%dma_start3A_1030 : memref<496x16xf32, #tpu.memory_space<hbm>>) target_semaphore(%arg8 : memref<!tpu.dma_semaphore, #tpu.memory_space<semaphore_mem>>)
    %dma_wait3A_1031 = arith.constant 0 : i32
    %dma_wait3A_1032 = tpu.memref_slice %arg3[%multiple_of3A_258, %dma_wait3A_1031] : memref<1000000x16xf32, #tpu.memory_space<hbm>> -> memref<496x16xf32, #tpu.memory_space<hbm>>
    %dma_wait3A_1033 = arith.constant 0 : i32
    %dma_wait3A_1034 = tpu.memref_slice %arg3[%multiple_of3A_258, %dma_wait3A_1033] : memref<1000000x16xf32, #tpu.memory_space<hbm>> -> memref<496x16xf32, #tpu.memory_space<hbm>>
    tpu.wait_dma2 semaphore(%arg8 : memref<!tpu.dma_semaphore, #tpu.memory_space<semaphore_mem>>) src(%arg4 : memref<496x16xf32, #tpu.memory_space<vmem>>) dst(%dma_wait3A_1034 : memref<496x16xf32, #tpu.memory_space<hbm>>)
    %dma_start3A_1035 = arith.constant 0 : i32
    %dma_start3A_1036 = tpu.memref_slice %arg2[%multiple_of3A_272, %dma_start3A_1035] : memref<1000000x16xf32, #tpu.memory_space<hbm>> -> memref<496x16xf32, #tpu.memory_space<hbm>>
    %dma_start3A_1037 = arith.constant 0 : i32
    %dma_start3A_1038 = tpu.memref_slice %arg2[%multiple_of3A_272, %dma_start3A_1037] : memref<1000000x16xf32, #tpu.memory_space<hbm>> -> memref<496x16xf32, #tpu.memory_space<hbm>>
    tpu.enqueue_dma source(%dma_start3A_1038 : memref<496x16xf32, #tpu.memory_space<hbm>>) target(%arg4 : memref<496x16xf32, #tpu.memory_space<vmem>>) target_semaphore(%arg6 : memref<!tpu.dma_semaphore, #tpu.memory_space<semaphore_mem>>)
    %dma_wait3A_1039 = arith.constant 0 : i32
    %dma_wait3A_1040 = tpu.memref_slice %arg2[%multiple_of3A_265, %dma_wait3A_1039] : memref<1000000x16xf32, #tpu.memory_space<hbm>> -> memref<496x16xf32, #tpu.memory_space<hbm>>
    %dma_wait3A_1041 = arith.constant 0 : i32
    %dma_wait3A_1042 = tpu.memref_slice %arg2[%multiple_of3A_265, %dma_wait3A_1041] : memref<1000000x16xf32, #tpu.memory_space<hbm>> -> memref<496x16xf32, #tpu.memory_space<hbm>>
    tpu.wait_dma2 semaphore(%arg7 : memref<!tpu.dma_semaphore, #tpu.memory_space<semaphore_mem>>) src(%dma_wait3A_1042 : memref<496x16xf32, #tpu.memory_space<hbm>>) dst(%arg5 : memref<496x16xf32, #tpu.memory_space<vmem>>)
    %dma_start3A_1043 = arith.constant 0 : i32
    %dma_start3A_1044 = tpu.memref_slice %arg3[%multiple_of3A_265, %dma_start3A_1043] : memref<1000000x16xf32, #tpu.memory_space<hbm>> -> memref<496x16xf32, #tpu.memory_space<hbm>>
    %dma_start3A_1045 = arith.constant 0 : i32
    %dma_start3A_1046 = tpu.memref_slice %arg3[%multiple_of3A_265, %dma_start3A_1045] : memref<1000000x16xf32, #tpu.memory_space<hbm>> -> memref<496x16xf32, #tpu.memory_space<hbm>>
    tpu.enqueue_dma source(%arg5 : memref<496x16xf32, #tpu.memory_space<vmem>>) target(%dma_start3A_1046 : memref<496x16xf32, #tpu.memory_space<hbm>>) target_semaphore(%arg9 : memref<!tpu.dma_semaphore, #tpu.memory_space<semaphore_mem>>)
    %dma_wait3A_1047 = arith.constant 0 : i32
    %dma_wait3A_1048 = tpu.memref_slice %arg3[%multiple_of3A_265, %dma_wait3A_1047] : memref<1000000x16xf32, #tpu.memory_space<hbm>> -> memref<496x16xf32, #tpu.memory_space<hbm>>
    %dma_wait3A_1049 = arith.constant 0 : i32
    %dma_wait3A_1050 = tpu.memref_slice %arg3[%multiple_of3A_265, %dma_wait3A_1049] : memref<1000000x16xf32, #tpu.memory_space<hbm>> -> memref<496x16xf32, #tpu.memory_space<hbm>>
    tpu.wait_dma2 semaphore(%arg9 : memref<!tpu.dma_semaphore, #tpu.memory_space<semaphore_mem>>) src(%arg5 : memref<496x16xf32, #tpu.memory_space<vmem>>) dst(%dma_wait3A_1050 : memref<496x16xf32, #tpu.memory_space<hbm>>)
    %dma_start3A_1051 = arith.constant 0 : i32
    %dma_start3A_1052 = tpu.memref_slice %arg2[%multiple_of3A_279, %dma_start3A_1051] : memref<1000000x16xf32, #tpu.memory_space<hbm>> -> memref<496x16xf32, #tpu.memory_space<hbm>>
    %dma_start3A_1053 = arith.constant 0 : i32
    %dma_start3A_1054 = tpu.memref_slice %arg2[%multiple_of3A_279, %dma_start3A_1053] : memref<1000000x16xf32, #tpu.memory_space<hbm>> -> memref<496x16xf32, #tpu.memory_space<hbm>>
    tpu.enqueue_dma source(%dma_start3A_1054 : memref<496x16xf32, #tpu.memory_space<hbm>>) target(%arg5 : memref<496x16xf32, #tpu.memory_space<vmem>>) target_semaphore(%arg7 : memref<!tpu.dma_semaphore, #tpu.memory_space<semaphore_mem>>)
    %dma_wait3A_1055 = arith.constant 0 : i32
    %dma_wait3A_1056 = tpu.memref_slice %arg2[%multiple_of3A_272, %dma_wait3A_1055] : memref<1000000x16xf32, #tpu.memory_space<hbm>> -> memref<496x16xf32, #tpu.memory_space<hbm>>
    %dma_wait3A_1057 = arith.constant 0 : i32
    %dma_wait3A_1058 = tpu.memref_slice %arg2[%multiple_of3A_272, %dma_wait3A_1057] : memref<1000000x16xf32, #tpu.memory_space<hbm>> -> memref<496x16xf32, #tpu.memory_space<hbm>>
    tpu.wait_dma2 semaphore(%arg6 : memref<!tpu.dma_semaphore, #tpu.memory_space<semaphore_mem>>) src(%dma_wait3A_1058 : memref<496x16xf32, #tpu.memory_space<hbm>>) dst(%arg4 : memref<496x16xf32, #tpu.memory_space<vmem>>)
    %dma_start3A_1059 = arith.constant 0 : i32
    %dma_start3A_1060 = tpu.memref_slice %arg3[%multiple_of3A_272, %dma_start3A_1059] : memref<1000000x16xf32, #tpu.memory_space<hbm>> -> memref<496x16xf32, #tpu.memory_space<hbm>>
    %dma_start3A_1061 = arith.constant 0 : i32
    %dma_start3A_1062 = tpu.memref_slice %arg3[%multiple_of3A_272, %dma_start3A_1061] : memref<1000000x16xf32, #tpu.memory_space<hbm>> -> memref<496x16xf32, #tpu.memory_space<hbm>>
    tpu.enqueue_dma source(%arg4 : memref<496x16xf32, #tpu.memory_space<vmem>>) target(%dma_start3A_1062 : memref<496x16xf32, #tpu.memory_space<hbm>>) target_semaphore(%arg8 : memref<!tpu.dma_semaphore, #tpu.memory_space<semaphore_mem>>)
    %dma_wait3A_1063 = arith.constant 0 : i32
    %dma_wait3A_1064 = tpu.memref_slice %arg3[%multiple_of3A_272, %dma_wait3A_1063] : memref<1000000x16xf32, #tpu.memory_space<hbm>> -> memref<496x16xf32, #tpu.memory_space<hbm>>
    %dma_wait3A_1065 = arith.constant 0 : i32
    %dma_wait3A_1066 = tpu.memref_slice %arg3[%multiple_of3A_272, %dma_wait3A_1065] : memref<1000000x16xf32, #tpu.memory_space<hbm>> -> memref<496x16xf32, #tpu.memory_space<hbm>>
    tpu.wait_dma2 semaphore(%arg8 : memref<!tpu.dma_semaphore, #tpu.memory_space<semaphore_mem>>) src(%arg4 : memref<496x16xf32, #tpu.memory_space<vmem>>) dst(%dma_wait3A_1066 : memref<496x16xf32, #tpu.memory_space<hbm>>)
    %dma_start3A_1067 = arith.constant 0 : i32
    %dma_start3A_1068 = tpu.memref_slice %arg2[%multiple_of3A_286, %dma_start3A_1067] : memref<1000000x16xf32, #tpu.memory_space<hbm>> -> memref<496x16xf32, #tpu.memory_space<hbm>>
    %dma_start3A_1069 = arith.constant 0 : i32
    %dma_start3A_1070 = tpu.memref_slice %arg2[%multiple_of3A_286, %dma_start3A_1069] : memref<1000000x16xf32, #tpu.memory_space<hbm>> -> memref<496x16xf32, #tpu.memory_space<hbm>>
    tpu.enqueue_dma source(%dma_start3A_1070 : memref<496x16xf32, #tpu.memory_space<hbm>>) target(%arg4 : memref<496x16xf32, #tpu.memory_space<vmem>>) target_semaphore(%arg6 : memref<!tpu.dma_semaphore, #tpu.memory_space<semaphore_mem>>)
    %dma_wait3A_1071 = arith.constant 0 : i32
    %dma_wait3A_1072 = tpu.memref_slice %arg2[%multiple_of3A_279, %dma_wait3A_1071] : memref<1000000x16xf32, #tpu.memory_space<hbm>> -> memref<496x16xf32, #tpu.memory_space<hbm>>
    %dma_wait3A_1073 = arith.constant 0 : i32
    %dma_wait3A_1074 = tpu.memref_slice %arg2[%multiple_of3A_279, %dma_wait3A_1073] : memref<1000000x16xf32, #tpu.memory_space<hbm>> -> memref<496x16xf32, #tpu.memory_space<hbm>>
    tpu.wait_dma2 semaphore(%arg7 : memref<!tpu.dma_semaphore, #tpu.memory_space<semaphore_mem>>) src(%dma_wait3A_1074 : memref<496x16xf32, #tpu.memory_space<hbm>>) dst(%arg5 : memref<496x16xf32, #tpu.memory_space<vmem>>)
    %dma_start3A_1075 = arith.constant 0 : i32
    %dma_start3A_1076 = tpu.memref_slice %arg3[%multiple_of3A_279, %dma_start3A_1075] : memref<1000000x16xf32, #tpu.memory_space<hbm>> -> memref<496x16xf32, #tpu.memory_space<hbm>>
    %dma_start3A_1077 = arith.constant 0 : i32
    %dma_start3A_1078 = tpu.memref_slice %arg3[%multiple_of3A_279, %dma_start3A_1077] : memref<1000000x16xf32, #tpu.memory_space<hbm>> -> memref<496x16xf32, #tpu.memory_space<hbm>>
    tpu.enqueue_dma source(%arg5 : memref<496x16xf32, #tpu.memory_space<vmem>>) target(%dma_start3A_1078 : memref<496x16xf32, #tpu.memory_space<hbm>>) target_semaphore(%arg9 : memref<!tpu.dma_semaphore, #tpu.memory_space<semaphore_mem>>)
    %dma_wait3A_1079 = arith.constant 0 : i32
    %dma_wait3A_1080 = tpu.memref_slice %arg3[%multiple_of3A_279, %dma_wait3A_1079] : memref<1000000x16xf32, #tpu.memory_space<hbm>> -> memref<496x16xf32, #tpu.memory_space<hbm>>
    %dma_wait3A_1081 = arith.constant 0 : i32
    %dma_wait3A_1082 = tpu.memref_slice %arg3[%multiple_of3A_279, %dma_wait3A_1081] : memref<1000000x16xf32, #tpu.memory_space<hbm>> -> memref<496x16xf32, #tpu.memory_space<hbm>>
    tpu.wait_dma2 semaphore(%arg9 : memref<!tpu.dma_semaphore, #tpu.memory_space<semaphore_mem>>) src(%arg5 : memref<496x16xf32, #tpu.memory_space<vmem>>) dst(%dma_wait3A_1082 : memref<496x16xf32, #tpu.memory_space<hbm>>)
    %dma_start3A_1083 = arith.constant 0 : i32
    %dma_start3A_1084 = tpu.memref_slice %arg2[%multiple_of3A_293, %dma_start3A_1083] : memref<1000000x16xf32, #tpu.memory_space<hbm>> -> memref<496x16xf32, #tpu.memory_space<hbm>>
    %dma_start3A_1085 = arith.constant 0 : i32
    %dma_start3A_1086 = tpu.memref_slice %arg2[%multiple_of3A_293, %dma_start3A_1085] : memref<1000000x16xf32, #tpu.memory_space<hbm>> -> memref<496x16xf32, #tpu.memory_space<hbm>>
    tpu.enqueue_dma source(%dma_start3A_1086 : memref<496x16xf32, #tpu.memory_space<hbm>>) target(%arg5 : memref<496x16xf32, #tpu.memory_space<vmem>>) target_semaphore(%arg7 : memref<!tpu.dma_semaphore, #tpu.memory_space<semaphore_mem>>)
    %dma_wait3A_1087 = arith.constant 0 : i32
    %dma_wait3A_1088 = tpu.memref_slice %arg2[%multiple_of3A_286, %dma_wait3A_1087] : memref<1000000x16xf32, #tpu.memory_space<hbm>> -> memref<496x16xf32, #tpu.memory_space<hbm>>
    %dma_wait3A_1089 = arith.constant 0 : i32
    %dma_wait3A_1090 = tpu.memref_slice %arg2[%multiple_of3A_286, %dma_wait3A_1089] : memref<1000000x16xf32, #tpu.memory_space<hbm>> -> memref<496x16xf32, #tpu.memory_space<hbm>>
    tpu.wait_dma2 semaphore(%arg6 : memref<!tpu.dma_semaphore, #tpu.memory_space<semaphore_mem>>) src(%dma_wait3A_1090 : memref<496x16xf32, #tpu.memory_space<hbm>>) dst(%arg4 : memref<496x16xf32, #tpu.memory_space<vmem>>)
    %dma_start3A_1091 = arith.constant 0 : i32
    %dma_start3A_1092 = tpu.memref_slice %arg3[%multiple_of3A_286, %dma_start3A_1091] : memref<1000000x16xf32, #tpu.memory_space<hbm>> -> memref<496x16xf32, #tpu.memory_space<hbm>>
    %dma_start3A_1093 = arith.constant 0 : i32
    %dma_start3A_1094 = tpu.memref_slice %arg3[%multiple_of3A_286, %dma_start3A_1093] : memref<1000000x16xf32, #tpu.memory_space<hbm>> -> memref<496x16xf32, #tpu.memory_space<hbm>>
    tpu.enqueue_dma source(%arg4 : memref<496x16xf32, #tpu.memory_space<vmem>>) target(%dma_start3A_1094 : memref<496x16xf32, #tpu.memory_space<hbm>>) target_semaphore(%arg8 : memref<!tpu.dma_semaphore, #tpu.memory_space<semaphore_mem>>)
    %dma_wait3A_1095 = arith.constant 0 : i32
    %dma_wait3A_1096 = tpu.memref_slice %arg3[%multiple_of3A_286, %dma_wait3A_1095] : memref<1000000x16xf32, #tpu.memory_space<hbm>> -> memref<496x16xf32, #tpu.memory_space<hbm>>
    %dma_wait3A_1097 = arith.constant 0 : i32
    %dma_wait3A_1098 = tpu.memref_slice %arg3[%multiple_of3A_286, %dma_wait3A_1097] : memref<1000000x16xf32, #tpu.memory_space<hbm>> -> memref<496x16xf32, #tpu.memory_space<hbm>>
    tpu.wait_dma2 semaphore(%arg8 : memref<!tpu.dma_semaphore, #tpu.memory_space<semaphore_mem>>) src(%arg4 : memref<496x16xf32, #tpu.memory_space<vmem>>) dst(%dma_wait3A_1098 : memref<496x16xf32, #tpu.memory_space<hbm>>)
    %dma_start3A_1099 = arith.constant 0 : i32
    %dma_start3A_1100 = tpu.memref_slice %arg2[%multiple_of3A_300, %dma_start3A_1099] : memref<1000000x16xf32, #tpu.memory_space<hbm>> -> memref<496x16xf32, #tpu.memory_space<hbm>>
    %dma_start3A_1101 = arith.constant 0 : i32
    %dma_start3A_1102 = tpu.memref_slice %arg2[%multiple_of3A_300, %dma_start3A_1101] : memref<1000000x16xf32, #tpu.memory_space<hbm>> -> memref<496x16xf32, #tpu.memory_space<hbm>>
    tpu.enqueue_dma source(%dma_start3A_1102 : memref<496x16xf32, #tpu.memory_space<hbm>>) target(%arg4 : memref<496x16xf32, #tpu.memory_space<vmem>>) target_semaphore(%arg6 : memref<!tpu.dma_semaphore, #tpu.memory_space<semaphore_mem>>)
    %dma_wait3A_1103 = arith.constant 0 : i32
    %dma_wait3A_1104 = tpu.memref_slice %arg2[%multiple_of3A_293, %dma_wait3A_1103] : memref<1000000x16xf32, #tpu.memory_space<hbm>> -> memref<496x16xf32, #tpu.memory_space<hbm>>
    %dma_wait3A_1105 = arith.constant 0 : i32
    %dma_wait3A_1106 = tpu.memref_slice %arg2[%multiple_of3A_293, %dma_wait3A_1105] : memref<1000000x16xf32, #tpu.memory_space<hbm>> -> memref<496x16xf32, #tpu.memory_space<hbm>>
    tpu.wait_dma2 semaphore(%arg7 : memref<!tpu.dma_semaphore, #tpu.memory_space<semaphore_mem>>) src(%dma_wait3A_1106 : memref<496x16xf32, #tpu.memory_space<hbm>>) dst(%arg5 : memref<496x16xf32, #tpu.memory_space<vmem>>)
    %dma_start3A_1107 = arith.constant 0 : i32
    %dma_start3A_1108 = tpu.memref_slice %arg3[%multiple_of3A_293, %dma_start3A_1107] : memref<1000000x16xf32, #tpu.memory_space<hbm>> -> memref<496x16xf32, #tpu.memory_space<hbm>>
    %dma_start3A_1109 = arith.constant 0 : i32
    %dma_start3A_1110 = tpu.memref_slice %arg3[%multiple_of3A_293, %dma_start3A_1109] : memref<1000000x16xf32, #tpu.memory_space<hbm>> -> memref<496x16xf32, #tpu.memory_space<hbm>>
    tpu.enqueue_dma source(%arg5 : memref<496x16xf32, #tpu.memory_space<vmem>>) target(%dma_start3A_1110 : memref<496x16xf32, #tpu.memory_space<hbm>>) target_semaphore(%arg9 : memref<!tpu.dma_semaphore, #tpu.memory_space<semaphore_mem>>)
    %dma_wait3A_1111 = arith.constant 0 : i32
    %dma_wait3A_1112 = tpu.memref_slice %arg3[%multiple_of3A_293, %dma_wait3A_1111] : memref<1000000x16xf32, #tpu.memory_space<hbm>> -> memref<496x16xf32, #tpu.memory_space<hbm>>
    %dma_wait3A_1113 = arith.constant 0 : i32
    %dma_wait3A_1114 = tpu.memref_slice %arg3[%multiple_of3A_293, %dma_wait3A_1113] : memref<1000000x16xf32, #tpu.memory_space<hbm>> -> memref<496x16xf32, #tpu.memory_space<hbm>>
    tpu.wait_dma2 semaphore(%arg9 : memref<!tpu.dma_semaphore, #tpu.memory_space<semaphore_mem>>) src(%arg5 : memref<496x16xf32, #tpu.memory_space<vmem>>) dst(%dma_wait3A_1114 : memref<496x16xf32, #tpu.memory_space<hbm>>)
    %dma_start3A_1115 = arith.constant 0 : i32
    %dma_start3A_1116 = tpu.memref_slice %arg2[%multiple_of3A_307, %dma_start3A_1115] : memref<1000000x16xf32, #tpu.memory_space<hbm>> -> memref<496x16xf32, #tpu.memory_space<hbm>>
    %dma_start3A_1117 = arith.constant 0 : i32
    %dma_start3A_1118 = tpu.memref_slice %arg2[%multiple_of3A_307, %dma_start3A_1117] : memref<1000000x16xf32, #tpu.memory_space<hbm>> -> memref<496x16xf32, #tpu.memory_space<hbm>>
    tpu.enqueue_dma source(%dma_start3A_1118 : memref<496x16xf32, #tpu.memory_space<hbm>>) target(%arg5 : memref<496x16xf32, #tpu.memory_space<vmem>>) target_semaphore(%arg7 : memref<!tpu.dma_semaphore, #tpu.memory_space<semaphore_mem>>)
    %dma_wait3A_1119 = arith.constant 0 : i32
    %dma_wait3A_1120 = tpu.memref_slice %arg2[%multiple_of3A_300, %dma_wait3A_1119] : memref<1000000x16xf32, #tpu.memory_space<hbm>> -> memref<496x16xf32, #tpu.memory_space<hbm>>
    %dma_wait3A_1121 = arith.constant 0 : i32
    %dma_wait3A_1122 = tpu.memref_slice %arg2[%multiple_of3A_300, %dma_wait3A_1121] : memref<1000000x16xf32, #tpu.memory_space<hbm>> -> memref<496x16xf32, #tpu.memory_space<hbm>>
    tpu.wait_dma2 semaphore(%arg6 : memref<!tpu.dma_semaphore, #tpu.memory_space<semaphore_mem>>) src(%dma_wait3A_1122 : memref<496x16xf32, #tpu.memory_space<hbm>>) dst(%arg4 : memref<496x16xf32, #tpu.memory_space<vmem>>)
    %dma_start3A_1123 = arith.constant 0 : i32
    %dma_start3A_1124 = tpu.memref_slice %arg3[%multiple_of3A_300, %dma_start3A_1123] : memref<1000000x16xf32, #tpu.memory_space<hbm>> -> memref<496x16xf32, #tpu.memory_space<hbm>>
    %dma_start3A_1125 = arith.constant 0 : i32
    %dma_start3A_1126 = tpu.memref_slice %arg3[%multiple_of3A_300, %dma_start3A_1125] : memref<1000000x16xf32, #tpu.memory_space<hbm>> -> memref<496x16xf32, #tpu.memory_space<hbm>>
    tpu.enqueue_dma source(%arg4 : memref<496x16xf32, #tpu.memory_space<vmem>>) target(%dma_start3A_1126 : memref<496x16xf32, #tpu.memory_space<hbm>>) target_semaphore(%arg8 : memref<!tpu.dma_semaphore, #tpu.memory_space<semaphore_mem>>)
    %dma_wait3A_1127 = arith.constant 0 : i32
    %dma_wait3A_1128 = tpu.memref_slice %arg3[%multiple_of3A_300, %dma_wait3A_1127] : memref<1000000x16xf32, #tpu.memory_space<hbm>> -> memref<496x16xf32, #tpu.memory_space<hbm>>
    %dma_wait3A_1129 = arith.constant 0 : i32
    %dma_wait3A_1130 = tpu.memref_slice %arg3[%multiple_of3A_300, %dma_wait3A_1129] : memref<1000000x16xf32, #tpu.memory_space<hbm>> -> memref<496x16xf32, #tpu.memory_space<hbm>>
    tpu.wait_dma2 semaphore(%arg8 : memref<!tpu.dma_semaphore, #tpu.memory_space<semaphore_mem>>) src(%arg4 : memref<496x16xf32, #tpu.memory_space<vmem>>) dst(%dma_wait3A_1130 : memref<496x16xf32, #tpu.memory_space<hbm>>)
    %dma_start3A_1131 = arith.constant 0 : i32
    %dma_start3A_1132 = tpu.memref_slice %arg2[%multiple_of3A_314, %dma_start3A_1131] : memref<1000000x16xf32, #tpu.memory_space<hbm>> -> memref<496x16xf32, #tpu.memory_space<hbm>>
    %dma_start3A_1133 = arith.constant 0 : i32
    %dma_start3A_1134 = tpu.memref_slice %arg2[%multiple_of3A_314, %dma_start3A_1133] : memref<1000000x16xf32, #tpu.memory_space<hbm>> -> memref<496x16xf32, #tpu.memory_space<hbm>>
    tpu.enqueue_dma source(%dma_start3A_1134 : memref<496x16xf32, #tpu.memory_space<hbm>>) target(%arg4 : memref<496x16xf32, #tpu.memory_space<vmem>>) target_semaphore(%arg6 : memref<!tpu.dma_semaphore, #tpu.memory_space<semaphore_mem>>)
    %dma_wait3A_1135 = arith.constant 0 : i32
    %dma_wait3A_1136 = tpu.memref_slice %arg2[%multiple_of3A_307, %dma_wait3A_1135] : memref<1000000x16xf32, #tpu.memory_space<hbm>> -> memref<496x16xf32, #tpu.memory_space<hbm>>
    %dma_wait3A_1137 = arith.constant 0 : i32
    %dma_wait3A_1138 = tpu.memref_slice %arg2[%multiple_of3A_307, %dma_wait3A_1137] : memref<1000000x16xf32, #tpu.memory_space<hbm>> -> memref<496x16xf32, #tpu.memory_space<hbm>>
    tpu.wait_dma2 semaphore(%arg7 : memref<!tpu.dma_semaphore, #tpu.memory_space<semaphore_mem>>) src(%dma_wait3A_1138 : memref<496x16xf32, #tpu.memory_space<hbm>>) dst(%arg5 : memref<496x16xf32, #tpu.memory_space<vmem>>)
    %dma_start3A_1139 = arith.constant 0 : i32
    %dma_start3A_1140 = tpu.memref_slice %arg3[%multiple_of3A_307, %dma_start3A_1139] : memref<1000000x16xf32, #tpu.memory_space<hbm>> -> memref<496x16xf32, #tpu.memory_space<hbm>>
    %dma_start3A_1141 = arith.constant 0 : i32
    %dma_start3A_1142 = tpu.memref_slice %arg3[%multiple_of3A_307, %dma_start3A_1141] : memref<1000000x16xf32, #tpu.memory_space<hbm>> -> memref<496x16xf32, #tpu.memory_space<hbm>>
    tpu.enqueue_dma source(%arg5 : memref<496x16xf32, #tpu.memory_space<vmem>>) target(%dma_start3A_1142 : memref<496x16xf32, #tpu.memory_space<hbm>>) target_semaphore(%arg9 : memref<!tpu.dma_semaphore, #tpu.memory_space<semaphore_mem>>)
    %dma_wait3A_1143 = arith.constant 0 : i32
    %dma_wait3A_1144 = tpu.memref_slice %arg3[%multiple_of3A_307, %dma_wait3A_1143] : memref<1000000x16xf32, #tpu.memory_space<hbm>> -> memref<496x16xf32, #tpu.memory_space<hbm>>
    %dma_wait3A_1145 = arith.constant 0 : i32
    %dma_wait3A_1146 = tpu.memref_slice %arg3[%multiple_of3A_307, %dma_wait3A_1145] : memref<1000000x16xf32, #tpu.memory_space<hbm>> -> memref<496x16xf32, #tpu.memory_space<hbm>>
    tpu.wait_dma2 semaphore(%arg9 : memref<!tpu.dma_semaphore, #tpu.memory_space<semaphore_mem>>) src(%arg5 : memref<496x16xf32, #tpu.memory_space<vmem>>) dst(%dma_wait3A_1146 : memref<496x16xf32, #tpu.memory_space<hbm>>)
    %dma_start3A_1147 = arith.constant 0 : i32
    %dma_start3A_1148 = tpu.memref_slice %arg2[%multiple_of3A_321, %dma_start3A_1147] : memref<1000000x16xf32, #tpu.memory_space<hbm>> -> memref<496x16xf32, #tpu.memory_space<hbm>>
    %dma_start3A_1149 = arith.constant 0 : i32
    %dma_start3A_1150 = tpu.memref_slice %arg2[%multiple_of3A_321, %dma_start3A_1149] : memref<1000000x16xf32, #tpu.memory_space<hbm>> -> memref<496x16xf32, #tpu.memory_space<hbm>>
    tpu.enqueue_dma source(%dma_start3A_1150 : memref<496x16xf32, #tpu.memory_space<hbm>>) target(%arg5 : memref<496x16xf32, #tpu.memory_space<vmem>>) target_semaphore(%arg7 : memref<!tpu.dma_semaphore, #tpu.memory_space<semaphore_mem>>)
    %dma_wait3A_1151 = arith.constant 0 : i32
    %dma_wait3A_1152 = tpu.memref_slice %arg2[%multiple_of3A_314, %dma_wait3A_1151] : memref<1000000x16xf32, #tpu.memory_space<hbm>> -> memref<496x16xf32, #tpu.memory_space<hbm>>
    %dma_wait3A_1153 = arith.constant 0 : i32
    %dma_wait3A_1154 = tpu.memref_slice %arg2[%multiple_of3A_314, %dma_wait3A_1153] : memref<1000000x16xf32, #tpu.memory_space<hbm>> -> memref<496x16xf32, #tpu.memory_space<hbm>>
    tpu.wait_dma2 semaphore(%arg6 : memref<!tpu.dma_semaphore, #tpu.memory_space<semaphore_mem>>) src(%dma_wait3A_1154 : memref<496x16xf32, #tpu.memory_space<hbm>>) dst(%arg4 : memref<496x16xf32, #tpu.memory_space<vmem>>)
    %dma_start3A_1155 = arith.constant 0 : i32
    %dma_start3A_1156 = tpu.memref_slice %arg3[%multiple_of3A_314, %dma_start3A_1155] : memref<1000000x16xf32, #tpu.memory_space<hbm>> -> memref<496x16xf32, #tpu.memory_space<hbm>>
    %dma_start3A_1157 = arith.constant 0 : i32
    %dma_start3A_1158 = tpu.memref_slice %arg3[%multiple_of3A_314, %dma_start3A_1157] : memref<1000000x16xf32, #tpu.memory_space<hbm>> -> memref<496x16xf32, #tpu.memory_space<hbm>>
    tpu.enqueue_dma source(%arg4 : memref<496x16xf32, #tpu.memory_space<vmem>>) target(%dma_start3A_1158 : memref<496x16xf32, #tpu.memory_space<hbm>>) target_semaphore(%arg8 : memref<!tpu.dma_semaphore, #tpu.memory_space<semaphore_mem>>)
    %dma_wait3A_1159 = arith.constant 0 : i32
    %dma_wait3A_1160 = tpu.memref_slice %arg3[%multiple_of3A_314, %dma_wait3A_1159] : memref<1000000x16xf32, #tpu.memory_space<hbm>> -> memref<496x16xf32, #tpu.memory_space<hbm>>
    %dma_wait3A_1161 = arith.constant 0 : i32
    %dma_wait3A_1162 = tpu.memref_slice %arg3[%multiple_of3A_314, %dma_wait3A_1161] : memref<1000000x16xf32, #tpu.memory_space<hbm>> -> memref<496x16xf32, #tpu.memory_space<hbm>>
    tpu.wait_dma2 semaphore(%arg8 : memref<!tpu.dma_semaphore, #tpu.memory_space<semaphore_mem>>) src(%arg4 : memref<496x16xf32, #tpu.memory_space<vmem>>) dst(%dma_wait3A_1162 : memref<496x16xf32, #tpu.memory_space<hbm>>)
    %dma_start3A_1163 = arith.constant 0 : i32
    %dma_start3A_1164 = tpu.memref_slice %arg2[%multiple_of3A_328, %dma_start3A_1163] : memref<1000000x16xf32, #tpu.memory_space<hbm>> -> memref<496x16xf32, #tpu.memory_space<hbm>>
    %dma_start3A_1165 = arith.constant 0 : i32
    %dma_start3A_1166 = tpu.memref_slice %arg2[%multiple_of3A_328, %dma_start3A_1165] : memref<1000000x16xf32, #tpu.memory_space<hbm>> -> memref<496x16xf32, #tpu.memory_space<hbm>>
    tpu.enqueue_dma source(%dma_start3A_1166 : memref<496x16xf32, #tpu.memory_space<hbm>>) target(%arg4 : memref<496x16xf32, #tpu.memory_space<vmem>>) target_semaphore(%arg6 : memref<!tpu.dma_semaphore, #tpu.memory_space<semaphore_mem>>)
    %dma_wait3A_1167 = arith.constant 0 : i32
    %dma_wait3A_1168 = tpu.memref_slice %arg2[%multiple_of3A_321, %dma_wait3A_1167] : memref<1000000x16xf32, #tpu.memory_space<hbm>> -> memref<496x16xf32, #tpu.memory_space<hbm>>
    %dma_wait3A_1169 = arith.constant 0 : i32
    %dma_wait3A_1170 = tpu.memref_slice %arg2[%multiple_of3A_321, %dma_wait3A_1169] : memref<1000000x16xf32, #tpu.memory_space<hbm>> -> memref<496x16xf32, #tpu.memory_space<hbm>>
    tpu.wait_dma2 semaphore(%arg7 : memref<!tpu.dma_semaphore, #tpu.memory_space<semaphore_mem>>) src(%dma_wait3A_1170 : memref<496x16xf32, #tpu.memory_space<hbm>>) dst(%arg5 : memref<496x16xf32, #tpu.memory_space<vmem>>)
    %dma_start3A_1171 = arith.constant 0 : i32
    %dma_start3A_1172 = tpu.memref_slice %arg3[%multiple_of3A_321, %dma_start3A_1171] : memref<1000000x16xf32, #tpu.memory_space<hbm>> -> memref<496x16xf32, #tpu.memory_space<hbm>>
    %dma_start3A_1173 = arith.constant 0 : i32
    %dma_start3A_1174 = tpu.memref_slice %arg3[%multiple_of3A_321, %dma_start3A_1173] : memref<1000000x16xf32, #tpu.memory_space<hbm>> -> memref<496x16xf32, #tpu.memory_space<hbm>>
    tpu.enqueue_dma source(%arg5 : memref<496x16xf32, #tpu.memory_space<vmem>>) target(%dma_start3A_1174 : memref<496x16xf32, #tpu.memory_space<hbm>>) target_semaphore(%arg9 : memref<!tpu.dma_semaphore, #tpu.memory_space<semaphore_mem>>)
    %dma_wait3A_1175 = arith.constant 0 : i32
    %dma_wait3A_1176 = tpu.memref_slice %arg3[%multiple_of3A_321, %dma_wait3A_1175] : memref<1000000x16xf32, #tpu.memory_space<hbm>> -> memref<496x16xf32, #tpu.memory_space<hbm>>
    %dma_wait3A_1177 = arith.constant 0 : i32
    %dma_wait3A_1178 = tpu.memref_slice %arg3[%multiple_of3A_321, %dma_wait3A_1177] : memref<1000000x16xf32, #tpu.memory_space<hbm>> -> memref<496x16xf32, #tpu.memory_space<hbm>>
    tpu.wait_dma2 semaphore(%arg9 : memref<!tpu.dma_semaphore, #tpu.memory_space<semaphore_mem>>) src(%arg5 : memref<496x16xf32, #tpu.memory_space<vmem>>) dst(%dma_wait3A_1178 : memref<496x16xf32, #tpu.memory_space<hbm>>)
    %dma_start3A_1179 = arith.constant 0 : i32
    %dma_start3A_1180 = tpu.memref_slice %arg2[%multiple_of3A_335, %dma_start3A_1179] : memref<1000000x16xf32, #tpu.memory_space<hbm>> -> memref<496x16xf32, #tpu.memory_space<hbm>>
    %dma_start3A_1181 = arith.constant 0 : i32
    %dma_start3A_1182 = tpu.memref_slice %arg2[%multiple_of3A_335, %dma_start3A_1181] : memref<1000000x16xf32, #tpu.memory_space<hbm>> -> memref<496x16xf32, #tpu.memory_space<hbm>>
    tpu.enqueue_dma source(%dma_start3A_1182 : memref<496x16xf32, #tpu.memory_space<hbm>>) target(%arg5 : memref<496x16xf32, #tpu.memory_space<vmem>>) target_semaphore(%arg7 : memref<!tpu.dma_semaphore, #tpu.memory_space<semaphore_mem>>)
    %dma_wait3A_1183 = arith.constant 0 : i32
    %dma_wait3A_1184 = tpu.memref_slice %arg2[%multiple_of3A_328, %dma_wait3A_1183] : memref<1000000x16xf32, #tpu.memory_space<hbm>> -> memref<496x16xf32, #tpu.memory_space<hbm>>
    %dma_wait3A_1185 = arith.constant 0 : i32
    %dma_wait3A_1186 = tpu.memref_slice %arg2[%multiple_of3A_328, %dma_wait3A_1185] : memref<1000000x16xf32, #tpu.memory_space<hbm>> -> memref<496x16xf32, #tpu.memory_space<hbm>>
    tpu.wait_dma2 semaphore(%arg6 : memref<!tpu.dma_semaphore, #tpu.memory_space<semaphore_mem>>) src(%dma_wait3A_1186 : memref<496x16xf32, #tpu.memory_space<hbm>>) dst(%arg4 : memref<496x16xf32, #tpu.memory_space<vmem>>)
    %dma_start3A_1187 = arith.constant 0 : i32
    %dma_start3A_1188 = tpu.memref_slice %arg3[%multiple_of3A_328, %dma_start3A_1187] : memref<1000000x16xf32, #tpu.memory_space<hbm>> -> memref<496x16xf32, #tpu.memory_space<hbm>>
    %dma_start3A_1189 = arith.constant 0 : i32
    %dma_start3A_1190 = tpu.memref_slice %arg3[%multiple_of3A_328, %dma_start3A_1189] : memref<1000000x16xf32, #tpu.memory_space<hbm>> -> memref<496x16xf32, #tpu.memory_space<hbm>>
    tpu.enqueue_dma source(%arg4 : memref<496x16xf32, #tpu.memory_space<vmem>>) target(%dma_start3A_1190 : memref<496x16xf32, #tpu.memory_space<hbm>>) target_semaphore(%arg8 : memref<!tpu.dma_semaphore, #tpu.memory_space<semaphore_mem>>)
    %dma_wait3A_1191 = arith.constant 0 : i32
    %dma_wait3A_1192 = tpu.memref_slice %arg3[%multiple_of3A_328, %dma_wait3A_1191] : memref<1000000x16xf32, #tpu.memory_space<hbm>> -> memref<496x16xf32, #tpu.memory_space<hbm>>
    %dma_wait3A_1193 = arith.constant 0 : i32
    %dma_wait3A_1194 = tpu.memref_slice %arg3[%multiple_of3A_328, %dma_wait3A_1193] : memref<1000000x16xf32, #tpu.memory_space<hbm>> -> memref<496x16xf32, #tpu.memory_space<hbm>>
    tpu.wait_dma2 semaphore(%arg8 : memref<!tpu.dma_semaphore, #tpu.memory_space<semaphore_mem>>) src(%arg4 : memref<496x16xf32, #tpu.memory_space<vmem>>) dst(%dma_wait3A_1194 : memref<496x16xf32, #tpu.memory_space<hbm>>)
    %dma_start3A_1195 = arith.constant 0 : i32
    %dma_start3A_1196 = tpu.memref_slice %arg2[%multiple_of3A_342, %dma_start3A_1195] : memref<1000000x16xf32, #tpu.memory_space<hbm>> -> memref<496x16xf32, #tpu.memory_space<hbm>>
    %dma_start3A_1197 = arith.constant 0 : i32
    %dma_start3A_1198 = tpu.memref_slice %arg2[%multiple_of3A_342, %dma_start3A_1197] : memref<1000000x16xf32, #tpu.memory_space<hbm>> -> memref<496x16xf32, #tpu.memory_space<hbm>>
    tpu.enqueue_dma source(%dma_start3A_1198 : memref<496x16xf32, #tpu.memory_space<hbm>>) target(%arg4 : memref<496x16xf32, #tpu.memory_space<vmem>>) target_semaphore(%arg6 : memref<!tpu.dma_semaphore, #tpu.memory_space<semaphore_mem>>)
    %dma_wait3A_1199 = arith.constant 0 : i32
    %dma_wait3A_1200 = tpu.memref_slice %arg2[%multiple_of3A_335, %dma_wait3A_1199] : memref<1000000x16xf32, #tpu.memory_space<hbm>> -> memref<496x16xf32, #tpu.memory_space<hbm>>
    %dma_wait3A_1201 = arith.constant 0 : i32
    %dma_wait3A_1202 = tpu.memref_slice %arg2[%multiple_of3A_335, %dma_wait3A_1201] : memref<1000000x16xf32, #tpu.memory_space<hbm>> -> memref<496x16xf32, #tpu.memory_space<hbm>>
    tpu.wait_dma2 semaphore(%arg7 : memref<!tpu.dma_semaphore, #tpu.memory_space<semaphore_mem>>) src(%dma_wait3A_1202 : memref<496x16xf32, #tpu.memory_space<hbm>>) dst(%arg5 : memref<496x16xf32, #tpu.memory_space<vmem>>)
    %dma_start3A_1203 = arith.constant 0 : i32
    %dma_start3A_1204 = tpu.memref_slice %arg3[%multiple_of3A_335, %dma_start3A_1203] : memref<1000000x16xf32, #tpu.memory_space<hbm>> -> memref<496x16xf32, #tpu.memory_space<hbm>>
    %dma_start3A_1205 = arith.constant 0 : i32
    %dma_start3A_1206 = tpu.memref_slice %arg3[%multiple_of3A_335, %dma_start3A_1205] : memref<1000000x16xf32, #tpu.memory_space<hbm>> -> memref<496x16xf32, #tpu.memory_space<hbm>>
    tpu.enqueue_dma source(%arg5 : memref<496x16xf32, #tpu.memory_space<vmem>>) target(%dma_start3A_1206 : memref<496x16xf32, #tpu.memory_space<hbm>>) target_semaphore(%arg9 : memref<!tpu.dma_semaphore, #tpu.memory_space<semaphore_mem>>)
    %dma_wait3A_1207 = arith.constant 0 : i32
    %dma_wait3A_1208 = tpu.memref_slice %arg3[%multiple_of3A_335, %dma_wait3A_1207] : memref<1000000x16xf32, #tpu.memory_space<hbm>> -> memref<496x16xf32, #tpu.memory_space<hbm>>
    %dma_wait3A_1209 = arith.constant 0 : i32
    %dma_wait3A_1210 = tpu.memref_slice %arg3[%multiple_of3A_335, %dma_wait3A_1209] : memref<1000000x16xf32, #tpu.memory_space<hbm>> -> memref<496x16xf32, #tpu.memory_space<hbm>>
    tpu.wait_dma2 semaphore(%arg9 : memref<!tpu.dma_semaphore, #tpu.memory_space<semaphore_mem>>) src(%arg5 : memref<496x16xf32, #tpu.memory_space<vmem>>) dst(%dma_wait3A_1210 : memref<496x16xf32, #tpu.memory_space<hbm>>)
    %dma_start3A_1211 = arith.constant 0 : i32
    %dma_start3A_1212 = tpu.memref_slice %arg2[%multiple_of3A_349, %dma_start3A_1211] : memref<1000000x16xf32, #tpu.memory_space<hbm>> -> memref<496x16xf32, #tpu.memory_space<hbm>>
    %dma_start3A_1213 = arith.constant 0 : i32
    %dma_start3A_1214 = tpu.memref_slice %arg2[%multiple_of3A_349, %dma_start3A_1213] : memref<1000000x16xf32, #tpu.memory_space<hbm>> -> memref<496x16xf32, #tpu.memory_space<hbm>>
    tpu.enqueue_dma source(%dma_start3A_1214 : memref<496x16xf32, #tpu.memory_space<hbm>>) target(%arg5 : memref<496x16xf32, #tpu.memory_space<vmem>>) target_semaphore(%arg7 : memref<!tpu.dma_semaphore, #tpu.memory_space<semaphore_mem>>)
    %dma_wait3A_1215 = arith.constant 0 : i32
    %dma_wait3A_1216 = tpu.memref_slice %arg2[%multiple_of3A_342, %dma_wait3A_1215] : memref<1000000x16xf32, #tpu.memory_space<hbm>> -> memref<496x16xf32, #tpu.memory_space<hbm>>
    %dma_wait3A_1217 = arith.constant 0 : i32
    %dma_wait3A_1218 = tpu.memref_slice %arg2[%multiple_of3A_342, %dma_wait3A_1217] : memref<1000000x16xf32, #tpu.memory_space<hbm>> -> memref<496x16xf32, #tpu.memory_space<hbm>>
    tpu.wait_dma2 semaphore(%arg6 : memref<!tpu.dma_semaphore, #tpu.memory_space<semaphore_mem>>) src(%dma_wait3A_1218 : memref<496x16xf32, #tpu.memory_space<hbm>>) dst(%arg4 : memref<496x16xf32, #tpu.memory_space<vmem>>)
    %dma_start3A_1219 = arith.constant 0 : i32
    %dma_start3A_1220 = tpu.memref_slice %arg3[%multiple_of3A_342, %dma_start3A_1219] : memref<1000000x16xf32, #tpu.memory_space<hbm>> -> memref<496x16xf32, #tpu.memory_space<hbm>>
    %dma_start3A_1221 = arith.constant 0 : i32
    %dma_start3A_1222 = tpu.memref_slice %arg3[%multiple_of3A_342, %dma_start3A_1221] : memref<1000000x16xf32, #tpu.memory_space<hbm>> -> memref<496x16xf32, #tpu.memory_space<hbm>>
    tpu.enqueue_dma source(%arg4 : memref<496x16xf32, #tpu.memory_space<vmem>>) target(%dma_start3A_1222 : memref<496x16xf32, #tpu.memory_space<hbm>>) target_semaphore(%arg8 : memref<!tpu.dma_semaphore, #tpu.memory_space<semaphore_mem>>)
    %dma_wait3A_1223 = arith.constant 0 : i32
    %dma_wait3A_1224 = tpu.memref_slice %arg3[%multiple_of3A_342, %dma_wait3A_1223] : memref<1000000x16xf32, #tpu.memory_space<hbm>> -> memref<496x16xf32, #tpu.memory_space<hbm>>
    %dma_wait3A_1225 = arith.constant 0 : i32
    %dma_wait3A_1226 = tpu.memref_slice %arg3[%multiple_of3A_342, %dma_wait3A_1225] : memref<1000000x16xf32, #tpu.memory_space<hbm>> -> memref<496x16xf32, #tpu.memory_space<hbm>>
    tpu.wait_dma2 semaphore(%arg8 : memref<!tpu.dma_semaphore, #tpu.memory_space<semaphore_mem>>) src(%arg4 : memref<496x16xf32, #tpu.memory_space<vmem>>) dst(%dma_wait3A_1226 : memref<496x16xf32, #tpu.memory_space<hbm>>)
    %dma_start3A_1227 = arith.constant 0 : i32
    %dma_start3A_1228 = tpu.memref_slice %arg2[%multiple_of3A_356, %dma_start3A_1227] : memref<1000000x16xf32, #tpu.memory_space<hbm>> -> memref<496x16xf32, #tpu.memory_space<hbm>>
    %dma_start3A_1229 = arith.constant 0 : i32
    %dma_start3A_1230 = tpu.memref_slice %arg2[%multiple_of3A_356, %dma_start3A_1229] : memref<1000000x16xf32, #tpu.memory_space<hbm>> -> memref<496x16xf32, #tpu.memory_space<hbm>>
    tpu.enqueue_dma source(%dma_start3A_1230 : memref<496x16xf32, #tpu.memory_space<hbm>>) target(%arg4 : memref<496x16xf32, #tpu.memory_space<vmem>>) target_semaphore(%arg6 : memref<!tpu.dma_semaphore, #tpu.memory_space<semaphore_mem>>)
    %dma_wait3A_1231 = arith.constant 0 : i32
    %dma_wait3A_1232 = tpu.memref_slice %arg2[%multiple_of3A_349, %dma_wait3A_1231] : memref<1000000x16xf32, #tpu.memory_space<hbm>> -> memref<496x16xf32, #tpu.memory_space<hbm>>
    %dma_wait3A_1233 = arith.constant 0 : i32
    %dma_wait3A_1234 = tpu.memref_slice %arg2[%multiple_of3A_349, %dma_wait3A_1233] : memref<1000000x16xf32, #tpu.memory_space<hbm>> -> memref<496x16xf32, #tpu.memory_space<hbm>>
    tpu.wait_dma2 semaphore(%arg7 : memref<!tpu.dma_semaphore, #tpu.memory_space<semaphore_mem>>) src(%dma_wait3A_1234 : memref<496x16xf32, #tpu.memory_space<hbm>>) dst(%arg5 : memref<496x16xf32, #tpu.memory_space<vmem>>)
    %dma_start3A_1235 = arith.constant 0 : i32
    %dma_start3A_1236 = tpu.memref_slice %arg3[%multiple_of3A_349, %dma_start3A_1235] : memref<1000000x16xf32, #tpu.memory_space<hbm>> -> memref<496x16xf32, #tpu.memory_space<hbm>>
    %dma_start3A_1237 = arith.constant 0 : i32
    %dma_start3A_1238 = tpu.memref_slice %arg3[%multiple_of3A_349, %dma_start3A_1237] : memref<1000000x16xf32, #tpu.memory_space<hbm>> -> memref<496x16xf32, #tpu.memory_space<hbm>>
    tpu.enqueue_dma source(%arg5 : memref<496x16xf32, #tpu.memory_space<vmem>>) target(%dma_start3A_1238 : memref<496x16xf32, #tpu.memory_space<hbm>>) target_semaphore(%arg9 : memref<!tpu.dma_semaphore, #tpu.memory_space<semaphore_mem>>)
    %dma_wait3A_1239 = arith.constant 0 : i32
    %dma_wait3A_1240 = tpu.memref_slice %arg3[%multiple_of3A_349, %dma_wait3A_1239] : memref<1000000x16xf32, #tpu.memory_space<hbm>> -> memref<496x16xf32, #tpu.memory_space<hbm>>
    %dma_wait3A_1241 = arith.constant 0 : i32
    %dma_wait3A_1242 = tpu.memref_slice %arg3[%multiple_of3A_349, %dma_wait3A_1241] : memref<1000000x16xf32, #tpu.memory_space<hbm>> -> memref<496x16xf32, #tpu.memory_space<hbm>>
    tpu.wait_dma2 semaphore(%arg9 : memref<!tpu.dma_semaphore, #tpu.memory_space<semaphore_mem>>) src(%arg5 : memref<496x16xf32, #tpu.memory_space<vmem>>) dst(%dma_wait3A_1242 : memref<496x16xf32, #tpu.memory_space<hbm>>)
    %dma_start3A_1243 = arith.constant 0 : i32
    %dma_start3A_1244 = tpu.memref_slice %arg2[%multiple_of3A_363, %dma_start3A_1243] : memref<1000000x16xf32, #tpu.memory_space<hbm>> -> memref<496x16xf32, #tpu.memory_space<hbm>>
    %dma_start3A_1245 = arith.constant 0 : i32
    %dma_start3A_1246 = tpu.memref_slice %arg2[%multiple_of3A_363, %dma_start3A_1245] : memref<1000000x16xf32, #tpu.memory_space<hbm>> -> memref<496x16xf32, #tpu.memory_space<hbm>>
    tpu.enqueue_dma source(%dma_start3A_1246 : memref<496x16xf32, #tpu.memory_space<hbm>>) target(%arg5 : memref<496x16xf32, #tpu.memory_space<vmem>>) target_semaphore(%arg7 : memref<!tpu.dma_semaphore, #tpu.memory_space<semaphore_mem>>)
    %dma_wait3A_1247 = arith.constant 0 : i32
    %dma_wait3A_1248 = tpu.memref_slice %arg2[%multiple_of3A_356, %dma_wait3A_1247] : memref<1000000x16xf32, #tpu.memory_space<hbm>> -> memref<496x16xf32, #tpu.memory_space<hbm>>
    %dma_wait3A_1249 = arith.constant 0 : i32
    %dma_wait3A_1250 = tpu.memref_slice %arg2[%multiple_of3A_356, %dma_wait3A_1249] : memref<1000000x16xf32, #tpu.memory_space<hbm>> -> memref<496x16xf32, #tpu.memory_space<hbm>>
    tpu.wait_dma2 semaphore(%arg6 : memref<!tpu.dma_semaphore, #tpu.memory_space<semaphore_mem>>) src(%dma_wait3A_1250 : memref<496x16xf32, #tpu.memory_space<hbm>>) dst(%arg4 : memref<496x16xf32, #tpu.memory_space<vmem>>)
    %dma_start3A_1251 = arith.constant 0 : i32
    %dma_start3A_1252 = tpu.memref_slice %arg3[%multiple_of3A_356, %dma_start3A_1251] : memref<1000000x16xf32, #tpu.memory_space<hbm>> -> memref<496x16xf32, #tpu.memory_space<hbm>>
    %dma_start3A_1253 = arith.constant 0 : i32
    %dma_start3A_1254 = tpu.memref_slice %arg3[%multiple_of3A_356, %dma_start3A_1253] : memref<1000000x16xf32, #tpu.memory_space<hbm>> -> memref<496x16xf32, #tpu.memory_space<hbm>>
    tpu.enqueue_dma source(%arg4 : memref<496x16xf32, #tpu.memory_space<vmem>>) target(%dma_start3A_1254 : memref<496x16xf32, #tpu.memory_space<hbm>>) target_semaphore(%arg8 : memref<!tpu.dma_semaphore, #tpu.memory_space<semaphore_mem>>)
    %dma_wait3A_1255 = arith.constant 0 : i32
    %dma_wait3A_1256 = tpu.memref_slice %arg3[%multiple_of3A_356, %dma_wait3A_1255] : memref<1000000x16xf32, #tpu.memory_space<hbm>> -> memref<496x16xf32, #tpu.memory_space<hbm>>
    %dma_wait3A_1257 = arith.constant 0 : i32
    %dma_wait3A_1258 = tpu.memref_slice %arg3[%multiple_of3A_356, %dma_wait3A_1257] : memref<1000000x16xf32, #tpu.memory_space<hbm>> -> memref<496x16xf32, #tpu.memory_space<hbm>>
    tpu.wait_dma2 semaphore(%arg8 : memref<!tpu.dma_semaphore, #tpu.memory_space<semaphore_mem>>) src(%arg4 : memref<496x16xf32, #tpu.memory_space<vmem>>) dst(%dma_wait3A_1258 : memref<496x16xf32, #tpu.memory_space<hbm>>)
    %dma_start3A_1259 = arith.constant 0 : i32
    %dma_start3A_1260 = tpu.memref_slice %arg2[%multiple_of3A_370, %dma_start3A_1259] : memref<1000000x16xf32, #tpu.memory_space<hbm>> -> memref<496x16xf32, #tpu.memory_space<hbm>>
    %dma_start3A_1261 = arith.constant 0 : i32
    %dma_start3A_1262 = tpu.memref_slice %arg2[%multiple_of3A_370, %dma_start3A_1261] : memref<1000000x16xf32, #tpu.memory_space<hbm>> -> memref<496x16xf32, #tpu.memory_space<hbm>>
    tpu.enqueue_dma source(%dma_start3A_1262 : memref<496x16xf32, #tpu.memory_space<hbm>>) target(%arg4 : memref<496x16xf32, #tpu.memory_space<vmem>>) target_semaphore(%arg6 : memref<!tpu.dma_semaphore, #tpu.memory_space<semaphore_mem>>)
    %dma_wait3A_1263 = arith.constant 0 : i32
    %dma_wait3A_1264 = tpu.memref_slice %arg2[%multiple_of3A_363, %dma_wait3A_1263] : memref<1000000x16xf32, #tpu.memory_space<hbm>> -> memref<496x16xf32, #tpu.memory_space<hbm>>
    %dma_wait3A_1265 = arith.constant 0 : i32
    %dma_wait3A_1266 = tpu.memref_slice %arg2[%multiple_of3A_363, %dma_wait3A_1265] : memref<1000000x16xf32, #tpu.memory_space<hbm>> -> memref<496x16xf32, #tpu.memory_space<hbm>>
    tpu.wait_dma2 semaphore(%arg7 : memref<!tpu.dma_semaphore, #tpu.memory_space<semaphore_mem>>) src(%dma_wait3A_1266 : memref<496x16xf32, #tpu.memory_space<hbm>>) dst(%arg5 : memref<496x16xf32, #tpu.memory_space<vmem>>)
    %dma_start3A_1267 = arith.constant 0 : i32
    %dma_start3A_1268 = tpu.memref_slice %arg3[%multiple_of3A_363, %dma_start3A_1267] : memref<1000000x16xf32, #tpu.memory_space<hbm>> -> memref<496x16xf32, #tpu.memory_space<hbm>>
    %dma_start3A_1269 = arith.constant 0 : i32
    %dma_start3A_1270 = tpu.memref_slice %arg3[%multiple_of3A_363, %dma_start3A_1269] : memref<1000000x16xf32, #tpu.memory_space<hbm>> -> memref<496x16xf32, #tpu.memory_space<hbm>>
    tpu.enqueue_dma source(%arg5 : memref<496x16xf32, #tpu.memory_space<vmem>>) target(%dma_start3A_1270 : memref<496x16xf32, #tpu.memory_space<hbm>>) target_semaphore(%arg9 : memref<!tpu.dma_semaphore, #tpu.memory_space<semaphore_mem>>)
    %dma_wait3A_1271 = arith.constant 0 : i32
    %dma_wait3A_1272 = tpu.memref_slice %arg3[%multiple_of3A_363, %dma_wait3A_1271] : memref<1000000x16xf32, #tpu.memory_space<hbm>> -> memref<496x16xf32, #tpu.memory_space<hbm>>
    %dma_wait3A_1273 = arith.constant 0 : i32
    %dma_wait3A_1274 = tpu.memref_slice %arg3[%multiple_of3A_363, %dma_wait3A_1273] : memref<1000000x16xf32, #tpu.memory_space<hbm>> -> memref<496x16xf32, #tpu.memory_space<hbm>>
    tpu.wait_dma2 semaphore(%arg9 : memref<!tpu.dma_semaphore, #tpu.memory_space<semaphore_mem>>) src(%arg5 : memref<496x16xf32, #tpu.memory_space<vmem>>) dst(%dma_wait3A_1274 : memref<496x16xf32, #tpu.memory_space<hbm>>)
    %dma_start3A_1275 = arith.constant 0 : i32
    %dma_start3A_1276 = tpu.memref_slice %arg2[%multiple_of3A_377, %dma_start3A_1275] : memref<1000000x16xf32, #tpu.memory_space<hbm>> -> memref<496x16xf32, #tpu.memory_space<hbm>>
    %dma_start3A_1277 = arith.constant 0 : i32
    %dma_start3A_1278 = tpu.memref_slice %arg2[%multiple_of3A_377, %dma_start3A_1277] : memref<1000000x16xf32, #tpu.memory_space<hbm>> -> memref<496x16xf32, #tpu.memory_space<hbm>>
    tpu.enqueue_dma source(%dma_start3A_1278 : memref<496x16xf32, #tpu.memory_space<hbm>>) target(%arg5 : memref<496x16xf32, #tpu.memory_space<vmem>>) target_semaphore(%arg7 : memref<!tpu.dma_semaphore, #tpu.memory_space<semaphore_mem>>)
    %dma_wait3A_1279 = arith.constant 0 : i32
    %dma_wait3A_1280 = tpu.memref_slice %arg2[%multiple_of3A_370, %dma_wait3A_1279] : memref<1000000x16xf32, #tpu.memory_space<hbm>> -> memref<496x16xf32, #tpu.memory_space<hbm>>
    %dma_wait3A_1281 = arith.constant 0 : i32
    %dma_wait3A_1282 = tpu.memref_slice %arg2[%multiple_of3A_370, %dma_wait3A_1281] : memref<1000000x16xf32, #tpu.memory_space<hbm>> -> memref<496x16xf32, #tpu.memory_space<hbm>>
    tpu.wait_dma2 semaphore(%arg6 : memref<!tpu.dma_semaphore, #tpu.memory_space<semaphore_mem>>) src(%dma_wait3A_1282 : memref<496x16xf32, #tpu.memory_space<hbm>>) dst(%arg4 : memref<496x16xf32, #tpu.memory_space<vmem>>)
    %dma_start3A_1283 = arith.constant 0 : i32
    %dma_start3A_1284 = tpu.memref_slice %arg3[%multiple_of3A_370, %dma_start3A_1283] : memref<1000000x16xf32, #tpu.memory_space<hbm>> -> memref<496x16xf32, #tpu.memory_space<hbm>>
    %dma_start3A_1285 = arith.constant 0 : i32
    %dma_start3A_1286 = tpu.memref_slice %arg3[%multiple_of3A_370, %dma_start3A_1285] : memref<1000000x16xf32, #tpu.memory_space<hbm>> -> memref<496x16xf32, #tpu.memory_space<hbm>>
    tpu.enqueue_dma source(%arg4 : memref<496x16xf32, #tpu.memory_space<vmem>>) target(%dma_start3A_1286 : memref<496x16xf32, #tpu.memory_space<hbm>>) target_semaphore(%arg8 : memref<!tpu.dma_semaphore, #tpu.memory_space<semaphore_mem>>)
    %dma_wait3A_1287 = arith.constant 0 : i32
    %dma_wait3A_1288 = tpu.memref_slice %arg3[%multiple_of3A_370, %dma_wait3A_1287] : memref<1000000x16xf32, #tpu.memory_space<hbm>> -> memref<496x16xf32, #tpu.memory_space<hbm>>
    %dma_wait3A_1289 = arith.constant 0 : i32
    %dma_wait3A_1290 = tpu.memref_slice %arg3[%multiple_of3A_370, %dma_wait3A_1289] : memref<1000000x16xf32, #tpu.memory_space<hbm>> -> memref<496x16xf32, #tpu.memory_space<hbm>>
    tpu.wait_dma2 semaphore(%arg8 : memref<!tpu.dma_semaphore, #tpu.memory_space<semaphore_mem>>) src(%arg4 : memref<496x16xf32, #tpu.memory_space<vmem>>) dst(%dma_wait3A_1290 : memref<496x16xf32, #tpu.memory_space<hbm>>)
    %dma_start3A_1291 = arith.constant 0 : i32
    %dma_start3A_1292 = tpu.memref_slice %arg2[%multiple_of3A_384, %dma_start3A_1291] : memref<1000000x16xf32, #tpu.memory_space<hbm>> -> memref<496x16xf32, #tpu.memory_space<hbm>>
    %dma_start3A_1293 = arith.constant 0 : i32
    %dma_start3A_1294 = tpu.memref_slice %arg2[%multiple_of3A_384, %dma_start3A_1293] : memref<1000000x16xf32, #tpu.memory_space<hbm>> -> memref<496x16xf32, #tpu.memory_space<hbm>>
    tpu.enqueue_dma source(%dma_start3A_1294 : memref<496x16xf32, #tpu.memory_space<hbm>>) target(%arg4 : memref<496x16xf32, #tpu.memory_space<vmem>>) target_semaphore(%arg6 : memref<!tpu.dma_semaphore, #tpu.memory_space<semaphore_mem>>)
    %dma_wait3A_1295 = arith.constant 0 : i32
    %dma_wait3A_1296 = tpu.memref_slice %arg2[%multiple_of3A_377, %dma_wait3A_1295] : memref<1000000x16xf32, #tpu.memory_space<hbm>> -> memref<496x16xf32, #tpu.memory_space<hbm>>
    %dma_wait3A_1297 = arith.constant 0 : i32
    %dma_wait3A_1298 = tpu.memref_slice %arg2[%multiple_of3A_377, %dma_wait3A_1297] : memref<1000000x16xf32, #tpu.memory_space<hbm>> -> memref<496x16xf32, #tpu.memory_space<hbm>>
    tpu.wait_dma2 semaphore(%arg7 : memref<!tpu.dma_semaphore, #tpu.memory_space<semaphore_mem>>) src(%dma_wait3A_1298 : memref<496x16xf32, #tpu.memory_space<hbm>>) dst(%arg5 : memref<496x16xf32, #tpu.memory_space<vmem>>)
    %dma_start3A_1299 = arith.constant 0 : i32
    %dma_start3A_1300 = tpu.memref_slice %arg3[%multiple_of3A_377, %dma_start3A_1299] : memref<1000000x16xf32, #tpu.memory_space<hbm>> -> memref<496x16xf32, #tpu.memory_space<hbm>>
    %dma_start3A_1301 = arith.constant 0 : i32
    %dma_start3A_1302 = tpu.memref_slice %arg3[%multiple_of3A_377, %dma_start3A_1301] : memref<1000000x16xf32, #tpu.memory_space<hbm>> -> memref<496x16xf32, #tpu.memory_space<hbm>>
    tpu.enqueue_dma source(%arg5 : memref<496x16xf32, #tpu.memory_space<vmem>>) target(%dma_start3A_1302 : memref<496x16xf32, #tpu.memory_space<hbm>>) target_semaphore(%arg9 : memref<!tpu.dma_semaphore, #tpu.memory_space<semaphore_mem>>)
    %dma_wait3A_1303 = arith.constant 0 : i32
    %dma_wait3A_1304 = tpu.memref_slice %arg3[%multiple_of3A_377, %dma_wait3A_1303] : memref<1000000x16xf32, #tpu.memory_space<hbm>> -> memref<496x16xf32, #tpu.memory_space<hbm>>
    %dma_wait3A_1305 = arith.constant 0 : i32
    %dma_wait3A_1306 = tpu.memref_slice %arg3[%multiple_of3A_377, %dma_wait3A_1305] : memref<1000000x16xf32, #tpu.memory_space<hbm>> -> memref<496x16xf32, #tpu.memory_space<hbm>>
    tpu.wait_dma2 semaphore(%arg9 : memref<!tpu.dma_semaphore, #tpu.memory_space<semaphore_mem>>) src(%arg5 : memref<496x16xf32, #tpu.memory_space<vmem>>) dst(%dma_wait3A_1306 : memref<496x16xf32, #tpu.memory_space<hbm>>)
    %dma_start3A_1307 = arith.constant 0 : i32
    %dma_start3A_1308 = tpu.memref_slice %arg2[%multiple_of3A_391, %dma_start3A_1307] : memref<1000000x16xf32, #tpu.memory_space<hbm>> -> memref<496x16xf32, #tpu.memory_space<hbm>>
    %dma_start3A_1309 = arith.constant 0 : i32
    %dma_start3A_1310 = tpu.memref_slice %arg2[%multiple_of3A_391, %dma_start3A_1309] : memref<1000000x16xf32, #tpu.memory_space<hbm>> -> memref<496x16xf32, #tpu.memory_space<hbm>>
    tpu.enqueue_dma source(%dma_start3A_1310 : memref<496x16xf32, #tpu.memory_space<hbm>>) target(%arg5 : memref<496x16xf32, #tpu.memory_space<vmem>>) target_semaphore(%arg7 : memref<!tpu.dma_semaphore, #tpu.memory_space<semaphore_mem>>)
    %dma_wait3A_1311 = arith.constant 0 : i32
    %dma_wait3A_1312 = tpu.memref_slice %arg2[%multiple_of3A_384, %dma_wait3A_1311] : memref<1000000x16xf32, #tpu.memory_space<hbm>> -> memref<496x16xf32, #tpu.memory_space<hbm>>
    %dma_wait3A_1313 = arith.constant 0 : i32
    %dma_wait3A_1314 = tpu.memref_slice %arg2[%multiple_of3A_384, %dma_wait3A_1313] : memref<1000000x16xf32, #tpu.memory_space<hbm>> -> memref<496x16xf32, #tpu.memory_space<hbm>>
    tpu.wait_dma2 semaphore(%arg6 : memref<!tpu.dma_semaphore, #tpu.memory_space<semaphore_mem>>) src(%dma_wait3A_1314 : memref<496x16xf32, #tpu.memory_space<hbm>>) dst(%arg4 : memref<496x16xf32, #tpu.memory_space<vmem>>)
    %dma_start3A_1315 = arith.constant 0 : i32
    %dma_start3A_1316 = tpu.memref_slice %arg3[%multiple_of3A_384, %dma_start3A_1315] : memref<1000000x16xf32, #tpu.memory_space<hbm>> -> memref<496x16xf32, #tpu.memory_space<hbm>>
    %dma_start3A_1317 = arith.constant 0 : i32
    %dma_start3A_1318 = tpu.memref_slice %arg3[%multiple_of3A_384, %dma_start3A_1317] : memref<1000000x16xf32, #tpu.memory_space<hbm>> -> memref<496x16xf32, #tpu.memory_space<hbm>>
    tpu.enqueue_dma source(%arg4 : memref<496x16xf32, #tpu.memory_space<vmem>>) target(%dma_start3A_1318 : memref<496x16xf32, #tpu.memory_space<hbm>>) target_semaphore(%arg8 : memref<!tpu.dma_semaphore, #tpu.memory_space<semaphore_mem>>)
    %dma_wait3A_1319 = arith.constant 0 : i32
    %dma_wait3A_1320 = tpu.memref_slice %arg3[%multiple_of3A_384, %dma_wait3A_1319] : memref<1000000x16xf32, #tpu.memory_space<hbm>> -> memref<496x16xf32, #tpu.memory_space<hbm>>
    %dma_wait3A_1321 = arith.constant 0 : i32
    %dma_wait3A_1322 = tpu.memref_slice %arg3[%multiple_of3A_384, %dma_wait3A_1321] : memref<1000000x16xf32, #tpu.memory_space<hbm>> -> memref<496x16xf32, #tpu.memory_space<hbm>>
    tpu.wait_dma2 semaphore(%arg8 : memref<!tpu.dma_semaphore, #tpu.memory_space<semaphore_mem>>) src(%arg4 : memref<496x16xf32, #tpu.memory_space<vmem>>) dst(%dma_wait3A_1322 : memref<496x16xf32, #tpu.memory_space<hbm>>)
    %dma_start3A_1323 = arith.constant 0 : i32
    %dma_start3A_1324 = tpu.memref_slice %arg2[%multiple_of3A_398, %dma_start3A_1323] : memref<1000000x16xf32, #tpu.memory_space<hbm>> -> memref<496x16xf32, #tpu.memory_space<hbm>>
    %dma_start3A_1325 = arith.constant 0 : i32
    %dma_start3A_1326 = tpu.memref_slice %arg2[%multiple_of3A_398, %dma_start3A_1325] : memref<1000000x16xf32, #tpu.memory_space<hbm>> -> memref<496x16xf32, #tpu.memory_space<hbm>>
    tpu.enqueue_dma source(%dma_start3A_1326 : memref<496x16xf32, #tpu.memory_space<hbm>>) target(%arg4 : memref<496x16xf32, #tpu.memory_space<vmem>>) target_semaphore(%arg6 : memref<!tpu.dma_semaphore, #tpu.memory_space<semaphore_mem>>)
    %dma_wait3A_1327 = arith.constant 0 : i32
    %dma_wait3A_1328 = tpu.memref_slice %arg2[%multiple_of3A_391, %dma_wait3A_1327] : memref<1000000x16xf32, #tpu.memory_space<hbm>> -> memref<496x16xf32, #tpu.memory_space<hbm>>
    %dma_wait3A_1329 = arith.constant 0 : i32
    %dma_wait3A_1330 = tpu.memref_slice %arg2[%multiple_of3A_391, %dma_wait3A_1329] : memref<1000000x16xf32, #tpu.memory_space<hbm>> -> memref<496x16xf32, #tpu.memory_space<hbm>>
    tpu.wait_dma2 semaphore(%arg7 : memref<!tpu.dma_semaphore, #tpu.memory_space<semaphore_mem>>) src(%dma_wait3A_1330 : memref<496x16xf32, #tpu.memory_space<hbm>>) dst(%arg5 : memref<496x16xf32, #tpu.memory_space<vmem>>)
    %dma_start3A_1331 = arith.constant 0 : i32
    %dma_start3A_1332 = tpu.memref_slice %arg3[%multiple_of3A_391, %dma_start3A_1331] : memref<1000000x16xf32, #tpu.memory_space<hbm>> -> memref<496x16xf32, #tpu.memory_space<hbm>>
    %dma_start3A_1333 = arith.constant 0 : i32
    %dma_start3A_1334 = tpu.memref_slice %arg3[%multiple_of3A_391, %dma_start3A_1333] : memref<1000000x16xf32, #tpu.memory_space<hbm>> -> memref<496x16xf32, #tpu.memory_space<hbm>>
    tpu.enqueue_dma source(%arg5 : memref<496x16xf32, #tpu.memory_space<vmem>>) target(%dma_start3A_1334 : memref<496x16xf32, #tpu.memory_space<hbm>>) target_semaphore(%arg9 : memref<!tpu.dma_semaphore, #tpu.memory_space<semaphore_mem>>)
    %dma_wait3A_1335 = arith.constant 0 : i32
    %dma_wait3A_1336 = tpu.memref_slice %arg3[%multiple_of3A_391, %dma_wait3A_1335] : memref<1000000x16xf32, #tpu.memory_space<hbm>> -> memref<496x16xf32, #tpu.memory_space<hbm>>
    %dma_wait3A_1337 = arith.constant 0 : i32
    %dma_wait3A_1338 = tpu.memref_slice %arg3[%multiple_of3A_391, %dma_wait3A_1337] : memref<1000000x16xf32, #tpu.memory_space<hbm>> -> memref<496x16xf32, #tpu.memory_space<hbm>>
    tpu.wait_dma2 semaphore(%arg9 : memref<!tpu.dma_semaphore, #tpu.memory_space<semaphore_mem>>) src(%arg5 : memref<496x16xf32, #tpu.memory_space<vmem>>) dst(%dma_wait3A_1338 : memref<496x16xf32, #tpu.memory_space<hbm>>)
    %dma_start3A_1339 = arith.constant 0 : i32
    %dma_start3A_1340 = tpu.memref_slice %arg2[%multiple_of3A_405, %dma_start3A_1339] : memref<1000000x16xf32, #tpu.memory_space<hbm>> -> memref<496x16xf32, #tpu.memory_space<hbm>>
    %dma_start3A_1341 = arith.constant 0 : i32
    %dma_start3A_1342 = tpu.memref_slice %arg2[%multiple_of3A_405, %dma_start3A_1341] : memref<1000000x16xf32, #tpu.memory_space<hbm>> -> memref<496x16xf32, #tpu.memory_space<hbm>>
    tpu.enqueue_dma source(%dma_start3A_1342 : memref<496x16xf32, #tpu.memory_space<hbm>>) target(%arg5 : memref<496x16xf32, #tpu.memory_space<vmem>>) target_semaphore(%arg7 : memref<!tpu.dma_semaphore, #tpu.memory_space<semaphore_mem>>)
    %dma_wait3A_1343 = arith.constant 0 : i32
    %dma_wait3A_1344 = tpu.memref_slice %arg2[%multiple_of3A_398, %dma_wait3A_1343] : memref<1000000x16xf32, #tpu.memory_space<hbm>> -> memref<496x16xf32, #tpu.memory_space<hbm>>
    %dma_wait3A_1345 = arith.constant 0 : i32
    %dma_wait3A_1346 = tpu.memref_slice %arg2[%multiple_of3A_398, %dma_wait3A_1345] : memref<1000000x16xf32, #tpu.memory_space<hbm>> -> memref<496x16xf32, #tpu.memory_space<hbm>>
    tpu.wait_dma2 semaphore(%arg6 : memref<!tpu.dma_semaphore, #tpu.memory_space<semaphore_mem>>) src(%dma_wait3A_1346 : memref<496x16xf32, #tpu.memory_space<hbm>>) dst(%arg4 : memref<496x16xf32, #tpu.memory_space<vmem>>)
    %dma_start3A_1347 = arith.constant 0 : i32
    %dma_start3A_1348 = tpu.memref_slice %arg3[%multiple_of3A_398, %dma_start3A_1347] : memref<1000000x16xf32, #tpu.memory_space<hbm>> -> memref<496x16xf32, #tpu.memory_space<hbm>>
    %dma_start3A_1349 = arith.constant 0 : i32
    %dma_start3A_1350 = tpu.memref_slice %arg3[%multiple_of3A_398, %dma_start3A_1349] : memref<1000000x16xf32, #tpu.memory_space<hbm>> -> memref<496x16xf32, #tpu.memory_space<hbm>>
    tpu.enqueue_dma source(%arg4 : memref<496x16xf32, #tpu.memory_space<vmem>>) target(%dma_start3A_1350 : memref<496x16xf32, #tpu.memory_space<hbm>>) target_semaphore(%arg8 : memref<!tpu.dma_semaphore, #tpu.memory_space<semaphore_mem>>)
    %dma_wait3A_1351 = arith.constant 0 : i32
    %dma_wait3A_1352 = tpu.memref_slice %arg3[%multiple_of3A_398, %dma_wait3A_1351] : memref<1000000x16xf32, #tpu.memory_space<hbm>> -> memref<496x16xf32, #tpu.memory_space<hbm>>
    %dma_wait3A_1353 = arith.constant 0 : i32
    %dma_wait3A_1354 = tpu.memref_slice %arg3[%multiple_of3A_398, %dma_wait3A_1353] : memref<1000000x16xf32, #tpu.memory_space<hbm>> -> memref<496x16xf32, #tpu.memory_space<hbm>>
    tpu.wait_dma2 semaphore(%arg8 : memref<!tpu.dma_semaphore, #tpu.memory_space<semaphore_mem>>) src(%arg4 : memref<496x16xf32, #tpu.memory_space<vmem>>) dst(%dma_wait3A_1354 : memref<496x16xf32, #tpu.memory_space<hbm>>)
    %dma_start3A_1355 = arith.constant 0 : i32
    %dma_start3A_1356 = tpu.memref_slice %arg2[%multiple_of3A_412, %dma_start3A_1355] : memref<1000000x16xf32, #tpu.memory_space<hbm>> -> memref<496x16xf32, #tpu.memory_space<hbm>>
    %dma_start3A_1357 = arith.constant 0 : i32
    %dma_start3A_1358 = tpu.memref_slice %arg2[%multiple_of3A_412, %dma_start3A_1357] : memref<1000000x16xf32, #tpu.memory_space<hbm>> -> memref<496x16xf32, #tpu.memory_space<hbm>>
    tpu.enqueue_dma source(%dma_start3A_1358 : memref<496x16xf32, #tpu.memory_space<hbm>>) target(%arg4 : memref<496x16xf32, #tpu.memory_space<vmem>>) target_semaphore(%arg6 : memref<!tpu.dma_semaphore, #tpu.memory_space<semaphore_mem>>)
    %dma_wait3A_1359 = arith.constant 0 : i32
    %dma_wait3A_1360 = tpu.memref_slice %arg2[%multiple_of3A_405, %dma_wait3A_1359] : memref<1000000x16xf32, #tpu.memory_space<hbm>> -> memref<496x16xf32, #tpu.memory_space<hbm>>
    %dma_wait3A_1361 = arith.constant 0 : i32
    %dma_wait3A_1362 = tpu.memref_slice %arg2[%multiple_of3A_405, %dma_wait3A_1361] : memref<1000000x16xf32, #tpu.memory_space<hbm>> -> memref<496x16xf32, #tpu.memory_space<hbm>>
    tpu.wait_dma2 semaphore(%arg7 : memref<!tpu.dma_semaphore, #tpu.memory_space<semaphore_mem>>) src(%dma_wait3A_1362 : memref<496x16xf32, #tpu.memory_space<hbm>>) dst(%arg5 : memref<496x16xf32, #tpu.memory_space<vmem>>)
    %dma_start3A_1363 = arith.constant 0 : i32
    %dma_start3A_1364 = tpu.memref_slice %arg3[%multiple_of3A_405, %dma_start3A_1363] : memref<1000000x16xf32, #tpu.memory_space<hbm>> -> memref<496x16xf32, #tpu.memory_space<hbm>>
    %dma_start3A_1365 = arith.constant 0 : i32
    %dma_start3A_1366 = tpu.memref_slice %arg3[%multiple_of3A_405, %dma_start3A_1365] : memref<1000000x16xf32, #tpu.memory_space<hbm>> -> memref<496x16xf32, #tpu.memory_space<hbm>>
    tpu.enqueue_dma source(%arg5 : memref<496x16xf32, #tpu.memory_space<vmem>>) target(%dma_start3A_1366 : memref<496x16xf32, #tpu.memory_space<hbm>>) target_semaphore(%arg9 : memref<!tpu.dma_semaphore, #tpu.memory_space<semaphore_mem>>)
    %dma_wait3A_1367 = arith.constant 0 : i32
    %dma_wait3A_1368 = tpu.memref_slice %arg3[%multiple_of3A_405, %dma_wait3A_1367] : memref<1000000x16xf32, #tpu.memory_space<hbm>> -> memref<496x16xf32, #tpu.memory_space<hbm>>
    %dma_wait3A_1369 = arith.constant 0 : i32
    %dma_wait3A_1370 = tpu.memref_slice %arg3[%multiple_of3A_405, %dma_wait3A_1369] : memref<1000000x16xf32, #tpu.memory_space<hbm>> -> memref<496x16xf32, #tpu.memory_space<hbm>>
    tpu.wait_dma2 semaphore(%arg9 : memref<!tpu.dma_semaphore, #tpu.memory_space<semaphore_mem>>) src(%arg5 : memref<496x16xf32, #tpu.memory_space<vmem>>) dst(%dma_wait3A_1370 : memref<496x16xf32, #tpu.memory_space<hbm>>)
    %dma_start3A_1371 = arith.constant 0 : i32
    %dma_start3A_1372 = tpu.memref_slice %arg2[%multiple_of3A_419, %dma_start3A_1371] : memref<1000000x16xf32, #tpu.memory_space<hbm>> -> memref<496x16xf32, #tpu.memory_space<hbm>>
    %dma_start3A_1373 = arith.constant 0 : i32
    %dma_start3A_1374 = tpu.memref_slice %arg2[%multiple_of3A_419, %dma_start3A_1373] : memref<1000000x16xf32, #tpu.memory_space<hbm>> -> memref<496x16xf32, #tpu.memory_space<hbm>>
    tpu.enqueue_dma source(%dma_start3A_1374 : memref<496x16xf32, #tpu.memory_space<hbm>>) target(%arg5 : memref<496x16xf32, #tpu.memory_space<vmem>>) target_semaphore(%arg7 : memref<!tpu.dma_semaphore, #tpu.memory_space<semaphore_mem>>)
    %dma_wait3A_1375 = arith.constant 0 : i32
    %dma_wait3A_1376 = tpu.memref_slice %arg2[%multiple_of3A_412, %dma_wait3A_1375] : memref<1000000x16xf32, #tpu.memory_space<hbm>> -> memref<496x16xf32, #tpu.memory_space<hbm>>
    %dma_wait3A_1377 = arith.constant 0 : i32
    %dma_wait3A_1378 = tpu.memref_slice %arg2[%multiple_of3A_412, %dma_wait3A_1377] : memref<1000000x16xf32, #tpu.memory_space<hbm>> -> memref<496x16xf32, #tpu.memory_space<hbm>>
    tpu.wait_dma2 semaphore(%arg6 : memref<!tpu.dma_semaphore, #tpu.memory_space<semaphore_mem>>) src(%dma_wait3A_1378 : memref<496x16xf32, #tpu.memory_space<hbm>>) dst(%arg4 : memref<496x16xf32, #tpu.memory_space<vmem>>)
    %dma_start3A_1379 = arith.constant 0 : i32
    %dma_start3A_1380 = tpu.memref_slice %arg3[%multiple_of3A_412, %dma_start3A_1379] : memref<1000000x16xf32, #tpu.memory_space<hbm>> -> memref<496x16xf32, #tpu.memory_space<hbm>>
    %dma_start3A_1381 = arith.constant 0 : i32
    %dma_start3A_1382 = tpu.memref_slice %arg3[%multiple_of3A_412, %dma_start3A_1381] : memref<1000000x16xf32, #tpu.memory_space<hbm>> -> memref<496x16xf32, #tpu.memory_space<hbm>>
    tpu.enqueue_dma source(%arg4 : memref<496x16xf32, #tpu.memory_space<vmem>>) target(%dma_start3A_1382 : memref<496x16xf32, #tpu.memory_space<hbm>>) target_semaphore(%arg8 : memref<!tpu.dma_semaphore, #tpu.memory_space<semaphore_mem>>)
    %dma_wait3A_1383 = arith.constant 0 : i32
    %dma_wait3A_1384 = tpu.memref_slice %arg3[%multiple_of3A_412, %dma_wait3A_1383] : memref<1000000x16xf32, #tpu.memory_space<hbm>> -> memref<496x16xf32, #tpu.memory_space<hbm>>
    %dma_wait3A_1385 = arith.constant 0 : i32
    %dma_wait3A_1386 = tpu.memref_slice %arg3[%multiple_of3A_412, %dma_wait3A_1385] : memref<1000000x16xf32, #tpu.memory_space<hbm>> -> memref<496x16xf32, #tpu.memory_space<hbm>>
    tpu.wait_dma2 semaphore(%arg8 : memref<!tpu.dma_semaphore, #tpu.memory_space<semaphore_mem>>) src(%arg4 : memref<496x16xf32, #tpu.memory_space<vmem>>) dst(%dma_wait3A_1386 : memref<496x16xf32, #tpu.memory_space<hbm>>)
    %dma_start3A_1387 = arith.constant 0 : i32
    %dma_start3A_1388 = tpu.memref_slice %arg2[%multiple_of3A_426, %dma_start3A_1387] : memref<1000000x16xf32, #tpu.memory_space<hbm>> -> memref<496x16xf32, #tpu.memory_space<hbm>>
    %dma_start3A_1389 = arith.constant 0 : i32
    %dma_start3A_1390 = tpu.memref_slice %arg2[%multiple_of3A_426, %dma_start3A_1389] : memref<1000000x16xf32, #tpu.memory_space<hbm>> -> memref<496x16xf32, #tpu.memory_space<hbm>>
    tpu.enqueue_dma source(%dma_start3A_1390 : memref<496x16xf32, #tpu.memory_space<hbm>>) target(%arg4 : memref<496x16xf32, #tpu.memory_space<vmem>>) target_semaphore(%arg6 : memref<!tpu.dma_semaphore, #tpu.memory_space<semaphore_mem>>)
    %dma_wait3A_1391 = arith.constant 0 : i32
    %dma_wait3A_1392 = tpu.memref_slice %arg2[%multiple_of3A_419, %dma_wait3A_1391] : memref<1000000x16xf32, #tpu.memory_space<hbm>> -> memref<496x16xf32, #tpu.memory_space<hbm>>
    %dma_wait3A_1393 = arith.constant 0 : i32
    %dma_wait3A_1394 = tpu.memref_slice %arg2[%multiple_of3A_419, %dma_wait3A_1393] : memref<1000000x16xf32, #tpu.memory_space<hbm>> -> memref<496x16xf32, #tpu.memory_space<hbm>>
    tpu.wait_dma2 semaphore(%arg7 : memref<!tpu.dma_semaphore, #tpu.memory_space<semaphore_mem>>) src(%dma_wait3A_1394 : memref<496x16xf32, #tpu.memory_space<hbm>>) dst(%arg5 : memref<496x16xf32, #tpu.memory_space<vmem>>)
    %dma_start3A_1395 = arith.constant 0 : i32
    %dma_start3A_1396 = tpu.memref_slice %arg3[%multiple_of3A_419, %dma_start3A_1395] : memref<1000000x16xf32, #tpu.memory_space<hbm>> -> memref<496x16xf32, #tpu.memory_space<hbm>>
    %dma_start3A_1397 = arith.constant 0 : i32
    %dma_start3A_1398 = tpu.memref_slice %arg3[%multiple_of3A_419, %dma_start3A_1397] : memref<1000000x16xf32, #tpu.memory_space<hbm>> -> memref<496x16xf32, #tpu.memory_space<hbm>>
    tpu.enqueue_dma source(%arg5 : memref<496x16xf32, #tpu.memory_space<vmem>>) target(%dma_start3A_1398 : memref<496x16xf32, #tpu.memory_space<hbm>>) target_semaphore(%arg9 : memref<!tpu.dma_semaphore, #tpu.memory_space<semaphore_mem>>)
    %dma_wait3A_1399 = arith.constant 0 : i32
    %dma_wait3A_1400 = tpu.memref_slice %arg3[%multiple_of3A_419, %dma_wait3A_1399] : memref<1000000x16xf32, #tpu.memory_space<hbm>> -> memref<496x16xf32, #tpu.memory_space<hbm>>
    %dma_wait3A_1401 = arith.constant 0 : i32
    %dma_wait3A_1402 = tpu.memref_slice %arg3[%multiple_of3A_419, %dma_wait3A_1401] : memref<1000000x16xf32, #tpu.memory_space<hbm>> -> memref<496x16xf32, #tpu.memory_space<hbm>>
    tpu.wait_dma2 semaphore(%arg9 : memref<!tpu.dma_semaphore, #tpu.memory_space<semaphore_mem>>) src(%arg5 : memref<496x16xf32, #tpu.memory_space<vmem>>) dst(%dma_wait3A_1402 : memref<496x16xf32, #tpu.memory_space<hbm>>)
    %dma_start3A_1403 = arith.constant 0 : i32
    %dma_start3A_1404 = tpu.memref_slice %arg2[%multiple_of3A_433, %dma_start3A_1403] : memref<1000000x16xf32, #tpu.memory_space<hbm>> -> memref<496x16xf32, #tpu.memory_space<hbm>>
    %dma_start3A_1405 = arith.constant 0 : i32
    %dma_start3A_1406 = tpu.memref_slice %arg2[%multiple_of3A_433, %dma_start3A_1405] : memref<1000000x16xf32, #tpu.memory_space<hbm>> -> memref<496x16xf32, #tpu.memory_space<hbm>>
    tpu.enqueue_dma source(%dma_start3A_1406 : memref<496x16xf32, #tpu.memory_space<hbm>>) target(%arg5 : memref<496x16xf32, #tpu.memory_space<vmem>>) target_semaphore(%arg7 : memref<!tpu.dma_semaphore, #tpu.memory_space<semaphore_mem>>)
    %dma_wait3A_1407 = arith.constant 0 : i32
    %dma_wait3A_1408 = tpu.memref_slice %arg2[%multiple_of3A_426, %dma_wait3A_1407] : memref<1000000x16xf32, #tpu.memory_space<hbm>> -> memref<496x16xf32, #tpu.memory_space<hbm>>
    %dma_wait3A_1409 = arith.constant 0 : i32
    %dma_wait3A_1410 = tpu.memref_slice %arg2[%multiple_of3A_426, %dma_wait3A_1409] : memref<1000000x16xf32, #tpu.memory_space<hbm>> -> memref<496x16xf32, #tpu.memory_space<hbm>>
    tpu.wait_dma2 semaphore(%arg6 : memref<!tpu.dma_semaphore, #tpu.memory_space<semaphore_mem>>) src(%dma_wait3A_1410 : memref<496x16xf32, #tpu.memory_space<hbm>>) dst(%arg4 : memref<496x16xf32, #tpu.memory_space<vmem>>)
    %dma_start3A_1411 = arith.constant 0 : i32
    %dma_start3A_1412 = tpu.memref_slice %arg3[%multiple_of3A_426, %dma_start3A_1411] : memref<1000000x16xf32, #tpu.memory_space<hbm>> -> memref<496x16xf32, #tpu.memory_space<hbm>>
    %dma_start3A_1413 = arith.constant 0 : i32
    %dma_start3A_1414 = tpu.memref_slice %arg3[%multiple_of3A_426, %dma_start3A_1413] : memref<1000000x16xf32, #tpu.memory_space<hbm>> -> memref<496x16xf32, #tpu.memory_space<hbm>>
    tpu.enqueue_dma source(%arg4 : memref<496x16xf32, #tpu.memory_space<vmem>>) target(%dma_start3A_1414 : memref<496x16xf32, #tpu.memory_space<hbm>>) target_semaphore(%arg8 : memref<!tpu.dma_semaphore, #tpu.memory_space<semaphore_mem>>)
    %dma_wait3A_1415 = arith.constant 0 : i32
    %dma_wait3A_1416 = tpu.memref_slice %arg3[%multiple_of3A_426, %dma_wait3A_1415] : memref<1000000x16xf32, #tpu.memory_space<hbm>> -> memref<496x16xf32, #tpu.memory_space<hbm>>
    %dma_wait3A_1417 = arith.constant 0 : i32
    %dma_wait3A_1418 = tpu.memref_slice %arg3[%multiple_of3A_426, %dma_wait3A_1417] : memref<1000000x16xf32, #tpu.memory_space<hbm>> -> memref<496x16xf32, #tpu.memory_space<hbm>>
    tpu.wait_dma2 semaphore(%arg8 : memref<!tpu.dma_semaphore, #tpu.memory_space<semaphore_mem>>) src(%arg4 : memref<496x16xf32, #tpu.memory_space<vmem>>) dst(%dma_wait3A_1418 : memref<496x16xf32, #tpu.memory_space<hbm>>)
    %dma_start3A_1419 = arith.constant 0 : i32
    %dma_start3A_1420 = tpu.memref_slice %arg2[%multiple_of3A_440, %dma_start3A_1419] : memref<1000000x16xf32, #tpu.memory_space<hbm>> -> memref<496x16xf32, #tpu.memory_space<hbm>>
    %dma_start3A_1421 = arith.constant 0 : i32
    %dma_start3A_1422 = tpu.memref_slice %arg2[%multiple_of3A_440, %dma_start3A_1421] : memref<1000000x16xf32, #tpu.memory_space<hbm>> -> memref<496x16xf32, #tpu.memory_space<hbm>>
    tpu.enqueue_dma source(%dma_start3A_1422 : memref<496x16xf32, #tpu.memory_space<hbm>>) target(%arg4 : memref<496x16xf32, #tpu.memory_space<vmem>>) target_semaphore(%arg6 : memref<!tpu.dma_semaphore, #tpu.memory_space<semaphore_mem>>)
    %dma_wait3A_1423 = arith.constant 0 : i32
    %dma_wait3A_1424 = tpu.memref_slice %arg2[%multiple_of3A_433, %dma_wait3A_1423] : memref<1000000x16xf32, #tpu.memory_space<hbm>> -> memref<496x16xf32, #tpu.memory_space<hbm>>
    %dma_wait3A_1425 = arith.constant 0 : i32
    %dma_wait3A_1426 = tpu.memref_slice %arg2[%multiple_of3A_433, %dma_wait3A_1425] : memref<1000000x16xf32, #tpu.memory_space<hbm>> -> memref<496x16xf32, #tpu.memory_space<hbm>>
    tpu.wait_dma2 semaphore(%arg7 : memref<!tpu.dma_semaphore, #tpu.memory_space<semaphore_mem>>) src(%dma_wait3A_1426 : memref<496x16xf32, #tpu.memory_space<hbm>>) dst(%arg5 : memref<496x16xf32, #tpu.memory_space<vmem>>)
    %dma_start3A_1427 = arith.constant 0 : i32
    %dma_start3A_1428 = tpu.memref_slice %arg3[%multiple_of3A_433, %dma_start3A_1427] : memref<1000000x16xf32, #tpu.memory_space<hbm>> -> memref<496x16xf32, #tpu.memory_space<hbm>>
    %dma_start3A_1429 = arith.constant 0 : i32
    %dma_start3A_1430 = tpu.memref_slice %arg3[%multiple_of3A_433, %dma_start3A_1429] : memref<1000000x16xf32, #tpu.memory_space<hbm>> -> memref<496x16xf32, #tpu.memory_space<hbm>>
    tpu.enqueue_dma source(%arg5 : memref<496x16xf32, #tpu.memory_space<vmem>>) target(%dma_start3A_1430 : memref<496x16xf32, #tpu.memory_space<hbm>>) target_semaphore(%arg9 : memref<!tpu.dma_semaphore, #tpu.memory_space<semaphore_mem>>)
    %dma_wait3A_1431 = arith.constant 0 : i32
    %dma_wait3A_1432 = tpu.memref_slice %arg2[%multiple_of3A_440, %dma_wait3A_1431] : memref<1000000x16xf32, #tpu.memory_space<hbm>> -> memref<496x16xf32, #tpu.memory_space<hbm>>
    %dma_wait3A_1433 = arith.constant 0 : i32
    %dma_wait3A_1434 = tpu.memref_slice %arg2[%multiple_of3A_440, %dma_wait3A_1433] : memref<1000000x16xf32, #tpu.memory_space<hbm>> -> memref<496x16xf32, #tpu.memory_space<hbm>>
    tpu.wait_dma2 semaphore(%arg6 : memref<!tpu.dma_semaphore, #tpu.memory_space<semaphore_mem>>) src(%dma_wait3A_1434 : memref<496x16xf32, #tpu.memory_space<hbm>>) dst(%arg4 : memref<496x16xf32, #tpu.memory_space<vmem>>)
    %dma_start3A_1435 = arith.constant 0 : i32
    %dma_start3A_1436 = tpu.memref_slice %arg3[%multiple_of3A_440, %dma_start3A_1435] : memref<1000000x16xf32, #tpu.memory_space<hbm>> -> memref<496x16xf32, #tpu.memory_space<hbm>>
    %dma_start3A_1437 = arith.constant 0 : i32
    %dma_start3A_1438 = tpu.memref_slice %arg3[%multiple_of3A_440, %dma_start3A_1437] : memref<1000000x16xf32, #tpu.memory_space<hbm>> -> memref<496x16xf32, #tpu.memory_space<hbm>>
    tpu.enqueue_dma source(%arg4 : memref<496x16xf32, #tpu.memory_space<vmem>>) target(%dma_start3A_1438 : memref<496x16xf32, #tpu.memory_space<hbm>>) target_semaphore(%arg8 : memref<!tpu.dma_semaphore, #tpu.memory_space<semaphore_mem>>)
    %dma_wait3A_1439 = arith.constant 0 : i32
    %dma_wait3A_1440 = tpu.memref_slice %arg3[%multiple_of3A_433, %dma_wait3A_1439] : memref<1000000x16xf32, #tpu.memory_space<hbm>> -> memref<496x16xf32, #tpu.memory_space<hbm>>
    %dma_wait3A_1441 = arith.constant 0 : i32
    %dma_wait3A_1442 = tpu.memref_slice %arg3[%multiple_of3A_433, %dma_wait3A_1441] : memref<1000000x16xf32, #tpu.memory_space<hbm>> -> memref<496x16xf32, #tpu.memory_space<hbm>>
    tpu.wait_dma2 semaphore(%arg9 : memref<!tpu.dma_semaphore, #tpu.memory_space<semaphore_mem>>) src(%arg5 : memref<496x16xf32, #tpu.memory_space<vmem>>) dst(%dma_wait3A_1442 : memref<496x16xf32, #tpu.memory_space<hbm>>)
    %dma_wait3A_1443 = arith.constant 0 : i32
    %dma_wait3A_1444 = tpu.memref_slice %arg3[%multiple_of3A_440, %dma_wait3A_1443] : memref<1000000x16xf32, #tpu.memory_space<hbm>> -> memref<496x16xf32, #tpu.memory_space<hbm>>
    %dma_wait3A_1445 = arith.constant 0 : i32
    %dma_wait3A_1446 = tpu.memref_slice %arg3[%multiple_of3A_440, %dma_wait3A_1445] : memref<1000000x16xf32, #tpu.memory_space<hbm>> -> memref<496x16xf32, #tpu.memory_space<hbm>>
    tpu.wait_dma2 semaphore(%arg8 : memref<!tpu.dma_semaphore, #tpu.memory_space<semaphore_mem>>) src(%arg4 : memref<496x16xf32, #tpu.memory_space<vmem>>) dst(%dma_wait3A_1446 : memref<496x16xf32, #tpu.memory_space<hbm>>)
    %eq3A = arith.constant 0 : i32
    %eq3A_1447 = arith.cmpi eq, %add3A, %eq3A : i32
    %convert_element_type3A = arith.extui %eq3A_1447 : i1 to i32
    %cond3A = arith.constant 0 : i32
    %cond3A_1448 = arith.cmpi ne, %convert_element_type3A, %cond3A : i32
    scf.if %cond3A_1448 {
      %dma_start3A_1449 = arith.constant 0 : i32
      %dma_start3A_1450 = arith.constant 0 : i32
      %dma_start3A_1451 = tpu.memref_slice %arg4[%dma_start3A_1449, %dma_start3A_1450] : memref<496x16xf32, #tpu.memory_space<vmem>> -> memref<64x16xf32, #tpu.memory_space<vmem>>
      %dma_start3A_1452 = arith.constant 999936 : i32
      %dma_start3A_1453 = arith.constant 0 : i32
      %dma_start3A_1454 = tpu.memref_slice %arg2[%dma_start3A_1452, %dma_start3A_1453] : memref<1000000x16xf32, #tpu.memory_space<hbm>> -> memref<64x16xf32, #tpu.memory_space<hbm>>
      %dma_start3A_1455 = arith.constant 0 : i32
      %dma_start3A_1456 = arith.constant 0 : i32
      %dma_start3A_1457 = tpu.memref_slice %arg4[%dma_start3A_1455, %dma_start3A_1456] : memref<496x16xf32, #tpu.memory_space<vmem>> -> memref<64x16xf32, #tpu.memory_space<vmem>>
      %dma_start3A_1458 = arith.constant 999936 : i32
      %dma_start3A_1459 = arith.constant 0 : i32
      %dma_start3A_1460 = tpu.memref_slice %arg2[%dma_start3A_1458, %dma_start3A_1459] : memref<1000000x16xf32, #tpu.memory_space<hbm>> -> memref<64x16xf32, #tpu.memory_space<hbm>>
      tpu.enqueue_dma source(%dma_start3A_1460 : memref<64x16xf32, #tpu.memory_space<hbm>>) target(%dma_start3A_1457 : memref<64x16xf32, #tpu.memory_space<vmem>>) target_semaphore(%arg6 : memref<!tpu.dma_semaphore, #tpu.memory_space<semaphore_mem>>)
      %dma_wait3A_1461 = arith.constant 0 : i32
      %dma_wait3A_1462 = arith.constant 0 : i32
      %dma_wait3A_1463 = tpu.memref_slice %arg4[%dma_wait3A_1461, %dma_wait3A_1462] : memref<496x16xf32, #tpu.memory_space<vmem>> -> memref<64x16xf32, #tpu.memory_space<vmem>>
      %dma_wait3A_1464 = arith.constant 999936 : i32
      %dma_wait3A_1465 = arith.constant 0 : i32
      %dma_wait3A_1466 = tpu.memref_slice %arg2[%dma_wait3A_1464, %dma_wait3A_1465] : memref<1000000x16xf32, #tpu.memory_space<hbm>> -> memref<64x16xf32, #tpu.memory_space<hbm>>
      %dma_wait3A_1467 = arith.constant 0 : i32
      %dma_wait3A_1468 = arith.constant 0 : i32
      %dma_wait3A_1469 = tpu.memref_slice %arg4[%dma_wait3A_1467, %dma_wait3A_1468] : memref<496x16xf32, #tpu.memory_space<vmem>> -> memref<64x16xf32, #tpu.memory_space<vmem>>
      %dma_wait3A_1470 = arith.constant 999936 : i32
      %dma_wait3A_1471 = arith.constant 0 : i32
      %dma_wait3A_1472 = tpu.memref_slice %arg2[%dma_wait3A_1470, %dma_wait3A_1471] : memref<1000000x16xf32, #tpu.memory_space<hbm>> -> memref<64x16xf32, #tpu.memory_space<hbm>>
      tpu.wait_dma2 semaphore(%arg6 : memref<!tpu.dma_semaphore, #tpu.memory_space<semaphore_mem>>) src(%dma_wait3A_1472 : memref<64x16xf32, #tpu.memory_space<hbm>>) dst(%dma_wait3A_1469 : memref<64x16xf32, #tpu.memory_space<vmem>>)
      %dma_start3A_1473 = arith.constant 0 : i32
      %dma_start3A_1474 = arith.constant 0 : i32
      %dma_start3A_1475 = tpu.memref_slice %arg4[%dma_start3A_1473, %dma_start3A_1474] : memref<496x16xf32, #tpu.memory_space<vmem>> -> memref<64x16xf32, #tpu.memory_space<vmem>>
      %dma_start3A_1476 = arith.constant 999936 : i32
      %dma_start3A_1477 = arith.constant 0 : i32
      %dma_start3A_1478 = tpu.memref_slice %arg3[%dma_start3A_1476, %dma_start3A_1477] : memref<1000000x16xf32, #tpu.memory_space<hbm>> -> memref<64x16xf32, #tpu.memory_space<hbm>>
      %dma_start3A_1479 = arith.constant 999936 : i32
      %dma_start3A_1480 = arith.constant 0 : i32
      %dma_start3A_1481 = tpu.memref_slice %arg3[%dma_start3A_1479, %dma_start3A_1480] : memref<1000000x16xf32, #tpu.memory_space<hbm>> -> memref<64x16xf32, #tpu.memory_space<hbm>>
      %dma_start3A_1482 = arith.constant 0 : i32
      %dma_start3A_1483 = arith.constant 0 : i32
      %dma_start3A_1484 = tpu.memref_slice %arg4[%dma_start3A_1482, %dma_start3A_1483] : memref<496x16xf32, #tpu.memory_space<vmem>> -> memref<64x16xf32, #tpu.memory_space<vmem>>
      tpu.enqueue_dma source(%dma_start3A_1484 : memref<64x16xf32, #tpu.memory_space<vmem>>) target(%dma_start3A_1481 : memref<64x16xf32, #tpu.memory_space<hbm>>) target_semaphore(%arg8 : memref<!tpu.dma_semaphore, #tpu.memory_space<semaphore_mem>>)
      %dma_wait3A_1485 = arith.constant 0 : i32
      %dma_wait3A_1486 = arith.constant 0 : i32
      %dma_wait3A_1487 = tpu.memref_slice %arg4[%dma_wait3A_1485, %dma_wait3A_1486] : memref<496x16xf32, #tpu.memory_space<vmem>> -> memref<64x16xf32, #tpu.memory_space<vmem>>
      %dma_wait3A_1488 = arith.constant 999936 : i32
      %dma_wait3A_1489 = arith.constant 0 : i32
      %dma_wait3A_1490 = tpu.memref_slice %arg3[%dma_wait3A_1488, %dma_wait3A_1489] : memref<1000000x16xf32, #tpu.memory_space<hbm>> -> memref<64x16xf32, #tpu.memory_space<hbm>>
      %dma_wait3A_1491 = arith.constant 999936 : i32
      %dma_wait3A_1492 = arith.constant 0 : i32
      %dma_wait3A_1493 = tpu.memref_slice %arg3[%dma_wait3A_1491, %dma_wait3A_1492] : memref<1000000x16xf32, #tpu.memory_space<hbm>> -> memref<64x16xf32, #tpu.memory_space<hbm>>
      %dma_wait3A_1494 = arith.constant 0 : i32
      %dma_wait3A_1495 = arith.constant 0 : i32
      %dma_wait3A_1496 = tpu.memref_slice %arg4[%dma_wait3A_1494, %dma_wait3A_1495] : memref<496x16xf32, #tpu.memory_space<vmem>> -> memref<64x16xf32, #tpu.memory_space<vmem>>
      tpu.wait_dma2 semaphore(%arg8 : memref<!tpu.dma_semaphore, #tpu.memory_space<semaphore_mem>>) src(%dma_wait3A_1496 : memref<64x16xf32, #tpu.memory_space<vmem>>) dst(%dma_wait3A_1493 : memref<64x16xf32, #tpu.memory_space<hbm>>)
    } else {
    }
    return
  }
}

</mosaic_0001>

<sc_bundles>
// kernel: kernel.3.cloned.1.call-start
scs
__scs_entry_jumppad:
0x0: {  	(pc) =	sbr.rel $0x88, $3  }
0x1: {  	(tag) =	ssettag $0x0;
	lr =	simm.s32 $0x1  }
0x2: {  	[smem:$0x3FA0] =	sst lr;
	_ =	strace $0xD0000000  }
0x3: {  	_ = 	snop  }
0x4: {  	_ = 	snop  }
0x5: {  	_ = 	snop  }
0x6: {  	_ = 	snop  }
0x7: {  	_ = 	snop  }
__scs_overlays_trampoline_lowered:
0x8: {  	[smem:$0x3FAF] =	sst s0  }
0x9: {  	[smem:$0x3FB0] =	sst s1  }
0xa: {  	[smem:$0x3FB1] =	sst s2  }
0xb: {  	[smem:$0x3FB2] =	sst s3  }
0xc: {  	[smem:$0x3FB3] =	sst s4  }
0xd: {  	[smem:$0x3FB4] =	sst s5  }
0xe: {  	[smem:$0x3FB5] =	sst s6  }
0xf: {  	[smem:$0x3FB6] =	sst s7  }
0x10: {  	[smem:$0x3FB7] =	sst s8  }
0x11: {  	[smem:$0x3FB8] =	sst s9;
	s0 =	simm.s32 @!p0 $0x0  }
0x12: {  	s1 =	sld [smem:$0x3F9E];
	s0 =	simm.s32 @p0 $0x1  }
0x13: {  	[smem:$0x3FB9] =	sst s0;
	s0 =	simm.s32 @!p1 $0x0  }
0x14: {  	s2 =	sld [smem:$0x3F9D];
	s0 =	simm.s32 @p1 $0x1  }
0x15: {  	[smem:$0x3FBA] =	sst s0;
	s0 =	simm.s32 @!p2 $0x0  }
0x16: {  	s3 =	sld [smem:$0x3FDB];
	s0 =	simm.s32 @p2 $0x1  }
0x17: {  	s4 =	simm.s32 $0x1BF5;
	[smem:$0x3FBC] =	sst s0  }
0x18: {  	s0 =	sld [smem:$0x3F9F];
	_ =	swait.ge [sflag:s4], $0x0  }
0x19: {  	s7 =	sld [smem:$0x3FA0]  }
0x1a: {  	s8 =	sadd.s32 $0xFFFFE003, lr  }
0x1b: {  	s9 =	sadd.s32 $0xFFFFFEF7, lr;
	s5 =	simm.s32 $0xFFFFFFFF;
	p2 =	slt.u32 s8, $0xFFFFF086  }
0x1c: {  	p1 =	slt.u32 s9, $0xF7A;
	s5 =	simm.s32 @!p2 $0x0  }
0x1d: {  	s5 =	simm.s32 @p1 $0x1;
	p0 =	seq.s32 s7, s2  }
0x1e: {  	s7 =	smul.u32 @!p0 $0xF7A, s2;
	p2 =	seq.s32 @!p0 s5, $0x0  }
0x1f: {  	s9 =	smul.u32 $0xF7A, s1;
	s8 =	simm.s32 @!p0 $0x1BF5;
	p2 =	por !p2, p0  }
0x20: {  	[sflag:s8] =	ssyncset.s32 @!p0 $0xFFFFF086;
	s6 =	sadd.s32 @!p0 s3, s7;
	s7 =	simm.s32 @!p0 $0x108  }
0x21: {  	s3 =	sadd.s32 s3, s9;
	s6 =	sadd.s32 @!p0 $0x88, s6;
	s7 =	simm.s32 @p2 $0x1082  }
0x22: {  	[simem:s7], [sflag:s8] =	dma.local @!p0 [hbm:s6], $0xF7A  }
0x23: {  	s9 =	sor.u32 $0xD0000000, s2;
	s6 =	simm.s32 $0x108;
	_ =	swait.ge @!p0 [sflag:s8], $0x0  }
0x24: {  	s3 =	sadd.s32 $0x88, s3;
	s6 =	simm.s32 @!p1 $0x1082;
	[sflag:s4] =	ssyncset.s32 $0xFFFFF086  }
0x25: {  	[simem:s6], [sflag:s4] =	dma.local [hbm:s3], $0xF7A  }
0x26: {  	[smem:$0x3FA0] =	sst s1;
	(tag) =	ssettag s2;
	_ =	strace s9  }
0x27: {  	s1 =	sld [smem:$0x3FB0]  }
0x28: {  	s2 =	sld [smem:$0x3FB1]  }
0x29: {  	s4 =	sld [smem:$0x3FB3]  }
0x2a: {  	p0 =	seq.s32 s5, $0x0;
	s5 =	sld [smem:$0x3FB4]  }
0x2b: {  	s6 =	sld [smem:$0x3FB5]  }
0x2c: {  	s7 =	sld [smem:$0x3FB6]  }
0x2d: {  	s3 =	simm.s32 $0x108;
	s8 =	sld [smem:$0x3FB7]  }
0x2e: {  	s3 =	simm.s32 @!p0 $0x1082;
	s9 =	sld [smem:$0x3FB8]  }
0x2f: {  	lr =	sadd.s32 s0, s3;
	s0 =	sld [smem:$0x3FAF]  }
0x30: {  	s3 =	sld [smem:$0x3FB2]  }
0x31: {  	[smem:$0x3FBB] =	sst s10  }
0x32: {  	s10 =	sld [smem:$0x3FB9];
	_ =	sdelay $0x3  }
0x33: {  	p0 =	seq.s32 s10, $0x1;
	s10 =	sld [smem:$0x3FBB];
	_ =	sdelay $0x3  }
0x34: {  	[smem:$0x3FBB] =	sst s10  }
0x35: {  	s10 =	sld [smem:$0x3FBA];
	_ =	sdelay $0x3  }
0x36: {  	p1 =	seq.s32 s10, $0x1;
	s10 =	sld [smem:$0x3FBB];
	_ =	sdelay $0x3  }
0x37: {  	[smem:$0x3FBB] =	sst s10  }
0x38: {  	s10 =	sld [smem:$0x3FBC]  }
0x39: {  	_ = 	snop;
	(pc) =	sbr.ind lr, $3  }
0x3a: {  	_ = 	snop  }
0x3b: {  	_ = 	snop  }
0x3c: {  	p2 =	seq.s32 s10, $0x1;
	s10 =	sld [smem:$0x3FBB]  }
0x3d: {  	_ =	shalt  }
0x3e: {  	_ =	shalt  }
0x3f: {  	_ =	shalt  }
0x40: {  	_ =	shalt  }
0x41: {  	_ =	shalt  }
0x42: {  	_ =	shalt  }
0x43: {  	_ =	shalt  }
0x44: {  	_ =	shalt  }
0x45: {  	_ =	shalt  }
0x46: {  	_ =	shalt  }
0x47: {  	_ =	shalt  }
0x48: {  	_ =	shalt  }
0x49: {  	_ =	shalt  }
0x4a: {  	_ =	shalt  }
0x4b: {  	_ =	shalt  }
0x4c: {  	_ =	shalt  }
0x4d: {  	_ =	shalt  }
0x4e: {  	_ =	shalt  }
0x4f: {  	_ =	shalt  }
0x50: {  	_ =	shalt  }
0x51: {  	_ =	shalt  }
0x52: {  	_ =	shalt  }
0x53: {  	_ =	shalt  }
0x54: {  	_ =	shalt  }
0x55: {  	_ =	shalt  }
0x56: {  	_ =	shalt  }
0x57: {  	_ =	shalt  }
0x58: {  	_ =	shalt  }
0x59: {  	_ =	shalt  }
0x5a: {  	_ =	shalt  }
0x5b: {  	_ =	shalt  }
0x5c: {  	_ =	shalt  }
0x5d: {  	_ =	shalt  }
0x5e: {  	_ =	shalt  }
0x5f: {  	_ =	shalt  }
0x60: {  	_ =	shalt  }
0x61: {  	_ =	shalt  }
0x62: {  	_ =	shalt  }
0x63: {  	_ =	shalt  }
0x64: {  	_ =	shalt  }
0x65: {  	_ =	shalt  }
0x66: {  	_ =	shalt  }
0x67: {  	_ =	shalt  }
0x68: {  	_ =	shalt  }
0x69: {  	_ =	shalt  }
0x6a: {  	_ =	shalt  }
0x6b: {  	_ =	shalt  }
0x6c: {  	_ =	shalt  }
0x6d: {  	_ =	shalt  }
0x6e: {  	_ =	shalt  }
0x6f: {  	_ =	shalt  }
0x70: {  	_ =	shalt  }
0x71: {  	_ =	shalt  }
0x72: {  	_ =	shalt  }
0x73: {  	_ =	shalt  }
0x74: {  	_ =	shalt  }
0x75: {  	_ =	shalt  }
0x76: {  	_ =	shalt  }
0x77: {  	_ =	shalt  }
0x78: {  	_ =	shalt  }
0x79: {  	_ =	shalt  }
0x7a: {  	_ =	shalt  }
0x7b: {  	_ =	shalt  }
0x7c: {  	_ =	shalt  }
0x7d: {  	_ =	shalt  }
0x7e: {  	_ =	shalt  }
0x7f: {  	_ =	shalt  }
0x80: {  	_ =	shalt  }
0x81: {  	_ =	shalt  }
0x82: {  	_ =	shalt  }
0x83: {  	_ =	shalt  }
0x84: {  	_ =	shalt  }
0x85: {  	_ =	shalt  }
0x86: {  	_ =	shalt  }
0x87: {  	_ =	shalt  }
.Lfunc_end0:
.L_simem_size_0:
called_computation_lowered:
.L_overlay_start_0:
0x88: {  	s2 =	sld [smem:$0x3FD9]  }
0x89: {  	s3 =	sld [smem:$0x3FFE];
	_ =	sdelay $0x1  }
0x8a: {  	s1 =	srdreg.scid  }
0x8b: {  	s0 =	sand.u32 $0x1, s1  }
0x8c: {  	s16 =	sshll.u32 s0, $0xA;
	s2 =	sadd.s32 s3, s2  }
0x8d: {  	s2 =	sadd.s32 s2, s16  }
0x8e: {  	[smem:$0x3FC7] =	sst s2  }
0x8f: {  	_ = 	snop  }
0x90: {  	(tm) =	ssettm $0x1  }
0x91: {  	s17 =	sld [smem:$0x3FFB];
	_ =	sdelay $0x3  }
0x92: {  	_ =	strace s17  }
0x93: {  	s2 =	sld [smem:$0x3FFC];
	_ =	sdelay $0x3  }
0x94: {  	_ =	strace s2  }
0x95: {  	s2 =	sld [smem:$0x3FFD];
	_ =	sdelay $0x3  }
0x96: {  	_ =	strace s2  }
0x97: {  	_ =	strace $0x8FFFFFFF  }
0x98: {  	s18 =	sld [smem:$0x3FDB];
	_ =	sdelay $0x1  }
0x99: {  	s19 =	simm.s32 $_scs_section_size  }
0x9a: {  	s4 =	simm.s32 $_size__tile_overlayer_lowered;
	s5 =	simm.s32 $_tile_overlayer_lowered  }
0x9b: {  	s22 =	simm.s32 $0x1BFF;
	s21 =	sshll.u32 s5, $0x1;
	s2 =	sadd.s32 s19, s18  }
0x9c: {  	s6 =	simm.s32 $0x0;
	s20 =	sshll.u32 s4, $0x1;
	s4 =	sadd.s32 s21, s2  }
0x9d: {  	[timem:s6], [sflag:s22] =	dma.local [hbm:s4], s20  }
0x9e: {  	_ =	swait.ge [sflag:s22], s20  }
0x9f: {  	s3 =	ssub.s32 $0x0, s20;
	[sflag:s22] =	ssyncset.done $0x0  }
0xa0: {  	[sflag:s22] =	ssyncadd.s32 s3;
	_ =	sdelay $0x1  }
0xa1: {  	s23 =	simm.s32 $0x1B8B  }
0xa2: {  	_ =	swait.ge [sflag:s23], $0x1  }
0xa3: {  	[sflag:s23] =	ssyncset.done $0x0  }
0xa4: {  	s25 =	simm.s32 $0x1B8E;
	s24 =	sld [smem:$0x3FFE];
	[sflag:s23] =	ssyncadd.s32 $0xFFFFFFFF  }
0xa5: {  	s26 =	simm.s32 $execute0_lowered;
	[smem:$0x3FD2] =	sst s25  }
0xa6: {  	s4 =	sshll.u32 s26, $0x1;
	_ =	strace $0x80000046;
	[dreg:$0x1] =	wrdreg $0xFFFFFFFF  }
0xa7: {  	s28 =	simm.s32 $_size_execute0_lowered;
	s2 =	sadd.s32 s2, s4;
	[dreg:$0x0] =	wrdreg $0x0  }
0xa8: {  	s4 =	sshll.u32 s28, $0x1;
	[dreg:$0x2] =	wrdreg s2  }
0xa9: {  	[dreg:$0x3] =	wrdreg s4  }
0xaa: {  	[dreg:$0x4] =	wrdreg $0xC0  }
0xab: {  	_ =	task [dreg:s6], $0x5FFFF  }
0xac: {  	[dreg:$0x1] =	wrdreg $0xFFFFFFFF  }
0xad: {  	[dreg:$0x0] =	wrdreg $0x60  }
0xae: {  	[dreg:$0x2] =	wrdreg s24  }
0xaf: {  	[dreg:$0x3] =	wrdreg $0x9  }
0xb0: {  	_ =	task.clear_ibuf [dreg:s6], $0x4FFFF;
	_ =	strace $0x90000046  }
0xb1: {  	s29 =	simm.s32 $0x9;
	_ =	strace $0x80000048  }
0xb2: {  	_ =	swait.ge [sflag:s29], $0x1  }
0xb3: {  	[sflag:s29] =	ssyncadd.s32 $0xFFFFFFFF  }
0xb4: {  	_ =	strace $0x90000048  }
0xb5: {  	_ =	sfence  }
0xb6: {  	s30 =	sld [smem:$0x0];
	_ =	sdelay $0x2  }
0xb7: {  	s31 =	sshll.u32 s1, $0xD;
	s1 =	sshrl.u32 s1, $0x2  }
0xb8: {  	s3 =	sand.u32 $0x4000, s31;
	s1 =	sadd.s32 s1, s30  }
0xb9: {  	s0 =	sor.u32 s3, s0;
	s1 =	sshll.u32 s1, $0x11  }
0xba: {  	s0 =	sor.u32 s1, s0  }
0xbb: {  	s0 =	sadd.s32 $0x8F2B, s0  }
0xbc: {  	[sflag:s0] =	ssyncadd.remote.s32 $0x1  }
0xbd: {  	_ =	sfence.sel $0xFFFF  }
0xbe: {  	[dreg:$0x0] =	wrdreg $0xFFFFFFFF;
	(pc) =	sbr.abs _section_cstart, $3  }
0xbf: {  	[dreg:$0x1] =	wrdreg $0xFFFFFFFF  }
0xc0: {  	_ =	task.clear_ibuf [dreg:s6], $0x2FFFF;
	_ =	strace $0x9FFFFFFF  }
0xc1: {  	(tm) =	ssettm $0x7FFFFFFF  }
tec
execute0_lowered:
.L_overlay_start_1:
0x0: {  	(tag) =	ssettag $0x1  }
0x1: {  	s0 =	srdreg.scid;
	s29 =	stileid.u32  }
0x2: {  	s7 =	sand.u32 $0x1, s0;
	s23 =	sshll.u32 s29, $0x1  }
0x3: {  	s3 =	rddreg [dreg:$0x0];
	s1 =	sor.u32 s7, s23  }
0x4: {  	s31 =	rddreg [dreg:$0x1];
	s2 =	simm.s32 $0x0;
	s8 =	smul.u32 $0x7A100, s1  }
0x5: {  	[smem:$0x7FF] =	sst s2;
	s4 =	sadd.s32 $0x400, s3;
	s0 =	smul.u32 $0x3D0800, s1  }
0x6: {  	s5 =	sadd.s32 $0xF42800, s3;
	_ =	strace $0x80000047;
	s24 =	sadd.s32 s4, s8  }
0x7: {  	s6 =	sshrl.u32 s0, $0x3;
	s26 =	sadd.s32 s5, s8;
	[dreg:$0x2] =	wrdreg s24  }
0x8: {  	s9 =	sadd.s32 $0x1F00, s6;
	[dreg:$0x4] =	wrdreg s26  }
0x9: {  	s30 =	sadd.s32 $0x3E00, s6;
	s25 =	sadd.s32 s4, s9;
	s0 =	rddreg [dreg:$0x2]  }
0xa: {  	s10 =	sadd.s32 s4, s30;
	[dreg:$0x3] =	wrdreg s25  }
0xb: {  	s12 =	sadd.s32 $0x5D00, s6;
	s11 =	sadd.s32 s5, s9;
	[dreg:$0x5] =	wrdreg s10  }
0xc: {  	s13 =	sadd.s32 s4, s12;
	[dreg:$0x6] =	wrdreg s11  }
0xd: {  	s15 =	sadd.s32 $0x7C00, s6;
	s14 =	sadd.s32 s5, s30;
	[dreg:$0x7] =	wrdreg s13  }
0xe: {  	s16 =	sadd.s32 s4, s15;
	[dreg:$0x8] =	wrdreg s14  }
0xf: {  	s18 =	sadd.s32 $0x9B00, s6;
	s17 =	sadd.s32 s5, s12;
	[dreg:$0x9] =	wrdreg s16  }
0x10: {  	s19 =	sadd.s32 s4, s18;
	[dreg:$0xa] =	wrdreg s17  }
0x11: {  	s21 =	sadd.s32 $0xBA00, s6;
	s20 =	sadd.s32 s5, s15;
	[dreg:$0xb] =	wrdreg s19  }
0x12: {  	s22 =	sadd.s32 s4, s21;
	[dreg:$0xc] =	wrdreg s20  }
0x13: {  	s23 =	sadd.s32 s5, s18;
	[dreg:$0xd] =	wrdreg s22  }
0x14: {  	s24 =	sadd.s32 $0xD900, s6;
	s26 =	sadd.s32 s5, s21;
	[dreg:$0xe] =	wrdreg s23  }
0x15: {  	s30 =	sadd.s32 $0xF800, s6;
	s25 =	sadd.s32 s4, s24;
	[dreg:$0x10] =	wrdreg s26  }
0x16: {  	s10 =	sadd.s32 s4, s30;
	[dreg:$0xf] =	wrdreg s25  }
0x17: {  	s12 =	sadd.s32 $0x11700, s6;
	s11 =	sadd.s32 s5, s24;
	[dreg:$0x11] =	wrdreg s10  }
0x18: {  	s13 =	sadd.s32 s4, s12;
	[dreg:$0x12] =	wrdreg s11  }
0x19: {  	s15 =	sadd.s32 $0x13600, s6;
	s14 =	sadd.s32 s5, s30;
	[dreg:$0x13] =	wrdreg s13  }
0x1a: {  	s16 =	sadd.s32 s4, s15;
	[dreg:$0x14] =	wrdreg s14  }
0x1b: {  	s18 =	sadd.s32 $0x15500, s6;
	s17 =	sadd.s32 s5, s12;
	[dreg:$0x15] =	wrdreg s16  }
0x1c: {  	s19 =	sadd.s32 s4, s18;
	[dreg:$0x16] =	wrdreg s17  }
0x1d: {  	s21 =	sadd.s32 $0x17400, s6;
	s20 =	sadd.s32 s5, s15;
	[dreg:$0x17] =	wrdreg s19  }
0x1e: {  	s22 =	sadd.s32 s4, s21;
	[dreg:$0x18] =	wrdreg s20  }
0x1f: {  	s23 =	sadd.s32 s5, s18;
	[dreg:$0x19] =	wrdreg s22  }
0x20: {  	s24 =	sadd.s32 $0x19300, s6;
	s26 =	sadd.s32 s5, s21;
	[dreg:$0x1a] =	wrdreg s23  }
0x21: {  	s30 =	sadd.s32 $0x1B200, s6;
	s25 =	sadd.s32 s4, s24;
	[dreg:$0x1c] =	wrdreg s26  }
0x22: {  	s10 =	sadd.s32 s4, s30;
	[dreg:$0x1b] =	wrdreg s25  }
0x23: {  	s12 =	sadd.s32 $0x1D100, s6;
	s11 =	sadd.s32 s5, s24;
	[dreg:$0x1d] =	wrdreg s10  }
0x24: {  	s13 =	sadd.s32 s4, s12;
	[dreg:$0x1e] =	wrdreg s11  }
0x25: {  	s15 =	sadd.s32 $0x1F000, s6;
	s14 =	sadd.s32 s5, s30;
	[dreg:$0x1f] =	wrdreg s13  }
0x26: {  	s16 =	sadd.s32 s4, s15;
	[smem:$0x7B0] =	sst s14  }
0x27: {  	s18 =	sadd.s32 $0x20F00, s6;
	s17 =	sadd.s32 s5, s12;
	[smem:$0x7B1] =	sst s16  }
0x28: {  	s19 =	sadd.s32 s4, s18;
	[smem:$0x7B2] =	sst s17  }
0x29: {  	s21 =	sadd.s32 $0x22E00, s6;
	s20 =	sadd.s32 s5, s15;
	[smem:$0x7B3] =	sst s19  }
0x2a: {  	s22 =	sadd.s32 s4, s21;
	[smem:$0x7B4] =	sst s20  }
0x2b: {  	s23 =	sadd.s32 s5, s18;
	[smem:$0x7B5] =	sst s22  }
0x2c: {  	s24 =	sadd.s32 $0x24D00, s6;
	s26 =	sadd.s32 s5, s21;
	[smem:$0x7B6] =	sst s23  }
0x2d: {  	s30 =	sadd.s32 $0x26C00, s6;
	s25 =	sadd.s32 s4, s24;
	[smem:$0x7B8] =	sst s26  }
0x2e: {  	s10 =	sadd.s32 s4, s30;
	[smem:$0x7B7] =	sst s25  }
0x2f: {  	s12 =	sadd.s32 $0x28B00, s6;
	s11 =	sadd.s32 s5, s24;
	[smem:$0x7B9] =	sst s10  }
0x30: {  	s13 =	sadd.s32 s4, s12;
	[smem:$0x7BA] =	sst s11  }
0x31: {  	s15 =	sadd.s32 $0x2AA00, s6;
	s14 =	sadd.s32 s5, s30;
	[smem:$0x7BB] =	sst s13  }
0x32: {  	s16 =	sadd.s32 s4, s15;
	[smem:$0x7BC] =	sst s14  }
0x33: {  	s18 =	sadd.s32 $0x2C900, s6;
	s17 =	sadd.s32 s5, s12;
	[smem:$0x7BD] =	sst s16  }
0x34: {  	s19 =	sadd.s32 s4, s18;
	[smem:$0x7BE] =	sst s17  }
0x35: {  	s21 =	sadd.s32 $0x2E800, s6;
	s20 =	sadd.s32 s5, s15;
	[smem:$0x7BF] =	sst s19  }
0x36: {  	s22 =	sadd.s32 s4, s21;
	[smem:$0x7C0] =	sst s20  }
0x37: {  	s23 =	sadd.s32 s5, s18;
	[smem:$0x7C1] =	sst s22  }
0x38: {  	s24 =	sadd.s32 $0x30700, s6;
	s26 =	sadd.s32 s5, s21;
	[smem:$0x7C2] =	sst s23  }
0x39: {  	s30 =	sadd.s32 $0x32600, s6;
	s25 =	sadd.s32 s4, s24;
	[smem:$0x7C4] =	sst s26  }
0x3a: {  	s10 =	sadd.s32 s4, s30;
	[smem:$0x7C3] =	sst s25  }
0x3b: {  	s12 =	sadd.s32 $0x34500, s6;
	s11 =	sadd.s32 s5, s24;
	[smem:$0x7C5] =	sst s10  }
0x3c: {  	s13 =	sadd.s32 s4, s12;
	[smem:$0x7C6] =	sst s11  }
0x3d: {  	s15 =	sadd.s32 $0x36400, s6;
	s14 =	sadd.s32 s5, s30;
	[smem:$0x7C7] =	sst s13  }
0x3e: {  	s16 =	sadd.s32 s4, s15;
	[smem:$0x7C8] =	sst s14  }
0x3f: {  	s18 =	sadd.s32 $0x38300, s6;
	s17 =	sadd.s32 s5, s12;
	[smem:$0x7C9] =	sst s16  }
0x40: {  	s19 =	sadd.s32 s4, s18;
	[smem:$0x7CA] =	sst s17  }
0x41: {  	s21 =	sadd.s32 $0x3A200, s6;
	s20 =	sadd.s32 s5, s15;
	[smem:$0x7CB] =	sst s19  }
0x42: {  	s22 =	sadd.s32 s4, s21;
	[smem:$0x7CC] =	sst s20  }
0x43: {  	s23 =	sadd.s32 s5, s18;
	[smem:$0x7CD] =	sst s22  }
0x44: {  	s24 =	sadd.s32 $0x3C100, s6;
	s26 =	sadd.s32 s5, s21;
	[smem:$0x7CE] =	sst s23  }
0x45: {  	s30 =	sadd.s32 $0x3E000, s6;
	s25 =	sadd.s32 s4, s24;
	[smem:$0x7D0] =	sst s26  }
0x46: {  	s10 =	sadd.s32 s4, s30;
	[smem:$0x7CF] =	sst s25  }
0x47: {  	s12 =	sadd.s32 $0x3FF00, s6;
	s11 =	sadd.s32 s5, s24;
	[smem:$0x7D1] =	sst s10  }
0x48: {  	s13 =	sadd.s32 s4, s12;
	[smem:$0x7D2] =	sst s11  }
0x49: {  	s15 =	sadd.s32 $0x41E00, s6;
	s14 =	sadd.s32 s5, s30;
	[smem:$0x7D3] =	sst s13  }
0x4a: {  	s16 =	sadd.s32 s4, s15;
	[smem:$0x7D4] =	sst s14  }
0x4b: {  	s18 =	sadd.s32 $0x43D00, s6;
	s17 =	sadd.s32 s5, s12;
	[smem:$0x7D5] =	sst s16  }
0x4c: {  	s19 =	sadd.s32 s4, s18;
	[smem:$0x7D6] =	sst s17  }
0x4d: {  	s21 =	sadd.s32 $0x45C00, s6;
	s20 =	sadd.s32 s5, s15;
	[smem:$0x7D7] =	sst s19  }
0x4e: {  	s22 =	sadd.s32 s4, s21;
	[smem:$0x7D8] =	sst s20  }
0x4f: {  	s23 =	sadd.s32 s5, s18;
	[smem:$0x7D9] =	sst s22  }
0x50: {  	s24 =	sadd.s32 $0x47B00, s6;
	s26 =	sadd.s32 s5, s21;
	[smem:$0x7DA] =	sst s23  }
0x51: {  	s30 =	sadd.s32 $0x49A00, s6;
	s25 =	sadd.s32 s4, s24;
	[smem:$0x7DC] =	sst s26  }
0x52: {  	s10 =	sadd.s32 s4, s30;
	[smem:$0x7DB] =	sst s25  }
0x53: {  	s12 =	sadd.s32 $0x4B900, s6;
	s11 =	sadd.s32 s5, s24;
	[smem:$0x7DD] =	sst s10  }
0x54: {  	s13 =	sadd.s32 s4, s12;
	[smem:$0x7DE] =	sst s11  }
0x55: {  	s15 =	sadd.s32 $0x4D800, s6;
	s14 =	sadd.s32 s5, s30;
	[smem:$0x7DF] =	sst s13  }
0x56: {  	s16 =	sadd.s32 s4, s15;
	[smem:$0x7E0] =	sst s14  }
0x57: {  	s18 =	sadd.s32 $0x4F700, s6;
	s17 =	sadd.s32 s5, s12;
	[smem:$0x7E1] =	sst s16  }
0x58: {  	s19 =	sadd.s32 s4, s18;
	[smem:$0x7E2] =	sst s17  }
0x59: {  	s21 =	sadd.s32 $0x51600, s6;
	s20 =	sadd.s32 s5, s15;
	[smem:$0x7E3] =	sst s19  }
0x5a: {  	s22 =	sadd.s32 s4, s21;
	[smem:$0x7E4] =	sst s20  }
0x5b: {  	s23 =	sadd.s32 s5, s18;
	[smem:$0x7E5] =	sst s22  }
0x5c: {  	s24 =	sadd.s32 $0x53500, s6;
	s26 =	sadd.s32 s5, s21;
	[smem:$0x7E6] =	sst s23  }
0x5d: {  	s30 =	sadd.s32 $0x55400, s6;
	s25 =	sadd.s32 s4, s24;
	[smem:$0x7E8] =	sst s26  }
0x5e: {  	s10 =	sadd.s32 s4, s30;
	[smem:$0x7E7] =	sst s25  }
0x5f: {  	s12 =	sadd.s32 $0x57300, s6;
	s11 =	sadd.s32 s5, s24;
	[smem:$0x7E9] =	sst s10  }
0x60: {  	p1 =	por $0x0, $0x0;
	s13 =	sadd.s32 s4, s12;
	[smem:$0x7EA] =	sst s11  }
0x61: {  	s15 =	sadd.s32 $0x59200, s6;
	s14 =	sadd.s32 s5, s30;
	[smem:$0x7EB] =	sst s13  }
0x62: {  	s7 =	ssub.s32 $0x2, s7;
	s16 =	sadd.s32 s4, s15;
	[smem:$0x7EC] =	sst s14  }
0x63: {  	s18 =	sadd.s32 $0x5B100, s6;
	s17 =	sadd.s32 s5, s12;
	[smem:$0x7ED] =	sst s16  }
0x64: {  	p0 =	sne.s32 s1, $0x0;
	s19 =	sadd.s32 s4, s18;
	[smem:$0x7EE] =	sst s17  }
0x65: {  	s21 =	sadd.s32 $0x5D000, s6;
	s20 =	sadd.s32 s5, s15;
	[smem:$0x7EF] =	sst s19  }
0x66: {  	s8 =	sadd.s32 $0x6E700, s6;
	s22 =	sadd.s32 s4, s21;
	[smem:$0x7F0] =	sst s20  }
0x67: {  	s9 =	simm.s32 $0x1;
	s23 =	sadd.s32 s5, s18;
	[smem:$0x7F1] =	sst s22  }
0x68: {  	s24 =	sadd.s32 $0x5EF00, s6;
	s26 =	sadd.s32 s5, s21;
	[smem:$0x7F2] =	sst s23  }
0x69: {  	s30 =	sadd.s32 $0x60E00, s6;
	s25 =	sadd.s32 s4, s24;
	[smem:$0x7F4] =	sst s26  }
0x6a: {  	s12 =	sadd.s32 $0x62D00, s6;
	s10 =	sadd.s32 s4, s30;
	[smem:$0x7F3] =	sst s25  }
0x6b: {  	s15 =	sadd.s32 $0x64C00, s6;
	s11 =	sadd.s32 s5, s24;
	[smem:$0x7F5] =	sst s10  }
0x6c: {  	s18 =	sadd.s32 $0x66B00, s6;
	s13 =	sadd.s32 s4, s12;
	[smem:$0x7F6] =	sst s11  }
0x6d: {  	s21 =	sadd.s32 $0x68A00, s6;
	s14 =	sadd.s32 s5, s30;
	[smem:$0x7F7] =	sst s13  }
0x6e: {  	s16 =	sadd.s32 s4, s15;
	s17 =	sadd.s32 s5, s12;
	[smem:$0x7F8] =	sst s14  }
0x6f: {  	s19 =	sadd.s32 s4, s18;
	s20 =	sadd.s32 s5, s15;
	[smem:$0x7F9] =	sst s16  }
0x70: {  	s22 =	sadd.s32 s4, s21;
	s28 =	sadd.s32 s5, s18;
	[smem:$0x7FA] =	sst s17  }
0x71: {  	s23 =	sadd.s32 $0x6A900, s6;
	s30 =	sadd.s32 $0x6C800, s6;
	[smem:$0x7FB] =	sst s19  }
0x72: {  	s12 =	sadd.s32 $0x74400, s6;
	s10 =	sshrl.u32 s7, $0x1;
	[smem:$0x7FC] =	sst s20  }
0x73: {  	[smem:$0x7FD] =	sst s22;
	s26 =	sadd.s32 s4, s23;
	s25 =	sadd.s32 s5, s21  }
0x74: {  	s24 =	sadd.s32 s4, s30;
	s23 =	sadd.s32 s5, s23;
	s22 =	sadd.s32 s4, s8  }
0x75: {  	s21 =	sadd.s32 s5, s30;
	s19 =	sadd.s32 s5, s8;
	s7 =	ssub.s32 s7, s10  }
0x76: {  	s11 =	sadd.s32 $0x72500, s6;
	s15 =	sadd.s32 s4, s12;
	s30 =	smax.u32 s7, $0x1  }
0x77: {  	s16 =	sadd.s32 $0x76300, s6;
	s10 =	sadd.s32 $0x70600, s6;
	s1 =	sadd.s32 $0xFFFFFFFF, s30  }
0x78: {  	s18 =	sadd.s32 s4, s11;
	s14 =	sadd.s32 s5, s11;
	p2 =	sne.s32 s1, $0x0  }
.Ltmp0:
0x79: {  	s11 =	sadd.s32 $0x78200, s6;
	s13 =	sadd.s32 s4, s16;
	(pc) =	sbr.rel @!p2 .LBB2_1-.Ltmp0, $4  }
0x7a: {  	s6 =	sadd.s32 s5, s16;
	s16 =	simm.s32 $0x2;
	s20 =	sadd.s32 s4, s10  }
0x7b: {  	s17 =	sadd.s32 s5, s10;
	s10 =	sadd.s32 s5, s12;
	s8 =	sadd.s32 s4, s11  }
0x7c: {  	s5 =	sadd.s32 s5, s11;
	s4 =	sadd.s32 $0xF42400, s3;
	s3 =	sadd.s32 $0x1E84800, s3  }
0x7d: {  	s11 =	simm.s32 $0xF800;
	s7 =	simm.s32 $0x3;
	s12 =	simm.s32 $0x4  }
0x7e: {  	[tilespmem:s2], [sflag:$0x1] =	stream.linear.gather [hbm4b:s0+s2], $0xF800, $0x38;
	[tilespmem:$0x1F000] =	vst v63  }
0x7f: {  	s29 =	rddreg [dreg:$0x3]  }
0x80: {  	[tilespmem:s11], [sflag:$0x2] =	stream.linear.gather [hbm4b:s29+s2], $0xF800, $0x38;
	[tilespmem:$0x1F000] =	vst v63  }
0x81: {  	_ =	swait.ge [sflag:s9], $0xF800  }
0x82: {  	[sflag:s9] =	ssyncset.done $0x0  }
0x83: {  	s29 =	rddreg [dreg:$0x4];
	[sflag:s9] =	ssyncadd.s32 $0xFFFF0800  }
0x84: {  	[hbm4b:s29+s2] =	stream.linear.scatter [tilespmem:s2], [sflag:$0x3], $0xF800, $0x38;
	[tilespmem:$0x1F000] =	vst v63  }
0x85: {  	_ =	swait.ge [sflag:s7], $0xF800  }
0x86: {  	[sflag:s7] =	ssyncset.done $0x0  }
0x87: {  	s29 =	rddreg [dreg:$0x5];
	[sflag:s7] =	ssyncadd.s32 $0xFFFF0800  }
0x88: {  	[tilespmem:s2], [sflag:$0x1] =	stream.linear.gather [hbm4b:s29+s2], $0xF800, $0x38;
	[tilespmem:$0x1F000] =	vst v63  }
0x89: {  	_ =	swait.ge [sflag:s16], $0xF800  }
0x8a: {  	[sflag:s16] =	ssyncset.done $0x0  }
0x8b: {  	s29 =	rddreg [dreg:$0x6];
	[sflag:s16] =	ssyncadd.s32 $0xFFFF0800  }
0x8c: {  	[hbm4b:s29+s2] =	stream.linear.scatter [tilespmem:s11], [sflag:$0x4], $0xF800, $0x38;
	[tilespmem:$0x1F000] =	vst v63  }
0x8d: {  	_ =	swait.ge [sflag:s12], $0xF800  }
0x8e: {  	[sflag:s12] =	ssyncset.done $0x0  }
0x8f: {  	s29 =	rddreg [dreg:$0x7];
	[sflag:s12] =	ssyncadd.s32 $0xFFFF0800  }
0x90: {  	[tilespmem:s11], [sflag:$0x2] =	stream.linear.gather [hbm4b:s29+s2], $0xF800, $0x38;
	[tilespmem:$0x1F000] =	vst v63  }
0x91: {  	_ =	swait.ge [sflag:s9], $0xF800  }
0x92: {  	[sflag:s9] =	ssyncset.done $0x0  }
0x93: {  	s29 =	rddreg [dreg:$0x8];
	[sflag:s9] =	ssyncadd.s32 $0xFFFF0800  }
0x94: {  	[hbm4b:s29+s2] =	stream.linear.scatter [tilespmem:s2], [sflag:$0x3], $0xF800, $0x38;
	[tilespmem:$0x1F000] =	vst v63  }
0x95: {  	_ =	swait.ge [sflag:s7], $0xF800  }
0x96: {  	[sflag:s7] =	ssyncset.done $0x0  }
0x97: {  	s29 =	rddreg [dreg:$0x9];
	[sflag:s7] =	ssyncadd.s32 $0xFFFF0800  }
0x98: {  	[tilespmem:s2], [sflag:$0x1] =	stream.linear.gather [hbm4b:s29+s2], $0xF800, $0x38;
	[tilespmem:$0x1F000] =	vst v63  }
0x99: {  	_ =	swait.ge [sflag:s16], $0xF800  }
0x9a: {  	[sflag:s16] =	ssyncset.done $0x0  }
0x9b: {  	s29 =	rddreg [dreg:$0xa];
	[sflag:s16] =	ssyncadd.s32 $0xFFFF0800  }
0x9c: {  	[hbm4b:s29+s2] =	stream.linear.scatter [tilespmem:s11], [sflag:$0x4], $0xF800, $0x38;
	[tilespmem:$0x1F000] =	vst v63  }
0x9d: {  	_ =	swait.ge [sflag:s12], $0xF800  }
0x9e: {  	[sflag:s12] =	ssyncset.done $0x0  }
0x9f: {  	s29 =	rddreg [dreg:$0xb];
	[sflag:s12] =	ssyncadd.s32 $0xFFFF0800  }
0xa0: {  	[tilespmem:s11], [sflag:$0x2] =	stream.linear.gather [hbm4b:s29+s2], $0xF800, $0x38;
	[tilespmem:$0x1F000] =	vst v63  }
0xa1: {  	_ =	swait.ge [sflag:s9], $0xF800  }
0xa2: {  	[sflag:s9] =	ssyncset.done $0x0  }
0xa3: {  	s29 =	rddreg [dreg:$0xc];
	[sflag:s9] =	ssyncadd.s32 $0xFFFF0800  }
0xa4: {  	[hbm4b:s29+s2] =	stream.linear.scatter [tilespmem:s2], [sflag:$0x3], $0xF800, $0x38;
	[tilespmem:$0x1F000] =	vst v63  }
0xa5: {  	_ =	swait.ge [sflag:s7], $0xF800  }
0xa6: {  	[sflag:s7] =	ssyncset.done $0x0  }
0xa7: {  	s29 =	rddreg [dreg:$0xd];
	[sflag:s7] =	ssyncadd.s32 $0xFFFF0800  }
0xa8: {  	[tilespmem:s2], [sflag:$0x1] =	stream.linear.gather [hbm4b:s29+s2], $0xF800, $0x38;
	[tilespmem:$0x1F000] =	vst v63  }
0xa9: {  	_ =	swait.ge [sflag:s16], $0xF800  }
0xaa: {  	[sflag:s16] =	ssyncset.done $0x0  }
0xab: {  	s29 =	rddreg [dreg:$0xe];
	[sflag:s16] =	ssyncadd.s32 $0xFFFF0800  }
0xac: {  	[hbm4b:s29+s2] =	stream.linear.scatter [tilespmem:s11], [sflag:$0x4], $0xF800, $0x38;
	[tilespmem:$0x1F000] =	vst v63  }
0xad: {  	_ =	swait.ge [sflag:s12], $0xF800  }
0xae: {  	[sflag:s12] =	ssyncset.done $0x0  }
0xaf: {  	s29 =	rddreg [dreg:$0xf];
	[sflag:s12] =	ssyncadd.s32 $0xFFFF0800  }
0xb0: {  	[tilespmem:s11], [sflag:$0x2] =	stream.linear.gather [hbm4b:s29+s2], $0xF800, $0x38;
	[tilespmem:$0x1F000] =	vst v63  }
0xb1: {  	_ =	swait.ge [sflag:s9], $0xF800  }
0xb2: {  	[sflag:s9] =	ssyncset.done $0x0  }
0xb3: {  	s29 =	rddreg [dreg:$0x10];
	[sflag:s9] =	ssyncadd.s32 $0xFFFF0800  }
0xb4: {  	[hbm4b:s29+s2] =	stream.linear.scatter [tilespmem:s2], [sflag:$0x3], $0xF800, $0x38;
	[tilespmem:$0x1F000] =	vst v63  }
0xb5: {  	_ =	swait.ge [sflag:s7], $0xF800  }
0xb6: {  	[sflag:s7] =	ssyncset.done $0x0  }
0xb7: {  	s29 =	rddreg [dreg:$0x11];
	[sflag:s7] =	ssyncadd.s32 $0xFFFF0800  }
0xb8: {  	[tilespmem:s2], [sflag:$0x1] =	stream.linear.gather [hbm4b:s29+s2], $0xF800, $0x38;
	[tilespmem:$0x1F000] =	vst v63  }
0xb9: {  	_ =	swait.ge [sflag:s16], $0xF800  }
0xba: {  	[sflag:s16] =	ssyncset.done $0x0  }
0xbb: {  	s29 =	rddreg [dreg:$0x12];
	[sflag:s16] =	ssyncadd.s32 $0xFFFF0800  }
0xbc: {  	[hbm4b:s29+s2] =	stream.linear.scatter [tilespmem:s11], [sflag:$0x4], $0xF800, $0x38;
	[tilespmem:$0x1F000] =	vst v63  }
0xbd: {  	_ =	swait.ge [sflag:s12], $0xF800  }
0xbe: {  	[sflag:s12] =	ssyncset.done $0x0  }
0xbf: {  	s29 =	rddreg [dreg:$0x13];
	[sflag:s12] =	ssyncadd.s32 $0xFFFF0800  }
0xc0: {  	[tilespmem:s11], [sflag:$0x2] =	stream.linear.gather [hbm4b:s29+s2], $0xF800, $0x38;
	[tilespmem:$0x1F000] =	vst v63  }
0xc1: {  	_ =	swait.ge [sflag:s9], $0xF800  }
0xc2: {  	[sflag:s9] =	ssyncset.done $0x0  }
0xc3: {  	s29 =	rddreg [dreg:$0x14];
	[sflag:s9] =	ssyncadd.s32 $0xFFFF0800  }
0xc4: {  	[hbm4b:s29+s2] =	stream.linear.scatter [tilespmem:s2], [sflag:$0x3], $0xF800, $0x38;
	[tilespmem:$0x1F000] =	vst v63  }
0xc5: {  	_ =	swait.ge [sflag:s7], $0xF800  }
0xc6: {  	[sflag:s7] =	ssyncset.done $0x0  }
0xc7: {  	s29 =	rddreg [dreg:$0x15];
	[sflag:s7] =	ssyncadd.s32 $0xFFFF0800  }
0xc8: {  	[tilespmem:s2], [sflag:$0x1] =	stream.linear.gather [hbm4b:s29+s2], $0xF800, $0x38;
	[tilespmem:$0x1F000] =	vst v63  }
0xc9: {  	_ =	swait.ge [sflag:s16], $0xF800  }
0xca: {  	[sflag:s16] =	ssyncset.done $0x0  }
0xcb: {  	s29 =	rddreg [dreg:$0x16];
	[sflag:s16] =	ssyncadd.s32 $0xFFFF0800  }
0xcc: {  	[hbm4b:s29+s2] =	stream.linear.scatter [tilespmem:s11], [sflag:$0x4], $0xF800, $0x38;
	[tilespmem:$0x1F000] =	vst v63  }
0xcd: {  	_ =	swait.ge [sflag:s12], $0xF800  }
0xce: {  	[sflag:s12] =	ssyncset.done $0x0  }
0xcf: {  	s29 =	rddreg [dreg:$0x17];
	[sflag:s12] =	ssyncadd.s32 $0xFFFF0800  }
0xd0: {  	[tilespmem:s11], [sflag:$0x2] =	stream.linear.gather [hbm4b:s29+s2], $0xF800, $0x38;
	[tilespmem:$0x1F000] =	vst v63  }
0xd1: {  	_ =	swait.ge [sflag:s9], $0xF800  }
0xd2: {  	[sflag:s9] =	ssyncset.done $0x0  }
0xd3: {  	s29 =	rddreg [dreg:$0x18];
	[sflag:s9] =	ssyncadd.s32 $0xFFFF0800  }
0xd4: {  	[hbm4b:s29+s2] =	stream.linear.scatter [tilespmem:s2], [sflag:$0x3], $0xF800, $0x38;
	[tilespmem:$0x1F000] =	vst v63  }
0xd5: {  	_ =	swait.ge [sflag:s7], $0xF800  }
0xd6: {  	[sflag:s7] =	ssyncset.done $0x0  }
0xd7: {  	s29 =	rddreg [dreg:$0x19];
	[sflag:s7] =	ssyncadd.s32 $0xFFFF0800  }
0xd8: {  	[tilespmem:s2], [sflag:$0x1] =	stream.linear.gather [hbm4b:s29+s2], $0xF800, $0x38;
	[tilespmem:$0x1F000] =	vst v63  }
0xd9: {  	_ =	swait.ge [sflag:s16], $0xF800  }
0xda: {  	[sflag:s16] =	ssyncset.done $0x0  }
0xdb: {  	s29 =	rddreg [dreg:$0x1a];
	[sflag:s16] =	ssyncadd.s32 $0xFFFF0800  }
0xdc: {  	[hbm4b:s29+s2] =	stream.linear.scatter [tilespmem:s11], [sflag:$0x4], $0xF800, $0x38;
	[tilespmem:$0x1F000] =	vst v63  }
0xdd: {  	_ =	swait.ge [sflag:s12], $0xF800  }
0xde: {  	[sflag:s12] =	ssyncset.done $0x0  }
0xdf: {  	s29 =	rddreg [dreg:$0x1b];
	[sflag:s12] =	ssyncadd.s32 $0xFFFF0800  }
0xe0: {  	[tilespmem:s11], [sflag:$0x2] =	stream.linear.gather [hbm4b:s29+s2], $0xF800, $0x38;
	[tilespmem:$0x1F000] =	vst v63  }
0xe1: {  	_ =	swait.ge [sflag:s9], $0xF800  }
0xe2: {  	[sflag:s9] =	ssyncset.done $0x0  }
0xe3: {  	s29 =	rddreg [dreg:$0x1c];
	[sflag:s9] =	ssyncadd.s32 $0xFFFF0800  }
0xe4: {  	[hbm4b:s29+s2] =	stream.linear.scatter [tilespmem:s2], [sflag:$0x3], $0xF800, $0x38;
	[tilespmem:$0x1F000] =	vst v63  }
0xe5: {  	_ =	swait.ge [sflag:s7], $0xF800  }
0xe6: {  	[sflag:s7] =	ssyncset.done $0x0  }
0xe7: {  	s29 =	rddreg [dreg:$0x1d];
	[sflag:s7] =	ssyncadd.s32 $0xFFFF0800  }
0xe8: {  	[tilespmem:s2], [sflag:$0x1] =	stream.linear.gather [hbm4b:s29+s2], $0xF800, $0x38;
	[tilespmem:$0x1F000] =	vst v63  }
0xe9: {  	_ =	swait.ge [sflag:s16], $0xF800  }
0xea: {  	[sflag:s16] =	ssyncset.done $0x0  }
0xeb: {  	s29 =	rddreg [dreg:$0x1e];
	[sflag:s16] =	ssyncadd.s32 $0xFFFF0800  }
0xec: {  	[hbm4b:s29+s2] =	stream.linear.scatter [tilespmem:s11], [sflag:$0x4], $0xF800, $0x38;
	[tilespmem:$0x1F000] =	vst v63  }
0xed: {  	_ =	swait.ge [sflag:s12], $0xF800  }
0xee: {  	[sflag:s12] =	ssyncset.done $0x0  }
0xef: {  	s29 =	rddreg [dreg:$0x1f];
	[sflag:s12] =	ssyncadd.s32 $0xFFFF0800  }
0xf0: {  	[tilespmem:s11], [sflag:$0x2] =	stream.linear.gather [hbm4b:s29+s2], $0xF800, $0x38;
	[tilespmem:$0x1F000] =	vst v63  }
0xf1: {  	_ =	swait.ge [sflag:s9], $0xF800  }
0xf2: {  	s29 =	sld [smem:$0x7B0]  }
0xf3: {  	[sflag:s9] =	ssyncset.done $0x0  }
0xf4: {  	[sflag:s9] =	ssyncadd.s32 $0xFFFF0800  }
0xf5: {  	[hbm4b:s29+s2] =	stream.linear.scatter [tilespmem:s2], [sflag:$0x3], $0xF800, $0x38;
	[tilespmem:$0x1F000] =	vst v63  }
0xf6: {  	_ =	swait.ge [sflag:s7], $0xF800  }
0xf7: {  	s29 =	sld [smem:$0x7B1]  }
0xf8: {  	[sflag:s7] =	ssyncset.done $0x0  }
0xf9: {  	[sflag:s7] =	ssyncadd.s32 $0xFFFF0800  }
0xfa: {  	[tilespmem:s2], [sflag:$0x1] =	stream.linear.gather [hbm4b:s29+s2], $0xF800, $0x38;
	[tilespmem:$0x1F000] =	vst v63  }
0xfb: {  	_ =	swait.ge [sflag:s16], $0xF800  }
0xfc: {  	s29 =	sld [smem:$0x7B2]  }
0xfd: {  	[sflag:s16] =	ssyncset.done $0x0  }
0xfe: {  	[sflag:s16] =	ssyncadd.s32 $0xFFFF0800  }
0xff: {  	[hbm4b:s29+s2] =	stream.linear.scatter [tilespmem:s11], [sflag:$0x4], $0xF800, $0x38;
	[tilespmem:$0x1F000] =	vst v63  }
0x100: {  	_ =	swait.ge [sflag:s12], $0xF800  }
0x101: {  	s29 =	sld [smem:$0x7B3]  }
0x102: {  	[sflag:s12] =	ssyncset.done $0x0  }
0x103: {  	[sflag:s12] =	ssyncadd.s32 $0xFFFF0800  }
0x104: {  	[tilespmem:s11], [sflag:$0x2] =	stream.linear.gather [hbm4b:s29+s2], $0xF800, $0x38;
	[tilespmem:$0x1F000] =	vst v63  }
0x105: {  	_ =	swait.ge [sflag:s9], $0xF800  }
0x106: {  	s29 =	sld [smem:$0x7B4]  }
0x107: {  	[sflag:s9] =	ssyncset.done $0x0  }
0x108: {  	[sflag:s9] =	ssyncadd.s32 $0xFFFF0800  }
0x109: {  	[hbm4b:s29+s2] =	stream.linear.scatter [tilespmem:s2], [sflag:$0x3], $0xF800, $0x38;
	[tilespmem:$0x1F000] =	vst v63  }
0x10a: {  	_ =	swait.ge [sflag:s7], $0xF800  }
0x10b: {  	s29 =	sld [smem:$0x7B5]  }
0x10c: {  	[sflag:s7] =	ssyncset.done $0x0  }
0x10d: {  	[sflag:s7] =	ssyncadd.s32 $0xFFFF0800  }
0x10e: {  	[tilespmem:s2], [sflag:$0x1] =	stream.linear.gather [hbm4b:s29+s2], $0xF800, $0x38;
	[tilespmem:$0x1F000] =	vst v63  }
0x10f: {  	_ =	swait.ge [sflag:s16], $0xF800  }
0x110: {  	s29 =	sld [smem:$0x7B6]  }
0x111: {  	[sflag:s16] =	ssyncset.done $0x0  }
0x112: {  	[sflag:s16] =	ssyncadd.s32 $0xFFFF0800  }
0x113: {  	[hbm4b:s29+s2] =	stream.linear.scatter [tilespmem:s11], [sflag:$0x4], $0xF800, $0x38;
	[tilespmem:$0x1F000] =	vst v63  }
0x114: {  	_ =	swait.ge [sflag:s12], $0xF800  }
0x115: {  	s29 =	sld [smem:$0x7B7]  }
0x116: {  	[sflag:s12] =	ssyncset.done $0x0  }
0x117: {  	[sflag:s12] =	ssyncadd.s32 $0xFFFF0800  }
0x118: {  	[tilespmem:s11], [sflag:$0x2] =	stream.linear.gather [hbm4b:s29+s2], $0xF800, $0x38;
	[tilespmem:$0x1F000] =	vst v63  }
0x119: {  	_ =	swait.ge [sflag:s9], $0xF800  }
0x11a: {  	s29 =	sld [smem:$0x7B8]  }
0x11b: {  	[sflag:s9] =	ssyncset.done $0x0  }
0x11c: {  	[sflag:s9] =	ssyncadd.s32 $0xFFFF0800  }
0x11d: {  	[hbm4b:s29+s2] =	stream.linear.scatter [tilespmem:s2], [sflag:$0x3], $0xF800, $0x38;
	[tilespmem:$0x1F000] =	vst v63  }
0x11e: {  	_ =	swait.ge [sflag:s7], $0xF800  }
0x11f: {  	s29 =	sld [smem:$0x7B9]  }
0x120: {  	[sflag:s7] =	ssyncset.done $0x0  }
0x121: {  	[sflag:s7] =	ssyncadd.s32 $0xFFFF0800  }
0x122: {  	[tilespmem:s2], [sflag:$0x1] =	stream.linear.gather [hbm4b:s29+s2], $0xF800, $0x38;
	[tilespmem:$0x1F000] =	vst v63  }
0x123: {  	_ =	swait.ge [sflag:s16], $0xF800  }
0x124: {  	s29 =	sld [smem:$0x7BA]  }
0x125: {  	[sflag:s16] =	ssyncset.done $0x0  }
0x126: {  	[sflag:s16] =	ssyncadd.s32 $0xFFFF0800  }
0x127: {  	[hbm4b:s29+s2] =	stream.linear.scatter [tilespmem:s11], [sflag:$0x4], $0xF800, $0x38;
	[tilespmem:$0x1F000] =	vst v63  }
0x128: {  	_ =	swait.ge [sflag:s12], $0xF800  }
0x129: {  	s29 =	sld [smem:$0x7BB]  }
0x12a: {  	[sflag:s12] =	ssyncset.done $0x0  }
0x12b: {  	[sflag:s12] =	ssyncadd.s32 $0xFFFF0800  }
0x12c: {  	[tilespmem:s11], [sflag:$0x2] =	stream.linear.gather [hbm4b:s29+s2], $0xF800, $0x38;
	[tilespmem:$0x1F000] =	vst v63  }
0x12d: {  	_ =	swait.ge [sflag:s9], $0xF800  }
0x12e: {  	s29 =	sld [smem:$0x7BC]  }
0x12f: {  	[sflag:s9] =	ssyncset.done $0x0  }
0x130: {  	[sflag:s9] =	ssyncadd.s32 $0xFFFF0800  }
0x131: {  	[hbm4b:s29+s2] =	stream.linear.scatter [tilespmem:s2], [sflag:$0x3], $0xF800, $0x38;
	[tilespmem:$0x1F000] =	vst v63  }
0x132: {  	_ =	swait.ge [sflag:s7], $0xF800  }
0x133: {  	s29 =	sld [smem:$0x7BD]  }
0x134: {  	[sflag:s7] =	ssyncset.done $0x0  }
0x135: {  	[sflag:s7] =	ssyncadd.s32 $0xFFFF0800  }
0x136: {  	[tilespmem:s2], [sflag:$0x1] =	stream.linear.gather [hbm4b:s29+s2], $0xF800, $0x38;
	[tilespmem:$0x1F000] =	vst v63  }
0x137: {  	_ =	swait.ge [sflag:s16], $0xF800  }
0x138: {  	s29 =	sld [smem:$0x7BE]  }
0x139: {  	[sflag:s16] =	ssyncset.done $0x0  }
0x13a: {  	[sflag:s16] =	ssyncadd.s32 $0xFFFF0800  }
0x13b: {  	[hbm4b:s29+s2] =	stream.linear.scatter [tilespmem:s11], [sflag:$0x4], $0xF800, $0x38;
	[tilespmem:$0x1F000] =	vst v63  }
0x13c: {  	_ =	swait.ge [sflag:s12], $0xF800  }
0x13d: {  	s29 =	sld [smem:$0x7BF]  }
0x13e: {  	[sflag:s12] =	ssyncset.done $0x0  }
0x13f: {  	[sflag:s12] =	ssyncadd.s32 $0xFFFF0800  }
0x140: {  	[tilespmem:s11], [sflag:$0x2] =	stream.linear.gather [hbm4b:s29+s2], $0xF800, $0x38;
	[tilespmem:$0x1F000] =	vst v63  }
0x141: {  	_ =	swait.ge [sflag:s9], $0xF800  }
0x142: {  	s29 =	sld [smem:$0x7C0]  }
0x143: {  	[sflag:s9] =	ssyncset.done $0x0  }
0x144: {  	[sflag:s9] =	ssyncadd.s32 $0xFFFF0800  }
0x145: {  	[hbm4b:s29+s2] =	stream.linear.scatter [tilespmem:s2], [sflag:$0x3], $0xF800, $0x38;
	[tilespmem:$0x1F000] =	vst v63  }
0x146: {  	_ =	swait.ge [sflag:s7], $0xF800  }
0x147: {  	s29 =	sld [smem:$0x7C1]  }
0x148: {  	[sflag:s7] =	ssyncset.done $0x0  }
0x149: {  	[sflag:s7] =	ssyncadd.s32 $0xFFFF0800  }
0x14a: {  	[tilespmem:s2], [sflag:$0x1] =	stream.linear.gather [hbm4b:s29+s2], $0xF800, $0x38;
	[tilespmem:$0x1F000] =	vst v63  }
0x14b: {  	_ =	swait.ge [sflag:s16], $0xF800  }
0x14c: {  	s29 =	sld [smem:$0x7C2]  }
0x14d: {  	[sflag:s16] =	ssyncset.done $0x0  }
0x14e: {  	[sflag:s16] =	ssyncadd.s32 $0xFFFF0800  }
0x14f: {  	[hbm4b:s29+s2] =	stream.linear.scatter [tilespmem:s11], [sflag:$0x4], $0xF800, $0x38;
	[tilespmem:$0x1F000] =	vst v63  }
0x150: {  	_ =	swait.ge [sflag:s12], $0xF800  }
0x151: {  	s29 =	sld [smem:$0x7C3]  }
0x152: {  	[sflag:s12] =	ssyncset.done $0x0  }
0x153: {  	[sflag:s12] =	ssyncadd.s32 $0xFFFF0800  }
0x154: {  	[tilespmem:s11], [sflag:$0x2] =	stream.linear.gather [hbm4b:s29+s2], $0xF800, $0x38;
	[tilespmem:$0x1F000] =	vst v63  }
0x155: {  	_ =	swait.ge [sflag:s9], $0xF800  }
0x156: {  	s29 =	sld [smem:$0x7C4]  }
0x157: {  	[sflag:s9] =	ssyncset.done $0x0  }
0x158: {  	[sflag:s9] =	ssyncadd.s32 $0xFFFF0800  }
0x159: {  	[hbm4b:s29+s2] =	stream.linear.scatter [tilespmem:s2], [sflag:$0x3], $0xF800, $0x38;
	[tilespmem:$0x1F000] =	vst v63  }
0x15a: {  	_ =	swait.ge [sflag:s7], $0xF800  }
0x15b: {  	s29 =	sld [smem:$0x7C5]  }
0x15c: {  	[sflag:s7] =	ssyncset.done $0x0  }
0x15d: {  	[sflag:s7] =	ssyncadd.s32 $0xFFFF0800  }
0x15e: {  	[tilespmem:s2], [sflag:$0x1] =	stream.linear.gather [hbm4b:s29+s2], $0xF800, $0x38;
	[tilespmem:$0x1F000] =	vst v63  }
0x15f: {  	_ =	swait.ge [sflag:s16], $0xF800  }
0x160: {  	s29 =	sld [smem:$0x7C6]  }
0x161: {  	[sflag:s16] =	ssyncset.done $0x0  }
0x162: {  	[sflag:s16] =	ssyncadd.s32 $0xFFFF0800  }
0x163: {  	[hbm4b:s29+s2] =	stream.linear.scatter [tilespmem:s11], [sflag:$0x4], $0xF800, $0x38;
	[tilespmem:$0x1F000] =	vst v63  }
0x164: {  	_ =	swait.ge [sflag:s12], $0xF800  }
0x165: {  	s29 =	sld [smem:$0x7C7]  }
0x166: {  	[sflag:s12] =	ssyncset.done $0x0  }
0x167: {  	[sflag:s12] =	ssyncadd.s32 $0xFFFF0800  }
0x168: {  	[tilespmem:s11], [sflag:$0x2] =	stream.linear.gather [hbm4b:s29+s2], $0xF800, $0x38;
	[tilespmem:$0x1F000] =	vst v63  }
0x169: {  	_ =	swait.ge [sflag:s9], $0xF800  }
0x16a: {  	s29 =	sld [smem:$0x7C8]  }
0x16b: {  	[sflag:s9] =	ssyncset.done $0x0  }
0x16c: {  	[sflag:s9] =	ssyncadd.s32 $0xFFFF0800  }
0x16d: {  	[hbm4b:s29+s2] =	stream.linear.scatter [tilespmem:s2], [sflag:$0x3], $0xF800, $0x38;
	[tilespmem:$0x1F000] =	vst v63  }
0x16e: {  	_ =	swait.ge [sflag:s7], $0xF800  }
0x16f: {  	s29 =	sld [smem:$0x7C9]  }
0x170: {  	[sflag:s7] =	ssyncset.done $0x0  }
0x171: {  	[sflag:s7] =	ssyncadd.s32 $0xFFFF0800  }
0x172: {  	[tilespmem:s2], [sflag:$0x1] =	stream.linear.gather [hbm4b:s29+s2], $0xF800, $0x38;
	[tilespmem:$0x1F000] =	vst v63  }
0x173: {  	_ =	swait.ge [sflag:s16], $0xF800  }
0x174: {  	s29 =	sld [smem:$0x7CA]  }
0x175: {  	[sflag:s16] =	ssyncset.done $0x0  }
0x176: {  	[sflag:s16] =	ssyncadd.s32 $0xFFFF0800  }
0x177: {  	[hbm4b:s29+s2] =	stream.linear.scatter [tilespmem:s11], [sflag:$0x4], $0xF800, $0x38;
	[tilespmem:$0x1F000] =	vst v63  }
0x178: {  	_ =	swait.ge [sflag:s12], $0xF800  }
0x179: {  	s29 =	sld [smem:$0x7CB]  }
0x17a: {  	[sflag:s12] =	ssyncset.done $0x0  }
0x17b: {  	[sflag:s12] =	ssyncadd.s32 $0xFFFF0800  }
0x17c: {  	[tilespmem:s11], [sflag:$0x2] =	stream.linear.gather [hbm4b:s29+s2], $0xF800, $0x38;
	[tilespmem:$0x1F000] =	vst v63  }
0x17d: {  	_ =	swait.ge [sflag:s9], $0xF800  }
0x17e: {  	s29 =	sld [smem:$0x7CC]  }
0x17f: {  	[sflag:s9] =	ssyncset.done $0x0  }
0x180: {  	[sflag:s9] =	ssyncadd.s32 $0xFFFF0800  }
0x181: {  	[hbm4b:s29+s2] =	stream.linear.scatter [tilespmem:s2], [sflag:$0x3], $0xF800, $0x38;
	[tilespmem:$0x1F000] =	vst v63  }
0x182: {  	_ =	swait.ge [sflag:s7], $0xF800  }
0x183: {  	s29 =	sld [smem:$0x7CD]  }
0x184: {  	[sflag:s7] =	ssyncset.done $0x0  }
0x185: {  	[sflag:s7] =	ssyncadd.s32 $0xFFFF0800  }
0x186: {  	[tilespmem:s2], [sflag:$0x1] =	stream.linear.gather [hbm4b:s29+s2], $0xF800, $0x38;
	[tilespmem:$0x1F000] =	vst v63  }
0x187: {  	_ =	swait.ge [sflag:s16], $0xF800  }
0x188: {  	s29 =	sld [smem:$0x7CE]  }
0x189: {  	[sflag:s16] =	ssyncset.done $0x0  }
0x18a: {  	[sflag:s16] =	ssyncadd.s32 $0xFFFF0800  }
0x18b: {  	[hbm4b:s29+s2] =	stream.linear.scatter [tilespmem:s11], [sflag:$0x4], $0xF800, $0x38;
	[tilespmem:$0x1F000] =	vst v63  }
0x18c: {  	_ =	swait.ge [sflag:s12], $0xF800  }
0x18d: {  	s29 =	sld [smem:$0x7CF]  }
0x18e: {  	[sflag:s12] =	ssyncset.done $0x0  }
0x18f: {  	[sflag:s12] =	ssyncadd.s32 $0xFFFF0800  }
0x190: {  	[tilespmem:s11], [sflag:$0x2] =	stream.linear.gather [hbm4b:s29+s2], $0xF800, $0x38;
	[tilespmem:$0x1F000] =	vst v63  }
0x191: {  	_ =	swait.ge [sflag:s9], $0xF800  }
0x192: {  	s29 =	sld [smem:$0x7D0]  }
0x193: {  	[sflag:s9] =	ssyncset.done $0x0  }
0x194: {  	[sflag:s9] =	ssyncadd.s32 $0xFFFF0800  }
0x195: {  	[hbm4b:s29+s2] =	stream.linear.scatter [tilespmem:s2], [sflag:$0x3], $0xF800, $0x38;
	[tilespmem:$0x1F000] =	vst v63  }
0x196: {  	_ =	swait.ge [sflag:s7], $0xF800  }
0x197: {  	s29 =	sld [smem:$0x7D1]  }
0x198: {  	[sflag:s7] =	ssyncset.done $0x0  }
0x199: {  	[sflag:s7] =	ssyncadd.s32 $0xFFFF0800  }
0x19a: {  	[tilespmem:s2], [sflag:$0x1] =	stream.linear.gather [hbm4b:s29+s2], $0xF800, $0x38;
	[tilespmem:$0x1F000] =	vst v63  }
0x19b: {  	_ =	swait.ge [sflag:s16], $0xF800  }
0x19c: {  	s29 =	sld [smem:$0x7D2]  }
0x19d: {  	[sflag:s16] =	ssyncset.done $0x0  }
0x19e: {  	[sflag:s16] =	ssyncadd.s32 $0xFFFF0800  }
0x19f: {  	[hbm4b:s29+s2] =	stream.linear.scatter [tilespmem:s11], [sflag:$0x4], $0xF800, $0x38;
	[tilespmem:$0x1F000] =	vst v63  }
0x1a0: {  	_ =	swait.ge [sflag:s12], $0xF800  }
0x1a1: {  	s29 =	sld [smem:$0x7D3]  }
0x1a2: {  	[sflag:s12] =	ssyncset.done $0x0  }
0x1a3: {  	[sflag:s12] =	ssyncadd.s32 $0xFFFF0800  }
0x1a4: {  	[tilespmem:s11], [sflag:$0x2] =	stream.linear.gather [hbm4b:s29+s2], $0xF800, $0x38;
	[tilespmem:$0x1F000] =	vst v63  }
0x1a5: {  	_ =	swait.ge [sflag:s9], $0xF800  }
0x1a6: {  	s29 =	sld [smem:$0x7D4]  }
0x1a7: {  	[sflag:s9] =	ssyncset.done $0x0  }
0x1a8: {  	[sflag:s9] =	ssyncadd.s32 $0xFFFF0800  }
0x1a9: {  	[hbm4b:s29+s2] =	stream.linear.scatter [tilespmem:s2], [sflag:$0x3], $0xF800, $0x38;
	[tilespmem:$0x1F000] =	vst v63  }
0x1aa: {  	_ =	swait.ge [sflag:s7], $0xF800  }
0x1ab: {  	s29 =	sld [smem:$0x7D5]  }
0x1ac: {  	[sflag:s7] =	ssyncset.done $0x0  }
0x1ad: {  	[sflag:s7] =	ssyncadd.s32 $0xFFFF0800  }
0x1ae: {  	[tilespmem:s2], [sflag:$0x1] =	stream.linear.gather [hbm4b:s29+s2], $0xF800, $0x38;
	[tilespmem:$0x1F000] =	vst v63  }
0x1af: {  	_ =	swait.ge [sflag:s16], $0xF800  }
0x1b0: {  	s29 =	sld [smem:$0x7D6]  }
0x1b1: {  	[sflag:s16] =	ssyncset.done $0x0  }
0x1b2: {  	[sflag:s16] =	ssyncadd.s32 $0xFFFF0800  }
0x1b3: {  	[hbm4b:s29+s2] =	stream.linear.scatter [tilespmem:s11], [sflag:$0x4], $0xF800, $0x38;
	[tilespmem:$0x1F000] =	vst v63  }
0x1b4: {  	_ =	swait.ge [sflag:s12], $0xF800  }
0x1b5: {  	s29 =	sld [smem:$0x7D7]  }
0x1b6: {  	[sflag:s12] =	ssyncset.done $0x0  }
0x1b7: {  	[sflag:s12] =	ssyncadd.s32 $0xFFFF0800  }
0x1b8: {  	[tilespmem:s11], [sflag:$0x2] =	stream.linear.gather [hbm4b:s29+s2], $0xF800, $0x38;
	[tilespmem:$0x1F000] =	vst v63  }
0x1b9: {  	_ =	swait.ge [sflag:s9], $0xF800  }
0x1ba: {  	s29 =	sld [smem:$0x7D8]  }
0x1bb: {  	[sflag:s9] =	ssyncset.done $0x0  }
0x1bc: {  	[sflag:s9] =	ssyncadd.s32 $0xFFFF0800  }
0x1bd: {  	[hbm4b:s29+s2] =	stream.linear.scatter [tilespmem:s2], [sflag:$0x3], $0xF800, $0x38;
	[tilespmem:$0x1F000] =	vst v63  }
0x1be: {  	_ =	swait.ge [sflag:s7], $0xF800  }
0x1bf: {  	s29 =	sld [smem:$0x7D9]  }
0x1c0: {  	[sflag:s7] =	ssyncset.done $0x0  }
0x1c1: {  	[sflag:s7] =	ssyncadd.s32 $0xFFFF0800  }
0x1c2: {  	[tilespmem:s2], [sflag:$0x1] =	stream.linear.gather [hbm4b:s29+s2], $0xF800, $0x38;
	[tilespmem:$0x1F000] =	vst v63  }
0x1c3: {  	_ =	swait.ge [sflag:s16], $0xF800  }
0x1c4: {  	s29 =	sld [smem:$0x7DA]  }
0x1c5: {  	[sflag:s16] =	ssyncset.done $0x0  }
0x1c6: {  	[sflag:s16] =	ssyncadd.s32 $0xFFFF0800  }
0x1c7: {  	[hbm4b:s29+s2] =	stream.linear.scatter [tilespmem:s11], [sflag:$0x4], $0xF800, $0x38;
	[tilespmem:$0x1F000] =	vst v63  }
0x1c8: {  	_ =	swait.ge [sflag:s12], $0xF800  }
0x1c9: {  	s29 =	sld [smem:$0x7DB]  }
0x1ca: {  	[sflag:s12] =	ssyncset.done $0x0  }
0x1cb: {  	[sflag:s12] =	ssyncadd.s32 $0xFFFF0800  }
0x1cc: {  	[tilespmem:s11], [sflag:$0x2] =	stream.linear.gather [hbm4b:s29+s2], $0xF800, $0x38;
	[tilespmem:$0x1F000] =	vst v63  }
0x1cd: {  	_ =	swait.ge [sflag:s9], $0xF800  }
0x1ce: {  	s29 =	sld [smem:$0x7DC]  }
0x1cf: {  	[sflag:s9] =	ssyncset.done $0x0  }
0x1d0: {  	[sflag:s9] =	ssyncadd.s32 $0xFFFF0800  }
0x1d1: {  	[hbm4b:s29+s2] =	stream.linear.scatter [tilespmem:s2], [sflag:$0x3], $0xF800, $0x38;
	[tilespmem:$0x1F000] =	vst v63  }
0x1d2: {  	_ =	swait.ge [sflag:s7], $0xF800  }
0x1d3: {  	s29 =	sld [smem:$0x7DD]  }
0x1d4: {  	[sflag:s7] =	ssyncset.done $0x0  }
0x1d5: {  	[sflag:s7] =	ssyncadd.s32 $0xFFFF0800  }
0x1d6: {  	[tilespmem:s2], [sflag:$0x1] =	stream.linear.gather [hbm4b:s29+s2], $0xF800, $0x38;
	[tilespmem:$0x1F000] =	vst v63  }
0x1d7: {  	_ =	swait.ge [sflag:s16], $0xF800  }
0x1d8: {  	s29 =	sld [smem:$0x7DE]  }
0x1d9: {  	[sflag:s16] =	ssyncset.done $0x0  }
0x1da: {  	[sflag:s16] =	ssyncadd.s32 $0xFFFF0800  }
0x1db: {  	[hbm4b:s29+s2] =	stream.linear.scatter [tilespmem:s11], [sflag:$0x4], $0xF800, $0x38;
	[tilespmem:$0x1F000] =	vst v63  }
0x1dc: {  	_ =	swait.ge [sflag:s12], $0xF800  }
0x1dd: {  	s29 =	sld [smem:$0x7DF]  }
0x1de: {  	[sflag:s12] =	ssyncset.done $0x0  }
0x1df: {  	[sflag:s12] =	ssyncadd.s32 $0xFFFF0800  }
0x1e0: {  	[tilespmem:s11], [sflag:$0x2] =	stream.linear.gather [hbm4b:s29+s2], $0xF800, $0x38;
	[tilespmem:$0x1F000] =	vst v63  }
0x1e1: {  	_ =	swait.ge [sflag:s9], $0xF800  }
0x1e2: {  	s29 =	sld [smem:$0x7E0]  }
0x1e3: {  	[sflag:s9] =	ssyncset.done $0x0  }
0x1e4: {  	[sflag:s9] =	ssyncadd.s32 $0xFFFF0800  }
0x1e5: {  	[hbm4b:s29+s2] =	stream.linear.scatter [tilespmem:s2], [sflag:$0x3], $0xF800, $0x38;
	[tilespmem:$0x1F000] =	vst v63  }
0x1e6: {  	_ =	swait.ge [sflag:s7], $0xF800  }
0x1e7: {  	s29 =	sld [smem:$0x7E1]  }
0x1e8: {  	[sflag:s7] =	ssyncset.done $0x0  }
0x1e9: {  	[sflag:s7] =	ssyncadd.s32 $0xFFFF0800  }
0x1ea: {  	[tilespmem:s2], [sflag:$0x1] =	stream.linear.gather [hbm4b:s29+s2], $0xF800, $0x38;
	[tilespmem:$0x1F000] =	vst v63  }
0x1eb: {  	_ =	swait.ge [sflag:s16], $0xF800  }
0x1ec: {  	s29 =	sld [smem:$0x7E2]  }
0x1ed: {  	[sflag:s16] =	ssyncset.done $0x0  }
0x1ee: {  	[sflag:s16] =	ssyncadd.s32 $0xFFFF0800  }
0x1ef: {  	[hbm4b:s29+s2] =	stream.linear.scatter [tilespmem:s11], [sflag:$0x4], $0xF800, $0x38;
	[tilespmem:$0x1F000] =	vst v63  }
0x1f0: {  	_ =	swait.ge [sflag:s12], $0xF800  }
0x1f1: {  	s29 =	sld [smem:$0x7E3]  }
0x1f2: {  	[sflag:s12] =	ssyncset.done $0x0  }
0x1f3: {  	[sflag:s12] =	ssyncadd.s32 $0xFFFF0800  }
0x1f4: {  	[tilespmem:s11], [sflag:$0x2] =	stream.linear.gather [hbm4b:s29+s2], $0xF800, $0x38;
	[tilespmem:$0x1F000] =	vst v63  }
0x1f5: {  	_ =	swait.ge [sflag:s9], $0xF800  }
0x1f6: {  	s29 =	sld [smem:$0x7E4]  }
0x1f7: {  	[sflag:s9] =	ssyncset.done $0x0  }
0x1f8: {  	[sflag:s9] =	ssyncadd.s32 $0xFFFF0800  }
0x1f9: {  	[hbm4b:s29+s2] =	stream.linear.scatter [tilespmem:s2], [sflag:$0x3], $0xF800, $0x38;
	[tilespmem:$0x1F000] =	vst v63  }
0x1fa: {  	_ =	swait.ge [sflag:s7], $0xF800  }
0x1fb: {  	s29 =	sld [smem:$0x7E5]  }
0x1fc: {  	[sflag:s7] =	ssyncset.done $0x0  }
0x1fd: {  	[sflag:s7] =	ssyncadd.s32 $0xFFFF0800  }
0x1fe: {  	[tilespmem:s2], [sflag:$0x1] =	stream.linear.gather [hbm4b:s29+s2], $0xF800, $0x38;
	[tilespmem:$0x1F000] =	vst v63  }
0x1ff: {  	_ =	swait.ge [sflag:s16], $0xF800  }
0x200: {  	s29 =	sld [smem:$0x7E6]  }
0x201: {  	[sflag:s16] =	ssyncset.done $0x0  }
0x202: {  	[sflag:s16] =	ssyncadd.s32 $0xFFFF0800  }
0x203: {  	[hbm4b:s29+s2] =	stream.linear.scatter [tilespmem:s11], [sflag:$0x4], $0xF800, $0x38;
	[tilespmem:$0x1F000] =	vst v63  }
0x204: {  	_ =	swait.ge [sflag:s12], $0xF800  }
0x205: {  	s29 =	sld [smem:$0x7E7]  }
0x206: {  	[sflag:s12] =	ssyncset.done $0x0  }
0x207: {  	[sflag:s12] =	ssyncadd.s32 $0xFFFF0800  }
0x208: {  	[tilespmem:s11], [sflag:$0x2] =	stream.linear.gather [hbm4b:s29+s2], $0xF800, $0x38;
	[tilespmem:$0x1F000] =	vst v63  }
0x209: {  	_ =	swait.ge [sflag:s9], $0xF800  }
0x20a: {  	s29 =	sld [smem:$0x7E8]  }
0x20b: {  	[sflag:s9] =	ssyncset.done $0x0  }
0x20c: {  	[sflag:s9] =	ssyncadd.s32 $0xFFFF0800  }
0x20d: {  	[hbm4b:s29+s2] =	stream.linear.scatter [tilespmem:s2], [sflag:$0x3], $0xF800, $0x38;
	[tilespmem:$0x1F000] =	vst v63  }
0x20e: {  	_ =	swait.ge [sflag:s7], $0xF800  }
0x20f: {  	s29 =	sld [smem:$0x7E9]  }
0x210: {  	[sflag:s7] =	ssyncset.done $0x0  }
0x211: {  	[sflag:s7] =	ssyncadd.s32 $0xFFFF0800  }
0x212: {  	[tilespmem:s2], [sflag:$0x1] =	stream.linear.gather [hbm4b:s29+s2], $0xF800, $0x38;
	[tilespmem:$0x1F000] =	vst v63  }
0x213: {  	_ =	swait.ge [sflag:s16], $0xF800  }
0x214: {  	s29 =	sld [smem:$0x7EA]  }
0x215: {  	[sflag:s16] =	ssyncset.done $0x0  }
0x216: {  	[sflag:s16] =	ssyncadd.s32 $0xFFFF0800  }
0x217: {  	[hbm4b:s29+s2] =	stream.linear.scatter [tilespmem:s11], [sflag:$0x4], $0xF800, $0x38;
	[tilespmem:$0x1F000] =	vst v63  }
0x218: {  	_ =	swait.ge [sflag:s12], $0xF800  }
0x219: {  	s29 =	sld [smem:$0x7EB]  }
0x21a: {  	[sflag:s12] =	ssyncset.done $0x0  }
0x21b: {  	[sflag:s12] =	ssyncadd.s32 $0xFFFF0800  }
0x21c: {  	[tilespmem:s11], [sflag:$0x2] =	stream.linear.gather [hbm4b:s29+s2], $0xF800, $0x38;
	[tilespmem:$0x1F000] =	vst v63  }
0x21d: {  	_ =	swait.ge [sflag:s9], $0xF800  }
0x21e: {  	s29 =	sld [smem:$0x7EC]  }
0x21f: {  	[sflag:s9] =	ssyncset.done $0x0  }
0x220: {  	[sflag:s9] =	ssyncadd.s32 $0xFFFF0800  }
0x221: {  	[hbm4b:s29+s2] =	stream.linear.scatter [tilespmem:s2], [sflag:$0x3], $0xF800, $0x38;
	[tilespmem:$0x1F000] =	vst v63  }
0x222: {  	_ =	swait.ge [sflag:s7], $0xF800  }
0x223: {  	s29 =	sld [smem:$0x7ED]  }
0x224: {  	[sflag:s7] =	ssyncset.done $0x0  }
0x225: {  	[sflag:s7] =	ssyncadd.s32 $0xFFFF0800  }
0x226: {  	[tilespmem:s2], [sflag:$0x1] =	stream.linear.gather [hbm4b:s29+s2], $0xF800, $0x38;
	[tilespmem:$0x1F000] =	vst v63  }
0x227: {  	_ =	swait.ge [sflag:s16], $0xF800  }
0x228: {  	s29 =	sld [smem:$0x7EE]  }
0x229: {  	[sflag:s16] =	ssyncset.done $0x0  }
0x22a: {  	[sflag:s16] =	ssyncadd.s32 $0xFFFF0800  }
0x22b: {  	[hbm4b:s29+s2] =	stream.linear.scatter [tilespmem:s11], [sflag:$0x4], $0xF800, $0x38;
	[tilespmem:$0x1F000] =	vst v63  }
0x22c: {  	_ =	swait.ge [sflag:s12], $0xF800  }
0x22d: {  	s29 =	sld [smem:$0x7EF]  }
0x22e: {  	[sflag:s12] =	ssyncset.done $0x0  }
0x22f: {  	[sflag:s12] =	ssyncadd.s32 $0xFFFF0800  }
0x230: {  	[tilespmem:s11], [sflag:$0x2] =	stream.linear.gather [hbm4b:s29+s2], $0xF800, $0x38;
	[tilespmem:$0x1F000] =	vst v63  }
0x231: {  	_ =	swait.ge [sflag:s9], $0xF800  }
0x232: {  	s29 =	sld [smem:$0x7F0]  }
0x233: {  	[sflag:s9] =	ssyncset.done $0x0  }
0x234: {  	[sflag:s9] =	ssyncadd.s32 $0xFFFF0800  }
0x235: {  	[hbm4b:s29+s2] =	stream.linear.scatter [tilespmem:s2], [sflag:$0x3], $0xF800, $0x38;
	[tilespmem:$0x1F000] =	vst v63  }
0x236: {  	_ =	swait.ge [sflag:s7], $0xF800  }
0x237: {  	s29 =	sld [smem:$0x7F1]  }
0x238: {  	[sflag:s7] =	ssyncset.done $0x0  }
0x239: {  	[sflag:s7] =	ssyncadd.s32 $0xFFFF0800  }
0x23a: {  	[tilespmem:s2], [sflag:$0x1] =	stream.linear.gather [hbm4b:s29+s2], $0xF800, $0x38;
	[tilespmem:$0x1F000] =	vst v63  }
0x23b: {  	_ =	swait.ge [sflag:s16], $0xF800  }
0x23c: {  	s29 =	sld [smem:$0x7F2]  }
0x23d: {  	[sflag:s16] =	ssyncset.done $0x0  }
0x23e: {  	[sflag:s16] =	ssyncadd.s32 $0xFFFF0800  }
0x23f: {  	[hbm4b:s29+s2] =	stream.linear.scatter [tilespmem:s11], [sflag:$0x4], $0xF800, $0x38;
	[tilespmem:$0x1F000] =	vst v63  }
0x240: {  	_ =	swait.ge [sflag:s12], $0xF800  }
0x241: {  	s29 =	sld [smem:$0x7F3]  }
0x242: {  	[sflag:s12] =	ssyncset.done $0x0  }
0x243: {  	[sflag:s12] =	ssyncadd.s32 $0xFFFF0800  }
0x244: {  	[tilespmem:s11], [sflag:$0x2] =	stream.linear.gather [hbm4b:s29+s2], $0xF800, $0x38;
	[tilespmem:$0x1F000] =	vst v63  }
0x245: {  	_ =	swait.ge [sflag:s9], $0xF800  }
0x246: {  	s29 =	sld [smem:$0x7F4]  }
0x247: {  	[sflag:s9] =	ssyncset.done $0x0  }
0x248: {  	[sflag:s9] =	ssyncadd.s32 $0xFFFF0800  }
0x249: {  	[hbm4b:s29+s2] =	stream.linear.scatter [tilespmem:s2], [sflag:$0x3], $0xF800, $0x38;
	[tilespmem:$0x1F000] =	vst v63  }
0x24a: {  	_ =	swait.ge [sflag:s7], $0xF800  }
0x24b: {  	s29 =	sld [smem:$0x7F5]  }
0x24c: {  	[sflag:s7] =	ssyncset.done $0x0  }
0x24d: {  	[sflag:s7] =	ssyncadd.s32 $0xFFFF0800  }
0x24e: {  	[tilespmem:s2], [sflag:$0x1] =	stream.linear.gather [hbm4b:s29+s2], $0xF800, $0x38;
	[tilespmem:$0x1F000] =	vst v63  }
0x24f: {  	_ =	swait.ge [sflag:s16], $0xF800  }
0x250: {  	s29 =	sld [smem:$0x7F6]  }
0x251: {  	[sflag:s16] =	ssyncset.done $0x0  }
0x252: {  	[sflag:s16] =	ssyncadd.s32 $0xFFFF0800  }
0x253: {  	[hbm4b:s29+s2] =	stream.linear.scatter [tilespmem:s11], [sflag:$0x4], $0xF800, $0x38;
	[tilespmem:$0x1F000] =	vst v63  }
0x254: {  	_ =	swait.ge [sflag:s12], $0xF800  }
0x255: {  	s29 =	sld [smem:$0x7F7]  }
0x256: {  	[sflag:s12] =	ssyncset.done $0x0  }
0x257: {  	[sflag:s12] =	ssyncadd.s32 $0xFFFF0800  }
0x258: {  	[tilespmem:s11], [sflag:$0x2] =	stream.linear.gather [hbm4b:s29+s2], $0xF800, $0x38;
	[tilespmem:$0x1F000] =	vst v63  }
0x259: {  	_ =	swait.ge [sflag:s9], $0xF800  }
0x25a: {  	s29 =	sld [smem:$0x7F8]  }
0x25b: {  	[sflag:s9] =	ssyncset.done $0x0  }
0x25c: {  	[sflag:s9] =	ssyncadd.s32 $0xFFFF0800  }
0x25d: {  	[hbm4b:s29+s2] =	stream.linear.scatter [tilespmem:s2], [sflag:$0x3], $0xF800, $0x38;
	[tilespmem:$0x1F000] =	vst v63  }
0x25e: {  	_ =	swait.ge [sflag:s7], $0xF800  }
0x25f: {  	s29 =	sld [smem:$0x7F9]  }
0x260: {  	[sflag:s7] =	ssyncset.done $0x0  }
0x261: {  	[sflag:s7] =	ssyncadd.s32 $0xFFFF0800  }
0x262: {  	[tilespmem:s2], [sflag:$0x1] =	stream.linear.gather [hbm4b:s29+s2], $0xF800, $0x38;
	[tilespmem:$0x1F000] =	vst v63  }
0x263: {  	_ =	swait.ge [sflag:s16], $0xF800  }
0x264: {  	s29 =	sld [smem:$0x7FA]  }
0x265: {  	[sflag:s16] =	ssyncset.done $0x0  }
0x266: {  	[sflag:s16] =	ssyncadd.s32 $0xFFFF0800  }
0x267: {  	[hbm4b:s29+s2] =	stream.linear.scatter [tilespmem:s11], [sflag:$0x4], $0xF800, $0x38;
	[tilespmem:$0x1F000] =	vst v63  }
0x268: {  	_ =	swait.ge [sflag:s12], $0xF800  }
0x269: {  	s29 =	sld [smem:$0x7FB]  }
0x26a: {  	[sflag:s12] =	ssyncset.done $0x0  }
0x26b: {  	[sflag:s12] =	ssyncadd.s32 $0xFFFF0800  }
0x26c: {  	[tilespmem:s11], [sflag:$0x2] =	stream.linear.gather [hbm4b:s29+s2], $0xF800, $0x38;
	[tilespmem:$0x1F000] =	vst v63  }
0x26d: {  	_ =	swait.ge [sflag:s9], $0xF800  }
0x26e: {  	s29 =	sld [smem:$0x7FC]  }
0x26f: {  	[sflag:s9] =	ssyncset.done $0x0  }
0x270: {  	[sflag:s9] =	ssyncadd.s32 $0xFFFF0800  }
0x271: {  	[hbm4b:s29+s2] =	stream.linear.scatter [tilespmem:s2], [sflag:$0x3], $0xF800, $0x38;
	[tilespmem:$0x1F000] =	vst v63  }
0x272: {  	_ =	swait.ge [sflag:s7], $0xF800  }
0x273: {  	s29 =	sld [smem:$0x7FD]  }
0x274: {  	[sflag:s7] =	ssyncset.done $0x0  }
0x275: {  	[sflag:s7] =	ssyncadd.s32 $0xFFFF0800  }
0x276: {  	[tilespmem:s2], [sflag:$0x1] =	stream.linear.gather [hbm4b:s29+s2], $0xF800, $0x38;
	[tilespmem:$0x1F000] =	vst v63  }
0x277: {  	_ =	swait.ge [sflag:s16], $0xF800  }
0x278: {  	[sflag:s16] =	ssyncset.done $0x0  }
0x279: {  	[sflag:s16] =	ssyncadd.s32 $0xFFFF0800  }
0x27a: {  	[hbm4b:s28+s2] =	stream.linear.scatter [tilespmem:s11], [sflag:$0x4], $0xF800, $0x38;
	[tilespmem:$0x1F000] =	vst v63  }
0x27b: {  	_ =	swait.ge [sflag:s12], $0xF800  }
0x27c: {  	[sflag:s12] =	ssyncset.done $0x0  }
0x27d: {  	[sflag:s12] =	ssyncadd.s32 $0xFFFF0800  }
0x27e: {  	[tilespmem:s11], [sflag:$0x2] =	stream.linear.gather [hbm4b:s26+s2], $0xF800, $0x38;
	[tilespmem:$0x1F000] =	vst v63  }
0x27f: {  	_ =	swait.ge [sflag:s9], $0xF800  }
0x280: {  	[sflag:s9] =	ssyncset.done $0x0  }
0x281: {  	[sflag:s9] =	ssyncadd.s32 $0xFFFF0800  }
0x282: {  	[hbm4b:s25+s2] =	stream.linear.scatter [tilespmem:s2], [sflag:$0x3], $0xF800, $0x38;
	[tilespmem:$0x1F000] =	vst v63  }
0x283: {  	_ =	swait.ge [sflag:s7], $0xF800  }
0x284: {  	[sflag:s7] =	ssyncset.done $0x0  }
0x285: {  	[sflag:s7] =	ssyncadd.s32 $0xFFFF0800  }
0x286: {  	[tilespmem:s2], [sflag:$0x1] =	stream.linear.gather [hbm4b:s24+s2], $0xF800, $0x38;
	[tilespmem:$0x1F000] =	vst v63  }
0x287: {  	_ =	swait.ge [sflag:s16], $0xF800  }
0x288: {  	[sflag:s16] =	ssyncset.done $0x0  }
0x289: {  	[sflag:s16] =	ssyncadd.s32 $0xFFFF0800  }
0x28a: {  	[hbm4b:s23+s2] =	stream.linear.scatter [tilespmem:s11], [sflag:$0x4], $0xF800, $0x38;
	[tilespmem:$0x1F000] =	vst v63  }
0x28b: {  	_ =	swait.ge [sflag:s12], $0xF800  }
0x28c: {  	[sflag:s12] =	ssyncset.done $0x0  }
0x28d: {  	[sflag:s12] =	ssyncadd.s32 $0xFFFF0800  }
0x28e: {  	[tilespmem:s11], [sflag:$0x2] =	stream.linear.gather [hbm4b:s22+s2], $0xF800, $0x38;
	[tilespmem:$0x1F000] =	vst v63  }
0x28f: {  	_ =	swait.ge [sflag:s9], $0xF800  }
0x290: {  	[sflag:s9] =	ssyncset.done $0x0  }
0x291: {  	[sflag:s9] =	ssyncadd.s32 $0xFFFF0800  }
0x292: {  	[hbm4b:s21+s2] =	stream.linear.scatter [tilespmem:s2], [sflag:$0x3], $0xF800, $0x38;
	[tilespmem:$0x1F000] =	vst v63  }
0x293: {  	_ =	swait.ge [sflag:s7], $0xF800  }
0x294: {  	[sflag:s7] =	ssyncset.done $0x0  }
0x295: {  	[sflag:s7] =	ssyncadd.s32 $0xFFFF0800  }
0x296: {  	[tilespmem:s2], [sflag:$0x1] =	stream.linear.gather [hbm4b:s20+s2], $0xF800, $0x38;
	[tilespmem:$0x1F000] =	vst v63  }
0x297: {  	_ =	swait.ge [sflag:s16], $0xF800  }
0x298: {  	[sflag:s16] =	ssyncset.done $0x0  }
0x299: {  	[sflag:s16] =	ssyncadd.s32 $0xFFFF0800  }
0x29a: {  	[hbm4b:s19+s2] =	stream.linear.scatter [tilespmem:s11], [sflag:$0x4], $0xF800, $0x38;
	[tilespmem:$0x1F000] =	vst v63  }
0x29b: {  	_ =	swait.ge [sflag:s12], $0xF800  }
0x29c: {  	[sflag:s12] =	ssyncset.done $0x0  }
0x29d: {  	[sflag:s12] =	ssyncadd.s32 $0xFFFF0800  }
0x29e: {  	[tilespmem:s11], [sflag:$0x2] =	stream.linear.gather [hbm4b:s18+s2], $0xF800, $0x38;
	[tilespmem:$0x1F000] =	vst v63  }
0x29f: {  	_ =	swait.ge [sflag:s9], $0xF800  }
0x2a0: {  	[sflag:s9] =	ssyncset.done $0x0  }
0x2a1: {  	[sflag:s9] =	ssyncadd.s32 $0xFFFF0800  }
0x2a2: {  	[hbm4b:s17+s2] =	stream.linear.scatter [tilespmem:s2], [sflag:$0x3], $0xF800, $0x38;
	[tilespmem:$0x1F000] =	vst v63  }
0x2a3: {  	_ =	swait.ge [sflag:s7], $0xF800  }
0x2a4: {  	[sflag:s7] =	ssyncset.done $0x0  }
0x2a5: {  	[sflag:s7] =	ssyncadd.s32 $0xFFFF0800  }
0x2a6: {  	[tilespmem:s2], [sflag:$0x1] =	stream.linear.gather [hbm4b:s15+s2], $0xF800, $0x38;
	[tilespmem:$0x1F000] =	vst v63  }
0x2a7: {  	_ =	swait.ge [sflag:s16], $0xF800  }
0x2a8: {  	[sflag:s16] =	ssyncset.done $0x0  }
0x2a9: {  	[sflag:s16] =	ssyncadd.s32 $0xFFFF0800  }
0x2aa: {  	[hbm4b:s14+s2] =	stream.linear.scatter [tilespmem:s11], [sflag:$0x4], $0xF800, $0x38;
	[tilespmem:$0x1F000] =	vst v63  }
0x2ab: {  	_ =	swait.ge [sflag:s12], $0xF800  }
0x2ac: {  	[sflag:s12] =	ssyncset.done $0x0  }
0x2ad: {  	[sflag:s12] =	ssyncadd.s32 $0xFFFF0800  }
0x2ae: {  	[tilespmem:s11], [sflag:$0x2] =	stream.linear.gather [hbm4b:s13+s2], $0xF800, $0x38;
	[tilespmem:$0x1F000] =	vst v63  }
0x2af: {  	_ =	swait.ge [sflag:s9], $0xF800  }
0x2b0: {  	[sflag:s9] =	ssyncset.done $0x0  }
0x2b1: {  	[sflag:s9] =	ssyncadd.s32 $0xFFFF0800  }
0x2b2: {  	[hbm4b:s10+s2] =	stream.linear.scatter [tilespmem:s2], [sflag:$0x3], $0xF800, $0x38;
	[tilespmem:$0x1F000] =	vst v63  }
0x2b3: {  	_ =	swait.ge [sflag:s7], $0xF800  }
0x2b4: {  	[sflag:s7] =	ssyncset.done $0x0  }
0x2b5: {  	[sflag:s7] =	ssyncadd.s32 $0xFFFF0800  }
0x2b6: {  	[tilespmem:s2], [sflag:$0x1] =	stream.linear.gather [hbm4b:s8+s2], $0xF800, $0x38;
	[tilespmem:$0x1F000] =	vst v63  }
0x2b7: {  	_ =	swait.ge [sflag:s16], $0xF800  }
0x2b8: {  	[sflag:s16] =	ssyncset.done $0x0  }
0x2b9: {  	[sflag:s16] =	ssyncadd.s32 $0xFFFF0800  }
0x2ba: {  	[hbm4b:s6+s2] =	stream.linear.scatter [tilespmem:s11], [sflag:$0x4], $0xF800, $0x38;
	[tilespmem:$0x1F000] =	vst v63  }
0x2bb: {  	_ =	swait.ge [sflag:s9], $0xF800  }
0x2bc: {  	[sflag:s9] =	ssyncset.done $0x0  }
0x2bd: {  	[sflag:s9] =	ssyncadd.s32 $0xFFFF0800  }
0x2be: {  	[hbm4b:s5+s2] =	stream.linear.scatter [tilespmem:s2], [sflag:$0x3], $0xF800, $0x38;
	[tilespmem:$0x1F000] =	vst v63  }
0x2bf: {  	_ =	swait.ge [sflag:s12], $0xF800  }
0x2c0: {  	[sflag:s12] =	ssyncset.done $0x0  }
0x2c1: {  	[sflag:s12] =	ssyncadd.s32 $0xFFFF0800  }
0x2c2: {  	_ =	swait.ge [sflag:s7], $0xF800  }
0x2c3: {  	s0 =	simm.s32 @!p0 $0x0;
	[sflag:s7] =	ssyncset.done $0x0  }
0x2c4: {  	s31 =	simm.s32 @!p0 $0x1;
	s1 =	sadd.s32 $0xFFFFFFFF, s1;
	[sflag:s7] =	ssyncadd.s32 $0xFFFF0800  }
0x2c5: {  	[tilespmem:s0], [sflag:$0x1] =	stream.linear.gather @!p0 [hbm4b:s4+s0], $0x2000, $0x38;
	[tilespmem:$0x1F000] =	vst v63  }
0x2c6: {  	p2 =	sne.s32 s1, $0x0;
	_ =	swait.ge @!p0 [sflag:s31], $0x2000  }
.Ltmp1:
0x2c7: {  	[sflag:s31] =	ssyncset.done @!p0 $0x0;
	(pc) =	sbr.rel @!p2 .LBB2_3-.Ltmp1, $4  }
0x2c8: {  	s30 =	simm.s32 @!p0 $0x3;
	[sflag:s31] =	ssyncadd.s32 @!p0 $0xFFFFE000  }
0x2c9: {  	[hbm4b:s3+s0] =	stream.linear.scatter @!p0 [tilespmem:s0], [sflag:$0x3], $0x2000, $0x38;
	[tilespmem:$0x1F000] =	vst v63  }
0x2ca: {  	_ =	swait.ge @!p0 [sflag:s30], $0x2000  }
0x2cb: {  	p1 =	por $0x1, $0x1;
	s0 =	rddreg [dreg:$0x2];
	[sflag:s30] =	ssyncset.done @!p0 $0x0  }
.LBB2_4:
0x2cc: {  	[sflag:s30] =	ssyncadd.s32 @!p0 $0xFFFFE000  }
0x2cd: {  	s29 =	smov.u32 s28;
	s28 =	smov.u32 s26;
	s26 =	smov.u32 s25  }
0x2ce: {  	s25 =	smov.u32 s24;
	s24 =	smov.u32 s23;
	s23 =	smov.u32 s22  }
0x2cf: {  	s22 =	smov.u32 s21;
	s21 =	smov.u32 s20;
	s20 =	smov.u32 s19  }
0x2d0: {  	s19 =	smov.u32 s18;
	s18 =	smov.u32 s17;
	s17 =	smov.u32 s15  }
0x2d1: {  	s15 =	smov.u32 s14;
	s14 =	smov.u32 s13;
	s13 =	smov.u32 s10  }
0x2d2: {  	s10 =	smov.u32 s8;
	s8 =	smov.u32 s6;
	s6 =	smov.u32 s5  }
0x2d3: {  	[tilespmem:s2], [sflag:$0x1] =	stream.linear.gather [hbm4b:s0+s2], $0xF800, $0x38;
	[tilespmem:$0x1F000] =	vst v63  }
0x2d4: {  	s5 =	smov.u32 s4;
	s4 =	smov.u32 s3;
	s3 =	rddreg [dreg:$0x3]  }
0x2d5: {  	[tilespmem:s11], [sflag:$0x2] =	stream.linear.gather [hbm4b:s3+s2], $0xF800, $0x38;
	[tilespmem:$0x1F000] =	vst v63  }
0x2d6: {  	_ =	swait.ge [sflag:s9], $0xF800  }
0x2d7: {  	[sflag:s9] =	ssyncset.done $0x0  }
0x2d8: {  	s0 =	rddreg [dreg:$0x4];
	[sflag:s9] =	ssyncadd.s32 $0xFFFF0800  }
0x2d9: {  	[hbm4b:s0+s2] =	stream.linear.scatter [tilespmem:s2], [sflag:$0x3], $0xF800, $0x38;
	[tilespmem:$0x1F000] =	vst v63  }
0x2da: {  	_ =	swait.ge [sflag:s7], $0xF800  }
0x2db: {  	[sflag:s7] =	ssyncset.done $0x0  }
0x2dc: {  	s0 =	rddreg [dreg:$0x5];
	[sflag:s7] =	ssyncadd.s32 $0xFFFF0800  }
0x2dd: {  	[tilespmem:s2], [sflag:$0x1] =	stream.linear.gather [hbm4b:s0+s2], $0xF800, $0x38;
	[tilespmem:$0x1F000] =	vst v63  }
0x2de: {  	_ =	swait.ge [sflag:s16], $0xF800  }
0x2df: {  	[sflag:s16] =	ssyncset.done $0x0  }
0x2e0: {  	s0 =	rddreg [dreg:$0x6];
	[sflag:s16] =	ssyncadd.s32 $0xFFFF0800  }
0x2e1: {  	[hbm4b:s0+s2] =	stream.linear.scatter [tilespmem:s11], [sflag:$0x4], $0xF800, $0x38;
	[tilespmem:$0x1F000] =	vst v63  }
0x2e2: {  	_ =	swait.ge [sflag:s12], $0xF800  }
0x2e3: {  	[sflag:s12] =	ssyncset.done $0x0  }
0x2e4: {  	s0 =	rddreg [dreg:$0x7];
	[sflag:s12] =	ssyncadd.s32 $0xFFFF0800  }
0x2e5: {  	[tilespmem:s11], [sflag:$0x2] =	stream.linear.gather [hbm4b:s0+s2], $0xF800, $0x38;
	[tilespmem:$0x1F000] =	vst v63  }
0x2e6: {  	_ =	swait.ge [sflag:s9], $0xF800  }
0x2e7: {  	[sflag:s9] =	ssyncset.done $0x0  }
0x2e8: {  	s0 =	rddreg [dreg:$0x8];
	[sflag:s9] =	ssyncadd.s32 $0xFFFF0800  }
0x2e9: {  	[hbm4b:s0+s2] =	stream.linear.scatter [tilespmem:s2], [sflag:$0x3], $0xF800, $0x38;
	[tilespmem:$0x1F000] =	vst v63  }
0x2ea: {  	_ =	swait.ge [sflag:s7], $0xF800  }
0x2eb: {  	[sflag:s7] =	ssyncset.done $0x0  }
0x2ec: {  	s0 =	rddreg [dreg:$0x9];
	[sflag:s7] =	ssyncadd.s32 $0xFFFF0800  }
0x2ed: {  	[tilespmem:s2], [sflag:$0x1] =	stream.linear.gather [hbm4b:s0+s2], $0xF800, $0x38;
	[tilespmem:$0x1F000] =	vst v63  }
0x2ee: {  	_ =	swait.ge [sflag:s16], $0xF800  }
0x2ef: {  	[sflag:s16] =	ssyncset.done $0x0  }
0x2f0: {  	s0 =	rddreg [dreg:$0xa];
	[sflag:s16] =	ssyncadd.s32 $0xFFFF0800  }
0x2f1: {  	[hbm4b:s0+s2] =	stream.linear.scatter [tilespmem:s11], [sflag:$0x4], $0xF800, $0x38;
	[tilespmem:$0x1F000] =	vst v63  }
0x2f2: {  	_ =	swait.ge [sflag:s12], $0xF800  }
0x2f3: {  	[sflag:s12] =	ssyncset.done $0x0  }
0x2f4: {  	s0 =	rddreg [dreg:$0xb];
	[sflag:s12] =	ssyncadd.s32 $0xFFFF0800  }
0x2f5: {  	[tilespmem:s11], [sflag:$0x2] =	stream.linear.gather [hbm4b:s0+s2], $0xF800, $0x38;
	[tilespmem:$0x1F000] =	vst v63  }
0x2f6: {  	_ =	swait.ge [sflag:s9], $0xF800  }
0x2f7: {  	[sflag:s9] =	ssyncset.done $0x0  }
0x2f8: {  	s0 =	rddreg [dreg:$0xc];
	[sflag:s9] =	ssyncadd.s32 $0xFFFF0800  }
0x2f9: {  	[hbm4b:s0+s2] =	stream.linear.scatter [tilespmem:s2], [sflag:$0x3], $0xF800, $0x38;
	[tilespmem:$0x1F000] =	vst v63  }
0x2fa: {  	_ =	swait.ge [sflag:s7], $0xF800  }
0x2fb: {  	[sflag:s7] =	ssyncset.done $0x0  }
0x2fc: {  	s0 =	rddreg [dreg:$0xd];
	[sflag:s7] =	ssyncadd.s32 $0xFFFF0800  }
0x2fd: {  	[tilespmem:s2], [sflag:$0x1] =	stream.linear.gather [hbm4b:s0+s2], $0xF800, $0x38;
	[tilespmem:$0x1F000] =	vst v63  }
0x2fe: {  	_ =	swait.ge [sflag:s16], $0xF800  }
0x2ff: {  	[sflag:s16] =	ssyncset.done $0x0  }
0x300: {  	s0 =	rddreg [dreg:$0xe];
	[sflag:s16] =	ssyncadd.s32 $0xFFFF0800  }
0x301: {  	[hbm4b:s0+s2] =	stream.linear.scatter [tilespmem:s11], [sflag:$0x4], $0xF800, $0x38;
	[tilespmem:$0x1F000] =	vst v63  }
0x302: {  	_ =	swait.ge [sflag:s12], $0xF800  }
0x303: {  	[sflag:s12] =	ssyncset.done $0x0  }
0x304: {  	s0 =	rddreg [dreg:$0xf];
	[sflag:s12] =	ssyncadd.s32 $0xFFFF0800  }
0x305: {  	[tilespmem:s11], [sflag:$0x2] =	stream.linear.gather [hbm4b:s0+s2], $0xF800, $0x38;
	[tilespmem:$0x1F000] =	vst v63  }
0x306: {  	_ =	swait.ge [sflag:s9], $0xF800  }
0x307: {  	[sflag:s9] =	ssyncset.done $0x0  }
0x308: {  	s0 =	rddreg [dreg:$0x10];
	[sflag:s9] =	ssyncadd.s32 $0xFFFF0800  }
0x309: {  	[hbm4b:s0+s2] =	stream.linear.scatter [tilespmem:s2], [sflag:$0x3], $0xF800, $0x38;
	[tilespmem:$0x1F000] =	vst v63  }
0x30a: {  	_ =	swait.ge [sflag:s7], $0xF800  }
0x30b: {  	[sflag:s7] =	ssyncset.done $0x0  }
0x30c: {  	s0 =	rddreg [dreg:$0x11];
	[sflag:s7] =	ssyncadd.s32 $0xFFFF0800  }
0x30d: {  	[tilespmem:s2], [sflag:$0x1] =	stream.linear.gather [hbm4b:s0+s2], $0xF800, $0x38;
	[tilespmem:$0x1F000] =	vst v63  }
0x30e: {  	_ =	swait.ge [sflag:s16], $0xF800  }
0x30f: {  	[sflag:s16] =	ssyncset.done $0x0  }
0x310: {  	s0 =	rddreg [dreg:$0x12];
	[sflag:s16] =	ssyncadd.s32 $0xFFFF0800  }
0x311: {  	[hbm4b:s0+s2] =	stream.linear.scatter [tilespmem:s11], [sflag:$0x4], $0xF800, $0x38;
	[tilespmem:$0x1F000] =	vst v63  }
0x312: {  	_ =	swait.ge [sflag:s12], $0xF800  }
0x313: {  	[sflag:s12] =	ssyncset.done $0x0  }
0x314: {  	s0 =	rddreg [dreg:$0x13];
	[sflag:s12] =	ssyncadd.s32 $0xFFFF0800  }
0x315: {  	[tilespmem:s11], [sflag:$0x2] =	stream.linear.gather [hbm4b:s0+s2], $0xF800, $0x38;
	[tilespmem:$0x1F000] =	vst v63  }
0x316: {  	_ =	swait.ge [sflag:s9], $0xF800  }
0x317: {  	[sflag:s9] =	ssyncset.done $0x0  }
0x318: {  	s0 =	rddreg [dreg:$0x14];
	[sflag:s9] =	ssyncadd.s32 $0xFFFF0800  }
0x319: {  	[hbm4b:s0+s2] =	stream.linear.scatter [tilespmem:s2], [sflag:$0x3], $0xF800, $0x38;
	[tilespmem:$0x1F000] =	vst v63  }
0x31a: {  	_ =	swait.ge [sflag:s7], $0xF800  }
0x31b: {  	[sflag:s7] =	ssyncset.done $0x0  }
0x31c: {  	s0 =	rddreg [dreg:$0x15];
	[sflag:s7] =	ssyncadd.s32 $0xFFFF0800  }
0x31d: {  	[tilespmem:s2], [sflag:$0x1] =	stream.linear.gather [hbm4b:s0+s2], $0xF800, $0x38;
	[tilespmem:$0x1F000] =	vst v63  }
0x31e: {  	_ =	swait.ge [sflag:s16], $0xF800  }
0x31f: {  	[sflag:s16] =	ssyncset.done $0x0  }
0x320: {  	s0 =	rddreg [dreg:$0x16];
	[sflag:s16] =	ssyncadd.s32 $0xFFFF0800  }
0x321: {  	[hbm4b:s0+s2] =	stream.linear.scatter [tilespmem:s11], [sflag:$0x4], $0xF800, $0x38;
	[tilespmem:$0x1F000] =	vst v63  }
0x322: {  	_ =	swait.ge [sflag:s12], $0xF800  }
0x323: {  	[sflag:s12] =	ssyncset.done $0x0  }
0x324: {  	s0 =	rddreg [dreg:$0x17];
	[sflag:s12] =	ssyncadd.s32 $0xFFFF0800  }
0x325: {  	[tilespmem:s11], [sflag:$0x2] =	stream.linear.gather [hbm4b:s0+s2], $0xF800, $0x38;
	[tilespmem:$0x1F000] =	vst v63  }
0x326: {  	_ =	swait.ge [sflag:s9], $0xF800  }
0x327: {  	[sflag:s9] =	ssyncset.done $0x0  }
0x328: {  	s0 =	rddreg [dreg:$0x18];
	[sflag:s9] =	ssyncadd.s32 $0xFFFF0800  }
0x329: {  	[hbm4b:s0+s2] =	stream.linear.scatter [tilespmem:s2], [sflag:$0x3], $0xF800, $0x38;
	[tilespmem:$0x1F000] =	vst v63  }
0x32a: {  	_ =	swait.ge [sflag:s7], $0xF800  }
0x32b: {  	[sflag:s7] =	ssyncset.done $0x0  }
0x32c: {  	s0 =	rddreg [dreg:$0x19];
	[sflag:s7] =	ssyncadd.s32 $0xFFFF0800  }
0x32d: {  	[tilespmem:s2], [sflag:$0x1] =	stream.linear.gather [hbm4b:s0+s2], $0xF800, $0x38;
	[tilespmem:$0x1F000] =	vst v63  }
0x32e: {  	_ =	swait.ge [sflag:s16], $0xF800  }
0x32f: {  	[sflag:s16] =	ssyncset.done $0x0  }
0x330: {  	s0 =	rddreg [dreg:$0x1a];
	[sflag:s16] =	ssyncadd.s32 $0xFFFF0800  }
0x331: {  	[hbm4b:s0+s2] =	stream.linear.scatter [tilespmem:s11], [sflag:$0x4], $0xF800, $0x38;
	[tilespmem:$0x1F000] =	vst v63  }
0x332: {  	_ =	swait.ge [sflag:s12], $0xF800  }
0x333: {  	[sflag:s12] =	ssyncset.done $0x0  }
0x334: {  	s0 =	rddreg [dreg:$0x1b];
	[sflag:s12] =	ssyncadd.s32 $0xFFFF0800  }
0x335: {  	[tilespmem:s11], [sflag:$0x2] =	stream.linear.gather [hbm4b:s0+s2], $0xF800, $0x38;
	[tilespmem:$0x1F000] =	vst v63  }
0x336: {  	_ =	swait.ge [sflag:s9], $0xF800  }
0x337: {  	[sflag:s9] =	ssyncset.done $0x0  }
0x338: {  	s0 =	rddreg [dreg:$0x1c];
	[sflag:s9] =	ssyncadd.s32 $0xFFFF0800  }
0x339: {  	[hbm4b:s0+s2] =	stream.linear.scatter [tilespmem:s2], [sflag:$0x3], $0xF800, $0x38;
	[tilespmem:$0x1F000] =	vst v63  }
0x33a: {  	_ =	swait.ge [sflag:s7], $0xF800  }
0x33b: {  	[sflag:s7] =	ssyncset.done $0x0  }
0x33c: {  	s0 =	rddreg [dreg:$0x1d];
	[sflag:s7] =	ssyncadd.s32 $0xFFFF0800  }
0x33d: {  	[tilespmem:s2], [sflag:$0x1] =	stream.linear.gather [hbm4b:s0+s2], $0xF800, $0x38;
	[tilespmem:$0x1F000] =	vst v63  }
0x33e: {  	_ =	swait.ge [sflag:s16], $0xF800  }
0x33f: {  	[sflag:s16] =	ssyncset.done $0x0  }
0x340: {  	s0 =	rddreg [dreg:$0x1e];
	[sflag:s16] =	ssyncadd.s32 $0xFFFF0800  }
0x341: {  	[hbm4b:s0+s2] =	stream.linear.scatter [tilespmem:s11], [sflag:$0x4], $0xF800, $0x38;
	[tilespmem:$0x1F000] =	vst v63  }
0x342: {  	_ =	swait.ge [sflag:s12], $0xF800  }
0x343: {  	[sflag:s12] =	ssyncset.done $0x0  }
0x344: {  	s0 =	rddreg [dreg:$0x1f];
	[sflag:s12] =	ssyncadd.s32 $0xFFFF0800  }
0x345: {  	[tilespmem:s11], [sflag:$0x2] =	stream.linear.gather [hbm4b:s0+s2], $0xF800, $0x38;
	[tilespmem:$0x1F000] =	vst v63  }
0x346: {  	_ =	swait.ge [sflag:s9], $0xF800  }
0x347: {  	s0 =	sld [smem:$0x7B0]  }
0x348: {  	[sflag:s9] =	ssyncset.done $0x0  }
0x349: {  	[sflag:s9] =	ssyncadd.s32 $0xFFFF0800  }
0x34a: {  	[hbm4b:s0+s2] =	stream.linear.scatter [tilespmem:s2], [sflag:$0x3], $0xF800, $0x38;
	[tilespmem:$0x1F000] =	vst v63  }
0x34b: {  	_ =	swait.ge [sflag:s7], $0xF800  }
0x34c: {  	s0 =	sld [smem:$0x7B1]  }
0x34d: {  	[sflag:s7] =	ssyncset.done $0x0  }
0x34e: {  	[sflag:s7] =	ssyncadd.s32 $0xFFFF0800  }
0x34f: {  	[tilespmem:s2], [sflag:$0x1] =	stream.linear.gather [hbm4b:s0+s2], $0xF800, $0x38;
	[tilespmem:$0x1F000] =	vst v63  }
0x350: {  	_ =	swait.ge [sflag:s16], $0xF800  }
0x351: {  	s0 =	sld [smem:$0x7B2]  }
0x352: {  	[sflag:s16] =	ssyncset.done $0x0  }
0x353: {  	[sflag:s16] =	ssyncadd.s32 $0xFFFF0800  }
0x354: {  	[hbm4b:s0+s2] =	stream.linear.scatter [tilespmem:s11], [sflag:$0x4], $0xF800, $0x38;
	[tilespmem:$0x1F000] =	vst v63  }
0x355: {  	_ =	swait.ge [sflag:s12], $0xF800  }
0x356: {  	s0 =	sld [smem:$0x7B3]  }
0x357: {  	[sflag:s12] =	ssyncset.done $0x0  }
0x358: {  	[sflag:s12] =	ssyncadd.s32 $0xFFFF0800  }
0x359: {  	[tilespmem:s11], [sflag:$0x2] =	stream.linear.gather [hbm4b:s0+s2], $0xF800, $0x38;
	[tilespmem:$0x1F000] =	vst v63  }
0x35a: {  	_ =	swait.ge [sflag:s9], $0xF800  }
0x35b: {  	s0 =	sld [smem:$0x7B4]  }
0x35c: {  	[sflag:s9] =	ssyncset.done $0x0  }
0x35d: {  	[sflag:s9] =	ssyncadd.s32 $0xFFFF0800  }
0x35e: {  	[hbm4b:s0+s2] =	stream.linear.scatter [tilespmem:s2], [sflag:$0x3], $0xF800, $0x38;
	[tilespmem:$0x1F000] =	vst v63  }
0x35f: {  	_ =	swait.ge [sflag:s7], $0xF800  }
0x360: {  	s0 =	sld [smem:$0x7B5]  }
0x361: {  	[sflag:s7] =	ssyncset.done $0x0  }
0x362: {  	[sflag:s7] =	ssyncadd.s32 $0xFFFF0800  }
0x363: {  	[tilespmem:s2], [sflag:$0x1] =	stream.linear.gather [hbm4b:s0+s2], $0xF800, $0x38;
	[tilespmem:$0x1F000] =	vst v63  }
0x364: {  	_ =	swait.ge [sflag:s16], $0xF800  }
0x365: {  	s0 =	sld [smem:$0x7B6]  }
0x366: {  	[sflag:s16] =	ssyncset.done $0x0  }
0x367: {  	[sflag:s16] =	ssyncadd.s32 $0xFFFF0800  }
0x368: {  	[hbm4b:s0+s2] =	stream.linear.scatter [tilespmem:s11], [sflag:$0x4], $0xF800, $0x38;
	[tilespmem:$0x1F000] =	vst v63  }
0x369: {  	_ =	swait.ge [sflag:s12], $0xF800  }
0x36a: {  	s0 =	sld [smem:$0x7B7]  }
0x36b: {  	[sflag:s12] =	ssyncset.done $0x0  }
0x36c: {  	[sflag:s12] =	ssyncadd.s32 $0xFFFF0800  }
0x36d: {  	[tilespmem:s11], [sflag:$0x2] =	stream.linear.gather [hbm4b:s0+s2], $0xF800, $0x38;
	[tilespmem:$0x1F000] =	vst v63  }
0x36e: {  	_ =	swait.ge [sflag:s9], $0xF800  }
0x36f: {  	s0 =	sld [smem:$0x7B8]  }
0x370: {  	[sflag:s9] =	ssyncset.done $0x0  }
0x371: {  	[sflag:s9] =	ssyncadd.s32 $0xFFFF0800  }
0x372: {  	[hbm4b:s0+s2] =	stream.linear.scatter [tilespmem:s2], [sflag:$0x3], $0xF800, $0x38;
	[tilespmem:$0x1F000] =	vst v63  }
0x373: {  	_ =	swait.ge [sflag:s7], $0xF800  }
0x374: {  	s0 =	sld [smem:$0x7B9]  }
0x375: {  	[sflag:s7] =	ssyncset.done $0x0  }
0x376: {  	[sflag:s7] =	ssyncadd.s32 $0xFFFF0800  }
0x377: {  	[tilespmem:s2], [sflag:$0x1] =	stream.linear.gather [hbm4b:s0+s2], $0xF800, $0x38;
	[tilespmem:$0x1F000] =	vst v63  }
0x378: {  	_ =	swait.ge [sflag:s16], $0xF800  }
0x379: {  	s0 =	sld [smem:$0x7BA]  }
0x37a: {  	[sflag:s16] =	ssyncset.done $0x0  }
0x37b: {  	[sflag:s16] =	ssyncadd.s32 $0xFFFF0800  }
0x37c: {  	[hbm4b:s0+s2] =	stream.linear.scatter [tilespmem:s11], [sflag:$0x4], $0xF800, $0x38;
	[tilespmem:$0x1F000] =	vst v63  }
0x37d: {  	_ =	swait.ge [sflag:s12], $0xF800  }
0x37e: {  	s0 =	sld [smem:$0x7BB]  }
0x37f: {  	[sflag:s12] =	ssyncset.done $0x0  }
0x380: {  	[sflag:s12] =	ssyncadd.s32 $0xFFFF0800  }
0x381: {  	[tilespmem:s11], [sflag:$0x2] =	stream.linear.gather [hbm4b:s0+s2], $0xF800, $0x38;
	[tilespmem:$0x1F000] =	vst v63  }
0x382: {  	_ =	swait.ge [sflag:s9], $0xF800  }
0x383: {  	s0 =	sld [smem:$0x7BC]  }
0x384: {  	[sflag:s9] =	ssyncset.done $0x0  }
0x385: {  	[sflag:s9] =	ssyncadd.s32 $0xFFFF0800  }
0x386: {  	[hbm4b:s0+s2] =	stream.linear.scatter [tilespmem:s2], [sflag:$0x3], $0xF800, $0x38;
	[tilespmem:$0x1F000] =	vst v63  }
0x387: {  	_ =	swait.ge [sflag:s7], $0xF800  }
0x388: {  	s0 =	sld [smem:$0x7BD]  }
0x389: {  	[sflag:s7] =	ssyncset.done $0x0  }
0x38a: {  	[sflag:s7] =	ssyncadd.s32 $0xFFFF0800  }
0x38b: {  	[tilespmem:s2], [sflag:$0x1] =	stream.linear.gather [hbm4b:s0+s2], $0xF800, $0x38;
	[tilespmem:$0x1F000] =	vst v63  }
0x38c: {  	_ =	swait.ge [sflag:s16], $0xF800  }
0x38d: {  	s0 =	sld [smem:$0x7BE]  }
0x38e: {  	[sflag:s16] =	ssyncset.done $0x0  }
0x38f: {  	[sflag:s16] =	ssyncadd.s32 $0xFFFF0800  }
0x390: {  	[hbm4b:s0+s2] =	stream.linear.scatter [tilespmem:s11], [sflag:$0x4], $0xF800, $0x38;
	[tilespmem:$0x1F000] =	vst v63  }
0x391: {  	_ =	swait.ge [sflag:s12], $0xF800  }
0x392: {  	s0 =	sld [smem:$0x7BF]  }
0x393: {  	[sflag:s12] =	ssyncset.done $0x0  }
0x394: {  	[sflag:s12] =	ssyncadd.s32 $0xFFFF0800  }
0x395: {  	[tilespmem:s11], [sflag:$0x2] =	stream.linear.gather [hbm4b:s0+s2], $0xF800, $0x38;
	[tilespmem:$0x1F000] =	vst v63  }
0x396: {  	_ =	swait.ge [sflag:s9], $0xF800  }
0x397: {  	s0 =	sld [smem:$0x7C0]  }
0x398: {  	[sflag:s9] =	ssyncset.done $0x0  }
0x399: {  	[sflag:s9] =	ssyncadd.s32 $0xFFFF0800  }
0x39a: {  	[hbm4b:s0+s2] =	stream.linear.scatter [tilespmem:s2], [sflag:$0x3], $0xF800, $0x38;
	[tilespmem:$0x1F000] =	vst v63  }
0x39b: {  	_ =	swait.ge [sflag:s7], $0xF800  }
0x39c: {  	s0 =	sld [smem:$0x7C1]  }
0x39d: {  	[sflag:s7] =	ssyncset.done $0x0  }
0x39e: {  	[sflag:s7] =	ssyncadd.s32 $0xFFFF0800  }
0x39f: {  	[tilespmem:s2], [sflag:$0x1] =	stream.linear.gather [hbm4b:s0+s2], $0xF800, $0x38;
	[tilespmem:$0x1F000] =	vst v63  }
0x3a0: {  	_ =	swait.ge [sflag:s16], $0xF800  }
0x3a1: {  	s0 =	sld [smem:$0x7C2]  }
0x3a2: {  	[sflag:s16] =	ssyncset.done $0x0  }
0x3a3: {  	[sflag:s16] =	ssyncadd.s32 $0xFFFF0800  }
0x3a4: {  	[hbm4b:s0+s2] =	stream.linear.scatter [tilespmem:s11], [sflag:$0x4], $0xF800, $0x38;
	[tilespmem:$0x1F000] =	vst v63  }
0x3a5: {  	_ =	swait.ge [sflag:s12], $0xF800  }
0x3a6: {  	s0 =	sld [smem:$0x7C3]  }
0x3a7: {  	[sflag:s12] =	ssyncset.done $0x0  }
0x3a8: {  	[sflag:s12] =	ssyncadd.s32 $0xFFFF0800  }
0x3a9: {  	[tilespmem:s11], [sflag:$0x2] =	stream.linear.gather [hbm4b:s0+s2], $0xF800, $0x38;
	[tilespmem:$0x1F000] =	vst v63  }
0x3aa: {  	_ =	swait.ge [sflag:s9], $0xF800  }
0x3ab: {  	s0 =	sld [smem:$0x7C4]  }
0x3ac: {  	[sflag:s9] =	ssyncset.done $0x0  }
0x3ad: {  	[sflag:s9] =	ssyncadd.s32 $0xFFFF0800  }
0x3ae: {  	[hbm4b:s0+s2] =	stream.linear.scatter [tilespmem:s2], [sflag:$0x3], $0xF800, $0x38;
	[tilespmem:$0x1F000] =	vst v63  }
0x3af: {  	_ =	swait.ge [sflag:s7], $0xF800  }
0x3b0: {  	s0 =	sld [smem:$0x7C5]  }
0x3b1: {  	[sflag:s7] =	ssyncset.done $0x0  }
0x3b2: {  	[sflag:s7] =	ssyncadd.s32 $0xFFFF0800  }
0x3b3: {  	[tilespmem:s2], [sflag:$0x1] =	stream.linear.gather [hbm4b:s0+s2], $0xF800, $0x38;
	[tilespmem:$0x1F000] =	vst v63  }
0x3b4: {  	_ =	swait.ge [sflag:s16], $0xF800  }
0x3b5: {  	s0 =	sld [smem:$0x7C6]  }
0x3b6: {  	[sflag:s16] =	ssyncset.done $0x0  }
0x3b7: {  	[sflag:s16] =	ssyncadd.s32 $0xFFFF0800  }
0x3b8: {  	[hbm4b:s0+s2] =	stream.linear.scatter [tilespmem:s11], [sflag:$0x4], $0xF800, $0x38;
	[tilespmem:$0x1F000] =	vst v63  }
0x3b9: {  	_ =	swait.ge [sflag:s12], $0xF800  }
0x3ba: {  	s0 =	sld [smem:$0x7C7]  }
0x3bb: {  	[sflag:s12] =	ssyncset.done $0x0  }
0x3bc: {  	[sflag:s12] =	ssyncadd.s32 $0xFFFF0800  }
0x3bd: {  	[tilespmem:s11], [sflag:$0x2] =	stream.linear.gather [hbm4b:s0+s2], $0xF800, $0x38;
	[tilespmem:$0x1F000] =	vst v63  }
0x3be: {  	_ =	swait.ge [sflag:s9], $0xF800  }
0x3bf: {  	s0 =	sld [smem:$0x7C8]  }
0x3c0: {  	[sflag:s9] =	ssyncset.done $0x0  }
0x3c1: {  	[sflag:s9] =	ssyncadd.s32 $0xFFFF0800  }
0x3c2: {  	[hbm4b:s0+s2] =	stream.linear.scatter [tilespmem:s2], [sflag:$0x3], $0xF800, $0x38;
	[tilespmem:$0x1F000] =	vst v63  }
0x3c3: {  	_ =	swait.ge [sflag:s7], $0xF800  }
0x3c4: {  	s0 =	sld [smem:$0x7C9]  }
0x3c5: {  	[sflag:s7] =	ssyncset.done $0x0  }
0x3c6: {  	[sflag:s7] =	ssyncadd.s32 $0xFFFF0800  }
0x3c7: {  	[tilespmem:s2], [sflag:$0x1] =	stream.linear.gather [hbm4b:s0+s2], $0xF800, $0x38;
	[tilespmem:$0x1F000] =	vst v63  }
0x3c8: {  	_ =	swait.ge [sflag:s16], $0xF800  }
0x3c9: {  	s0 =	sld [smem:$0x7CA]  }
0x3ca: {  	[sflag:s16] =	ssyncset.done $0x0  }
0x3cb: {  	[sflag:s16] =	ssyncadd.s32 $0xFFFF0800  }
0x3cc: {  	[hbm4b:s0+s2] =	stream.linear.scatter [tilespmem:s11], [sflag:$0x4], $0xF800, $0x38;
	[tilespmem:$0x1F000] =	vst v63  }
0x3cd: {  	_ =	swait.ge [sflag:s12], $0xF800  }
0x3ce: {  	s0 =	sld [smem:$0x7CB]  }
0x3cf: {  	[sflag:s12] =	ssyncset.done $0x0  }
0x3d0: {  	[sflag:s12] =	ssyncadd.s32 $0xFFFF0800  }
0x3d1: {  	[tilespmem:s11], [sflag:$0x2] =	stream.linear.gather [hbm4b:s0+s2], $0xF800, $0x38;
	[tilespmem:$0x1F000] =	vst v63  }
0x3d2: {  	_ =	swait.ge [sflag:s9], $0xF800  }
0x3d3: {  	s0 =	sld [smem:$0x7CC]  }
0x3d4: {  	[sflag:s9] =	ssyncset.done $0x0  }
0x3d5: {  	[sflag:s9] =	ssyncadd.s32 $0xFFFF0800  }
0x3d6: {  	[hbm4b:s0+s2] =	stream.linear.scatter [tilespmem:s2], [sflag:$0x3], $0xF800, $0x38;
	[tilespmem:$0x1F000] =	vst v63  }
0x3d7: {  	_ =	swait.ge [sflag:s7], $0xF800  }
0x3d8: {  	s0 =	sld [smem:$0x7CD]  }
0x3d9: {  	[sflag:s7] =	ssyncset.done $0x0  }
0x3da: {  	[sflag:s7] =	ssyncadd.s32 $0xFFFF0800  }
0x3db: {  	[tilespmem:s2], [sflag:$0x1] =	stream.linear.gather [hbm4b:s0+s2], $0xF800, $0x38;
	[tilespmem:$0x1F000] =	vst v63  }
0x3dc: {  	_ =	swait.ge [sflag:s16], $0xF800  }
0x3dd: {  	s0 =	sld [smem:$0x7CE]  }
0x3de: {  	[sflag:s16] =	ssyncset.done $0x0  }
0x3df: {  	[sflag:s16] =	ssyncadd.s32 $0xFFFF0800  }
0x3e0: {  	[hbm4b:s0+s2] =	stream.linear.scatter [tilespmem:s11], [sflag:$0x4], $0xF800, $0x38;
	[tilespmem:$0x1F000] =	vst v63  }
0x3e1: {  	_ =	swait.ge [sflag:s12], $0xF800  }
0x3e2: {  	s0 =	sld [smem:$0x7CF]  }
0x3e3: {  	[sflag:s12] =	ssyncset.done $0x0  }
0x3e4: {  	[sflag:s12] =	ssyncadd.s32 $0xFFFF0800  }
0x3e5: {  	[tilespmem:s11], [sflag:$0x2] =	stream.linear.gather [hbm4b:s0+s2], $0xF800, $0x38;
	[tilespmem:$0x1F000] =	vst v63  }
0x3e6: {  	_ =	swait.ge [sflag:s9], $0xF800  }
0x3e7: {  	s0 =	sld [smem:$0x7D0]  }
0x3e8: {  	[sflag:s9] =	ssyncset.done $0x0  }
0x3e9: {  	[sflag:s9] =	ssyncadd.s32 $0xFFFF0800  }
0x3ea: {  	[hbm4b:s0+s2] =	stream.linear.scatter [tilespmem:s2], [sflag:$0x3], $0xF800, $0x38;
	[tilespmem:$0x1F000] =	vst v63  }
0x3eb: {  	_ =	swait.ge [sflag:s7], $0xF800  }
0x3ec: {  	s0 =	sld [smem:$0x7D1]  }
0x3ed: {  	[sflag:s7] =	ssyncset.done $0x0  }
0x3ee: {  	[sflag:s7] =	ssyncadd.s32 $0xFFFF0800  }
0x3ef: {  	[tilespmem:s2], [sflag:$0x1] =	stream.linear.gather [hbm4b:s0+s2], $0xF800, $0x38;
	[tilespmem:$0x1F000] =	vst v63  }
0x3f0: {  	_ =	swait.ge [sflag:s16], $0xF800  }
0x3f1: {  	s0 =	sld [smem:$0x7D2]  }
0x3f2: {  	[sflag:s16] =	ssyncset.done $0x0  }
0x3f3: {  	[sflag:s16] =	ssyncadd.s32 $0xFFFF0800  }
0x3f4: {  	[hbm4b:s0+s2] =	stream.linear.scatter [tilespmem:s11], [sflag:$0x4], $0xF800, $0x38;
	[tilespmem:$0x1F000] =	vst v63  }
0x3f5: {  	_ =	swait.ge [sflag:s12], $0xF800  }
0x3f6: {  	s0 =	sld [smem:$0x7D3]  }
0x3f7: {  	[sflag:s12] =	ssyncset.done $0x0  }
0x3f8: {  	[sflag:s12] =	ssyncadd.s32 $0xFFFF0800  }
0x3f9: {  	[tilespmem:s11], [sflag:$0x2] =	stream.linear.gather [hbm4b:s0+s2], $0xF800, $0x38;
	[tilespmem:$0x1F000] =	vst v63  }
0x3fa: {  	_ =	swait.ge [sflag:s9], $0xF800  }
0x3fb: {  	s0 =	sld [smem:$0x7D4]  }
0x3fc: {  	[sflag:s9] =	ssyncset.done $0x0  }
0x3fd: {  	[sflag:s9] =	ssyncadd.s32 $0xFFFF0800  }
0x3fe: {  	[hbm4b:s0+s2] =	stream.linear.scatter [tilespmem:s2], [sflag:$0x3], $0xF800, $0x38;
	[tilespmem:$0x1F000] =	vst v63  }
0x3ff: {  	_ =	swait.ge [sflag:s7], $0xF800  }
0x400: {  	s0 =	sld [smem:$0x7D5]  }
0x401: {  	[sflag:s7] =	ssyncset.done $0x0  }
0x402: {  	[sflag:s7] =	ssyncadd.s32 $0xFFFF0800  }
0x403: {  	[tilespmem:s2], [sflag:$0x1] =	stream.linear.gather [hbm4b:s0+s2], $0xF800, $0x38;
	[tilespmem:$0x1F000] =	vst v63  }
0x404: {  	_ =	swait.ge [sflag:s16], $0xF800  }
0x405: {  	s0 =	sld [smem:$0x7D6]  }
0x406: {  	[sflag:s16] =	ssyncset.done $0x0  }
0x407: {  	[sflag:s16] =	ssyncadd.s32 $0xFFFF0800  }
0x408: {  	[hbm4b:s0+s2] =	stream.linear.scatter [tilespmem:s11], [sflag:$0x4], $0xF800, $0x38;
	[tilespmem:$0x1F000] =	vst v63  }
0x409: {  	_ =	swait.ge [sflag:s12], $0xF800  }
0x40a: {  	s0 =	sld [smem:$0x7D7]  }
0x40b: {  	[sflag:s12] =	ssyncset.done $0x0  }
0x40c: {  	[sflag:s12] =	ssyncadd.s32 $0xFFFF0800  }
0x40d: {  	[tilespmem:s11], [sflag:$0x2] =	stream.linear.gather [hbm4b:s0+s2], $0xF800, $0x38;
	[tilespmem:$0x1F000] =	vst v63  }
0x40e: {  	_ =	swait.ge [sflag:s9], $0xF800  }
0x40f: {  	s0 =	sld [smem:$0x7D8]  }
0x410: {  	[sflag:s9] =	ssyncset.done $0x0  }
0x411: {  	[sflag:s9] =	ssyncadd.s32 $0xFFFF0800  }
0x412: {  	[hbm4b:s0+s2] =	stream.linear.scatter [tilespmem:s2], [sflag:$0x3], $0xF800, $0x38;
	[tilespmem:$0x1F000] =	vst v63  }
0x413: {  	_ =	swait.ge [sflag:s7], $0xF800  }
0x414: {  	s0 =	sld [smem:$0x7D9]  }
0x415: {  	[sflag:s7] =	ssyncset.done $0x0  }
0x416: {  	[sflag:s7] =	ssyncadd.s32 $0xFFFF0800  }
0x417: {  	[tilespmem:s2], [sflag:$0x1] =	stream.linear.gather [hbm4b:s0+s2], $0xF800, $0x38;
	[tilespmem:$0x1F000] =	vst v63  }
0x418: {  	_ =	swait.ge [sflag:s16], $0xF800  }
0x419: {  	s0 =	sld [smem:$0x7DA]  }
0x41a: {  	[sflag:s16] =	ssyncset.done $0x0  }
0x41b: {  	[sflag:s16] =	ssyncadd.s32 $0xFFFF0800  }
0x41c: {  	[hbm4b:s0+s2] =	stream.linear.scatter [tilespmem:s11], [sflag:$0x4], $0xF800, $0x38;
	[tilespmem:$0x1F000] =	vst v63  }
0x41d: {  	_ =	swait.ge [sflag:s12], $0xF800  }
0x41e: {  	s0 =	sld [smem:$0x7DB]  }
0x41f: {  	[sflag:s12] =	ssyncset.done $0x0  }
0x420: {  	[sflag:s12] =	ssyncadd.s32 $0xFFFF0800  }
0x421: {  	[tilespmem:s11], [sflag:$0x2] =	stream.linear.gather [hbm4b:s0+s2], $0xF800, $0x38;
	[tilespmem:$0x1F000] =	vst v63  }
0x422: {  	_ =	swait.ge [sflag:s9], $0xF800  }
0x423: {  	s0 =	sld [smem:$0x7DC]  }
0x424: {  	[sflag:s9] =	ssyncset.done $0x0  }
0x425: {  	[sflag:s9] =	ssyncadd.s32 $0xFFFF0800  }
0x426: {  	[hbm4b:s0+s2] =	stream.linear.scatter [tilespmem:s2], [sflag:$0x3], $0xF800, $0x38;
	[tilespmem:$0x1F000] =	vst v63  }
0x427: {  	_ =	swait.ge [sflag:s7], $0xF800  }
0x428: {  	s0 =	sld [smem:$0x7DD]  }
0x429: {  	[sflag:s7] =	ssyncset.done $0x0  }
0x42a: {  	[sflag:s7] =	ssyncadd.s32 $0xFFFF0800  }
0x42b: {  	[tilespmem:s2], [sflag:$0x1] =	stream.linear.gather [hbm4b:s0+s2], $0xF800, $0x38;
	[tilespmem:$0x1F000] =	vst v63  }
0x42c: {  	_ =	swait.ge [sflag:s16], $0xF800  }
0x42d: {  	s0 =	sld [smem:$0x7DE]  }
0x42e: {  	[sflag:s16] =	ssyncset.done $0x0  }
0x42f: {  	[sflag:s16] =	ssyncadd.s32 $0xFFFF0800  }
0x430: {  	[hbm4b:s0+s2] =	stream.linear.scatter [tilespmem:s11], [sflag:$0x4], $0xF800, $0x38;
	[tilespmem:$0x1F000] =	vst v63  }
0x431: {  	_ =	swait.ge [sflag:s12], $0xF800  }
0x432: {  	s0 =	sld [smem:$0x7DF]  }
0x433: {  	[sflag:s12] =	ssyncset.done $0x0  }
0x434: {  	[sflag:s12] =	ssyncadd.s32 $0xFFFF0800  }
0x435: {  	[tilespmem:s11], [sflag:$0x2] =	stream.linear.gather [hbm4b:s0+s2], $0xF800, $0x38;
	[tilespmem:$0x1F000] =	vst v63  }
0x436: {  	_ =	swait.ge [sflag:s9], $0xF800  }
0x437: {  	s0 =	sld [smem:$0x7E0]  }
0x438: {  	[sflag:s9] =	ssyncset.done $0x0  }
0x439: {  	[sflag:s9] =	ssyncadd.s32 $0xFFFF0800  }
0x43a: {  	[hbm4b:s0+s2] =	stream.linear.scatter [tilespmem:s2], [sflag:$0x3], $0xF800, $0x38;
	[tilespmem:$0x1F000] =	vst v63  }
0x43b: {  	_ =	swait.ge [sflag:s7], $0xF800  }
0x43c: {  	s0 =	sld [smem:$0x7E1]  }
0x43d: {  	[sflag:s7] =	ssyncset.done $0x0  }
0x43e: {  	[sflag:s7] =	ssyncadd.s32 $0xFFFF0800  }
0x43f: {  	[tilespmem:s2], [sflag:$0x1] =	stream.linear.gather [hbm4b:s0+s2], $0xF800, $0x38;
	[tilespmem:$0x1F000] =	vst v63  }
0x440: {  	_ =	swait.ge [sflag:s16], $0xF800  }
0x441: {  	s0 =	sld [smem:$0x7E2]  }
0x442: {  	[sflag:s16] =	ssyncset.done $0x0  }
0x443: {  	[sflag:s16] =	ssyncadd.s32 $0xFFFF0800  }
0x444: {  	[hbm4b:s0+s2] =	stream.linear.scatter [tilespmem:s11], [sflag:$0x4], $0xF800, $0x38;
	[tilespmem:$0x1F000] =	vst v63  }
0x445: {  	_ =	swait.ge [sflag:s12], $0xF800  }
0x446: {  	s0 =	sld [smem:$0x7E3]  }
0x447: {  	[sflag:s12] =	ssyncset.done $0x0  }
0x448: {  	[sflag:s12] =	ssyncadd.s32 $0xFFFF0800  }
0x449: {  	[tilespmem:s11], [sflag:$0x2] =	stream.linear.gather [hbm4b:s0+s2], $0xF800, $0x38;
	[tilespmem:$0x1F000] =	vst v63  }
0x44a: {  	_ =	swait.ge [sflag:s9], $0xF800  }
0x44b: {  	s0 =	sld [smem:$0x7E4]  }
0x44c: {  	[sflag:s9] =	ssyncset.done $0x0  }
0x44d: {  	[sflag:s9] =	ssyncadd.s32 $0xFFFF0800  }
0x44e: {  	[hbm4b:s0+s2] =	stream.linear.scatter [tilespmem:s2], [sflag:$0x3], $0xF800, $0x38;
	[tilespmem:$0x1F000] =	vst v63  }
0x44f: {  	_ =	swait.ge [sflag:s7], $0xF800  }
0x450: {  	s0 =	sld [smem:$0x7E5]  }
0x451: {  	[sflag:s7] =	ssyncset.done $0x0  }
0x452: {  	[sflag:s7] =	ssyncadd.s32 $0xFFFF0800  }
0x453: {  	[tilespmem:s2], [sflag:$0x1] =	stream.linear.gather [hbm4b:s0+s2], $0xF800, $0x38;
	[tilespmem:$0x1F000] =	vst v63  }
0x454: {  	_ =	swait.ge [sflag:s16], $0xF800  }
0x455: {  	s0 =	sld [smem:$0x7E6]  }
0x456: {  	[sflag:s16] =	ssyncset.done $0x0  }
0x457: {  	[sflag:s16] =	ssyncadd.s32 $0xFFFF0800  }
0x458: {  	[hbm4b:s0+s2] =	stream.linear.scatter [tilespmem:s11], [sflag:$0x4], $0xF800, $0x38;
	[tilespmem:$0x1F000] =	vst v63  }
0x459: {  	_ =	swait.ge [sflag:s12], $0xF800  }
0x45a: {  	s0 =	sld [smem:$0x7E7]  }
0x45b: {  	[sflag:s12] =	ssyncset.done $0x0  }
0x45c: {  	[sflag:s12] =	ssyncadd.s32 $0xFFFF0800  }
0x45d: {  	[tilespmem:s11], [sflag:$0x2] =	stream.linear.gather [hbm4b:s0+s2], $0xF800, $0x38;
	[tilespmem:$0x1F000] =	vst v63  }
0x45e: {  	_ =	swait.ge [sflag:s9], $0xF800  }
0x45f: {  	s0 =	sld [smem:$0x7E8]  }
0x460: {  	[sflag:s9] =	ssyncset.done $0x0  }
0x461: {  	[sflag:s9] =	ssyncadd.s32 $0xFFFF0800  }
0x462: {  	[hbm4b:s0+s2] =	stream.linear.scatter [tilespmem:s2], [sflag:$0x3], $0xF800, $0x38;
	[tilespmem:$0x1F000] =	vst v63  }
0x463: {  	_ =	swait.ge [sflag:s7], $0xF800  }
0x464: {  	s0 =	sld [smem:$0x7E9]  }
0x465: {  	[sflag:s7] =	ssyncset.done $0x0  }
0x466: {  	[sflag:s7] =	ssyncadd.s32 $0xFFFF0800  }
0x467: {  	[tilespmem:s2], [sflag:$0x1] =	stream.linear.gather [hbm4b:s0+s2], $0xF800, $0x38;
	[tilespmem:$0x1F000] =	vst v63  }
0x468: {  	_ =	swait.ge [sflag:s16], $0xF800  }
0x469: {  	s0 =	sld [smem:$0x7EA]  }
0x46a: {  	[sflag:s16] =	ssyncset.done $0x0  }
0x46b: {  	[sflag:s16] =	ssyncadd.s32 $0xFFFF0800  }
0x46c: {  	[hbm4b:s0+s2] =	stream.linear.scatter [tilespmem:s11], [sflag:$0x4], $0xF800, $0x38;
	[tilespmem:$0x1F000] =	vst v63  }
0x46d: {  	_ =	swait.ge [sflag:s12], $0xF800  }
0x46e: {  	s0 =	sld [smem:$0x7EB]  }
0x46f: {  	[sflag:s12] =	ssyncset.done $0x0  }
0x470: {  	[sflag:s12] =	ssyncadd.s32 $0xFFFF0800  }
0x471: {  	[tilespmem:s11], [sflag:$0x2] =	stream.linear.gather [hbm4b:s0+s2], $0xF800, $0x38;
	[tilespmem:$0x1F000] =	vst v63  }
0x472: {  	_ =	swait.ge [sflag:s9], $0xF800  }
0x473: {  	s0 =	sld [smem:$0x7EC]  }
0x474: {  	[sflag:s9] =	ssyncset.done $0x0  }
0x475: {  	[sflag:s9] =	ssyncadd.s32 $0xFFFF0800  }
0x476: {  	[hbm4b:s0+s2] =	stream.linear.scatter [tilespmem:s2], [sflag:$0x3], $0xF800, $0x38;
	[tilespmem:$0x1F000] =	vst v63  }
0x477: {  	_ =	swait.ge [sflag:s7], $0xF800  }
0x478: {  	s0 =	sld [smem:$0x7ED]  }
0x479: {  	[sflag:s7] =	ssyncset.done $0x0  }
0x47a: {  	[sflag:s7] =	ssyncadd.s32 $0xFFFF0800  }
0x47b: {  	[tilespmem:s2], [sflag:$0x1] =	stream.linear.gather [hbm4b:s0+s2], $0xF800, $0x38;
	[tilespmem:$0x1F000] =	vst v63  }
0x47c: {  	_ =	swait.ge [sflag:s16], $0xF800  }
0x47d: {  	s0 =	sld [smem:$0x7EE]  }
0x47e: {  	[sflag:s16] =	ssyncset.done $0x0  }
0x47f: {  	[sflag:s16] =	ssyncadd.s32 $0xFFFF0800  }
0x480: {  	[hbm4b:s0+s2] =	stream.linear.scatter [tilespmem:s11], [sflag:$0x4], $0xF800, $0x38;
	[tilespmem:$0x1F000] =	vst v63  }
0x481: {  	_ =	swait.ge [sflag:s12], $0xF800  }
0x482: {  	s0 =	sld [smem:$0x7EF]  }
0x483: {  	[sflag:s12] =	ssyncset.done $0x0  }
0x484: {  	[sflag:s12] =	ssyncadd.s32 $0xFFFF0800  }
0x485: {  	[tilespmem:s11], [sflag:$0x2] =	stream.linear.gather [hbm4b:s0+s2], $0xF800, $0x38;
	[tilespmem:$0x1F000] =	vst v63  }
0x486: {  	_ =	swait.ge [sflag:s9], $0xF800  }
0x487: {  	s0 =	sld [smem:$0x7F0]  }
0x488: {  	[sflag:s9] =	ssyncset.done $0x0  }
0x489: {  	[sflag:s9] =	ssyncadd.s32 $0xFFFF0800  }
0x48a: {  	[hbm4b:s0+s2] =	stream.linear.scatter [tilespmem:s2], [sflag:$0x3], $0xF800, $0x38;
	[tilespmem:$0x1F000] =	vst v63  }
0x48b: {  	_ =	swait.ge [sflag:s7], $0xF800  }
0x48c: {  	s0 =	sld [smem:$0x7F1]  }
0x48d: {  	[sflag:s7] =	ssyncset.done $0x0  }
0x48e: {  	[sflag:s7] =	ssyncadd.s32 $0xFFFF0800  }
0x48f: {  	[tilespmem:s2], [sflag:$0x1] =	stream.linear.gather [hbm4b:s0+s2], $0xF800, $0x38;
	[tilespmem:$0x1F000] =	vst v63  }
0x490: {  	_ =	swait.ge [sflag:s16], $0xF800  }
0x491: {  	s0 =	sld [smem:$0x7F2]  }
0x492: {  	[sflag:s16] =	ssyncset.done $0x0  }
0x493: {  	[sflag:s16] =	ssyncadd.s32 $0xFFFF0800  }
0x494: {  	[hbm4b:s0+s2] =	stream.linear.scatter [tilespmem:s11], [sflag:$0x4], $0xF800, $0x38;
	[tilespmem:$0x1F000] =	vst v63  }
0x495: {  	_ =	swait.ge [sflag:s12], $0xF800  }
0x496: {  	s0 =	sld [smem:$0x7F3]  }
0x497: {  	[sflag:s12] =	ssyncset.done $0x0  }
0x498: {  	[sflag:s12] =	ssyncadd.s32 $0xFFFF0800  }
0x499: {  	[tilespmem:s11], [sflag:$0x2] =	stream.linear.gather [hbm4b:s0+s2], $0xF800, $0x38;
	[tilespmem:$0x1F000] =	vst v63  }
0x49a: {  	_ =	swait.ge [sflag:s9], $0xF800  }
0x49b: {  	s0 =	sld [smem:$0x7F4]  }
0x49c: {  	[sflag:s9] =	ssyncset.done $0x0  }
0x49d: {  	[sflag:s9] =	ssyncadd.s32 $0xFFFF0800  }
0x49e: {  	[hbm4b:s0+s2] =	stream.linear.scatter [tilespmem:s2], [sflag:$0x3], $0xF800, $0x38;
	[tilespmem:$0x1F000] =	vst v63  }
0x49f: {  	_ =	swait.ge [sflag:s7], $0xF800  }
0x4a0: {  	s0 =	sld [smem:$0x7F5]  }
0x4a1: {  	[sflag:s7] =	ssyncset.done $0x0  }
0x4a2: {  	[sflag:s7] =	ssyncadd.s32 $0xFFFF0800  }
0x4a3: {  	[tilespmem:s2], [sflag:$0x1] =	stream.linear.gather [hbm4b:s0+s2], $0xF800, $0x38;
	[tilespmem:$0x1F000] =	vst v63  }
0x4a4: {  	_ =	swait.ge [sflag:s16], $0xF800  }
0x4a5: {  	s0 =	sld [smem:$0x7F6]  }
0x4a6: {  	[sflag:s16] =	ssyncset.done $0x0  }
0x4a7: {  	[sflag:s16] =	ssyncadd.s32 $0xFFFF0800  }
0x4a8: {  	[hbm4b:s0+s2] =	stream.linear.scatter [tilespmem:s11], [sflag:$0x4], $0xF800, $0x38;
	[tilespmem:$0x1F000] =	vst v63  }
0x4a9: {  	_ =	swait.ge [sflag:s12], $0xF800  }
0x4aa: {  	s0 =	sld [smem:$0x7F7]  }
0x4ab: {  	[sflag:s12] =	ssyncset.done $0x0  }
0x4ac: {  	[sflag:s12] =	ssyncadd.s32 $0xFFFF0800  }
0x4ad: {  	[tilespmem:s11], [sflag:$0x2] =	stream.linear.gather [hbm4b:s0+s2], $0xF800, $0x38;
	[tilespmem:$0x1F000] =	vst v63  }
0x4ae: {  	_ =	swait.ge [sflag:s9], $0xF800  }
0x4af: {  	s0 =	sld [smem:$0x7F8]  }
0x4b0: {  	[sflag:s9] =	ssyncset.done $0x0  }
0x4b1: {  	[sflag:s9] =	ssyncadd.s32 $0xFFFF0800  }
0x4b2: {  	[hbm4b:s0+s2] =	stream.linear.scatter [tilespmem:s2], [sflag:$0x3], $0xF800, $0x38;
	[tilespmem:$0x1F000] =	vst v63  }
0x4b3: {  	_ =	swait.ge [sflag:s7], $0xF800  }
0x4b4: {  	s0 =	sld [smem:$0x7F9]  }
0x4b5: {  	[sflag:s7] =	ssyncset.done $0x0  }
0x4b6: {  	[sflag:s7] =	ssyncadd.s32 $0xFFFF0800  }
0x4b7: {  	[tilespmem:s2], [sflag:$0x1] =	stream.linear.gather [hbm4b:s0+s2], $0xF800, $0x38;
	[tilespmem:$0x1F000] =	vst v63  }
0x4b8: {  	_ =	swait.ge [sflag:s16], $0xF800  }
0x4b9: {  	s0 =	sld [smem:$0x7FA]  }
0x4ba: {  	[sflag:s16] =	ssyncset.done $0x0  }
0x4bb: {  	[sflag:s16] =	ssyncadd.s32 $0xFFFF0800  }
0x4bc: {  	[hbm4b:s0+s2] =	stream.linear.scatter [tilespmem:s11], [sflag:$0x4], $0xF800, $0x38;
	[tilespmem:$0x1F000] =	vst v63  }
0x4bd: {  	_ =	swait.ge [sflag:s12], $0xF800  }
0x4be: {  	s0 =	sld [smem:$0x7FB]  }
0x4bf: {  	[sflag:s12] =	ssyncset.done $0x0  }
0x4c0: {  	[sflag:s12] =	ssyncadd.s32 $0xFFFF0800  }
0x4c1: {  	[tilespmem:s11], [sflag:$0x2] =	stream.linear.gather [hbm4b:s0+s2], $0xF800, $0x38;
	[tilespmem:$0x1F000] =	vst v63  }
0x4c2: {  	_ =	swait.ge [sflag:s9], $0xF800  }
0x4c3: {  	s0 =	sld [smem:$0x7FC]  }
0x4c4: {  	[sflag:s9] =	ssyncset.done $0x0  }
0x4c5: {  	[sflag:s9] =	ssyncadd.s32 $0xFFFF0800  }
0x4c6: {  	[hbm4b:s0+s2] =	stream.linear.scatter [tilespmem:s2], [sflag:$0x3], $0xF800, $0x38;
	[tilespmem:$0x1F000] =	vst v63  }
0x4c7: {  	s3 =	smov.u32 s4;
	_ =	swait.ge [sflag:s7], $0xF800  }
0x4c8: {  	s4 =	smov.u32 s5;
	s5 =	smov.u32 s6;
	s0 =	sld [smem:$0x7FD]  }
0x4c9: {  	s6 =	smov.u32 s8;
	s8 =	smov.u32 s10;
	[sflag:s7] =	ssyncset.done $0x0  }
0x4ca: {  	s10 =	smov.u32 s13;
	s13 =	smov.u32 s14;
	[sflag:s7] =	ssyncadd.s32 $0xFFFF0800  }
0x4cb: {  	[tilespmem:s2], [sflag:$0x1] =	stream.linear.gather [hbm4b:s0+s2], $0xF800, $0x38;
	[tilespmem:$0x1F000] =	vst v63  }
0x4cc: {  	s14 =	smov.u32 s15;
	s15 =	smov.u32 s17;
	_ =	swait.ge [sflag:s16], $0xF800  }
0x4cd: {  	s17 =	smov.u32 s18;
	s18 =	smov.u32 s19;
	[sflag:s16] =	ssyncset.done $0x0  }
0x4ce: {  	s19 =	smov.u32 s20;
	s20 =	smov.u32 s21;
	[sflag:s16] =	ssyncadd.s32 $0xFFFF0800  }
0x4cf: {  	[hbm4b:s29+s2] =	stream.linear.scatter [tilespmem:s11], [sflag:$0x4], $0xF800, $0x38;
	[tilespmem:$0x1F000] =	vst v63  }
0x4d0: {  	s21 =	smov.u32 s22;
	s22 =	smov.u32 s23;
	_ =	swait.ge [sflag:s12], $0xF800  }
0x4d1: {  	s23 =	smov.u32 s24;
	s24 =	smov.u32 s25;
	[sflag:s12] =	ssyncset.done $0x0  }
0x4d2: {  	s25 =	smov.u32 s26;
	s26 =	smov.u32 s28;
	[sflag:s12] =	ssyncadd.s32 $0xFFFF0800  }
0x4d3: {  	[tilespmem:s11], [sflag:$0x2] =	stream.linear.gather [hbm4b:s26+s2], $0xF800, $0x38;
	[tilespmem:$0x1F000] =	vst v63  }
0x4d4: {  	_ =	swait.ge [sflag:s9], $0xF800  }
0x4d5: {  	[sflag:s9] =	ssyncset.done $0x0  }
0x4d6: {  	[sflag:s9] =	ssyncadd.s32 $0xFFFF0800  }
0x4d7: {  	[hbm4b:s25+s2] =	stream.linear.scatter [tilespmem:s2], [sflag:$0x3], $0xF800, $0x38;
	[tilespmem:$0x1F000] =	vst v63  }
0x4d8: {  	_ =	swait.ge [sflag:s7], $0xF800  }
0x4d9: {  	[sflag:s7] =	ssyncset.done $0x0  }
0x4da: {  	[sflag:s7] =	ssyncadd.s32 $0xFFFF0800  }
0x4db: {  	[tilespmem:s2], [sflag:$0x1] =	stream.linear.gather [hbm4b:s24+s2], $0xF800, $0x38;
	[tilespmem:$0x1F000] =	vst v63  }
0x4dc: {  	_ =	swait.ge [sflag:s16], $0xF800  }
0x4dd: {  	[sflag:s16] =	ssyncset.done $0x0  }
0x4de: {  	[sflag:s16] =	ssyncadd.s32 $0xFFFF0800  }
0x4df: {  	[hbm4b:s23+s2] =	stream.linear.scatter [tilespmem:s11], [sflag:$0x4], $0xF800, $0x38;
	[tilespmem:$0x1F000] =	vst v63  }
0x4e0: {  	_ =	swait.ge [sflag:s12], $0xF800  }
0x4e1: {  	[sflag:s12] =	ssyncset.done $0x0  }
0x4e2: {  	[sflag:s12] =	ssyncadd.s32 $0xFFFF0800  }
0x4e3: {  	[tilespmem:s11], [sflag:$0x2] =	stream.linear.gather [hbm4b:s22+s2], $0xF800, $0x38;
	[tilespmem:$0x1F000] =	vst v63  }
0x4e4: {  	_ =	swait.ge [sflag:s9], $0xF800  }
0x4e5: {  	[sflag:s9] =	ssyncset.done $0x0  }
0x4e6: {  	[sflag:s9] =	ssyncadd.s32 $0xFFFF0800  }
0x4e7: {  	[hbm4b:s21+s2] =	stream.linear.scatter [tilespmem:s2], [sflag:$0x3], $0xF800, $0x38;
	[tilespmem:$0x1F000] =	vst v63  }
0x4e8: {  	_ =	swait.ge [sflag:s7], $0xF800  }
0x4e9: {  	[sflag:s7] =	ssyncset.done $0x0  }
0x4ea: {  	[sflag:s7] =	ssyncadd.s32 $0xFFFF0800  }
0x4eb: {  	[tilespmem:s2], [sflag:$0x1] =	stream.linear.gather [hbm4b:s20+s2], $0xF800, $0x38;
	[tilespmem:$0x1F000] =	vst v63  }
0x4ec: {  	_ =	swait.ge [sflag:s16], $0xF800  }
0x4ed: {  	[sflag:s16] =	ssyncset.done $0x0  }
0x4ee: {  	[sflag:s16] =	ssyncadd.s32 $0xFFFF0800  }
0x4ef: {  	[hbm4b:s19+s2] =	stream.linear.scatter [tilespmem:s11], [sflag:$0x4], $0xF800, $0x38;
	[tilespmem:$0x1F000] =	vst v63  }
0x4f0: {  	_ =	swait.ge [sflag:s12], $0xF800  }
0x4f1: {  	[sflag:s12] =	ssyncset.done $0x0  }
0x4f2: {  	[sflag:s12] =	ssyncadd.s32 $0xFFFF0800  }
0x4f3: {  	[tilespmem:s11], [sflag:$0x2] =	stream.linear.gather [hbm4b:s18+s2], $0xF800, $0x38;
	[tilespmem:$0x1F000] =	vst v63  }
0x4f4: {  	_ =	swait.ge [sflag:s9], $0xF800  }
0x4f5: {  	[sflag:s9] =	ssyncset.done $0x0  }
0x4f6: {  	[sflag:s9] =	ssyncadd.s32 $0xFFFF0800  }
0x4f7: {  	[hbm4b:s17+s2] =	stream.linear.scatter [tilespmem:s2], [sflag:$0x3], $0xF800, $0x38;
	[tilespmem:$0x1F000] =	vst v63  }
0x4f8: {  	_ =	swait.ge [sflag:s7], $0xF800  }
0x4f9: {  	[sflag:s7] =	ssyncset.done $0x0  }
0x4fa: {  	[sflag:s7] =	ssyncadd.s32 $0xFFFF0800  }
0x4fb: {  	[tilespmem:s2], [sflag:$0x1] =	stream.linear.gather [hbm4b:s15+s2], $0xF800, $0x38;
	[tilespmem:$0x1F000] =	vst v63  }
0x4fc: {  	_ =	swait.ge [sflag:s16], $0xF800  }
0x4fd: {  	[sflag:s16] =	ssyncset.done $0x0  }
0x4fe: {  	[sflag:s16] =	ssyncadd.s32 $0xFFFF0800  }
0x4ff: {  	[hbm4b:s14+s2] =	stream.linear.scatter [tilespmem:s11], [sflag:$0x4], $0xF800, $0x38;
	[tilespmem:$0x1F000] =	vst v63  }
0x500: {  	_ =	swait.ge [sflag:s12], $0xF800  }
0x501: {  	[sflag:s12] =	ssyncset.done $0x0  }
0x502: {  	[sflag:s12] =	ssyncadd.s32 $0xFFFF0800  }
0x503: {  	[tilespmem:s11], [sflag:$0x2] =	stream.linear.gather [hbm4b:s13+s2], $0xF800, $0x38;
	[tilespmem:$0x1F000] =	vst v63  }
0x504: {  	_ =	swait.ge [sflag:s9], $0xF800  }
0x505: {  	[sflag:s9] =	ssyncset.done $0x0  }
0x506: {  	[sflag:s9] =	ssyncadd.s32 $0xFFFF0800  }
0x507: {  	[hbm4b:s10+s2] =	stream.linear.scatter [tilespmem:s2], [sflag:$0x3], $0xF800, $0x38;
	[tilespmem:$0x1F000] =	vst v63  }
0x508: {  	_ =	swait.ge [sflag:s7], $0xF800  }
0x509: {  	[sflag:s7] =	ssyncset.done $0x0  }
0x50a: {  	[sflag:s7] =	ssyncadd.s32 $0xFFFF0800  }
0x50b: {  	[tilespmem:s2], [sflag:$0x1] =	stream.linear.gather [hbm4b:s8+s2], $0xF800, $0x38;
	[tilespmem:$0x1F000] =	vst v63  }
0x50c: {  	_ =	swait.ge [sflag:s16], $0xF800  }
0x50d: {  	[sflag:s16] =	ssyncset.done $0x0  }
0x50e: {  	[sflag:s16] =	ssyncadd.s32 $0xFFFF0800  }
0x50f: {  	[hbm4b:s6+s2] =	stream.linear.scatter [tilespmem:s11], [sflag:$0x4], $0xF800, $0x38;
	[tilespmem:$0x1F000] =	vst v63  }
0x510: {  	_ =	swait.ge [sflag:s9], $0xF800  }
0x511: {  	[sflag:s9] =	ssyncset.done $0x0  }
0x512: {  	[sflag:s9] =	ssyncadd.s32 $0xFFFF0800  }
0x513: {  	[hbm4b:s5+s2] =	stream.linear.scatter [tilespmem:s2], [sflag:$0x3], $0xF800, $0x38;
	[tilespmem:$0x1F000] =	vst v63  }
0x514: {  	_ =	swait.ge [sflag:s12], $0xF800  }
0x515: {  	[sflag:s12] =	ssyncset.done $0x0  }
0x516: {  	[sflag:s12] =	ssyncadd.s32 $0xFFFF0800  }
0x517: {  	_ =	swait.ge [sflag:s7], $0xF800  }
0x518: {  	[sflag:s7] =	ssyncset.done $0x0  }
0x519: {  	s1 =	sadd.s32 $0xFFFFFFFF, s1;
	s0 =	simm.s32 @!p0 $0x0;
	[sflag:s7] =	ssyncadd.s32 $0xFFFF0800  }
0x51a: {  	[tilespmem:s0], [sflag:$0x1] =	stream.linear.gather @!p0 [hbm4b:s4+s0], $0x2000, $0x38;
	[tilespmem:$0x1F000] =	vst v63  }
0x51b: {  	p2 =	sne.s32 s1, $0x0;
	_ =	swait.ge @!p0 [sflag:s31], $0x2000  }
.Ltmp2:
0x51c: {  	[sflag:s31] =	ssyncset.done @!p0 $0x0;
	(pc) =	sbr.rel @p2 .LBB2_4-.Ltmp2, $4  }
0x51d: {  	[sflag:s31] =	ssyncadd.s32 @!p0 $0xFFFFE000  }
0x51e: {  	[hbm4b:s3+s0] =	stream.linear.scatter @!p0 [tilespmem:s0], [sflag:$0x3], $0x2000, $0x38;
	[tilespmem:$0x1F000] =	vst v63  }
0x51f: {  	_ =	swait.ge @!p0 [sflag:s30], $0x2000  }
0x520: {  	s28 =	smov.u32 s29;
	s0 =	rddreg [dreg:$0x2];
	[sflag:s30] =	ssyncset.done @!p0 $0x0  }
0x521: {  	s29 =	stileid.u32;
	s31 =	rddreg [dreg:$0x1]  }
.LBB2_6:
0x522: {  	p1 =	por p0, !p1  }
0x523: {  	[sflag:s30] =	ssyncadd.s32 @!p1 $0xFFFFE000  }
0x524: {  	[tilespmem:s2], [sflag:$0x1] =	stream.linear.gather [hbm4b:s0+s2], $0xF800, $0x38;
	[tilespmem:$0x1F000] =	vst v63  }
0x525: {  	s1 =	rddreg [dreg:$0x3]  }
0x526: {  	[tilespmem:s11], [sflag:$0x2] =	stream.linear.gather [hbm4b:s1+s2], $0xF800, $0x38;
	[tilespmem:$0x1F000] =	vst v63  }
0x527: {  	_ =	swait.ge [sflag:s9], $0xF800  }
0x528: {  	[sflag:s9] =	ssyncset.done $0x0  }
0x529: {  	s1 =	rddreg [dreg:$0x4];
	[sflag:s9] =	ssyncadd.s32 $0xFFFF0800  }
0x52a: {  	[hbm4b:s1+s2] =	stream.linear.scatter [tilespmem:s2], [sflag:$0x3], $0xF800, $0x38;
	[tilespmem:$0x1F000] =	vst v63  }
0x52b: {  	_ =	swait.ge [sflag:s7], $0xF800  }
0x52c: {  	[sflag:s7] =	ssyncset.done $0x0  }
0x52d: {  	s30 =	rddreg [dreg:$0x5];
	[sflag:s7] =	ssyncadd.s32 $0xFFFF0800  }
0x52e: {  	[tilespmem:s2], [sflag:$0x1] =	stream.linear.gather [hbm4b:s30+s2], $0xF800, $0x38;
	[tilespmem:$0x1F000] =	vst v63  }
0x52f: {  	_ =	swait.ge [sflag:s16], $0xF800  }
0x530: {  	[sflag:s16] =	ssyncset.done $0x0  }
0x531: {  	s1 =	rddreg [dreg:$0x6];
	[sflag:s16] =	ssyncadd.s32 $0xFFFF0800  }
0x532: {  	[hbm4b:s1+s2] =	stream.linear.scatter [tilespmem:s11], [sflag:$0x4], $0xF800, $0x38;
	[tilespmem:$0x1F000] =	vst v63  }
0x533: {  	_ =	swait.ge [sflag:s12], $0xF800  }
0x534: {  	[sflag:s12] =	ssyncset.done $0x0  }
0x535: {  	s30 =	rddreg [dreg:$0x7];
	[sflag:s12] =	ssyncadd.s32 $0xFFFF0800  }
0x536: {  	[tilespmem:s11], [sflag:$0x2] =	stream.linear.gather [hbm4b:s30+s2], $0xF800, $0x38;
	[tilespmem:$0x1F000] =	vst v63  }
0x537: {  	_ =	swait.ge [sflag:s9], $0xF800  }
0x538: {  	[sflag:s9] =	ssyncset.done $0x0  }
0x539: {  	s1 =	rddreg [dreg:$0x8];
	[sflag:s9] =	ssyncadd.s32 $0xFFFF0800  }
0x53a: {  	[hbm4b:s1+s2] =	stream.linear.scatter [tilespmem:s2], [sflag:$0x3], $0xF800, $0x38;
	[tilespmem:$0x1F000] =	vst v63  }
0x53b: {  	_ =	swait.ge [sflag:s7], $0xF800  }
0x53c: {  	[sflag:s7] =	ssyncset.done $0x0  }
0x53d: {  	s30 =	rddreg [dreg:$0x9];
	[sflag:s7] =	ssyncadd.s32 $0xFFFF0800  }
0x53e: {  	[tilespmem:s2], [sflag:$0x1] =	stream.linear.gather [hbm4b:s30+s2], $0xF800, $0x38;
	[tilespmem:$0x1F000] =	vst v63  }
0x53f: {  	_ =	swait.ge [sflag:s16], $0xF800  }
0x540: {  	[sflag:s16] =	ssyncset.done $0x0  }
0x541: {  	s1 =	rddreg [dreg:$0xa];
	[sflag:s16] =	ssyncadd.s32 $0xFFFF0800  }
0x542: {  	[hbm4b:s1+s2] =	stream.linear.scatter [tilespmem:s11], [sflag:$0x4], $0xF800, $0x38;
	[tilespmem:$0x1F000] =	vst v63  }
0x543: {  	_ =	swait.ge [sflag:s12], $0xF800  }
0x544: {  	[sflag:s12] =	ssyncset.done $0x0  }
0x545: {  	s30 =	rddreg [dreg:$0xb];
	[sflag:s12] =	ssyncadd.s32 $0xFFFF0800  }
0x546: {  	[tilespmem:s11], [sflag:$0x2] =	stream.linear.gather [hbm4b:s30+s2], $0xF800, $0x38;
	[tilespmem:$0x1F000] =	vst v63  }
0x547: {  	_ =	swait.ge [sflag:s9], $0xF800  }
0x548: {  	[sflag:s9] =	ssyncset.done $0x0  }
0x549: {  	s1 =	rddreg [dreg:$0xc];
	[sflag:s9] =	ssyncadd.s32 $0xFFFF0800  }
0x54a: {  	[hbm4b:s1+s2] =	stream.linear.scatter [tilespmem:s2], [sflag:$0x3], $0xF800, $0x38;
	[tilespmem:$0x1F000] =	vst v63  }
0x54b: {  	_ =	swait.ge [sflag:s7], $0xF800  }
0x54c: {  	[sflag:s7] =	ssyncset.done $0x0  }
0x54d: {  	s30 =	rddreg [dreg:$0xd];
	[sflag:s7] =	ssyncadd.s32 $0xFFFF0800  }
0x54e: {  	[tilespmem:s2], [sflag:$0x1] =	stream.linear.gather [hbm4b:s30+s2], $0xF800, $0x38;
	[tilespmem:$0x1F000] =	vst v63  }
0x54f: {  	_ =	swait.ge [sflag:s16], $0xF800  }
0x550: {  	[sflag:s16] =	ssyncset.done $0x0  }
0x551: {  	s1 =	rddreg [dreg:$0xe];
	[sflag:s16] =	ssyncadd.s32 $0xFFFF0800  }
0x552: {  	[hbm4b:s1+s2] =	stream.linear.scatter [tilespmem:s11], [sflag:$0x4], $0xF800, $0x38;
	[tilespmem:$0x1F000] =	vst v63  }
0x553: {  	_ =	swait.ge [sflag:s12], $0xF800  }
0x554: {  	[sflag:s12] =	ssyncset.done $0x0  }
0x555: {  	s30 =	rddreg [dreg:$0xf];
	[sflag:s12] =	ssyncadd.s32 $0xFFFF0800  }
0x556: {  	[tilespmem:s11], [sflag:$0x2] =	stream.linear.gather [hbm4b:s30+s2], $0xF800, $0x38;
	[tilespmem:$0x1F000] =	vst v63  }
0x557: {  	_ =	swait.ge [sflag:s9], $0xF800  }
0x558: {  	[sflag:s9] =	ssyncset.done $0x0  }
0x559: {  	s1 =	rddreg [dreg:$0x10];
	[sflag:s9] =	ssyncadd.s32 $0xFFFF0800  }
0x55a: {  	[hbm4b:s1+s2] =	stream.linear.scatter [tilespmem:s2], [sflag:$0x3], $0xF800, $0x38;
	[tilespmem:$0x1F000] =	vst v63  }
0x55b: {  	_ =	swait.ge [sflag:s7], $0xF800  }
0x55c: {  	[sflag:s7] =	ssyncset.done $0x0  }
0x55d: {  	s30 =	rddreg [dreg:$0x11];
	[sflag:s7] =	ssyncadd.s32 $0xFFFF0800  }
0x55e: {  	[tilespmem:s2], [sflag:$0x1] =	stream.linear.gather [hbm4b:s30+s2], $0xF800, $0x38;
	[tilespmem:$0x1F000] =	vst v63  }
0x55f: {  	_ =	swait.ge [sflag:s16], $0xF800  }
0x560: {  	[sflag:s16] =	ssyncset.done $0x0  }
0x561: {  	s1 =	rddreg [dreg:$0x12];
	[sflag:s16] =	ssyncadd.s32 $0xFFFF0800  }
0x562: {  	[hbm4b:s1+s2] =	stream.linear.scatter [tilespmem:s11], [sflag:$0x4], $0xF800, $0x38;
	[tilespmem:$0x1F000] =	vst v63  }
0x563: {  	_ =	swait.ge [sflag:s12], $0xF800  }
0x564: {  	[sflag:s12] =	ssyncset.done $0x0  }
0x565: {  	s30 =	rddreg [dreg:$0x13];
	[sflag:s12] =	ssyncadd.s32 $0xFFFF0800  }
0x566: {  	[tilespmem:s11], [sflag:$0x2] =	stream.linear.gather [hbm4b:s30+s2], $0xF800, $0x38;
	[tilespmem:$0x1F000] =	vst v63  }
0x567: {  	_ =	swait.ge [sflag:s9], $0xF800  }
0x568: {  	[sflag:s9] =	ssyncset.done $0x0  }
0x569: {  	s1 =	rddreg [dreg:$0x14];
	[sflag:s9] =	ssyncadd.s32 $0xFFFF0800  }
0x56a: {  	[hbm4b:s1+s2] =	stream.linear.scatter [tilespmem:s2], [sflag:$0x3], $0xF800, $0x38;
	[tilespmem:$0x1F000] =	vst v63  }
0x56b: {  	_ =	swait.ge [sflag:s7], $0xF800  }
0x56c: {  	[sflag:s7] =	ssyncset.done $0x0  }
0x56d: {  	s30 =	rddreg [dreg:$0x15];
	[sflag:s7] =	ssyncadd.s32 $0xFFFF0800  }
0x56e: {  	[tilespmem:s2], [sflag:$0x1] =	stream.linear.gather [hbm4b:s30+s2], $0xF800, $0x38;
	[tilespmem:$0x1F000] =	vst v63  }
0x56f: {  	_ =	swait.ge [sflag:s16], $0xF800  }
0x570: {  	[sflag:s16] =	ssyncset.done $0x0  }
0x571: {  	s1 =	rddreg [dreg:$0x16];
	[sflag:s16] =	ssyncadd.s32 $0xFFFF0800  }
0x572: {  	[hbm4b:s1+s2] =	stream.linear.scatter [tilespmem:s11], [sflag:$0x4], $0xF800, $0x38;
	[tilespmem:$0x1F000] =	vst v63  }
0x573: {  	_ =	swait.ge [sflag:s12], $0xF800  }
0x574: {  	[sflag:s12] =	ssyncset.done $0x0  }
0x575: {  	s30 =	rddreg [dreg:$0x17];
	[sflag:s12] =	ssyncadd.s32 $0xFFFF0800  }
0x576: {  	[tilespmem:s11], [sflag:$0x2] =	stream.linear.gather [hbm4b:s30+s2], $0xF800, $0x38;
	[tilespmem:$0x1F000] =	vst v63  }
0x577: {  	_ =	swait.ge [sflag:s9], $0xF800  }
0x578: {  	[sflag:s9] =	ssyncset.done $0x0  }
0x579: {  	s1 =	rddreg [dreg:$0x18];
	[sflag:s9] =	ssyncadd.s32 $0xFFFF0800  }
0x57a: {  	[hbm4b:s1+s2] =	stream.linear.scatter [tilespmem:s2], [sflag:$0x3], $0xF800, $0x38;
	[tilespmem:$0x1F000] =	vst v63  }
0x57b: {  	_ =	swait.ge [sflag:s7], $0xF800  }
0x57c: {  	[sflag:s7] =	ssyncset.done $0x0  }
0x57d: {  	s30 =	rddreg [dreg:$0x19];
	[sflag:s7] =	ssyncadd.s32 $0xFFFF0800  }
0x57e: {  	[tilespmem:s2], [sflag:$0x1] =	stream.linear.gather [hbm4b:s30+s2], $0xF800, $0x38;
	[tilespmem:$0x1F000] =	vst v63  }
0x57f: {  	_ =	swait.ge [sflag:s16], $0xF800  }
0x580: {  	[sflag:s16] =	ssyncset.done $0x0  }
0x581: {  	s1 =	rddreg [dreg:$0x1a];
	[sflag:s16] =	ssyncadd.s32 $0xFFFF0800  }
0x582: {  	[hbm4b:s1+s2] =	stream.linear.scatter [tilespmem:s11], [sflag:$0x4], $0xF800, $0x38;
	[tilespmem:$0x1F000] =	vst v63  }
0x583: {  	_ =	swait.ge [sflag:s12], $0xF800  }
0x584: {  	[sflag:s12] =	ssyncset.done $0x0  }
0x585: {  	s30 =	rddreg [dreg:$0x1b];
	[sflag:s12] =	ssyncadd.s32 $0xFFFF0800  }
0x586: {  	[tilespmem:s11], [sflag:$0x2] =	stream.linear.gather [hbm4b:s30+s2], $0xF800, $0x38;
	[tilespmem:$0x1F000] =	vst v63  }
0x587: {  	_ =	swait.ge [sflag:s9], $0xF800  }
0x588: {  	[sflag:s9] =	ssyncset.done $0x0  }
0x589: {  	s1 =	rddreg [dreg:$0x1c];
	[sflag:s9] =	ssyncadd.s32 $0xFFFF0800  }
0x58a: {  	[hbm4b:s1+s2] =	stream.linear.scatter [tilespmem:s2], [sflag:$0x3], $0xF800, $0x38;
	[tilespmem:$0x1F000] =	vst v63  }
0x58b: {  	_ =	swait.ge [sflag:s7], $0xF800  }
0x58c: {  	[sflag:s7] =	ssyncset.done $0x0  }
0x58d: {  	s30 =	rddreg [dreg:$0x1d];
	[sflag:s7] =	ssyncadd.s32 $0xFFFF0800  }
0x58e: {  	[tilespmem:s2], [sflag:$0x1] =	stream.linear.gather [hbm4b:s30+s2], $0xF800, $0x38;
	[tilespmem:$0x1F000] =	vst v63  }
0x58f: {  	_ =	swait.ge [sflag:s16], $0xF800  }
0x590: {  	[sflag:s16] =	ssyncset.done $0x0  }
0x591: {  	s1 =	rddreg [dreg:$0x1e];
	[sflag:s16] =	ssyncadd.s32 $0xFFFF0800  }
0x592: {  	[hbm4b:s1+s2] =	stream.linear.scatter [tilespmem:s11], [sflag:$0x4], $0xF800, $0x38;
	[tilespmem:$0x1F000] =	vst v63  }
0x593: {  	_ =	swait.ge [sflag:s12], $0xF800  }
0x594: {  	[sflag:s12] =	ssyncset.done $0x0  }
0x595: {  	s30 =	rddreg [dreg:$0x1f];
	[sflag:s12] =	ssyncadd.s32 $0xFFFF0800  }
0x596: {  	[tilespmem:s11], [sflag:$0x2] =	stream.linear.gather [hbm4b:s30+s2], $0xF800, $0x38;
	[tilespmem:$0x1F000] =	vst v63  }
0x597: {  	_ =	swait.ge [sflag:s9], $0xF800  }
0x598: {  	s1 =	sld [smem:$0x7B0]  }
0x599: {  	[sflag:s9] =	ssyncset.done $0x0  }
0x59a: {  	[sflag:s9] =	ssyncadd.s32 $0xFFFF0800  }
0x59b: {  	[hbm4b:s1+s2] =	stream.linear.scatter [tilespmem:s2], [sflag:$0x3], $0xF800, $0x38;
	[tilespmem:$0x1F000] =	vst v63  }
0x59c: {  	_ =	swait.ge [sflag:s7], $0xF800  }
0x59d: {  	s30 =	sld [smem:$0x7B1]  }
0x59e: {  	[sflag:s7] =	ssyncset.done $0x0  }
0x59f: {  	[sflag:s7] =	ssyncadd.s32 $0xFFFF0800  }
0x5a0: {  	[tilespmem:s2], [sflag:$0x1] =	stream.linear.gather [hbm4b:s30+s2], $0xF800, $0x38;
	[tilespmem:$0x1F000] =	vst v63  }
0x5a1: {  	_ =	swait.ge [sflag:s16], $0xF800  }
0x5a2: {  	s1 =	sld [smem:$0x7B2]  }
0x5a3: {  	[sflag:s16] =	ssyncset.done $0x0  }
0x5a4: {  	[sflag:s16] =	ssyncadd.s32 $0xFFFF0800  }
0x5a5: {  	[hbm4b:s1+s2] =	stream.linear.scatter [tilespmem:s11], [sflag:$0x4], $0xF800, $0x38;
	[tilespmem:$0x1F000] =	vst v63  }
0x5a6: {  	_ =	swait.ge [sflag:s12], $0xF800  }
0x5a7: {  	s30 =	sld [smem:$0x7B3]  }
0x5a8: {  	[sflag:s12] =	ssyncset.done $0x0  }
0x5a9: {  	[sflag:s12] =	ssyncadd.s32 $0xFFFF0800  }
0x5aa: {  	[tilespmem:s11], [sflag:$0x2] =	stream.linear.gather [hbm4b:s30+s2], $0xF800, $0x38;
	[tilespmem:$0x1F000] =	vst v63  }
0x5ab: {  	_ =	swait.ge [sflag:s9], $0xF800  }
0x5ac: {  	s1 =	sld [smem:$0x7B4]  }
0x5ad: {  	[sflag:s9] =	ssyncset.done $0x0  }
0x5ae: {  	[sflag:s9] =	ssyncadd.s32 $0xFFFF0800  }
0x5af: {  	[hbm4b:s1+s2] =	stream.linear.scatter [tilespmem:s2], [sflag:$0x3], $0xF800, $0x38;
	[tilespmem:$0x1F000] =	vst v63  }
0x5b0: {  	_ =	swait.ge [sflag:s7], $0xF800  }
0x5b1: {  	s30 =	sld [smem:$0x7B5]  }
0x5b2: {  	[sflag:s7] =	ssyncset.done $0x0  }
0x5b3: {  	[sflag:s7] =	ssyncadd.s32 $0xFFFF0800  }
0x5b4: {  	[tilespmem:s2], [sflag:$0x1] =	stream.linear.gather [hbm4b:s30+s2], $0xF800, $0x38;
	[tilespmem:$0x1F000] =	vst v63  }
0x5b5: {  	_ =	swait.ge [sflag:s16], $0xF800  }
0x5b6: {  	s1 =	sld [smem:$0x7B6]  }
0x5b7: {  	[sflag:s16] =	ssyncset.done $0x0  }
0x5b8: {  	[sflag:s16] =	ssyncadd.s32 $0xFFFF0800  }
0x5b9: {  	[hbm4b:s1+s2] =	stream.linear.scatter [tilespmem:s11], [sflag:$0x4], $0xF800, $0x38;
	[tilespmem:$0x1F000] =	vst v63  }
0x5ba: {  	_ =	swait.ge [sflag:s12], $0xF800  }
0x5bb: {  	s30 =	sld [smem:$0x7B7]  }
0x5bc: {  	[sflag:s12] =	ssyncset.done $0x0  }
0x5bd: {  	[sflag:s12] =	ssyncadd.s32 $0xFFFF0800  }
0x5be: {  	[tilespmem:s11], [sflag:$0x2] =	stream.linear.gather [hbm4b:s30+s2], $0xF800, $0x38;
	[tilespmem:$0x1F000] =	vst v63  }
0x5bf: {  	_ =	swait.ge [sflag:s9], $0xF800  }
0x5c0: {  	s1 =	sld [smem:$0x7B8]  }
0x5c1: {  	[sflag:s9] =	ssyncset.done $0x0  }
0x5c2: {  	[sflag:s9] =	ssyncadd.s32 $0xFFFF0800  }
0x5c3: {  	[hbm4b:s1+s2] =	stream.linear.scatter [tilespmem:s2], [sflag:$0x3], $0xF800, $0x38;
	[tilespmem:$0x1F000] =	vst v63  }
0x5c4: {  	_ =	swait.ge [sflag:s7], $0xF800  }
0x5c5: {  	s30 =	sld [smem:$0x7B9]  }
0x5c6: {  	[sflag:s7] =	ssyncset.done $0x0  }
0x5c7: {  	[sflag:s7] =	ssyncadd.s32 $0xFFFF0800  }
0x5c8: {  	[tilespmem:s2], [sflag:$0x1] =	stream.linear.gather [hbm4b:s30+s2], $0xF800, $0x38;
	[tilespmem:$0x1F000] =	vst v63  }
0x5c9: {  	_ =	swait.ge [sflag:s16], $0xF800  }
0x5ca: {  	s1 =	sld [smem:$0x7BA]  }
0x5cb: {  	[sflag:s16] =	ssyncset.done $0x0  }
0x5cc: {  	[sflag:s16] =	ssyncadd.s32 $0xFFFF0800  }
0x5cd: {  	[hbm4b:s1+s2] =	stream.linear.scatter [tilespmem:s11], [sflag:$0x4], $0xF800, $0x38;
	[tilespmem:$0x1F000] =	vst v63  }
0x5ce: {  	_ =	swait.ge [sflag:s12], $0xF800  }
0x5cf: {  	s30 =	sld [smem:$0x7BB]  }
0x5d0: {  	[sflag:s12] =	ssyncset.done $0x0  }
0x5d1: {  	[sflag:s12] =	ssyncadd.s32 $0xFFFF0800  }
0x5d2: {  	[tilespmem:s11], [sflag:$0x2] =	stream.linear.gather [hbm4b:s30+s2], $0xF800, $0x38;
	[tilespmem:$0x1F000] =	vst v63  }
0x5d3: {  	_ =	swait.ge [sflag:s9], $0xF800  }
0x5d4: {  	s1 =	sld [smem:$0x7BC]  }
0x5d5: {  	[sflag:s9] =	ssyncset.done $0x0  }
0x5d6: {  	[sflag:s9] =	ssyncadd.s32 $0xFFFF0800  }
0x5d7: {  	[hbm4b:s1+s2] =	stream.linear.scatter [tilespmem:s2], [sflag:$0x3], $0xF800, $0x38;
	[tilespmem:$0x1F000] =	vst v63  }
0x5d8: {  	_ =	swait.ge [sflag:s7], $0xF800  }
0x5d9: {  	s30 =	sld [smem:$0x7BD]  }
0x5da: {  	[sflag:s7] =	ssyncset.done $0x0  }
0x5db: {  	[sflag:s7] =	ssyncadd.s32 $0xFFFF0800  }
0x5dc: {  	[tilespmem:s2], [sflag:$0x1] =	stream.linear.gather [hbm4b:s30+s2], $0xF800, $0x38;
	[tilespmem:$0x1F000] =	vst v63  }
0x5dd: {  	_ =	swait.ge [sflag:s16], $0xF800  }
0x5de: {  	s1 =	sld [smem:$0x7BE]  }
0x5df: {  	[sflag:s16] =	ssyncset.done $0x0  }
0x5e0: {  	[sflag:s16] =	ssyncadd.s32 $0xFFFF0800  }
0x5e1: {  	[hbm4b:s1+s2] =	stream.linear.scatter [tilespmem:s11], [sflag:$0x4], $0xF800, $0x38;
	[tilespmem:$0x1F000] =	vst v63  }
0x5e2: {  	_ =	swait.ge [sflag:s12], $0xF800  }
0x5e3: {  	s30 =	sld [smem:$0x7BF]  }
0x5e4: {  	[sflag:s12] =	ssyncset.done $0x0  }
0x5e5: {  	[sflag:s12] =	ssyncadd.s32 $0xFFFF0800  }
0x5e6: {  	[tilespmem:s11], [sflag:$0x2] =	stream.linear.gather [hbm4b:s30+s2], $0xF800, $0x38;
	[tilespmem:$0x1F000] =	vst v63  }
0x5e7: {  	_ =	swait.ge [sflag:s9], $0xF800  }
0x5e8: {  	s1 =	sld [smem:$0x7C0]  }
0x5e9: {  	[sflag:s9] =	ssyncset.done $0x0  }
0x5ea: {  	[sflag:s9] =	ssyncadd.s32 $0xFFFF0800  }
0x5eb: {  	[hbm4b:s1+s2] =	stream.linear.scatter [tilespmem:s2], [sflag:$0x3], $0xF800, $0x38;
	[tilespmem:$0x1F000] =	vst v63  }
0x5ec: {  	_ =	swait.ge [sflag:s7], $0xF800  }
0x5ed: {  	s30 =	sld [smem:$0x7C1]  }
0x5ee: {  	[sflag:s7] =	ssyncset.done $0x0  }
0x5ef: {  	[sflag:s7] =	ssyncadd.s32 $0xFFFF0800  }
0x5f0: {  	[tilespmem:s2], [sflag:$0x1] =	stream.linear.gather [hbm4b:s30+s2], $0xF800, $0x38;
	[tilespmem:$0x1F000] =	vst v63  }
0x5f1: {  	_ =	swait.ge [sflag:s16], $0xF800  }
0x5f2: {  	s1 =	sld [smem:$0x7C2]  }
0x5f3: {  	[sflag:s16] =	ssyncset.done $0x0  }
0x5f4: {  	[sflag:s16] =	ssyncadd.s32 $0xFFFF0800  }
0x5f5: {  	[hbm4b:s1+s2] =	stream.linear.scatter [tilespmem:s11], [sflag:$0x4], $0xF800, $0x38;
	[tilespmem:$0x1F000] =	vst v63  }
0x5f6: {  	_ =	swait.ge [sflag:s12], $0xF800  }
0x5f7: {  	s30 =	sld [smem:$0x7C3]  }
0x5f8: {  	[sflag:s12] =	ssyncset.done $0x0  }
0x5f9: {  	[sflag:s12] =	ssyncadd.s32 $0xFFFF0800  }
0x5fa: {  	[tilespmem:s11], [sflag:$0x2] =	stream.linear.gather [hbm4b:s30+s2], $0xF800, $0x38;
	[tilespmem:$0x1F000] =	vst v63  }
0x5fb: {  	_ =	swait.ge [sflag:s9], $0xF800  }
0x5fc: {  	s1 =	sld [smem:$0x7C4]  }
0x5fd: {  	[sflag:s9] =	ssyncset.done $0x0  }
0x5fe: {  	[sflag:s9] =	ssyncadd.s32 $0xFFFF0800  }
0x5ff: {  	[hbm4b:s1+s2] =	stream.linear.scatter [tilespmem:s2], [sflag:$0x3], $0xF800, $0x38;
	[tilespmem:$0x1F000] =	vst v63  }
0x600: {  	_ =	swait.ge [sflag:s7], $0xF800  }
0x601: {  	s30 =	sld [smem:$0x7C5]  }
0x602: {  	[sflag:s7] =	ssyncset.done $0x0  }
0x603: {  	[sflag:s7] =	ssyncadd.s32 $0xFFFF0800  }
0x604: {  	[tilespmem:s2], [sflag:$0x1] =	stream.linear.gather [hbm4b:s30+s2], $0xF800, $0x38;
	[tilespmem:$0x1F000] =	vst v63  }
0x605: {  	_ =	swait.ge [sflag:s16], $0xF800  }
0x606: {  	s1 =	sld [smem:$0x7C6]  }
0x607: {  	[sflag:s16] =	ssyncset.done $0x0  }
0x608: {  	[sflag:s16] =	ssyncadd.s32 $0xFFFF0800  }
0x609: {  	[hbm4b:s1+s2] =	stream.linear.scatter [tilespmem:s11], [sflag:$0x4], $0xF800, $0x38;
	[tilespmem:$0x1F000] =	vst v63  }
0x60a: {  	_ =	swait.ge [sflag:s12], $0xF800  }
0x60b: {  	s30 =	sld [smem:$0x7C7]  }
0x60c: {  	[sflag:s12] =	ssyncset.done $0x0  }
0x60d: {  	[sflag:s12] =	ssyncadd.s32 $0xFFFF0800  }
0x60e: {  	[tilespmem:s11], [sflag:$0x2] =	stream.linear.gather [hbm4b:s30+s2], $0xF800, $0x38;
	[tilespmem:$0x1F000] =	vst v63  }
0x60f: {  	_ =	swait.ge [sflag:s9], $0xF800  }
0x610: {  	s1 =	sld [smem:$0x7C8]  }
0x611: {  	[sflag:s9] =	ssyncset.done $0x0  }
0x612: {  	[sflag:s9] =	ssyncadd.s32 $0xFFFF0800  }
0x613: {  	[hbm4b:s1+s2] =	stream.linear.scatter [tilespmem:s2], [sflag:$0x3], $0xF800, $0x38;
	[tilespmem:$0x1F000] =	vst v63  }
0x614: {  	_ =	swait.ge [sflag:s7], $0xF800  }
0x615: {  	s30 =	sld [smem:$0x7C9]  }
0x616: {  	[sflag:s7] =	ssyncset.done $0x0  }
0x617: {  	[sflag:s7] =	ssyncadd.s32 $0xFFFF0800  }
0x618: {  	[tilespmem:s2], [sflag:$0x1] =	stream.linear.gather [hbm4b:s30+s2], $0xF800, $0x38;
	[tilespmem:$0x1F000] =	vst v63  }
0x619: {  	_ =	swait.ge [sflag:s16], $0xF800  }
0x61a: {  	s1 =	sld [smem:$0x7CA]  }
0x61b: {  	[sflag:s16] =	ssyncset.done $0x0  }
0x61c: {  	[sflag:s16] =	ssyncadd.s32 $0xFFFF0800  }
0x61d: {  	[hbm4b:s1+s2] =	stream.linear.scatter [tilespmem:s11], [sflag:$0x4], $0xF800, $0x38;
	[tilespmem:$0x1F000] =	vst v63  }
0x61e: {  	_ =	swait.ge [sflag:s12], $0xF800  }
0x61f: {  	s30 =	sld [smem:$0x7CB]  }
0x620: {  	[sflag:s12] =	ssyncset.done $0x0  }
0x621: {  	[sflag:s12] =	ssyncadd.s32 $0xFFFF0800  }
0x622: {  	[tilespmem:s11], [sflag:$0x2] =	stream.linear.gather [hbm4b:s30+s2], $0xF800, $0x38;
	[tilespmem:$0x1F000] =	vst v63  }
0x623: {  	_ =	swait.ge [sflag:s9], $0xF800  }
0x624: {  	s1 =	sld [smem:$0x7CC]  }
0x625: {  	[sflag:s9] =	ssyncset.done $0x0  }
0x626: {  	[sflag:s9] =	ssyncadd.s32 $0xFFFF0800  }
0x627: {  	[hbm4b:s1+s2] =	stream.linear.scatter [tilespmem:s2], [sflag:$0x3], $0xF800, $0x38;
	[tilespmem:$0x1F000] =	vst v63  }
0x628: {  	_ =	swait.ge [sflag:s7], $0xF800  }
0x629: {  	s30 =	sld [smem:$0x7CD]  }
0x62a: {  	[sflag:s7] =	ssyncset.done $0x0  }
0x62b: {  	[sflag:s7] =	ssyncadd.s32 $0xFFFF0800  }
0x62c: {  	[tilespmem:s2], [sflag:$0x1] =	stream.linear.gather [hbm4b:s30+s2], $0xF800, $0x38;
	[tilespmem:$0x1F000] =	vst v63  }
0x62d: {  	_ =	swait.ge [sflag:s16], $0xF800  }
0x62e: {  	s1 =	sld [smem:$0x7CE]  }
0x62f: {  	[sflag:s16] =	ssyncset.done $0x0  }
0x630: {  	[sflag:s16] =	ssyncadd.s32 $0xFFFF0800  }
0x631: {  	[hbm4b:s1+s2] =	stream.linear.scatter [tilespmem:s11], [sflag:$0x4], $0xF800, $0x38;
	[tilespmem:$0x1F000] =	vst v63  }
0x632: {  	_ =	swait.ge [sflag:s12], $0xF800  }
0x633: {  	s30 =	sld [smem:$0x7CF]  }
0x634: {  	[sflag:s12] =	ssyncset.done $0x0  }
0x635: {  	[sflag:s12] =	ssyncadd.s32 $0xFFFF0800  }
0x636: {  	[tilespmem:s11], [sflag:$0x2] =	stream.linear.gather [hbm4b:s30+s2], $0xF800, $0x38;
	[tilespmem:$0x1F000] =	vst v63  }
0x637: {  	_ =	swait.ge [sflag:s9], $0xF800  }
0x638: {  	s1 =	sld [smem:$0x7D0]  }
0x639: {  	[sflag:s9] =	ssyncset.done $0x0  }
0x63a: {  	[sflag:s9] =	ssyncadd.s32 $0xFFFF0800  }
0x63b: {  	[hbm4b:s1+s2] =	stream.linear.scatter [tilespmem:s2], [sflag:$0x3], $0xF800, $0x38;
	[tilespmem:$0x1F000] =	vst v63  }
0x63c: {  	_ =	swait.ge [sflag:s7], $0xF800  }
0x63d: {  	s30 =	sld [smem:$0x7D1]  }
0x63e: {  	[sflag:s7] =	ssyncset.done $0x0  }
0x63f: {  	[sflag:s7] =	ssyncadd.s32 $0xFFFF0800  }
0x640: {  	[tilespmem:s2], [sflag:$0x1] =	stream.linear.gather [hbm4b:s30+s2], $0xF800, $0x38;
	[tilespmem:$0x1F000] =	vst v63  }
0x641: {  	_ =	swait.ge [sflag:s16], $0xF800  }
0x642: {  	s1 =	sld [smem:$0x7D2]  }
0x643: {  	[sflag:s16] =	ssyncset.done $0x0  }
0x644: {  	[sflag:s16] =	ssyncadd.s32 $0xFFFF0800  }
0x645: {  	[hbm4b:s1+s2] =	stream.linear.scatter [tilespmem:s11], [sflag:$0x4], $0xF800, $0x38;
	[tilespmem:$0x1F000] =	vst v63  }
0x646: {  	_ =	swait.ge [sflag:s12], $0xF800  }
0x647: {  	s30 =	sld [smem:$0x7D3]  }
0x648: {  	[sflag:s12] =	ssyncset.done $0x0  }
0x649: {  	[sflag:s12] =	ssyncadd.s32 $0xFFFF0800  }
0x64a: {  	[tilespmem:s11], [sflag:$0x2] =	stream.linear.gather [hbm4b:s30+s2], $0xF800, $0x38;
	[tilespmem:$0x1F000] =	vst v63  }
0x64b: {  	_ =	swait.ge [sflag:s9], $0xF800  }
0x64c: {  	s1 =	sld [smem:$0x7D4]  }
0x64d: {  	[sflag:s9] =	ssyncset.done $0x0  }
0x64e: {  	[sflag:s9] =	ssyncadd.s32 $0xFFFF0800  }
0x64f: {  	[hbm4b:s1+s2] =	stream.linear.scatter [tilespmem:s2], [sflag:$0x3], $0xF800, $0x38;
	[tilespmem:$0x1F000] =	vst v63  }
0x650: {  	_ =	swait.ge [sflag:s7], $0xF800  }
0x651: {  	s30 =	sld [smem:$0x7D5]  }
0x652: {  	[sflag:s7] =	ssyncset.done $0x0  }
0x653: {  	[sflag:s7] =	ssyncadd.s32 $0xFFFF0800  }
0x654: {  	[tilespmem:s2], [sflag:$0x1] =	stream.linear.gather [hbm4b:s30+s2], $0xF800, $0x38;
	[tilespmem:$0x1F000] =	vst v63  }
0x655: {  	_ =	swait.ge [sflag:s16], $0xF800  }
0x656: {  	s1 =	sld [smem:$0x7D6]  }
0x657: {  	[sflag:s16] =	ssyncset.done $0x0  }
0x658: {  	[sflag:s16] =	ssyncadd.s32 $0xFFFF0800  }
0x659: {  	[hbm4b:s1+s2] =	stream.linear.scatter [tilespmem:s11], [sflag:$0x4], $0xF800, $0x38;
	[tilespmem:$0x1F000] =	vst v63  }
0x65a: {  	_ =	swait.ge [sflag:s12], $0xF800  }
0x65b: {  	s30 =	sld [smem:$0x7D7]  }
0x65c: {  	[sflag:s12] =	ssyncset.done $0x0  }
0x65d: {  	[sflag:s12] =	ssyncadd.s32 $0xFFFF0800  }
0x65e: {  	[tilespmem:s11], [sflag:$0x2] =	stream.linear.gather [hbm4b:s30+s2], $0xF800, $0x38;
	[tilespmem:$0x1F000] =	vst v63  }
0x65f: {  	_ =	swait.ge [sflag:s9], $0xF800  }
0x660: {  	s1 =	sld [smem:$0x7D8]  }
0x661: {  	[sflag:s9] =	ssyncset.done $0x0  }
0x662: {  	[sflag:s9] =	ssyncadd.s32 $0xFFFF0800  }
0x663: {  	[hbm4b:s1+s2] =	stream.linear.scatter [tilespmem:s2], [sflag:$0x3], $0xF800, $0x38;
	[tilespmem:$0x1F000] =	vst v63  }
0x664: {  	_ =	swait.ge [sflag:s7], $0xF800  }
0x665: {  	s30 =	sld [smem:$0x7D9]  }
0x666: {  	[sflag:s7] =	ssyncset.done $0x0  }
0x667: {  	[sflag:s7] =	ssyncadd.s32 $0xFFFF0800  }
0x668: {  	[tilespmem:s2], [sflag:$0x1] =	stream.linear.gather [hbm4b:s30+s2], $0xF800, $0x38;
	[tilespmem:$0x1F000] =	vst v63  }
0x669: {  	_ =	swait.ge [sflag:s16], $0xF800  }
0x66a: {  	s1 =	sld [smem:$0x7DA]  }
0x66b: {  	[sflag:s16] =	ssyncset.done $0x0  }
0x66c: {  	[sflag:s16] =	ssyncadd.s32 $0xFFFF0800  }
0x66d: {  	[hbm4b:s1+s2] =	stream.linear.scatter [tilespmem:s11], [sflag:$0x4], $0xF800, $0x38;
	[tilespmem:$0x1F000] =	vst v63  }
0x66e: {  	_ =	swait.ge [sflag:s12], $0xF800  }
0x66f: {  	s30 =	sld [smem:$0x7DB]  }
0x670: {  	[sflag:s12] =	ssyncset.done $0x0  }
0x671: {  	[sflag:s12] =	ssyncadd.s32 $0xFFFF0800  }
0x672: {  	[tilespmem:s11], [sflag:$0x2] =	stream.linear.gather [hbm4b:s30+s2], $0xF800, $0x38;
	[tilespmem:$0x1F000] =	vst v63  }
0x673: {  	_ =	swait.ge [sflag:s9], $0xF800  }
0x674: {  	s1 =	sld [smem:$0x7DC]  }
0x675: {  	[sflag:s9] =	ssyncset.done $0x0  }
0x676: {  	[sflag:s9] =	ssyncadd.s32 $0xFFFF0800  }
0x677: {  	[hbm4b:s1+s2] =	stream.linear.scatter [tilespmem:s2], [sflag:$0x3], $0xF800, $0x38;
	[tilespmem:$0x1F000] =	vst v63  }
0x678: {  	_ =	swait.ge [sflag:s7], $0xF800  }
0x679: {  	s30 =	sld [smem:$0x7DD]  }
0x67a: {  	[sflag:s7] =	ssyncset.done $0x0  }
0x67b: {  	[sflag:s7] =	ssyncadd.s32 $0xFFFF0800  }
0x67c: {  	[tilespmem:s2], [sflag:$0x1] =	stream.linear.gather [hbm4b:s30+s2], $0xF800, $0x38;
	[tilespmem:$0x1F000] =	vst v63  }
0x67d: {  	_ =	swait.ge [sflag:s16], $0xF800  }
0x67e: {  	s1 =	sld [smem:$0x7DE]  }
0x67f: {  	[sflag:s16] =	ssyncset.done $0x0  }
0x680: {  	[sflag:s16] =	ssyncadd.s32 $0xFFFF0800  }
0x681: {  	[hbm4b:s1+s2] =	stream.linear.scatter [tilespmem:s11], [sflag:$0x4], $0xF800, $0x38;
	[tilespmem:$0x1F000] =	vst v63  }
0x682: {  	_ =	swait.ge [sflag:s12], $0xF800  }
0x683: {  	s30 =	sld [smem:$0x7DF]  }
0x684: {  	[sflag:s12] =	ssyncset.done $0x0  }
0x685: {  	[sflag:s12] =	ssyncadd.s32 $0xFFFF0800  }
0x686: {  	[tilespmem:s11], [sflag:$0x2] =	stream.linear.gather [hbm4b:s30+s2], $0xF800, $0x38;
	[tilespmem:$0x1F000] =	vst v63  }
0x687: {  	_ =	swait.ge [sflag:s9], $0xF800  }
0x688: {  	s1 =	sld [smem:$0x7E0]  }
0x689: {  	[sflag:s9] =	ssyncset.done $0x0  }
0x68a: {  	[sflag:s9] =	ssyncadd.s32 $0xFFFF0800  }
0x68b: {  	[hbm4b:s1+s2] =	stream.linear.scatter [tilespmem:s2], [sflag:$0x3], $0xF800, $0x38;
	[tilespmem:$0x1F000] =	vst v63  }
0x68c: {  	_ =	swait.ge [sflag:s7], $0xF800  }
0x68d: {  	s30 =	sld [smem:$0x7E1]  }
0x68e: {  	[sflag:s7] =	ssyncset.done $0x0  }
0x68f: {  	[sflag:s7] =	ssyncadd.s32 $0xFFFF0800  }
0x690: {  	[tilespmem:s2], [sflag:$0x1] =	stream.linear.gather [hbm4b:s30+s2], $0xF800, $0x38;
	[tilespmem:$0x1F000] =	vst v63  }
0x691: {  	_ =	swait.ge [sflag:s16], $0xF800  }
0x692: {  	s1 =	sld [smem:$0x7E2]  }
0x693: {  	[sflag:s16] =	ssyncset.done $0x0  }
0x694: {  	[sflag:s16] =	ssyncadd.s32 $0xFFFF0800  }
0x695: {  	[hbm4b:s1+s2] =	stream.linear.scatter [tilespmem:s11], [sflag:$0x4], $0xF800, $0x38;
	[tilespmem:$0x1F000] =	vst v63  }
0x696: {  	_ =	swait.ge [sflag:s12], $0xF800  }
0x697: {  	s30 =	sld [smem:$0x7E3]  }
0x698: {  	[sflag:s12] =	ssyncset.done $0x0  }
0x699: {  	[sflag:s12] =	ssyncadd.s32 $0xFFFF0800  }
0x69a: {  	[tilespmem:s11], [sflag:$0x2] =	stream.linear.gather [hbm4b:s30+s2], $0xF800, $0x38;
	[tilespmem:$0x1F000] =	vst v63  }
0x69b: {  	_ =	swait.ge [sflag:s9], $0xF800  }
0x69c: {  	s1 =	sld [smem:$0x7E4]  }
0x69d: {  	[sflag:s9] =	ssyncset.done $0x0  }
0x69e: {  	[sflag:s9] =	ssyncadd.s32 $0xFFFF0800  }
0x69f: {  	[hbm4b:s1+s2] =	stream.linear.scatter [tilespmem:s2], [sflag:$0x3], $0xF800, $0x38;
	[tilespmem:$0x1F000] =	vst v63  }
0x6a0: {  	_ =	swait.ge [sflag:s7], $0xF800  }
0x6a1: {  	s30 =	sld [smem:$0x7E5]  }
0x6a2: {  	[sflag:s7] =	ssyncset.done $0x0  }
0x6a3: {  	[sflag:s7] =	ssyncadd.s32 $0xFFFF0800  }
0x6a4: {  	[tilespmem:s2], [sflag:$0x1] =	stream.linear.gather [hbm4b:s30+s2], $0xF800, $0x38;
	[tilespmem:$0x1F000] =	vst v63  }
0x6a5: {  	_ =	swait.ge [sflag:s16], $0xF800  }
0x6a6: {  	s1 =	sld [smem:$0x7E6]  }
0x6a7: {  	[sflag:s16] =	ssyncset.done $0x0  }
0x6a8: {  	[sflag:s16] =	ssyncadd.s32 $0xFFFF0800  }
0x6a9: {  	[hbm4b:s1+s2] =	stream.linear.scatter [tilespmem:s11], [sflag:$0x4], $0xF800, $0x38;
	[tilespmem:$0x1F000] =	vst v63  }
0x6aa: {  	_ =	swait.ge [sflag:s12], $0xF800  }
0x6ab: {  	s30 =	sld [smem:$0x7E7]  }
0x6ac: {  	[sflag:s12] =	ssyncset.done $0x0  }
0x6ad: {  	[sflag:s12] =	ssyncadd.s32 $0xFFFF0800  }
0x6ae: {  	[tilespmem:s11], [sflag:$0x2] =	stream.linear.gather [hbm4b:s30+s2], $0xF800, $0x38;
	[tilespmem:$0x1F000] =	vst v63  }
0x6af: {  	_ =	swait.ge [sflag:s9], $0xF800  }
0x6b0: {  	s1 =	sld [smem:$0x7E8]  }
0x6b1: {  	[sflag:s9] =	ssyncset.done $0x0  }
0x6b2: {  	[sflag:s9] =	ssyncadd.s32 $0xFFFF0800  }
0x6b3: {  	[hbm4b:s1+s2] =	stream.linear.scatter [tilespmem:s2], [sflag:$0x3], $0xF800, $0x38;
	[tilespmem:$0x1F000] =	vst v63  }
0x6b4: {  	_ =	swait.ge [sflag:s7], $0xF800  }
0x6b5: {  	s30 =	sld [smem:$0x7E9]  }
0x6b6: {  	[sflag:s7] =	ssyncset.done $0x0  }
0x6b7: {  	[sflag:s7] =	ssyncadd.s32 $0xFFFF0800  }
0x6b8: {  	[tilespmem:s2], [sflag:$0x1] =	stream.linear.gather [hbm4b:s30+s2], $0xF800, $0x38;
	[tilespmem:$0x1F000] =	vst v63  }
0x6b9: {  	_ =	swait.ge [sflag:s16], $0xF800  }
0x6ba: {  	s1 =	sld [smem:$0x7EA]  }
0x6bb: {  	[sflag:s16] =	ssyncset.done $0x0  }
0x6bc: {  	[sflag:s16] =	ssyncadd.s32 $0xFFFF0800  }
0x6bd: {  	[hbm4b:s1+s2] =	stream.linear.scatter [tilespmem:s11], [sflag:$0x4], $0xF800, $0x38;
	[tilespmem:$0x1F000] =	vst v63  }
0x6be: {  	_ =	swait.ge [sflag:s12], $0xF800  }
0x6bf: {  	s30 =	sld [smem:$0x7EB]  }
0x6c0: {  	[sflag:s12] =	ssyncset.done $0x0  }
0x6c1: {  	[sflag:s12] =	ssyncadd.s32 $0xFFFF0800  }
0x6c2: {  	[tilespmem:s11], [sflag:$0x2] =	stream.linear.gather [hbm4b:s30+s2], $0xF800, $0x38;
	[tilespmem:$0x1F000] =	vst v63  }
0x6c3: {  	_ =	swait.ge [sflag:s9], $0xF800  }
0x6c4: {  	s1 =	sld [smem:$0x7EC]  }
0x6c5: {  	[sflag:s9] =	ssyncset.done $0x0  }
0x6c6: {  	[sflag:s9] =	ssyncadd.s32 $0xFFFF0800  }
0x6c7: {  	[hbm4b:s1+s2] =	stream.linear.scatter [tilespmem:s2], [sflag:$0x3], $0xF800, $0x38;
	[tilespmem:$0x1F000] =	vst v63  }
0x6c8: {  	_ =	swait.ge [sflag:s7], $0xF800  }
0x6c9: {  	s30 =	sld [smem:$0x7ED]  }
0x6ca: {  	[sflag:s7] =	ssyncset.done $0x0  }
0x6cb: {  	[sflag:s7] =	ssyncadd.s32 $0xFFFF0800  }
0x6cc: {  	[tilespmem:s2], [sflag:$0x1] =	stream.linear.gather [hbm4b:s30+s2], $0xF800, $0x38;
	[tilespmem:$0x1F000] =	vst v63  }
0x6cd: {  	_ =	swait.ge [sflag:s16], $0xF800  }
0x6ce: {  	s1 =	sld [smem:$0x7EE]  }
0x6cf: {  	[sflag:s16] =	ssyncset.done $0x0  }
0x6d0: {  	[sflag:s16] =	ssyncadd.s32 $0xFFFF0800  }
0x6d1: {  	[hbm4b:s1+s2] =	stream.linear.scatter [tilespmem:s11], [sflag:$0x4], $0xF800, $0x38;
	[tilespmem:$0x1F000] =	vst v63  }
0x6d2: {  	_ =	swait.ge [sflag:s12], $0xF800  }
0x6d3: {  	s30 =	sld [smem:$0x7EF]  }
0x6d4: {  	[sflag:s12] =	ssyncset.done $0x0  }
0x6d5: {  	[sflag:s12] =	ssyncadd.s32 $0xFFFF0800  }
0x6d6: {  	[tilespmem:s11], [sflag:$0x2] =	stream.linear.gather [hbm4b:s30+s2], $0xF800, $0x38;
	[tilespmem:$0x1F000] =	vst v63  }
0x6d7: {  	_ =	swait.ge [sflag:s9], $0xF800  }
0x6d8: {  	s1 =	sld [smem:$0x7F0]  }
0x6d9: {  	[sflag:s9] =	ssyncset.done $0x0  }
0x6da: {  	[sflag:s9] =	ssyncadd.s32 $0xFFFF0800  }
0x6db: {  	[hbm4b:s1+s2] =	stream.linear.scatter [tilespmem:s2], [sflag:$0x3], $0xF800, $0x38;
	[tilespmem:$0x1F000] =	vst v63  }
0x6dc: {  	_ =	swait.ge [sflag:s7], $0xF800  }
0x6dd: {  	s30 =	sld [smem:$0x7F1]  }
0x6de: {  	[sflag:s7] =	ssyncset.done $0x0  }
0x6df: {  	[sflag:s7] =	ssyncadd.s32 $0xFFFF0800  }
0x6e0: {  	[tilespmem:s2], [sflag:$0x1] =	stream.linear.gather [hbm4b:s30+s2], $0xF800, $0x38;
	[tilespmem:$0x1F000] =	vst v63  }
0x6e1: {  	_ =	swait.ge [sflag:s16], $0xF800  }
0x6e2: {  	s1 =	sld [smem:$0x7F2]  }
0x6e3: {  	[sflag:s16] =	ssyncset.done $0x0  }
0x6e4: {  	[sflag:s16] =	ssyncadd.s32 $0xFFFF0800  }
0x6e5: {  	[hbm4b:s1+s2] =	stream.linear.scatter [tilespmem:s11], [sflag:$0x4], $0xF800, $0x38;
	[tilespmem:$0x1F000] =	vst v63  }
0x6e6: {  	_ =	swait.ge [sflag:s12], $0xF800  }
0x6e7: {  	s30 =	sld [smem:$0x7F3]  }
0x6e8: {  	[sflag:s12] =	ssyncset.done $0x0  }
0x6e9: {  	[sflag:s12] =	ssyncadd.s32 $0xFFFF0800  }
0x6ea: {  	[tilespmem:s11], [sflag:$0x2] =	stream.linear.gather [hbm4b:s30+s2], $0xF800, $0x38;
	[tilespmem:$0x1F000] =	vst v63  }
0x6eb: {  	_ =	swait.ge [sflag:s9], $0xF800  }
0x6ec: {  	s1 =	sld [smem:$0x7F4]  }
0x6ed: {  	[sflag:s9] =	ssyncset.done $0x0  }
0x6ee: {  	[sflag:s9] =	ssyncadd.s32 $0xFFFF0800  }
0x6ef: {  	[hbm4b:s1+s2] =	stream.linear.scatter [tilespmem:s2], [sflag:$0x3], $0xF800, $0x38;
	[tilespmem:$0x1F000] =	vst v63  }
0x6f0: {  	_ =	swait.ge [sflag:s7], $0xF800  }
0x6f1: {  	s30 =	sld [smem:$0x7F5]  }
0x6f2: {  	[sflag:s7] =	ssyncset.done $0x0  }
0x6f3: {  	[sflag:s7] =	ssyncadd.s32 $0xFFFF0800  }
0x6f4: {  	[tilespmem:s2], [sflag:$0x1] =	stream.linear.gather [hbm4b:s30+s2], $0xF800, $0x38;
	[tilespmem:$0x1F000] =	vst v63  }
0x6f5: {  	_ =	swait.ge [sflag:s16], $0xF800  }
0x6f6: {  	s1 =	sld [smem:$0x7F6]  }
0x6f7: {  	[sflag:s16] =	ssyncset.done $0x0  }
0x6f8: {  	[sflag:s16] =	ssyncadd.s32 $0xFFFF0800  }
0x6f9: {  	[hbm4b:s1+s2] =	stream.linear.scatter [tilespmem:s11], [sflag:$0x4], $0xF800, $0x38;
	[tilespmem:$0x1F000] =	vst v63  }
0x6fa: {  	_ =	swait.ge [sflag:s12], $0xF800  }
0x6fb: {  	s30 =	sld [smem:$0x7F7]  }
0x6fc: {  	[sflag:s12] =	ssyncset.done $0x0  }
0x6fd: {  	[sflag:s12] =	ssyncadd.s32 $0xFFFF0800  }
0x6fe: {  	[tilespmem:s11], [sflag:$0x2] =	stream.linear.gather [hbm4b:s30+s2], $0xF800, $0x38;
	[tilespmem:$0x1F000] =	vst v63  }
0x6ff: {  	_ =	swait.ge [sflag:s9], $0xF800  }
0x700: {  	s1 =	sld [smem:$0x7F8]  }
0x701: {  	[sflag:s9] =	ssyncset.done $0x0  }
0x702: {  	[sflag:s9] =	ssyncadd.s32 $0xFFFF0800  }
0x703: {  	[hbm4b:s1+s2] =	stream.linear.scatter [tilespmem:s2], [sflag:$0x3], $0xF800, $0x38;
	[tilespmem:$0x1F000] =	vst v63  }
0x704: {  	_ =	swait.ge [sflag:s7], $0xF800  }
0x705: {  	s30 =	sld [smem:$0x7F9]  }
0x706: {  	[sflag:s7] =	ssyncset.done $0x0  }
0x707: {  	[sflag:s7] =	ssyncadd.s32 $0xFFFF0800  }
0x708: {  	[tilespmem:s2], [sflag:$0x1] =	stream.linear.gather [hbm4b:s30+s2], $0xF800, $0x38;
	[tilespmem:$0x1F000] =	vst v63  }
0x709: {  	_ =	swait.ge [sflag:s16], $0xF800  }
0x70a: {  	s1 =	sld [smem:$0x7FA]  }
0x70b: {  	[sflag:s16] =	ssyncset.done $0x0  }
0x70c: {  	[sflag:s16] =	ssyncadd.s32 $0xFFFF0800  }
0x70d: {  	[hbm4b:s1+s2] =	stream.linear.scatter [tilespmem:s11], [sflag:$0x4], $0xF800, $0x38;
	[tilespmem:$0x1F000] =	vst v63  }
0x70e: {  	_ =	swait.ge [sflag:s12], $0xF800  }
0x70f: {  	s30 =	sld [smem:$0x7FB]  }
0x710: {  	[sflag:s12] =	ssyncset.done $0x0  }
0x711: {  	[sflag:s12] =	ssyncadd.s32 $0xFFFF0800  }
0x712: {  	[tilespmem:s11], [sflag:$0x2] =	stream.linear.gather [hbm4b:s30+s2], $0xF800, $0x38;
	[tilespmem:$0x1F000] =	vst v63  }
0x713: {  	_ =	swait.ge [sflag:s9], $0xF800  }
0x714: {  	s1 =	sld [smem:$0x7FC]  }
0x715: {  	[sflag:s9] =	ssyncset.done $0x0  }
0x716: {  	[sflag:s9] =	ssyncadd.s32 $0xFFFF0800  }
0x717: {  	[hbm4b:s1+s2] =	stream.linear.scatter [tilespmem:s2], [sflag:$0x3], $0xF800, $0x38;
	[tilespmem:$0x1F000] =	vst v63  }
0x718: {  	_ =	swait.ge [sflag:s7], $0xF800  }
0x719: {  	s30 =	sld [smem:$0x7FD]  }
0x71a: {  	[sflag:s7] =	ssyncset.done $0x0  }
0x71b: {  	[sflag:s7] =	ssyncadd.s32 $0xFFFF0800  }
0x71c: {  	[tilespmem:s2], [sflag:$0x1] =	stream.linear.gather [hbm4b:s30+s2], $0xF800, $0x38;
	[tilespmem:$0x1F000] =	vst v63  }
0x71d: {  	_ =	swait.ge [sflag:s16], $0xF800  }
0x71e: {  	[sflag:s16] =	ssyncset.done $0x0  }
0x71f: {  	[sflag:s16] =	ssyncadd.s32 $0xFFFF0800  }
0x720: {  	[hbm4b:s28+s2] =	stream.linear.scatter [tilespmem:s11], [sflag:$0x4], $0xF800, $0x38;
	[tilespmem:$0x1F000] =	vst v63  }
0x721: {  	_ =	swait.ge [sflag:s12], $0xF800  }
0x722: {  	[sflag:s12] =	ssyncset.done $0x0  }
0x723: {  	[sflag:s12] =	ssyncadd.s32 $0xFFFF0800  }
0x724: {  	[tilespmem:s11], [sflag:$0x2] =	stream.linear.gather [hbm4b:s26+s2], $0xF800, $0x38;
	[tilespmem:$0x1F000] =	vst v63  }
0x725: {  	_ =	swait.ge [sflag:s9], $0xF800  }
0x726: {  	[sflag:s9] =	ssyncset.done $0x0  }
0x727: {  	[sflag:s9] =	ssyncadd.s32 $0xFFFF0800  }
0x728: {  	[hbm4b:s25+s2] =	stream.linear.scatter [tilespmem:s2], [sflag:$0x3], $0xF800, $0x38;
	[tilespmem:$0x1F000] =	vst v63  }
0x729: {  	_ =	swait.ge [sflag:s7], $0xF800  }
0x72a: {  	[sflag:s7] =	ssyncset.done $0x0  }
0x72b: {  	[sflag:s7] =	ssyncadd.s32 $0xFFFF0800  }
0x72c: {  	[tilespmem:s2], [sflag:$0x1] =	stream.linear.gather [hbm4b:s24+s2], $0xF800, $0x38;
	[tilespmem:$0x1F000] =	vst v63  }
0x72d: {  	_ =	swait.ge [sflag:s16], $0xF800  }
0x72e: {  	[sflag:s16] =	ssyncset.done $0x0  }
0x72f: {  	[sflag:s16] =	ssyncadd.s32 $0xFFFF0800  }
0x730: {  	[hbm4b:s23+s2] =	stream.linear.scatter [tilespmem:s11], [sflag:$0x4], $0xF800, $0x38;
	[tilespmem:$0x1F000] =	vst v63  }
0x731: {  	_ =	swait.ge [sflag:s12], $0xF800  }
0x732: {  	[sflag:s12] =	ssyncset.done $0x0  }
0x733: {  	[sflag:s12] =	ssyncadd.s32 $0xFFFF0800  }
0x734: {  	[tilespmem:s11], [sflag:$0x2] =	stream.linear.gather [hbm4b:s22+s2], $0xF800, $0x38;
	[tilespmem:$0x1F000] =	vst v63  }
0x735: {  	_ =	swait.ge [sflag:s9], $0xF800  }
0x736: {  	[sflag:s9] =	ssyncset.done $0x0  }
0x737: {  	[sflag:s9] =	ssyncadd.s32 $0xFFFF0800  }
0x738: {  	[hbm4b:s21+s2] =	stream.linear.scatter [tilespmem:s2], [sflag:$0x3], $0xF800, $0x38;
	[tilespmem:$0x1F000] =	vst v63  }
0x739: {  	_ =	swait.ge [sflag:s7], $0xF800  }
0x73a: {  	[sflag:s7] =	ssyncset.done $0x0  }
0x73b: {  	[sflag:s7] =	ssyncadd.s32 $0xFFFF0800  }
0x73c: {  	[tilespmem:s2], [sflag:$0x1] =	stream.linear.gather [hbm4b:s20+s2], $0xF800, $0x38;
	[tilespmem:$0x1F000] =	vst v63  }
0x73d: {  	_ =	swait.ge [sflag:s16], $0xF800  }
0x73e: {  	[sflag:s16] =	ssyncset.done $0x0  }
0x73f: {  	[sflag:s16] =	ssyncadd.s32 $0xFFFF0800  }
0x740: {  	[hbm4b:s19+s2] =	stream.linear.scatter [tilespmem:s11], [sflag:$0x4], $0xF800, $0x38;
	[tilespmem:$0x1F000] =	vst v63  }
0x741: {  	_ =	swait.ge [sflag:s12], $0xF800  }
0x742: {  	[sflag:s12] =	ssyncset.done $0x0  }
0x743: {  	[sflag:s12] =	ssyncadd.s32 $0xFFFF0800  }
0x744: {  	[tilespmem:s11], [sflag:$0x2] =	stream.linear.gather [hbm4b:s18+s2], $0xF800, $0x38;
	[tilespmem:$0x1F000] =	vst v63  }
0x745: {  	_ =	swait.ge [sflag:s9], $0xF800  }
0x746: {  	[sflag:s9] =	ssyncset.done $0x0  }
0x747: {  	[sflag:s9] =	ssyncadd.s32 $0xFFFF0800  }
0x748: {  	[hbm4b:s17+s2] =	stream.linear.scatter [tilespmem:s2], [sflag:$0x3], $0xF800, $0x38;
	[tilespmem:$0x1F000] =	vst v63  }
0x749: {  	_ =	swait.ge [sflag:s7], $0xF800  }
0x74a: {  	[sflag:s7] =	ssyncset.done $0x0  }
0x74b: {  	[sflag:s7] =	ssyncadd.s32 $0xFFFF0800  }
0x74c: {  	[tilespmem:s2], [sflag:$0x1] =	stream.linear.gather [hbm4b:s15+s2], $0xF800, $0x38;
	[tilespmem:$0x1F000] =	vst v63  }
0x74d: {  	_ =	swait.ge [sflag:s16], $0xF800  }
0x74e: {  	[sflag:s16] =	ssyncset.done $0x0  }
0x74f: {  	[sflag:s16] =	ssyncadd.s32 $0xFFFF0800  }
0x750: {  	[hbm4b:s14+s2] =	stream.linear.scatter [tilespmem:s11], [sflag:$0x4], $0xF800, $0x38;
	[tilespmem:$0x1F000] =	vst v63  }
0x751: {  	_ =	swait.ge [sflag:s12], $0xF800  }
0x752: {  	[sflag:s12] =	ssyncset.done $0x0  }
0x753: {  	[sflag:s12] =	ssyncadd.s32 $0xFFFF0800  }
0x754: {  	[tilespmem:s11], [sflag:$0x2] =	stream.linear.gather [hbm4b:s13+s2], $0xF800, $0x38;
	[tilespmem:$0x1F000] =	vst v63  }
0x755: {  	_ =	swait.ge [sflag:s9], $0xF800  }
0x756: {  	[sflag:s9] =	ssyncset.done $0x0  }
0x757: {  	[sflag:s9] =	ssyncadd.s32 $0xFFFF0800  }
0x758: {  	[hbm4b:s10+s2] =	stream.linear.scatter [tilespmem:s2], [sflag:$0x3], $0xF800, $0x38;
	[tilespmem:$0x1F000] =	vst v63  }
0x759: {  	_ =	swait.ge [sflag:s7], $0xF800  }
0x75a: {  	[sflag:s7] =	ssyncset.done $0x0  }
0x75b: {  	[sflag:s7] =	ssyncadd.s32 $0xFFFF0800  }
0x75c: {  	[tilespmem:s2], [sflag:$0x1] =	stream.linear.gather [hbm4b:s8+s2], $0xF800, $0x38;
	[tilespmem:$0x1F000] =	vst v63  }
0x75d: {  	_ =	swait.ge [sflag:s16], $0xF800  }
0x75e: {  	[sflag:s16] =	ssyncset.done $0x0  }
0x75f: {  	[sflag:s16] =	ssyncadd.s32 $0xFFFF0800  }
0x760: {  	[hbm4b:s6+s2] =	stream.linear.scatter [tilespmem:s11], [sflag:$0x4], $0xF800, $0x38;
	[tilespmem:$0x1F000] =	vst v63  }
0x761: {  	_ =	swait.ge [sflag:s9], $0xF800  }
0x762: {  	[sflag:s9] =	ssyncset.done $0x0  }
0x763: {  	[sflag:s9] =	ssyncadd.s32 $0xFFFF0800  }
0x764: {  	[hbm4b:s5+s2] =	stream.linear.scatter [tilespmem:s2], [sflag:$0x3], $0xF800, $0x38;
	[tilespmem:$0x1F000] =	vst v63  }
0x765: {  	_ =	swait.ge [sflag:s12], $0xF800  }
0x766: {  	[sflag:s12] =	ssyncset.done $0x0  }
0x767: {  	[sflag:s12] =	ssyncadd.s32 $0xFFFF0800  }
0x768: {  	_ =	swait.ge [sflag:s7], $0xF800  }
0x769: {  	[sflag:s7] =	ssyncset.done $0x0  }
0x76a: {  	s0 =	simm.s32 @!p0 $0x0;
	s1 =	simm.s32 @!p0 $0x1;
	[sflag:s7] =	ssyncadd.s32 $0xFFFF0800  }
0x76b: {  	[tilespmem:s0], [sflag:$0x1] =	stream.linear.gather @!p0 [hbm4b:s4+s0], $0x2000, $0x38;
	[tilespmem:$0x1F000] =	vst v63  }
0x76c: {  	_ =	swait.ge @!p0 [sflag:s1], $0x2000  }
0x76d: {  	[sflag:s1] =	ssyncset.done @!p0 $0x0  }
0x76e: {  	[sflag:s1] =	ssyncadd.s32 @!p0 $0xFFFFE000  }
0x76f: {  	[hbm4b:s3+s0] =	stream.linear.scatter @!p0 [tilespmem:s0], [sflag:$0x3], $0x2000, $0x38;
	[tilespmem:$0x1F000] =	vst v63  }
0x770: {  	s0 =	simm.s32 @!p0 $0x3  }
0x771: {  	_ =	swait.ge @!p0 [sflag:s0], $0x2000  }
0x772: {  	[sflag:s0] =	ssyncset.done @!p0 $0x0  }
0x773: {  	[sflag:s0] =	ssyncadd.s32 @!p0 $0xFFFFE000  }
0x774: {  	_ =	sfence.sel $0x180000  }
0x775: {  	[bflag:$0x0] =	sbarrier.arrive $0xFFFF  }
0x776: {  	p0 =	sne.s32 s29, $0x0;
	_ =	strace $0x90000047  }
0x777: {  	s0 =	sadd.s32 @!p0 $0x100000, s31;
	[bflag:$0x2] =	sbarrier.arrive $0xFFFF  }
0x778: {  	[sflag:s0] =	ssyncadd.tile.s32 @!p0 $0x1;
	_ =	shalt  }
.LBB2_1:
.Ltmp3:
0x779: {  	(pc) =	sbr.rel .LBB2_6-.Ltmp3, $2  }
0x77a: {  	_ =	sdelay $0x2  }
0x77b: {  	_ = 	snop  }
.LBB2_3:
.Ltmp4:
0x77c: {  	(pc) =	sbr.rel .LBB2_6-.Ltmp4, $2  }
0x77d: {  	_ =	sdelay $0x2  }
0x77e: {  	s29 =	stileid.u32;
	s31 =	rddreg [dreg:$0x1]  }
.Lfunc_end2:
_tile_overlayer_lowered:
.L_overlay_start_2:
0x77f: {  	(tag) =	ssettag $0x2  }
0x780: {  	s0 =	rddreg [dreg:$0x0];
	s2 =	stileid.u32  }
0x781: {  	s1 =	rddreg [dreg:$0x1];
	p0 =	sne.s32 s2, $0x0  }
0x782: {  	s3 =	rddreg [dreg:$0x2];
	[bflag:$0x3] =	sbarrier.arrive $0xFFFF;
	s2 =	simm.s32 @!p0 $0x1C05  }
0x783: {  	[timem:s3], [sflag:s2] =	dma.local @!p0 [hbm:s0], s1  }
0x784: {  	s0 =	simm.s32 @!p0 $0x5  }
0x785: {  	_ =	swait.ge @!p0 [sflag:s0], s1  }
0x786: {  	s1 =	ssub.s32 @!p0 $0x0, s1;
	[sflag:s0] =	ssyncset.done @!p0 $0x0  }
0x787: {  	[sflag:s0] =	ssyncadd.s32 @!p0 s1  }
0x788: {  	[bflag:$0x3] =	sbarrier.arrive $0xFFFF  }
0x789: {  	_ =	shalt  }

</sc_bundles>
